<compile_context>
chip_gen: v7x
topology: tpu7x:2x2x1
jax: 0.10.2.dev20260603
libtpu: 0.0.44.dev20260713+nightly
codegen_flags: <defaults>
</compile_context>

<pallas_src>
import functools

import jax
import jax.numpy as jnp
import numpy as np
from jax import lax
from jax.experimental import pallas as pl
from jax.experimental.pallas import tpu as pltpu
from jax.experimental.pallas import tpu_sc as plsc

N = 10000
E = 320000
D_IN = 128
D = 64
DC = 16
NCLS = 10

NSC = 2
NTILE = 16
CHUNK = 256
ROWS_T0 = 48
ROWS_T1 = 32
NROWS = 1344
EPAD = NROWS * CHUNK
NPAD = 10112
NSLICE = NPAD // NTILE

def _make_agg(with_cnt):
    out_type = [jax.ShapeDtypeStruct((NSC, NPAD, D), jnp.float32)]
    if with_cnt:
        out_type.append(jax.ShapeDtypeStruct((NSC, NPAD, DC), jnp.float32))
    scratch = [
        pltpu.VMEM((ROWS_T0, CHUNK), jnp.int32),
        pltpu.VMEM((ROWS_T0, CHUNK), jnp.int32),
        pltpu.VMEM((CHUNK, D), jnp.bfloat16),
        pltpu.VMEM((CHUNK, D), jnp.bfloat16),
        pltpu.VMEM((CHUNK, D), jnp.float32),
        pltpu.VMEM((CHUNK, D), jnp.float32),
        pltpu.VMEM_SHARED((NPAD, D), jnp.float32),
        pltpu.SemaphoreType.DMA,
        pltpu.SemaphoreType.DMA,
        pltpu.SemaphoreType.DMA,
        pltpu.SemaphoreType.DMA,
    ]
    if with_cnt:
        scratch.append(pltpu.VMEM((CHUNK, DC), jnp.float32))
        scratch.append(pltpu.VMEM_SHARED((NPAD, DC), jnp.float32))
        scratch.append(pltpu.SemaphoreType.DMA)
        scratch.append(pltpu.SemaphoreType.DMA)

    def body(*refs):
        if with_cnt:
            (t_hbm, src_hbm, dst_hbm, z16_hbm, ones_hbm,
             agg_out, cnt_out,
             src_v, dst_v, bf_a, bf_b, f0, f1, acc_sh,
             gsem_a, gsem_b, ssem0, ssem1,
             ones_v, cnt_sh, csem0, csem1) = refs
        else:
            (t_hbm, src_hbm, dst_hbm, z16_hbm,
             agg_out,
             src_v, dst_v, bf_a, bf_b, f0, f1, acc_sh,
             gsem_a, gsem_b, ssem0, ssem1) = refs
            csem0 = csem1 = None
        c = lax.axis_index("c")
        s = lax.axis_index("s")

        zb = s * NSLICE
        for j in range(D // DC):
            pltpu.sync_copy(
                z16_hbm, acc_sh.at[pl.ds(zb, NSLICE), pl.ds(j * DC, DC)])
        if with_cnt:
            pltpu.sync_copy(z16_hbm, cnt_sh.at[pl.ds(zb, NSLICE)])
            pltpu.sync_copy(ones_hbm, ones_v)

        my_rows = jnp.where(c == 0, ROWS_T0, ROWS_T1)
        rb = c * (NTILE * ROWS_T0) + s * my_rows
        pltpu.sync_copy(src_hbm.at[pl.ds(rb, ROWS_T0)], src_v)
        pltpu.sync_copy(dst_hbm.at[pl.ds(rb, ROWS_T0)], dst_v)
        plsc.subcore_barrier()

        def g_start(k, buf, sem):
            pltpu.async_copy(t_hbm.at[src_v.at[k]], buf, sem)

        def g_wait(buf, sem):
            pltpu.make_async_copy(t_hbm.at[src_v.at[0]], buf, sem).wait()

        def s_start(k, fbuf, sem, cs):
            pltpu.async_copy(fbuf, acc_sh.at[dst_v.at[k]], sem, add=True)
            if with_cnt:
                pltpu.async_copy(ones_v, cnt_sh.at[dst_v.at[k]], cs, add=True)

        def s_wait(fbuf, sem, cs):
            pltpu.make_async_copy(fbuf, acc_sh.at[dst_v.at[0]], sem).wait()
            if with_cnt:
                pltpu.make_async_copy(ones_v, cnt_sh.at[dst_v.at[0]], cs).wait()

        def convert(bfbuf, fbuf):
            def crow(q, carry):
                for u in range(4):
                    r = 4 * q + u
                    for j in range(D // 32):
                        v = bfbuf[r, pl.ds(32 * j, 32)]
                        w = plsc.bitcast(v, jnp.int32)
                        lo = plsc.bitcast(w << 16, jnp.float32)
                        hi = plsc.bitcast(w & jnp.int32(-65536), jnp.float32)
                        fbuf[r, pl.ds(32 * j, 16)] = lo
                        fbuf[r, pl.ds(32 * j + 16, 16)] = hi
                return carry
            lax.fori_loop(0, CHUNK // 4, crow, 0)

        g_start(0, bf_a, gsem_a)
        g_start(1, bf_b, gsem_b)

        def pipe(i, carry):
            a = 2 * i

            g_wait(bf_a, gsem_a)

            @pl.when(i > 0)
            def _():
                s_wait(f0, ssem0, csem0)

            convert(bf_a, f0)

            @pl.when(a + 2 < my_rows)
            def _():
                g_start(a + 2, bf_a, gsem_a)

            s_start(a, f0, ssem0, csem0)

            g_wait(bf_b, gsem_b)

            @pl.when(i > 0)
            def _():
                s_wait(f1, ssem1, csem1)

            convert(bf_b, f1)

            @pl.when(a + 3 < my_rows)
            def _():
                g_start(a + 3, bf_b, gsem_b)

            s_start(a + 1, f1, ssem1, csem1)
            return carry

        lax.fori_loop(0, my_rows // 2, pipe, 0)
        s_wait(f0, ssem0, csem0)
        s_wait(f1, ssem1, csem1)
        plsc.subcore_barrier()

        pltpu.sync_copy(acc_sh.at[pl.ds(zb, NSLICE)], agg_out.at[c, pl.ds(zb, NSLICE)])
        if with_cnt:
            pltpu.sync_copy(cnt_sh.at[pl.ds(zb, NSLICE)], cnt_out.at[c, pl.ds(zb, NSLICE)])

    mesh = plsc.VectorSubcoreMesh(core_axis_name="c", subcore_axis_name="s",
                                  num_cores=NSC, num_subcores=NTILE)
    return pl.kernel(
        body, out_type=out_type, mesh=mesh, scratch_types=scratch,
        compiler_params=pltpu.CompilerParams(use_tc_tiling_on_sc=False,
                                             needs_layout_passes=False))


_agg_cnt = functools.cache(lambda: _make_agg(True))
_agg = functools.cache(lambda: _make_agg(False))



_BLK = 2000
_GRID = N // _BLK


def _dot(a, b):
    return jnp.dot(a, b, preferred_element_type=jnp.float32,
                   precision=lax.Precision.HIGHEST)


def _prep_body(x_ref, wl_ref, wr_ref, b_ref, t_ref, r_ref):
    xb = x_ref[...]
    t_ref[...] = _dot(xb, wl_ref[...]).astype(jnp.bfloat16)
    r_ref[...] = _dot(xb, wr_ref[...]) + b_ref[...]


def _prep(x, wl, wr, b):
    return pl.pallas_call(
        _prep_body,
        grid=(_GRID,),
        in_specs=[
            pl.BlockSpec((_BLK, D_IN), lambda i: (i, 0)),
            pl.BlockSpec((D_IN, D), lambda i: (0, 0)),
            pl.BlockSpec((D_IN, D), lambda i: (0, 0)),
            pl.BlockSpec((1, D), lambda i: (0, 0)),
        ],
        out_specs=[
            pl.BlockSpec((_BLK, D), lambda i: (i, 0)),
            pl.BlockSpec((_BLK, D), lambda i: (i, 0)),
        ],
        out_shape=[
            jax.ShapeDtypeStruct((N, D), jnp.bfloat16),
            jax.ShapeDtypeStruct((N, D), jnp.float32),
        ],
    )(x, wl, wr, b)


def _mean_relu(agg_ref, cnt_ref, r_ref):
    cnt = sum(cnt_ref[i, :, 0:1] for i in range(NSC))
    inv = 1.0 / jnp.maximum(cnt, 1.0)
    mean = sum(agg_ref[i] for i in range(NSC)) * inv
    return jnp.maximum(mean + r_ref[...], 0.0)


def _comb_body(agg_ref, cnt_ref, r_ref, wl_ref, wr_ref, b_ref, t_ref, rn_ref):
    h = _mean_relu(agg_ref, cnt_ref, r_ref)
    t_ref[...] = _dot(h, wl_ref[...]).astype(jnp.bfloat16)
    rn_ref[...] = _dot(h, wr_ref[...]) + b_ref[...]


def _comb(aggp, cntp, r, wl, wr, b):
    return pl.pallas_call(
        _comb_body,
        grid=(_GRID,),
        in_specs=[
            pl.BlockSpec((NSC, _BLK, D), lambda i: (0, i, 0)),
            pl.BlockSpec((NSC, _BLK, DC), lambda i: (0, i, 0)),
            pl.BlockSpec((_BLK, D), lambda i: (i, 0)),
            pl.BlockSpec((D, D), lambda i: (0, 0)),
            pl.BlockSpec((D, D), lambda i: (0, 0)),
            pl.BlockSpec((1, D), lambda i: (0, 0)),
        ],
        out_specs=[
            pl.BlockSpec((_BLK, D), lambda i: (i, 0)),
            pl.BlockSpec((_BLK, D), lambda i: (i, 0)),
        ],
        out_shape=[
            jax.ShapeDtypeStruct((N, D), jnp.bfloat16),
            jax.ShapeDtypeStruct((N, D), jnp.float32),
        ],
    )(aggp, cntp, r, wl, wr, b)


def _final_body(agg_ref, cnt_ref, r_ref, wc_ref, bc_ref, out_ref):
    h = _mean_relu(agg_ref, cnt_ref, r_ref)
    logits = _dot(h, wc_ref[...]) + bc_ref[...]
    m = jnp.max(logits, axis=1, keepdims=True)
    z = logits - m
    out_ref[...] = z - jnp.log(jnp.sum(jnp.exp(z), axis=1, keepdims=True))


def _final(aggp, cntp, r, wc, bc):
    return pl.pallas_call(
        _final_body,
        grid=(_GRID,),
        in_specs=[
            pl.BlockSpec((NSC, _BLK, D), lambda i: (0, i, 0)),
            pl.BlockSpec((NSC, _BLK, DC), lambda i: (0, i, 0)),
            pl.BlockSpec((_BLK, D), lambda i: (i, 0)),
            pl.BlockSpec((D, NCLS), lambda i: (0, 0)),
            pl.BlockSpec((1, NCLS), lambda i: (0, 0)),
        ],
        out_specs=pl.BlockSpec((_BLK, NCLS), lambda i: (i, 0)),
        out_shape=jax.ShapeDtypeStruct((N, NCLS), jnp.float32),
    )(aggp, cntp, r, wc, bc)


_PERM = np.empty((D,), np.int32)
for _j in (0, 32):
    for _m in range(16):
        _PERM[_j + 2 * _m] = _j + _m
        _PERM[_j + 2 * _m + 1] = _j + 16 + _m
_PERM_J = tuple(int(v) for v in _PERM)


def kernel(x, edge_index, W1l, b1l, W1r, W2l, b2l, W2r, W3l, b3l, W3r, Wc, bc):
    src = edge_index[0].astype(jnp.int32)
    dst = edge_index[1].astype(jnp.int32)
    perm = jnp.asarray(_PERM_J, dtype=jnp.int32)
    W1l = W1l[:, perm]
    W2l = W2l[:, perm]
    W3l = W3l[:, perm]
    pad = EPAD - E
    src_p = jnp.concatenate([src, jnp.zeros((pad,), jnp.int32)]).reshape(NROWS, CHUNK)
    dst_p = jnp.concatenate([dst, jnp.full((pad,), N, jnp.int32)]).reshape(NROWS, CHUNK)
    z16 = jnp.zeros((NSLICE, DC), jnp.float32)
    ones = jnp.ones((CHUNK, DC), jnp.float32)
    b1 = b1l.reshape(1, D)
    b2 = b2l.reshape(1, D)
    b3 = b3l.reshape(1, D)
    bcr = bc.reshape(1, NCLS)

    t1, r1 = _prep(x, W1l, W1r, b1)
    aggp1, cntp = _agg_cnt()(t1, src_p, dst_p, z16, ones)
    t2, r2 = _comb(aggp1, cntp, r1, W2l, W2r, b2)
    (aggp2,) = _agg()(t2, src_p, dst_p, z16)
    t3, r3 = _comb(aggp2, cntp, r2, W3l, W3r, b3)
    (aggp3,) = _agg()(t3, src_p, dst_p, z16)
    return _final(aggp3, cntp, r3, Wc, bcr)

# --- scband reference (transcript-rebuilt; emitter-appended) ---
"""Pipeline reference for scband-brep-net-lite-15393162789168 (READ-ONLY COPY).

The authoritative reference and input builder live on the scoring server;
editing this copy changes nothing except your own understanding.
"""

import jax, jax.numpy as jnp
import numpy as np

N_NODES = 10000
N_EDGES = 320000
D_IN = 128
D_HID = 64
N_CLASSES = 10


def setup_inputs(seed: int = 0) -> dict:
    key = jax.random.key(seed)
    ks = jax.random.split(key, 12)
    x = jax.random.normal(ks[0], (N_NODES, D_IN), dtype=jnp.float32)
    edge_index = jax.random.randint(ks[1], (2, N_EDGES), 0, N_NODES, dtype=jnp.int64)
    def lin(k, fan_in, fan_out):
        return jax.random.normal(k, (fan_in, fan_out), dtype=jnp.float32) * (1.0 / np.sqrt(fan_in))
    W1l = lin(ks[2], D_IN, D_HID); b1l = jnp.zeros((D_HID,), jnp.float32); W1r = lin(ks[3], D_IN, D_HID)
    W2l = lin(ks[4], D_HID, D_HID); b2l = jnp.zeros((D_HID,), jnp.float32); W2r = lin(ks[5], D_HID, D_HID)
    W3l = lin(ks[6], D_HID, D_HID); b3l = jnp.zeros((D_HID,), jnp.float32); W3r = lin(ks[7], D_HID, D_HID)
    Wc = lin(ks[8], D_HID, N_CLASSES); bc = jnp.zeros((N_CLASSES,), jnp.float32)
    return {"x": x, "edge_index": edge_index,
            "W1l": W1l, "b1l": b1l, "W1r": W1r,
            "W2l": W2l, "b2l": b2l, "W2r": W2r,
            "W3l": W3l, "b3l": b3l, "W3r": W3r,
            "Wc": Wc, "bc": bc}


def _sage_conv(x, edge_index, Wl, bl, Wr):
    # PyG SAGEConv with mean aggregation: out = lin_l(mean_{j in N(i)} x_j) + lin_r(x_i)
    src = edge_index[0]
    dst = edge_index[1]
    msgs = jnp.take(x, src, axis=0)
    agg = jax.ops.segment_sum(msgs, dst, num_segments=N_NODES)
    cnt = jax.ops.segment_sum(jnp.ones((msgs.shape[0],), dtype=x.dtype), dst, num_segments=N_NODES)
    mean = agg / jnp.clip(cnt, 1.0)[:, None]
    return mean @ Wl + bl + x @ Wr


def reference(x, edge_index, W1l, b1l, W1r, W2l, b2l, W2r, W3l, b3l, W3r, Wc, bc):
    h = _sage_conv(x, edge_index, W1l, b1l, W1r)
    h = jax.nn.relu(h)
    # dropout p=0.5 is identity in eval mode (training=False)
    h = _sage_conv(h, edge_index, W2l, b2l, W2r)
    h = jax.nn.relu(h)
    h = _sage_conv(h, edge_index, W3l, b3l, W3r)
    h = jax.nn.relu(h)
    out = h @ Wc + bc
    return jax.nn.log_softmax(out, axis=1)

if __name__ == "__main__":
    import jax
    _d = setup_inputs()
    print(jax.jit(kernel)(*tuple(_d.values())))

</pallas_src>

<mosaic_0001>
#map = affine_map<(d0, d1) -> (0, 0)>
#map1 = affine_map<(d0, d1) -> (0, 0, 0)>
module attributes {stable_mosaic.version = 14 : i64} {
  func.func @body(%arg0: i32, %arg1: i32, %arg2: memref<10000x64xbf16, #tpu.memory_space<hbm>>, %arg3: memref<1344x256xi32, #tpu.memory_space<hbm>>, %arg4: memref<1344x256xi32, #tpu.memory_space<hbm>>, %arg5: memref<632x16xf32, #tpu.memory_space<hbm>>, %arg6: memref<2x10112x64xf32, #tpu.memory_space<hbm>>, %arg7: memref<48x256xi32, #tpu.memory_space<vmem>>, %arg8: memref<48x256xi32, #tpu.memory_space<vmem>>, %arg9: memref<256x64xbf16, #tpu.memory_space<vmem>>, %arg10: memref<256x64xbf16, #tpu.memory_space<vmem>>, %arg11: memref<256x64xf32, #tpu.memory_space<vmem>>, %arg12: memref<256x64xf32, #tpu.memory_space<vmem>>, %arg13: memref<10112x64xf32, #tpu.memory_space<vmem_shared>>, %arg14: memref<!tpu.dma_semaphore, #tpu.memory_space<semaphore_mem>>, %arg15: memref<!tpu.dma_semaphore, #tpu.memory_space<semaphore_mem>>, %arg16: memref<!tpu.dma_semaphore, #tpu.memory_space<semaphore_mem>>, %arg17: memref<!tpu.dma_semaphore, #tpu.memory_space<semaphore_mem>>) attributes {dimension_semantics = [#tpu.dimension_semantics<core_parallel>, #tpu.dimension_semantics<subcore_parallel>], iteration_bounds = array<i64: 2, 16>, scalar_prefetch = 0 : i64, scratch_operands = 11 : i64, tpu.core_type = #tpu.core_type<sc_vector_subcore>, window_params = [{transform_indices = #map}, {transform_indices = #map}, {transform_indices = #map}, {transform_indices = #map}, {transform_indices = #map1}]} {
    %mul3A = arith.constant 632 : i32
    %mul3A_0 = arith.muli %arg1, %mul3A : i32
    "tpu.region"() ({
      %run_scoped3A = tpu.sem_alloc : memref<!tpu.dma_semaphore, #tpu.memory_space<semaphore_mem>>
      %dma_start3A_60 = arith.constant 0 : i32
      %dma_start3A_61 = tpu.memref_slice %arg13[%mul3A_0, %dma_start3A_60] : memref<10112x64xf32, #tpu.memory_space<vmem_shared>> -> memref<632x16xf32, #tpu.memory_space<vmem_shared>>
      tpu.enqueue_dma source(%arg5 : memref<632x16xf32, #tpu.memory_space<hbm>>) target(%dma_start3A_61 : memref<632x16xf32, #tpu.memory_space<vmem_shared>>) target_semaphore(%run_scoped3A : memref<!tpu.dma_semaphore, #tpu.memory_space<semaphore_mem>>)
      %dma_wait3A_62 = arith.constant 0 : i32
      %dma_wait3A_63 = tpu.memref_slice %arg13[%mul3A_0, %dma_wait3A_62] : memref<10112x64xf32, #tpu.memory_space<vmem_shared>> -> memref<632x16xf32, #tpu.memory_space<vmem_shared>>
      tpu.wait_dma2 semaphore(%run_scoped3A : memref<!tpu.dma_semaphore, #tpu.memory_space<semaphore_mem>>) src(%arg5 : memref<632x16xf32, #tpu.memory_space<hbm>>) dst(%dma_wait3A_63 : memref<632x16xf32, #tpu.memory_space<vmem_shared>>)
      tpu.yield
    }) : () -> ()
    "tpu.region"() ({
      %run_scoped3A = tpu.sem_alloc : memref<!tpu.dma_semaphore, #tpu.memory_space<semaphore_mem>>
      %dma_start3A_60 = arith.constant 16 : i32
      %dma_start3A_61 = tpu.memref_slice %arg13[%mul3A_0, %dma_start3A_60] : memref<10112x64xf32, #tpu.memory_space<vmem_shared>> -> memref<632x16xf32, #tpu.memory_space<vmem_shared>>
      tpu.enqueue_dma source(%arg5 : memref<632x16xf32, #tpu.memory_space<hbm>>) target(%dma_start3A_61 : memref<632x16xf32, #tpu.memory_space<vmem_shared>>) target_semaphore(%run_scoped3A : memref<!tpu.dma_semaphore, #tpu.memory_space<semaphore_mem>>)
      %dma_wait3A_62 = arith.constant 16 : i32
      %dma_wait3A_63 = tpu.memref_slice %arg13[%mul3A_0, %dma_wait3A_62] : memref<10112x64xf32, #tpu.memory_space<vmem_shared>> -> memref<632x16xf32, #tpu.memory_space<vmem_shared>>
      tpu.wait_dma2 semaphore(%run_scoped3A : memref<!tpu.dma_semaphore, #tpu.memory_space<semaphore_mem>>) src(%arg5 : memref<632x16xf32, #tpu.memory_space<hbm>>) dst(%dma_wait3A_63 : memref<632x16xf32, #tpu.memory_space<vmem_shared>>)
      tpu.yield
    }) : () -> ()
    "tpu.region"() ({
      %run_scoped3A = tpu.sem_alloc : memref<!tpu.dma_semaphore, #tpu.memory_space<semaphore_mem>>
      %dma_start3A_60 = arith.constant 32 : i32
      %dma_start3A_61 = tpu.memref_slice %arg13[%mul3A_0, %dma_start3A_60] : memref<10112x64xf32, #tpu.memory_space<vmem_shared>> -> memref<632x16xf32, #tpu.memory_space<vmem_shared>>
      tpu.enqueue_dma source(%arg5 : memref<632x16xf32, #tpu.memory_space<hbm>>) target(%dma_start3A_61 : memref<632x16xf32, #tpu.memory_space<vmem_shared>>) target_semaphore(%run_scoped3A : memref<!tpu.dma_semaphore, #tpu.memory_space<semaphore_mem>>)
      %dma_wait3A_62 = arith.constant 32 : i32
      %dma_wait3A_63 = tpu.memref_slice %arg13[%mul3A_0, %dma_wait3A_62] : memref<10112x64xf32, #tpu.memory_space<vmem_shared>> -> memref<632x16xf32, #tpu.memory_space<vmem_shared>>
      tpu.wait_dma2 semaphore(%run_scoped3A : memref<!tpu.dma_semaphore, #tpu.memory_space<semaphore_mem>>) src(%arg5 : memref<632x16xf32, #tpu.memory_space<hbm>>) dst(%dma_wait3A_63 : memref<632x16xf32, #tpu.memory_space<vmem_shared>>)
      tpu.yield
    }) : () -> ()
    "tpu.region"() ({
      %run_scoped3A = tpu.sem_alloc : memref<!tpu.dma_semaphore, #tpu.memory_space<semaphore_mem>>
      %dma_start3A_60 = arith.constant 48 : i32
      %dma_start3A_61 = tpu.memref_slice %arg13[%mul3A_0, %dma_start3A_60] : memref<10112x64xf32, #tpu.memory_space<vmem_shared>> -> memref<632x16xf32, #tpu.memory_space<vmem_shared>>
      tpu.enqueue_dma source(%arg5 : memref<632x16xf32, #tpu.memory_space<hbm>>) target(%dma_start3A_61 : memref<632x16xf32, #tpu.memory_space<vmem_shared>>) target_semaphore(%run_scoped3A : memref<!tpu.dma_semaphore, #tpu.memory_space<semaphore_mem>>)
      %dma_wait3A_62 = arith.constant 48 : i32
      %dma_wait3A_63 = tpu.memref_slice %arg13[%mul3A_0, %dma_wait3A_62] : memref<10112x64xf32, #tpu.memory_space<vmem_shared>> -> memref<632x16xf32, #tpu.memory_space<vmem_shared>>
      tpu.wait_dma2 semaphore(%run_scoped3A : memref<!tpu.dma_semaphore, #tpu.memory_space<semaphore_mem>>) src(%arg5 : memref<632x16xf32, #tpu.memory_space<hbm>>) dst(%dma_wait3A_63 : memref<632x16xf32, #tpu.memory_space<vmem_shared>>)
      tpu.yield
    }) : () -> ()
    %eq3A = arith.constant 0 : i32
    %eq3A_1 = arith.cmpi eq, %arg0, %eq3A : i32
    %jit3A = arith.constant 48 : i32
    %jit3A_2 = arith.constant 32 : i32
    %select_n3A = arith.select %eq3A_1, %jit3A, %jit3A_2 : i32
    %mul3A_3 = arith.constant 768 : i32
    %mul3A_4 = arith.muli %arg0, %mul3A_3 : i32
    %mul3A_5 = arith.muli %arg1, %select_n3A : i32
    %add3A = arith.addi %mul3A_4, %mul3A_5 : i32
    "tpu.region"() ({
      %run_scoped3A = tpu.sem_alloc : memref<!tpu.dma_semaphore, #tpu.memory_space<semaphore_mem>>
      %dma_start3A_60 = arith.constant 0 : i32
      %dma_start3A_61 = tpu.memref_slice %arg3[%add3A, %dma_start3A_60] : memref<1344x256xi32, #tpu.memory_space<hbm>> -> memref<48x256xi32, #tpu.memory_space<hbm>>
      %dma_start3A_62 = arith.constant 0 : i32
      %dma_start3A_63 = tpu.memref_slice %arg3[%add3A, %dma_start3A_62] : memref<1344x256xi32, #tpu.memory_space<hbm>> -> memref<48x256xi32, #tpu.memory_space<hbm>>
      tpu.enqueue_dma source(%dma_start3A_63 : memref<48x256xi32, #tpu.memory_space<hbm>>) target(%arg7 : memref<48x256xi32, #tpu.memory_space<vmem>>) target_semaphore(%run_scoped3A : memref<!tpu.dma_semaphore, #tpu.memory_space<semaphore_mem>>)
      %dma_wait3A_64 = arith.constant 0 : i32
      %dma_wait3A_65 = tpu.memref_slice %arg3[%add3A, %dma_wait3A_64] : memref<1344x256xi32, #tpu.memory_space<hbm>> -> memref<48x256xi32, #tpu.memory_space<hbm>>
      %dma_wait3A_66 = arith.constant 0 : i32
      %dma_wait3A_67 = tpu.memref_slice %arg3[%add3A, %dma_wait3A_66] : memref<1344x256xi32, #tpu.memory_space<hbm>> -> memref<48x256xi32, #tpu.memory_space<hbm>>
      tpu.wait_dma2 semaphore(%run_scoped3A : memref<!tpu.dma_semaphore, #tpu.memory_space<semaphore_mem>>) src(%dma_wait3A_67 : memref<48x256xi32, #tpu.memory_space<hbm>>) dst(%arg7 : memref<48x256xi32, #tpu.memory_space<vmem>>)
      tpu.yield
    }) : () -> ()
    "tpu.region"() ({
      %run_scoped3A = tpu.sem_alloc : memref<!tpu.dma_semaphore, #tpu.memory_space<semaphore_mem>>
      %dma_start3A_60 = arith.constant 0 : i32
      %dma_start3A_61 = tpu.memref_slice %arg4[%add3A, %dma_start3A_60] : memref<1344x256xi32, #tpu.memory_space<hbm>> -> memref<48x256xi32, #tpu.memory_space<hbm>>
      %dma_start3A_62 = arith.constant 0 : i32
      %dma_start3A_63 = tpu.memref_slice %arg4[%add3A, %dma_start3A_62] : memref<1344x256xi32, #tpu.memory_space<hbm>> -> memref<48x256xi32, #tpu.memory_space<hbm>>
      tpu.enqueue_dma source(%dma_start3A_63 : memref<48x256xi32, #tpu.memory_space<hbm>>) target(%arg8 : memref<48x256xi32, #tpu.memory_space<vmem>>) target_semaphore(%run_scoped3A : memref<!tpu.dma_semaphore, #tpu.memory_space<semaphore_mem>>)
      %dma_wait3A_64 = arith.constant 0 : i32
      %dma_wait3A_65 = tpu.memref_slice %arg4[%add3A, %dma_wait3A_64] : memref<1344x256xi32, #tpu.memory_space<hbm>> -> memref<48x256xi32, #tpu.memory_space<hbm>>
      %dma_wait3A_66 = arith.constant 0 : i32
      %dma_wait3A_67 = tpu.memref_slice %arg4[%add3A, %dma_wait3A_66] : memref<1344x256xi32, #tpu.memory_space<hbm>> -> memref<48x256xi32, #tpu.memory_space<hbm>>
      tpu.wait_dma2 semaphore(%run_scoped3A : memref<!tpu.dma_semaphore, #tpu.memory_space<semaphore_mem>>) src(%dma_wait3A_67 : memref<48x256xi32, #tpu.memory_space<hbm>>) dst(%arg8 : memref<48x256xi32, #tpu.memory_space<vmem>>)
      tpu.yield
    }) : () -> ()
    %barrier3A = arith.constant 0 : index
    tpu.barrier barrier_id(%barrier3A)
    %dma_start3A = arith.constant 0 : i32
    %dma_start3A_6 = arith.constant 0 : i32
    %dma_start3A_7 = tpu.memref_slice %arg7[%dma_start3A, %dma_start3A_6] : memref<48x256xi32, #tpu.memory_space<vmem>> -> memref<1x256xi32, #tpu.memory_space<vmem>>
    %dma_start3A_8 = tpu.memref_squeeze %dma_start3A_7 : memref<1x256xi32, #tpu.memory_space<vmem>> -> memref<256xi32, #tpu.memory_space<vmem>>
    %dma_start3A_9 = arith.constant 0 : i32
    %dma_start3A_10 = arith.constant 0 : i32
    %dma_start3A_11 = tpu.memref_slice %arg2[%dma_start3A_9, %dma_start3A_10] : memref<10000x64xbf16, #tpu.memory_space<hbm>> -> memref<10000x64xbf16, #tpu.memory_space<hbm>>
    tpu.enqueue_indirect_dma source(%dma_start3A_11 : memref<10000x64xbf16, #tpu.memory_space<hbm>>) target(%arg9 : memref<256x64xbf16, #tpu.memory_space<vmem>>) offsets(%dma_start3A_8 : memref<256xi32, #tpu.memory_space<vmem>>) semaphore(%arg14 : memref<!tpu.dma_semaphore, #tpu.memory_space<semaphore_mem>>)
    %dma_start3A_12 = arith.constant 1 : i32
    %dma_start3A_13 = arith.constant 0 : i32
    %dma_start3A_14 = tpu.memref_slice %arg7[%dma_start3A_12, %dma_start3A_13] : memref<48x256xi32, #tpu.memory_space<vmem>> -> memref<1x256xi32, #tpu.memory_space<vmem>>
    %dma_start3A_15 = tpu.memref_squeeze %dma_start3A_14 : memref<1x256xi32, #tpu.memory_space<vmem>> -> memref<256xi32, #tpu.memory_space<vmem>>
    %dma_start3A_16 = arith.constant 0 : i32
    %dma_start3A_17 = arith.constant 0 : i32
    %dma_start3A_18 = tpu.memref_slice %arg2[%dma_start3A_16, %dma_start3A_17] : memref<10000x64xbf16, #tpu.memory_space<hbm>> -> memref<10000x64xbf16, #tpu.memory_space<hbm>>
    tpu.enqueue_indirect_dma source(%dma_start3A_18 : memref<10000x64xbf16, #tpu.memory_space<hbm>>) target(%arg10 : memref<256x64xbf16, #tpu.memory_space<vmem>>) offsets(%dma_start3A_15 : memref<256xi32, #tpu.memory_space<vmem>>) semaphore(%arg15 : memref<!tpu.dma_semaphore, #tpu.memory_space<semaphore_mem>>)
    %jit3A_19 = arith.constant 2 : i32
    %div3A = arith.divsi %select_n3A, %jit3A_19 : i32
    %sign3A = arith.constant 0 : i32
    %sign3A_20 = arith.cmpi sgt, %select_n3A, %sign3A : i32
    %sign3A_21 = arith.extui %sign3A_20 : i1 to i32
    %sign3A_22 = arith.constant 0 : i32
    %sign3A_23 = arith.cmpi slt, %select_n3A, %sign3A_22 : i32
    %sign3A_24 = arith.extui %sign3A_23 : i1 to i32
    %sign3A_25 = arith.subi %sign3A_21, %sign3A_24 : i32
    %sign3A_26 = arith.constant 0 : i32
    %sign3A_27 = arith.cmpi sgt, %jit3A_19, %sign3A_26 : i32
    %sign3A_28 = arith.extui %sign3A_27 : i1 to i32
    %sign3A_29 = arith.constant 0 : i32
    %sign3A_30 = arith.cmpi slt, %jit3A_19, %sign3A_29 : i32
    %sign3A_31 = arith.extui %sign3A_30 : i1 to i32
    %sign3A_32 = arith.subi %sign3A_28, %sign3A_31 : i32
    %ne3A = arith.cmpi ne, %sign3A_25, %sign3A_32 : i32
    %rem3A = arith.remsi %select_n3A, %jit3A_19 : i32
    %ne3A_33 = arith.constant 0 : i32
    %ne3A_34 = arith.cmpi ne, %rem3A, %ne3A_33 : i32
    %and3A = arith.andi %ne3A, %ne3A_34 : i1
    %sub3A = arith.constant 1 : i32
    %sub3A_35 = arith.subi %div3A, %sub3A : i32
    %select_n3A_36 = arith.select %and3A, %sub3A_35, %div3A : i32
    %while3A = arith.constant 0 : i32
    %while3A_37 = arith.constant 0 : i32
    %while3A_38 = arith.subi %select_n3A_36, %while3A_37 : i32
    %while3A_39 = arith.addi %while3A_37, %while3A_38 : i32
    %while3A_40 = arith.constant 1 : i32
    %while3A_41 = arith.divsi %while3A_38, %while3A_40 : i32
    %while3A_42 = arith.muli %while3A_41, %while3A_40 : i32
    %while3A_43 = arith.addi %while3A_37, %while3A_42 : i32
    %while3A_44 = arith.constant 1 : i32
    scf.for %while3A_60 = %while3A_37 to %while3A_43 step %while3A_44  : i32 {
      %mul3A_61 = arith.constant 2 : i32
      %mul3A_62 = arith.muli %mul3A_61, %while3A_60 : i32
      %dma_wait3A_63 = arith.constant 0 : i32
      %dma_wait3A_64 = arith.constant 0 : i32
      %dma_wait3A_65 = tpu.memref_slice %arg7[%dma_wait3A_63, %dma_wait3A_64] : memref<48x256xi32, #tpu.memory_space<vmem>> -> memref<1x256xi32, #tpu.memory_space<vmem>>
      %dma_wait3A_66 = tpu.memref_squeeze %dma_wait3A_65 : memref<1x256xi32, #tpu.memory_space<vmem>> -> memref<256xi32, #tpu.memory_space<vmem>>
      %dma_wait3A_67 = arith.constant 0 : i32
      %dma_wait3A_68 = arith.constant 0 : i32
      %dma_wait3A_69 = tpu.memref_slice %arg2[%dma_wait3A_67, %dma_wait3A_68] : memref<10000x64xbf16, #tpu.memory_space<hbm>> -> memref<10000x64xbf16, #tpu.memory_space<hbm>>
      tpu.wait_indirect_dma semaphore(%arg14 : memref<!tpu.dma_semaphore, #tpu.memory_space<semaphore_mem>>) src(%dma_wait3A_69 : memref<10000x64xbf16, #tpu.memory_space<hbm>>) dst(%arg9 : memref<256x64xbf16, #tpu.memory_space<vmem>>)
      %gt3A = arith.constant 0 : i32
      %gt3A_70 = arith.cmpi sgt, %while3A_60, %gt3A : i32
      %convert_element_type3A = arith.extui %gt3A_70 : i1 to i32
      %cond3A = arith.constant 0 : i32
      %cond3A_71 = arith.cmpi ne, %convert_element_type3A, %cond3A : i32
      scf.if %cond3A_71 {
        %dma_wait3A_120 = arith.constant 0 : i32
        %dma_wait3A_121 = arith.constant 0 : i32
        %dma_wait3A_122 = tpu.memref_slice %arg8[%dma_wait3A_120, %dma_wait3A_121] : memref<48x256xi32, #tpu.memory_space<vmem>> -> memref<1x256xi32, #tpu.memory_space<vmem>>
        %dma_wait3A_123 = tpu.memref_squeeze %dma_wait3A_122 : memref<1x256xi32, #tpu.memory_space<vmem>> -> memref<256xi32, #tpu.memory_space<vmem>>
        %dma_wait3A_124 = arith.constant 0 : i32
        %dma_wait3A_125 = arith.constant 0 : i32
        %dma_wait3A_126 = tpu.memref_slice %arg13[%dma_wait3A_124, %dma_wait3A_125] : memref<10112x64xf32, #tpu.memory_space<vmem_shared>> -> memref<10112x64xf32, #tpu.memory_space<vmem_shared>>
        tpu.wait_indirect_dma semaphore(%arg16 : memref<!tpu.dma_semaphore, #tpu.memory_space<semaphore_mem>>) src(%arg11 : memref<256x64xf32, #tpu.memory_space<vmem>>) dst(%dma_wait3A_126 : memref<10112x64xf32, #tpu.memory_space<vmem_shared>>)
      } else {
      }
      %scan3A = arith.constant 0 : i32
      %scan3A_72 = arith.constant 0 : i32
      %scan3A_73 = arith.constant 64 : i32
      %scan3A_74 = arith.addi %scan3A_72, %scan3A_73 : i32
      %scan3A_75 = arith.constant 1 : i32
      scf.for %scan3A_120 = %scan3A_72 to %scan3A_74 step %scan3A_75  : i32 {
        %mul3A_121 = arith.constant 4 : i32
        %mul3A_122 = arith.muli %mul3A_121, %scan3A_120 : i32
        %add3A_123 = arith.constant 0 : i32
        %add3A_124 = arith.addi %mul3A_122, %add3A_123 : i32
        %get3A = arith.index_cast %add3A_124 : i32 to index
        %get3A_125 = arith.constant 0 : index
        %get3A_126 = tpu.vector_load %arg9[%get3A, %get3A_125] {strides = array<i32>} : memref<256x64xbf16, #tpu.memory_space<vmem>>, vector<32xbf16>,
        %bitcast3A = vector.bitcast %get3A_126 : vector<32xbf16> to vector<16xi32>
        %shift_left3A = arith.constant 16 : i32
        %shift_left3A_127 = vector.broadcast %shift_left3A : i32 to vector<16xi32>
        %shift_left3A_128 = arith.shli %bitcast3A, %shift_left3A_127 : vector<16xi32>
        %bitcast3A_129 = vector.bitcast %shift_left3A_128 : vector<16xi32> to vector<16xf32>
        %and3A_130 = arith.constant -65536 : i32
        %and3A_131 = vector.broadcast %and3A_130 : i32 to vector<16xi32>
        %and3A_132 = arith.andi %bitcast3A, %and3A_131 : vector<16xi32>
        %bitcast3A_133 = vector.bitcast %and3A_132 : vector<16xi32> to vector<16xf32>
        %swap3A = arith.index_cast %add3A_124 : i32 to index
        %swap3A_134 = arith.constant 0 : index
        %swap3A_135 = tpu.vector_load %arg11[%swap3A, %swap3A_134] {strides = array<i32>} : memref<256x64xf32, #tpu.memory_space<vmem>>, vector<16xf32>,
        tpu.vector_store %arg11[%swap3A, %swap3A_134], %bitcast3A_129 {strides = array<i32>} : memref<256x64xf32, #tpu.memory_space<vmem>>, vector<16xf32>,
        %swap3A_136 = arith.index_cast %add3A_124 : i32 to index
        %swap3A_137 = arith.constant 16 : index
        %swap3A_138 = tpu.vector_load %arg11[%swap3A_136, %swap3A_137] {strides = array<i32>} : memref<256x64xf32, #tpu.memory_space<vmem>>, vector<16xf32>,
        tpu.vector_store %arg11[%swap3A_136, %swap3A_137], %bitcast3A_133 {strides = array<i32>} : memref<256x64xf32, #tpu.memory_space<vmem>>, vector<16xf32>,
        %get3A_139 = arith.index_cast %add3A_124 : i32 to index
        %get3A_140 = arith.constant 32 : index
        %get3A_141 = tpu.vector_load %arg9[%get3A_139, %get3A_140] {strides = array<i32>} : memref<256x64xbf16, #tpu.memory_space<vmem>>, vector<32xbf16>,
        %bitcast3A_142 = vector.bitcast %get3A_141 : vector<32xbf16> to vector<16xi32>
        %shift_left3A_143 = arith.constant 16 : i32
        %shift_left3A_144 = vector.broadcast %shift_left3A_143 : i32 to vector<16xi32>
        %shift_left3A_145 = arith.shli %bitcast3A_142, %shift_left3A_144 : vector<16xi32>
        %bitcast3A_146 = vector.bitcast %shift_left3A_145 : vector<16xi32> to vector<16xf32>
        %and3A_147 = arith.constant -65536 : i32
        %and3A_148 = vector.broadcast %and3A_147 : i32 to vector<16xi32>
        %and3A_149 = arith.andi %bitcast3A_142, %and3A_148 : vector<16xi32>
        %bitcast3A_150 = vector.bitcast %and3A_149 : vector<16xi32> to vector<16xf32>
        %swap3A_151 = arith.index_cast %add3A_124 : i32 to index
        %swap3A_152 = arith.constant 32 : index
        %swap3A_153 = tpu.vector_load %arg11[%swap3A_151, %swap3A_152] {strides = array<i32>} : memref<256x64xf32, #tpu.memory_space<vmem>>, vector<16xf32>,
        tpu.vector_store %arg11[%swap3A_151, %swap3A_152], %bitcast3A_146 {strides = array<i32>} : memref<256x64xf32, #tpu.memory_space<vmem>>, vector<16xf32>,
        %swap3A_154 = arith.index_cast %add3A_124 : i32 to index
        %swap3A_155 = arith.constant 48 : index
        %swap3A_156 = tpu.vector_load %arg11[%swap3A_154, %swap3A_155] {strides = array<i32>} : memref<256x64xf32, #tpu.memory_space<vmem>>, vector<16xf32>,
        tpu.vector_store %arg11[%swap3A_154, %swap3A_155], %bitcast3A_150 {strides = array<i32>} : memref<256x64xf32, #tpu.memory_space<vmem>>, vector<16xf32>,
        %mul3A_157 = arith.constant 4 : i32
        %mul3A_158 = arith.muli %mul3A_157, %scan3A_120 : i32
        %add3A_159 = arith.constant 1 : i32
        %add3A_160 = arith.addi %mul3A_158, %add3A_159 : i32
        %get3A_161 = arith.index_cast %add3A_160 : i32 to index
        %get3A_162 = arith.constant 0 : index
        %get3A_163 = tpu.vector_load %arg9[%get3A_161, %get3A_162] {strides = array<i32>} : memref<256x64xbf16, #tpu.memory_space<vmem>>, vector<32xbf16>,
        %bitcast3A_164 = vector.bitcast %get3A_163 : vector<32xbf16> to vector<16xi32>
        %shift_left3A_165 = arith.constant 16 : i32
        %shift_left3A_166 = vector.broadcast %shift_left3A_165 : i32 to vector<16xi32>
        %shift_left3A_167 = arith.shli %bitcast3A_164, %shift_left3A_166 : vector<16xi32>
        %bitcast3A_168 = vector.bitcast %shift_left3A_167 : vector<16xi32> to vector<16xf32>
        %and3A_169 = arith.constant -65536 : i32
        %and3A_170 = vector.broadcast %and3A_169 : i32 to vector<16xi32>
        %and3A_171 = arith.andi %bitcast3A_164, %and3A_170 : vector<16xi32>
        %bitcast3A_172 = vector.bitcast %and3A_171 : vector<16xi32> to vector<16xf32>
        %swap3A_173 = arith.index_cast %add3A_160 : i32 to index
        %swap3A_174 = arith.constant 0 : index
        %swap3A_175 = tpu.vector_load %arg11[%swap3A_173, %swap3A_174] {strides = array<i32>} : memref<256x64xf32, #tpu.memory_space<vmem>>, vector<16xf32>,
        tpu.vector_store %arg11[%swap3A_173, %swap3A_174], %bitcast3A_168 {strides = array<i32>} : memref<256x64xf32, #tpu.memory_space<vmem>>, vector<16xf32>,
        %swap3A_176 = arith.index_cast %add3A_160 : i32 to index
        %swap3A_177 = arith.constant 16 : index
        %swap3A_178 = tpu.vector_load %arg11[%swap3A_176, %swap3A_177] {strides = array<i32>} : memref<256x64xf32, #tpu.memory_space<vmem>>, vector<16xf32>,
        tpu.vector_store %arg11[%swap3A_176, %swap3A_177], %bitcast3A_172 {strides = array<i32>} : memref<256x64xf32, #tpu.memory_space<vmem>>, vector<16xf32>,
        %get3A_179 = arith.index_cast %add3A_160 : i32 to index
        %get3A_180 = arith.constant 32 : index
        %get3A_181 = tpu.vector_load %arg9[%get3A_179, %get3A_180] {strides = array<i32>} : memref<256x64xbf16, #tpu.memory_space<vmem>>, vector<32xbf16>,
        %bitcast3A_182 = vector.bitcast %get3A_181 : vector<32xbf16> to vector<16xi32>
        %shift_left3A_183 = arith.constant 16 : i32
        %shift_left3A_184 = vector.broadcast %shift_left3A_183 : i32 to vector<16xi32>
        %shift_left3A_185 = arith.shli %bitcast3A_182, %shift_left3A_184 : vector<16xi32>
        %bitcast3A_186 = vector.bitcast %shift_left3A_185 : vector<16xi32> to vector<16xf32>
        %and3A_187 = arith.constant -65536 : i32
        %and3A_188 = vector.broadcast %and3A_187 : i32 to vector<16xi32>
        %and3A_189 = arith.andi %bitcast3A_182, %and3A_188 : vector<16xi32>
        %bitcast3A_190 = vector.bitcast %and3A_189 : vector<16xi32> to vector<16xf32>
        %swap3A_191 = arith.index_cast %add3A_160 : i32 to index
        %swap3A_192 = arith.constant 32 : index
        %swap3A_193 = tpu.vector_load %arg11[%swap3A_191, %swap3A_192] {strides = array<i32>} : memref<256x64xf32, #tpu.memory_space<vmem>>, vector<16xf32>,
        tpu.vector_store %arg11[%swap3A_191, %swap3A_192], %bitcast3A_186 {strides = array<i32>} : memref<256x64xf32, #tpu.memory_space<vmem>>, vector<16xf32>,
        %swap3A_194 = arith.index_cast %add3A_160 : i32 to index
        %swap3A_195 = arith.constant 48 : index
        %swap3A_196 = tpu.vector_load %arg11[%swap3A_194, %swap3A_195] {strides = array<i32>} : memref<256x64xf32, #tpu.memory_space<vmem>>, vector<16xf32>,
        tpu.vector_store %arg11[%swap3A_194, %swap3A_195], %bitcast3A_190 {strides = array<i32>} : memref<256x64xf32, #tpu.memory_space<vmem>>, vector<16xf32>,
        %mul3A_197 = arith.constant 4 : i32
        %mul3A_198 = arith.muli %mul3A_197, %scan3A_120 : i32
        %add3A_199 = arith.constant 2 : i32
        %add3A_200 = arith.addi %mul3A_198, %add3A_199 : i32
        %get3A_201 = arith.index_cast %add3A_200 : i32 to index
        %get3A_202 = arith.constant 0 : index
        %get3A_203 = tpu.vector_load %arg9[%get3A_201, %get3A_202] {strides = array<i32>} : memref<256x64xbf16, #tpu.memory_space<vmem>>, vector<32xbf16>,
        %bitcast3A_204 = vector.bitcast %get3A_203 : vector<32xbf16> to vector<16xi32>
        %shift_left3A_205 = arith.constant 16 : i32
        %shift_left3A_206 = vector.broadcast %shift_left3A_205 : i32 to vector<16xi32>
        %shift_left3A_207 = arith.shli %bitcast3A_204, %shift_left3A_206 : vector<16xi32>
        %bitcast3A_208 = vector.bitcast %shift_left3A_207 : vector<16xi32> to vector<16xf32>
        %and3A_209 = arith.constant -65536 : i32
        %and3A_210 = vector.broadcast %and3A_209 : i32 to vector<16xi32>
        %and3A_211 = arith.andi %bitcast3A_204, %and3A_210 : vector<16xi32>
        %bitcast3A_212 = vector.bitcast %and3A_211 : vector<16xi32> to vector<16xf32>
        %swap3A_213 = arith.index_cast %add3A_200 : i32 to index
        %swap3A_214 = arith.constant 0 : index
        %swap3A_215 = tpu.vector_load %arg11[%swap3A_213, %swap3A_214] {strides = array<i32>} : memref<256x64xf32, #tpu.memory_space<vmem>>, vector<16xf32>,
        tpu.vector_store %arg11[%swap3A_213, %swap3A_214], %bitcast3A_208 {strides = array<i32>} : memref<256x64xf32, #tpu.memory_space<vmem>>, vector<16xf32>,
        %swap3A_216 = arith.index_cast %add3A_200 : i32 to index
        %swap3A_217 = arith.constant 16 : index
        %swap3A_218 = tpu.vector_load %arg11[%swap3A_216, %swap3A_217] {strides = array<i32>} : memref<256x64xf32, #tpu.memory_space<vmem>>, vector<16xf32>,
        tpu.vector_store %arg11[%swap3A_216, %swap3A_217], %bitcast3A_212 {strides = array<i32>} : memref<256x64xf32, #tpu.memory_space<vmem>>, vector<16xf32>,
        %get3A_219 = arith.index_cast %add3A_200 : i32 to index
        %get3A_220 = arith.constant 32 : index
        %get3A_221 = tpu.vector_load %arg9[%get3A_219, %get3A_220] {strides = array<i32>} : memref<256x64xbf16, #tpu.memory_space<vmem>>, vector<32xbf16>,
        %bitcast3A_222 = vector.bitcast %get3A_221 : vector<32xbf16> to vector<16xi32>
        %shift_left3A_223 = arith.constant 16 : i32
        %shift_left3A_224 = vector.broadcast %shift_left3A_223 : i32 to vector<16xi32>
        %shift_left3A_225 = arith.shli %bitcast3A_222, %shift_left3A_224 : vector<16xi32>
        %bitcast3A_226 = vector.bitcast %shift_left3A_225 : vector<16xi32> to vector<16xf32>
        %and3A_227 = arith.constant -65536 : i32
        %and3A_228 = vector.broadcast %and3A_227 : i32 to vector<16xi32>
        %and3A_229 = arith.andi %bitcast3A_222, %and3A_228 : vector<16xi32>
        %bitcast3A_230 = vector.bitcast %and3A_229 : vector<16xi32> to vector<16xf32>
        %swap3A_231 = arith.index_cast %add3A_200 : i32 to index
        %swap3A_232 = arith.constant 32 : index
        %swap3A_233 = tpu.vector_load %arg11[%swap3A_231, %swap3A_232] {strides = array<i32>} : memref<256x64xf32, #tpu.memory_space<vmem>>, vector<16xf32>,
        tpu.vector_store %arg11[%swap3A_231, %swap3A_232], %bitcast3A_226 {strides = array<i32>} : memref<256x64xf32, #tpu.memory_space<vmem>>, vector<16xf32>,
        %swap3A_234 = arith.index_cast %add3A_200 : i32 to index
        %swap3A_235 = arith.constant 48 : index
        %swap3A_236 = tpu.vector_load %arg11[%swap3A_234, %swap3A_235] {strides = array<i32>} : memref<256x64xf32, #tpu.memory_space<vmem>>, vector<16xf32>,
        tpu.vector_store %arg11[%swap3A_234, %swap3A_235], %bitcast3A_230 {strides = array<i32>} : memref<256x64xf32, #tpu.memory_space<vmem>>, vector<16xf32>,
        %mul3A_237 = arith.constant 4 : i32
        %mul3A_238 = arith.muli %mul3A_237, %scan3A_120 : i32
        %add3A_239 = arith.constant 3 : i32
        %add3A_240 = arith.addi %mul3A_238, %add3A_239 : i32
        %get3A_241 = arith.index_cast %add3A_240 : i32 to index
        %get3A_242 = arith.constant 0 : index
        %get3A_243 = tpu.vector_load %arg9[%get3A_241, %get3A_242] {strides = array<i32>} : memref<256x64xbf16, #tpu.memory_space<vmem>>, vector<32xbf16>,
        %bitcast3A_244 = vector.bitcast %get3A_243 : vector<32xbf16> to vector<16xi32>
        %shift_left3A_245 = arith.constant 16 : i32
        %shift_left3A_246 = vector.broadcast %shift_left3A_245 : i32 to vector<16xi32>
        %shift_left3A_247 = arith.shli %bitcast3A_244, %shift_left3A_246 : vector<16xi32>
        %bitcast3A_248 = vector.bitcast %shift_left3A_247 : vector<16xi32> to vector<16xf32>
        %and3A_249 = arith.constant -65536 : i32
        %and3A_250 = vector.broadcast %and3A_249 : i32 to vector<16xi32>
        %and3A_251 = arith.andi %bitcast3A_244, %and3A_250 : vector<16xi32>
        %bitcast3A_252 = vector.bitcast %and3A_251 : vector<16xi32> to vector<16xf32>
        %swap3A_253 = arith.index_cast %add3A_240 : i32 to index
        %swap3A_254 = arith.constant 0 : index
        %swap3A_255 = tpu.vector_load %arg11[%swap3A_253, %swap3A_254] {strides = array<i32>} : memref<256x64xf32, #tpu.memory_space<vmem>>, vector<16xf32>,
        tpu.vector_store %arg11[%swap3A_253, %swap3A_254], %bitcast3A_248 {strides = array<i32>} : memref<256x64xf32, #tpu.memory_space<vmem>>, vector<16xf32>,
        %swap3A_256 = arith.index_cast %add3A_240 : i32 to index
        %swap3A_257 = arith.constant 16 : index
        %swap3A_258 = tpu.vector_load %arg11[%swap3A_256, %swap3A_257] {strides = array<i32>} : memref<256x64xf32, #tpu.memory_space<vmem>>, vector<16xf32>,
        tpu.vector_store %arg11[%swap3A_256, %swap3A_257], %bitcast3A_252 {strides = array<i32>} : memref<256x64xf32, #tpu.memory_space<vmem>>, vector<16xf32>,
        %get3A_259 = arith.index_cast %add3A_240 : i32 to index
        %get3A_260 = arith.constant 32 : index
        %get3A_261 = tpu.vector_load %arg9[%get3A_259, %get3A_260] {strides = array<i32>} : memref<256x64xbf16, #tpu.memory_space<vmem>>, vector<32xbf16>,
        %bitcast3A_262 = vector.bitcast %get3A_261 : vector<32xbf16> to vector<16xi32>
        %shift_left3A_263 = arith.constant 16 : i32
        %shift_left3A_264 = vector.broadcast %shift_left3A_263 : i32 to vector<16xi32>
        %shift_left3A_265 = arith.shli %bitcast3A_262, %shift_left3A_264 : vector<16xi32>
        %bitcast3A_266 = vector.bitcast %shift_left3A_265 : vector<16xi32> to vector<16xf32>
        %and3A_267 = arith.constant -65536 : i32
        %and3A_268 = vector.broadcast %and3A_267 : i32 to vector<16xi32>
        %and3A_269 = arith.andi %bitcast3A_262, %and3A_268 : vector<16xi32>
        %bitcast3A_270 = vector.bitcast %and3A_269 : vector<16xi32> to vector<16xf32>
        %swap3A_271 = arith.index_cast %add3A_240 : i32 to index
        %swap3A_272 = arith.constant 32 : index
        %swap3A_273 = tpu.vector_load %arg11[%swap3A_271, %swap3A_272] {strides = array<i32>} : memref<256x64xf32, #tpu.memory_space<vmem>>, vector<16xf32>,
        tpu.vector_store %arg11[%swap3A_271, %swap3A_272], %bitcast3A_266 {strides = array<i32>} : memref<256x64xf32, #tpu.memory_space<vmem>>, vector<16xf32>,
        %swap3A_274 = arith.index_cast %add3A_240 : i32 to index
        %swap3A_275 = arith.constant 48 : index
        %swap3A_276 = tpu.vector_load %arg11[%swap3A_274, %swap3A_275] {strides = array<i32>} : memref<256x64xf32, #tpu.memory_space<vmem>>, vector<16xf32>,
        tpu.vector_store %arg11[%swap3A_274, %swap3A_275], %bitcast3A_270 {strides = array<i32>} : memref<256x64xf32, #tpu.memory_space<vmem>>, vector<16xf32>,
      }
      %scan3A_76 = arith.constant 64 : i32
      %add3A_77 = arith.constant 2 : i32
      %add3A_78 = arith.addi %mul3A_62, %add3A_77 : i32
      %lt3A = arith.cmpi slt, %add3A_78, %select_n3A : i32
      %convert_element_type3A_79 = arith.extui %lt3A : i1 to i32
      %cond3A_80 = arith.constant 0 : i32
      %cond3A_81 = arith.cmpi ne, %convert_element_type3A_79, %cond3A_80 : i32
      scf.if %cond3A_81 {
        %add3A_120 = arith.constant 2 : i32
        %add3A_121 = arith.addi %mul3A_62, %add3A_120 : i32
        %dma_start3A_122 = arith.constant 0 : i32
        %dma_start3A_123 = tpu.memref_slice %arg7[%add3A_121, %dma_start3A_122] : memref<48x256xi32, #tpu.memory_space<vmem>> -> memref<1x256xi32, #tpu.memory_space<vmem>>
        %dma_start3A_124 = tpu.memref_squeeze %dma_start3A_123 : memref<1x256xi32, #tpu.memory_space<vmem>> -> memref<256xi32, #tpu.memory_space<vmem>>
        %dma_start3A_125 = arith.constant 0 : i32
        %dma_start3A_126 = arith.constant 0 : i32
        %dma_start3A_127 = tpu.memref_slice %arg2[%dma_start3A_125, %dma_start3A_126] : memref<10000x64xbf16, #tpu.memory_space<hbm>> -> memref<10000x64xbf16, #tpu.memory_space<hbm>>
        tpu.enqueue_indirect_dma source(%dma_start3A_127 : memref<10000x64xbf16, #tpu.memory_space<hbm>>) target(%arg9 : memref<256x64xbf16, #tpu.memory_space<vmem>>) offsets(%dma_start3A_124 : memref<256xi32, #tpu.memory_space<vmem>>) semaphore(%arg14 : memref<!tpu.dma_semaphore, #tpu.memory_space<semaphore_mem>>)
      } else {
      }
      %dma_start3A_82 = arith.constant 0 : i32
      %dma_start3A_83 = tpu.memref_slice %arg8[%mul3A_62, %dma_start3A_82] : memref<48x256xi32, #tpu.memory_space<vmem>> -> memref<1x256xi32, #tpu.memory_space<vmem>>
      %dma_start3A_84 = tpu.memref_squeeze %dma_start3A_83 : memref<1x256xi32, #tpu.memory_space<vmem>> -> memref<256xi32, #tpu.memory_space<vmem>>
      %dma_start3A_85 = arith.constant 0 : i32
      %dma_start3A_86 = arith.constant 0 : i32
      %dma_start3A_87 = tpu.memref_slice %arg13[%dma_start3A_85, %dma_start3A_86] : memref<10112x64xf32, #tpu.memory_space<vmem_shared>> -> memref<10112x64xf32, #tpu.memory_space<vmem_shared>>
      tpu.enqueue_indirect_dma source(%arg11 : memref<256x64xf32, #tpu.memory_space<vmem>>) target(%dma_start3A_87 : memref<10112x64xf32, #tpu.memory_space<vmem_shared>>) offsets(%dma_start3A_84 : memref<256xi32, #tpu.memory_space<vmem>>) semaphore(%arg16 : memref<!tpu.dma_semaphore, #tpu.memory_space<semaphore_mem>>) {add = true}
      %dma_wait3A_88 = arith.constant 0 : i32
      %dma_wait3A_89 = arith.constant 0 : i32
      %dma_wait3A_90 = tpu.memref_slice %arg7[%dma_wait3A_88, %dma_wait3A_89] : memref<48x256xi32, #tpu.memory_space<vmem>> -> memref<1x256xi32, #tpu.memory_space<vmem>>
      %dma_wait3A_91 = tpu.memref_squeeze %dma_wait3A_90 : memref<1x256xi32, #tpu.memory_space<vmem>> -> memref<256xi32, #tpu.memory_space<vmem>>
      %dma_wait3A_92 = arith.constant 0 : i32
      %dma_wait3A_93 = arith.constant 0 : i32
      %dma_wait3A_94 = tpu.memref_slice %arg2[%dma_wait3A_92, %dma_wait3A_93] : memref<10000x64xbf16, #tpu.memory_space<hbm>> -> memref<10000x64xbf16, #tpu.memory_space<hbm>>
      tpu.wait_indirect_dma semaphore(%arg15 : memref<!tpu.dma_semaphore, #tpu.memory_space<semaphore_mem>>) src(%dma_wait3A_94 : memref<10000x64xbf16, #tpu.memory_space<hbm>>) dst(%arg10 : memref<256x64xbf16, #tpu.memory_space<vmem>>)
      %gt3A_95 = arith.constant 0 : i32
      %gt3A_96 = arith.cmpi sgt, %while3A_60, %gt3A_95 : i32
      %convert_element_type3A_97 = arith.extui %gt3A_96 : i1 to i32
      %cond3A_98 = arith.constant 0 : i32
      %cond3A_99 = arith.cmpi ne, %convert_element_type3A_97, %cond3A_98 : i32
      scf.if %cond3A_99 {
        %dma_wait3A_120 = arith.constant 0 : i32
        %dma_wait3A_121 = arith.constant 0 : i32
        %dma_wait3A_122 = tpu.memref_slice %arg8[%dma_wait3A_120, %dma_wait3A_121] : memref<48x256xi32, #tpu.memory_space<vmem>> -> memref<1x256xi32, #tpu.memory_space<vmem>>
        %dma_wait3A_123 = tpu.memref_squeeze %dma_wait3A_122 : memref<1x256xi32, #tpu.memory_space<vmem>> -> memref<256xi32, #tpu.memory_space<vmem>>
        %dma_wait3A_124 = arith.constant 0 : i32
        %dma_wait3A_125 = arith.constant 0 : i32
        %dma_wait3A_126 = tpu.memref_slice %arg13[%dma_wait3A_124, %dma_wait3A_125] : memref<10112x64xf32, #tpu.memory_space<vmem_shared>> -> memref<10112x64xf32, #tpu.memory_space<vmem_shared>>
        tpu.wait_indirect_dma semaphore(%arg17 : memref<!tpu.dma_semaphore, #tpu.memory_space<semaphore_mem>>) src(%arg12 : memref<256x64xf32, #tpu.memory_space<vmem>>) dst(%dma_wait3A_126 : memref<10112x64xf32, #tpu.memory_space<vmem_shared>>)
      } else {
      }
      %scan3A_100 = arith.constant 0 : i32
      %scan3A_101 = arith.constant 0 : i32
      %scan3A_102 = arith.constant 64 : i32
      %scan3A_103 = arith.addi %scan3A_101, %scan3A_102 : i32
      %scan3A_104 = arith.constant 1 : i32
      scf.for %scan3A_120 = %scan3A_101 to %scan3A_103 step %scan3A_104  : i32 {
        %mul3A_121 = arith.constant 4 : i32
        %mul3A_122 = arith.muli %mul3A_121, %scan3A_120 : i32
        %add3A_123 = arith.constant 0 : i32
        %add3A_124 = arith.addi %mul3A_122, %add3A_123 : i32
        %get3A = arith.index_cast %add3A_124 : i32 to index
        %get3A_125 = arith.constant 0 : index
        %get3A_126 = tpu.vector_load %arg10[%get3A, %get3A_125] {strides = array<i32>} : memref<256x64xbf16, #tpu.memory_space<vmem>>, vector<32xbf16>,
        %bitcast3A = vector.bitcast %get3A_126 : vector<32xbf16> to vector<16xi32>
        %shift_left3A = arith.constant 16 : i32
        %shift_left3A_127 = vector.broadcast %shift_left3A : i32 to vector<16xi32>
        %shift_left3A_128 = arith.shli %bitcast3A, %shift_left3A_127 : vector<16xi32>
        %bitcast3A_129 = vector.bitcast %shift_left3A_128 : vector<16xi32> to vector<16xf32>
        %and3A_130 = arith.constant -65536 : i32
        %and3A_131 = vector.broadcast %and3A_130 : i32 to vector<16xi32>
        %and3A_132 = arith.andi %bitcast3A, %and3A_131 : vector<16xi32>
        %bitcast3A_133 = vector.bitcast %and3A_132 : vector<16xi32> to vector<16xf32>
        %swap3A = arith.index_cast %add3A_124 : i32 to index
        %swap3A_134 = arith.constant 0 : index
        %swap3A_135 = tpu.vector_load %arg12[%swap3A, %swap3A_134] {strides = array<i32>} : memref<256x64xf32, #tpu.memory_space<vmem>>, vector<16xf32>,
        tpu.vector_store %arg12[%swap3A, %swap3A_134], %bitcast3A_129 {strides = array<i32>} : memref<256x64xf32, #tpu.memory_space<vmem>>, vector<16xf32>,
        %swap3A_136 = arith.index_cast %add3A_124 : i32 to index
        %swap3A_137 = arith.constant 16 : index
        %swap3A_138 = tpu.vector_load %arg12[%swap3A_136, %swap3A_137] {strides = array<i32>} : memref<256x64xf32, #tpu.memory_space<vmem>>, vector<16xf32>,
        tpu.vector_store %arg12[%swap3A_136, %swap3A_137], %bitcast3A_133 {strides = array<i32>} : memref<256x64xf32, #tpu.memory_space<vmem>>, vector<16xf32>,
        %get3A_139 = arith.index_cast %add3A_124 : i32 to index
        %get3A_140 = arith.constant 32 : index
        %get3A_141 = tpu.vector_load %arg10[%get3A_139, %get3A_140] {strides = array<i32>} : memref<256x64xbf16, #tpu.memory_space<vmem>>, vector<32xbf16>,
        %bitcast3A_142 = vector.bitcast %get3A_141 : vector<32xbf16> to vector<16xi32>
        %shift_left3A_143 = arith.constant 16 : i32
        %shift_left3A_144 = vector.broadcast %shift_left3A_143 : i32 to vector<16xi32>
        %shift_left3A_145 = arith.shli %bitcast3A_142, %shift_left3A_144 : vector<16xi32>
        %bitcast3A_146 = vector.bitcast %shift_left3A_145 : vector<16xi32> to vector<16xf32>
        %and3A_147 = arith.constant -65536 : i32
        %and3A_148 = vector.broadcast %and3A_147 : i32 to vector<16xi32>
        %and3A_149 = arith.andi %bitcast3A_142, %and3A_148 : vector<16xi32>
        %bitcast3A_150 = vector.bitcast %and3A_149 : vector<16xi32> to vector<16xf32>
        %swap3A_151 = arith.index_cast %add3A_124 : i32 to index
        %swap3A_152 = arith.constant 32 : index
        %swap3A_153 = tpu.vector_load %arg12[%swap3A_151, %swap3A_152] {strides = array<i32>} : memref<256x64xf32, #tpu.memory_space<vmem>>, vector<16xf32>,
        tpu.vector_store %arg12[%swap3A_151, %swap3A_152], %bitcast3A_146 {strides = array<i32>} : memref<256x64xf32, #tpu.memory_space<vmem>>, vector<16xf32>,
        %swap3A_154 = arith.index_cast %add3A_124 : i32 to index
        %swap3A_155 = arith.constant 48 : index
        %swap3A_156 = tpu.vector_load %arg12[%swap3A_154, %swap3A_155] {strides = array<i32>} : memref<256x64xf32, #tpu.memory_space<vmem>>, vector<16xf32>,
        tpu.vector_store %arg12[%swap3A_154, %swap3A_155], %bitcast3A_150 {strides = array<i32>} : memref<256x64xf32, #tpu.memory_space<vmem>>, vector<16xf32>,
        %mul3A_157 = arith.constant 4 : i32
        %mul3A_158 = arith.muli %mul3A_157, %scan3A_120 : i32
        %add3A_159 = arith.constant 1 : i32
        %add3A_160 = arith.addi %mul3A_158, %add3A_159 : i32
        %get3A_161 = arith.index_cast %add3A_160 : i32 to index
        %get3A_162 = arith.constant 0 : index
        %get3A_163 = tpu.vector_load %arg10[%get3A_161, %get3A_162] {strides = array<i32>} : memref<256x64xbf16, #tpu.memory_space<vmem>>, vector<32xbf16>,
        %bitcast3A_164 = vector.bitcast %get3A_163 : vector<32xbf16> to vector<16xi32>
        %shift_left3A_165 = arith.constant 16 : i32
        %shift_left3A_166 = vector.broadcast %shift_left3A_165 : i32 to vector<16xi32>
        %shift_left3A_167 = arith.shli %bitcast3A_164, %shift_left3A_166 : vector<16xi32>
        %bitcast3A_168 = vector.bitcast %shift_left3A_167 : vector<16xi32> to vector<16xf32>
        %and3A_169 = arith.constant -65536 : i32
        %and3A_170 = vector.broadcast %and3A_169 : i32 to vector<16xi32>
        %and3A_171 = arith.andi %bitcast3A_164, %and3A_170 : vector<16xi32>
        %bitcast3A_172 = vector.bitcast %and3A_171 : vector<16xi32> to vector<16xf32>
        %swap3A_173 = arith.index_cast %add3A_160 : i32 to index
        %swap3A_174 = arith.constant 0 : index
        %swap3A_175 = tpu.vector_load %arg12[%swap3A_173, %swap3A_174] {strides = array<i32>} : memref<256x64xf32, #tpu.memory_space<vmem>>, vector<16xf32>,
        tpu.vector_store %arg12[%swap3A_173, %swap3A_174], %bitcast3A_168 {strides = array<i32>} : memref<256x64xf32, #tpu.memory_space<vmem>>, vector<16xf32>,
        %swap3A_176 = arith.index_cast %add3A_160 : i32 to index
        %swap3A_177 = arith.constant 16 : index
        %swap3A_178 = tpu.vector_load %arg12[%swap3A_176, %swap3A_177] {strides = array<i32>} : memref<256x64xf32, #tpu.memory_space<vmem>>, vector<16xf32>,
        tpu.vector_store %arg12[%swap3A_176, %swap3A_177], %bitcast3A_172 {strides = array<i32>} : memref<256x64xf32, #tpu.memory_space<vmem>>, vector<16xf32>,
        %get3A_179 = arith.index_cast %add3A_160 : i32 to index
        %get3A_180 = arith.constant 32 : index
        %get3A_181 = tpu.vector_load %arg10[%get3A_179, %get3A_180] {strides = array<i32>} : memref<256x64xbf16, #tpu.memory_space<vmem>>, vector<32xbf16>,
        %bitcast3A_182 = vector.bitcast %get3A_181 : vector<32xbf16> to vector<16xi32>
        %shift_left3A_183 = arith.constant 16 : i32
        %shift_left3A_184 = vector.broadcast %shift_left3A_183 : i32 to vector<16xi32>
        %shift_left3A_185 = arith.shli %bitcast3A_182, %shift_left3A_184 : vector<16xi32>
        %bitcast3A_186 = vector.bitcast %shift_left3A_185 : vector<16xi32> to vector<16xf32>
        %and3A_187 = arith.constant -65536 : i32
        %and3A_188 = vector.broadcast %and3A_187 : i32 to vector<16xi32>
        %and3A_189 = arith.andi %bitcast3A_182, %and3A_188 : vector<16xi32>
        %bitcast3A_190 = vector.bitcast %and3A_189 : vector<16xi32> to vector<16xf32>
        %swap3A_191 = arith.index_cast %add3A_160 : i32 to index
        %swap3A_192 = arith.constant 32 : index
        %swap3A_193 = tpu.vector_load %arg12[%swap3A_191, %swap3A_192] {strides = array<i32>} : memref<256x64xf32, #tpu.memory_space<vmem>>, vector<16xf32>,
        tpu.vector_store %arg12[%swap3A_191, %swap3A_192], %bitcast3A_186 {strides = array<i32>} : memref<256x64xf32, #tpu.memory_space<vmem>>, vector<16xf32>,
        %swap3A_194 = arith.index_cast %add3A_160 : i32 to index
        %swap3A_195 = arith.constant 48 : index
        %swap3A_196 = tpu.vector_load %arg12[%swap3A_194, %swap3A_195] {strides = array<i32>} : memref<256x64xf32, #tpu.memory_space<vmem>>, vector<16xf32>,
        tpu.vector_store %arg12[%swap3A_194, %swap3A_195], %bitcast3A_190 {strides = array<i32>} : memref<256x64xf32, #tpu.memory_space<vmem>>, vector<16xf32>,
        %mul3A_197 = arith.constant 4 : i32
        %mul3A_198 = arith.muli %mul3A_197, %scan3A_120 : i32
        %add3A_199 = arith.constant 2 : i32
        %add3A_200 = arith.addi %mul3A_198, %add3A_199 : i32
        %get3A_201 = arith.index_cast %add3A_200 : i32 to index
        %get3A_202 = arith.constant 0 : index
        %get3A_203 = tpu.vector_load %arg10[%get3A_201, %get3A_202] {strides = array<i32>} : memref<256x64xbf16, #tpu.memory_space<vmem>>, vector<32xbf16>,
        %bitcast3A_204 = vector.bitcast %get3A_203 : vector<32xbf16> to vector<16xi32>
        %shift_left3A_205 = arith.constant 16 : i32
        %shift_left3A_206 = vector.broadcast %shift_left3A_205 : i32 to vector<16xi32>
        %shift_left3A_207 = arith.shli %bitcast3A_204, %shift_left3A_206 : vector<16xi32>
        %bitcast3A_208 = vector.bitcast %shift_left3A_207 : vector<16xi32> to vector<16xf32>
        %and3A_209 = arith.constant -65536 : i32
        %and3A_210 = vector.broadcast %and3A_209 : i32 to vector<16xi32>
        %and3A_211 = arith.andi %bitcast3A_204, %and3A_210 : vector<16xi32>
        %bitcast3A_212 = vector.bitcast %and3A_211 : vector<16xi32> to vector<16xf32>
        %swap3A_213 = arith.index_cast %add3A_200 : i32 to index
        %swap3A_214 = arith.constant 0 : index
        %swap3A_215 = tpu.vector_load %arg12[%swap3A_213, %swap3A_214] {strides = array<i32>} : memref<256x64xf32, #tpu.memory_space<vmem>>, vector<16xf32>,
        tpu.vector_store %arg12[%swap3A_213, %swap3A_214], %bitcast3A_208 {strides = array<i32>} : memref<256x64xf32, #tpu.memory_space<vmem>>, vector<16xf32>,
        %swap3A_216 = arith.index_cast %add3A_200 : i32 to index
        %swap3A_217 = arith.constant 16 : index
        %swap3A_218 = tpu.vector_load %arg12[%swap3A_216, %swap3A_217] {strides = array<i32>} : memref<256x64xf32, #tpu.memory_space<vmem>>, vector<16xf32>,
        tpu.vector_store %arg12[%swap3A_216, %swap3A_217], %bitcast3A_212 {strides = array<i32>} : memref<256x64xf32, #tpu.memory_space<vmem>>, vector<16xf32>,
        %get3A_219 = arith.index_cast %add3A_200 : i32 to index
        %get3A_220 = arith.constant 32 : index
        %get3A_221 = tpu.vector_load %arg10[%get3A_219, %get3A_220] {strides = array<i32>} : memref<256x64xbf16, #tpu.memory_space<vmem>>, vector<32xbf16>,
        %bitcast3A_222 = vector.bitcast %get3A_221 : vector<32xbf16> to vector<16xi32>
        %shift_left3A_223 = arith.constant 16 : i32
        %shift_left3A_224 = vector.broadcast %shift_left3A_223 : i32 to vector<16xi32>
        %shift_left3A_225 = arith.shli %bitcast3A_222, %shift_left3A_224 : vector<16xi32>
        %bitcast3A_226 = vector.bitcast %shift_left3A_225 : vector<16xi32> to vector<16xf32>
        %and3A_227 = arith.constant -65536 : i32
        %and3A_228 = vector.broadcast %and3A_227 : i32 to vector<16xi32>
        %and3A_229 = arith.andi %bitcast3A_222, %and3A_228 : vector<16xi32>
        %bitcast3A_230 = vector.bitcast %and3A_229 : vector<16xi32> to vector<16xf32>
        %swap3A_231 = arith.index_cast %add3A_200 : i32 to index
        %swap3A_232 = arith.constant 32 : index
        %swap3A_233 = tpu.vector_load %arg12[%swap3A_231, %swap3A_232] {strides = array<i32>} : memref<256x64xf32, #tpu.memory_space<vmem>>, vector<16xf32>,
        tpu.vector_store %arg12[%swap3A_231, %swap3A_232], %bitcast3A_226 {strides = array<i32>} : memref<256x64xf32, #tpu.memory_space<vmem>>, vector<16xf32>,
        %swap3A_234 = arith.index_cast %add3A_200 : i32 to index
        %swap3A_235 = arith.constant 48 : index
        %swap3A_236 = tpu.vector_load %arg12[%swap3A_234, %swap3A_235] {strides = array<i32>} : memref<256x64xf32, #tpu.memory_space<vmem>>, vector<16xf32>,
        tpu.vector_store %arg12[%swap3A_234, %swap3A_235], %bitcast3A_230 {strides = array<i32>} : memref<256x64xf32, #tpu.memory_space<vmem>>, vector<16xf32>,
        %mul3A_237 = arith.constant 4 : i32
        %mul3A_238 = arith.muli %mul3A_237, %scan3A_120 : i32
        %add3A_239 = arith.constant 3 : i32
        %add3A_240 = arith.addi %mul3A_238, %add3A_239 : i32
        %get3A_241 = arith.index_cast %add3A_240 : i32 to index
        %get3A_242 = arith.constant 0 : index
        %get3A_243 = tpu.vector_load %arg10[%get3A_241, %get3A_242] {strides = array<i32>} : memref<256x64xbf16, #tpu.memory_space<vmem>>, vector<32xbf16>,
        %bitcast3A_244 = vector.bitcast %get3A_243 : vector<32xbf16> to vector<16xi32>
        %shift_left3A_245 = arith.constant 16 : i32
        %shift_left3A_246 = vector.broadcast %shift_left3A_245 : i32 to vector<16xi32>
        %shift_left3A_247 = arith.shli %bitcast3A_244, %shift_left3A_246 : vector<16xi32>
        %bitcast3A_248 = vector.bitcast %shift_left3A_247 : vector<16xi32> to vector<16xf32>
        %and3A_249 = arith.constant -65536 : i32
        %and3A_250 = vector.broadcast %and3A_249 : i32 to vector<16xi32>
        %and3A_251 = arith.andi %bitcast3A_244, %and3A_250 : vector<16xi32>
        %bitcast3A_252 = vector.bitcast %and3A_251 : vector<16xi32> to vector<16xf32>
        %swap3A_253 = arith.index_cast %add3A_240 : i32 to index
        %swap3A_254 = arith.constant 0 : index
        %swap3A_255 = tpu.vector_load %arg12[%swap3A_253, %swap3A_254] {strides = array<i32>} : memref<256x64xf32, #tpu.memory_space<vmem>>, vector<16xf32>,
        tpu.vector_store %arg12[%swap3A_253, %swap3A_254], %bitcast3A_248 {strides = array<i32>} : memref<256x64xf32, #tpu.memory_space<vmem>>, vector<16xf32>,
        %swap3A_256 = arith.index_cast %add3A_240 : i32 to index
        %swap3A_257 = arith.constant 16 : index
        %swap3A_258 = tpu.vector_load %arg12[%swap3A_256, %swap3A_257] {strides = array<i32>} : memref<256x64xf32, #tpu.memory_space<vmem>>, vector<16xf32>,
        tpu.vector_store %arg12[%swap3A_256, %swap3A_257], %bitcast3A_252 {strides = array<i32>} : memref<256x64xf32, #tpu.memory_space<vmem>>, vector<16xf32>,
        %get3A_259 = arith.index_cast %add3A_240 : i32 to index
        %get3A_260 = arith.constant 32 : index
        %get3A_261 = tpu.vector_load %arg10[%get3A_259, %get3A_260] {strides = array<i32>} : memref<256x64xbf16, #tpu.memory_space<vmem>>, vector<32xbf16>,
        %bitcast3A_262 = vector.bitcast %get3A_261 : vector<32xbf16> to vector<16xi32>
        %shift_left3A_263 = arith.constant 16 : i32
        %shift_left3A_264 = vector.broadcast %shift_left3A_263 : i32 to vector<16xi32>
        %shift_left3A_265 = arith.shli %bitcast3A_262, %shift_left3A_264 : vector<16xi32>
        %bitcast3A_266 = vector.bitcast %shift_left3A_265 : vector<16xi32> to vector<16xf32>
        %and3A_267 = arith.constant -65536 : i32
        %and3A_268 = vector.broadcast %and3A_267 : i32 to vector<16xi32>
        %and3A_269 = arith.andi %bitcast3A_262, %and3A_268 : vector<16xi32>
        %bitcast3A_270 = vector.bitcast %and3A_269 : vector<16xi32> to vector<16xf32>
        %swap3A_271 = arith.index_cast %add3A_240 : i32 to index
        %swap3A_272 = arith.constant 32 : index
        %swap3A_273 = tpu.vector_load %arg12[%swap3A_271, %swap3A_272] {strides = array<i32>} : memref<256x64xf32, #tpu.memory_space<vmem>>, vector<16xf32>,
        tpu.vector_store %arg12[%swap3A_271, %swap3A_272], %bitcast3A_266 {strides = array<i32>} : memref<256x64xf32, #tpu.memory_space<vmem>>, vector<16xf32>,
        %swap3A_274 = arith.index_cast %add3A_240 : i32 to index
        %swap3A_275 = arith.constant 48 : index
        %swap3A_276 = tpu.vector_load %arg12[%swap3A_274, %swap3A_275] {strides = array<i32>} : memref<256x64xf32, #tpu.memory_space<vmem>>, vector<16xf32>,
        tpu.vector_store %arg12[%swap3A_274, %swap3A_275], %bitcast3A_270 {strides = array<i32>} : memref<256x64xf32, #tpu.memory_space<vmem>>, vector<16xf32>,
      }
      %scan3A_105 = arith.constant 64 : i32
      %add3A_106 = arith.constant 3 : i32
      %add3A_107 = arith.addi %mul3A_62, %add3A_106 : i32
      %lt3A_108 = arith.cmpi slt, %add3A_107, %select_n3A : i32
      %convert_element_type3A_109 = arith.extui %lt3A_108 : i1 to i32
      %cond3A_110 = arith.constant 0 : i32
      %cond3A_111 = arith.cmpi ne, %convert_element_type3A_109, %cond3A_110 : i32
      scf.if %cond3A_111 {
        %add3A_120 = arith.constant 3 : i32
        %add3A_121 = arith.addi %mul3A_62, %add3A_120 : i32
        %dma_start3A_122 = arith.constant 0 : i32
        %dma_start3A_123 = tpu.memref_slice %arg7[%add3A_121, %dma_start3A_122] : memref<48x256xi32, #tpu.memory_space<vmem>> -> memref<1x256xi32, #tpu.memory_space<vmem>>
        %dma_start3A_124 = tpu.memref_squeeze %dma_start3A_123 : memref<1x256xi32, #tpu.memory_space<vmem>> -> memref<256xi32, #tpu.memory_space<vmem>>
        %dma_start3A_125 = arith.constant 0 : i32
        %dma_start3A_126 = arith.constant 0 : i32
        %dma_start3A_127 = tpu.memref_slice %arg2[%dma_start3A_125, %dma_start3A_126] : memref<10000x64xbf16, #tpu.memory_space<hbm>> -> memref<10000x64xbf16, #tpu.memory_space<hbm>>
        tpu.enqueue_indirect_dma source(%dma_start3A_127 : memref<10000x64xbf16, #tpu.memory_space<hbm>>) target(%arg10 : memref<256x64xbf16, #tpu.memory_space<vmem>>) offsets(%dma_start3A_124 : memref<256xi32, #tpu.memory_space<vmem>>) semaphore(%arg15 : memref<!tpu.dma_semaphore, #tpu.memory_space<semaphore_mem>>)
      } else {
      }
      %add3A_112 = arith.constant 1 : i32
      %add3A_113 = arith.addi %mul3A_62, %add3A_112 : i32
      %dma_start3A_114 = arith.constant 0 : i32
      %dma_start3A_115 = tpu.memref_slice %arg8[%add3A_113, %dma_start3A_114] : memref<48x256xi32, #tpu.memory_space<vmem>> -> memref<1x256xi32, #tpu.memory_space<vmem>>
      %dma_start3A_116 = tpu.memref_squeeze %dma_start3A_115 : memref<1x256xi32, #tpu.memory_space<vmem>> -> memref<256xi32, #tpu.memory_space<vmem>>
      %dma_start3A_117 = arith.constant 0 : i32
      %dma_start3A_118 = arith.constant 0 : i32
      %dma_start3A_119 = tpu.memref_slice %arg13[%dma_start3A_117, %dma_start3A_118] : memref<10112x64xf32, #tpu.memory_space<vmem_shared>> -> memref<10112x64xf32, #tpu.memory_space<vmem_shared>>
      tpu.enqueue_indirect_dma source(%arg12 : memref<256x64xf32, #tpu.memory_space<vmem>>) target(%dma_start3A_119 : memref<10112x64xf32, #tpu.memory_space<vmem_shared>>) offsets(%dma_start3A_116 : memref<256xi32, #tpu.memory_space<vmem>>) semaphore(%arg17 : memref<!tpu.dma_semaphore, #tpu.memory_space<semaphore_mem>>) {add = true}
    }
    %while3A_45 = arith.constant 1 : i32
    scf.for %while3A_60 = %while3A_43 to %while3A_39 step %while3A_45  : i32 {
      %mul3A_61 = arith.constant 2 : i32
      %mul3A_62 = arith.muli %mul3A_61, %while3A_60 : i32
      %dma_wait3A_63 = arith.constant 0 : i32
      %dma_wait3A_64 = arith.constant 0 : i32
      %dma_wait3A_65 = tpu.memref_slice %arg7[%dma_wait3A_63, %dma_wait3A_64] : memref<48x256xi32, #tpu.memory_space<vmem>> -> memref<1x256xi32, #tpu.memory_space<vmem>>
      %dma_wait3A_66 = tpu.memref_squeeze %dma_wait3A_65 : memref<1x256xi32, #tpu.memory_space<vmem>> -> memref<256xi32, #tpu.memory_space<vmem>>
      %dma_wait3A_67 = arith.constant 0 : i32
      %dma_wait3A_68 = arith.constant 0 : i32
      %dma_wait3A_69 = tpu.memref_slice %arg2[%dma_wait3A_67, %dma_wait3A_68] : memref<10000x64xbf16, #tpu.memory_space<hbm>> -> memref<10000x64xbf16, #tpu.memory_space<hbm>>
      tpu.wait_indirect_dma semaphore(%arg14 : memref<!tpu.dma_semaphore, #tpu.memory_space<semaphore_mem>>) src(%dma_wait3A_69 : memref<10000x64xbf16, #tpu.memory_space<hbm>>) dst(%arg9 : memref<256x64xbf16, #tpu.memory_space<vmem>>)
      %gt3A = arith.constant 0 : i32
      %gt3A_70 = arith.cmpi sgt, %while3A_60, %gt3A : i32
      %convert_element_type3A = arith.extui %gt3A_70 : i1 to i32
      %cond3A = arith.constant 0 : i32
      %cond3A_71 = arith.cmpi ne, %convert_element_type3A, %cond3A : i32
      scf.if %cond3A_71 {
        %dma_wait3A_120 = arith.constant 0 : i32
        %dma_wait3A_121 = arith.constant 0 : i32
        %dma_wait3A_122 = tpu.memref_slice %arg8[%dma_wait3A_120, %dma_wait3A_121] : memref<48x256xi32, #tpu.memory_space<vmem>> -> memref<1x256xi32, #tpu.memory_space<vmem>>
        %dma_wait3A_123 = tpu.memref_squeeze %dma_wait3A_122 : memref<1x256xi32, #tpu.memory_space<vmem>> -> memref<256xi32, #tpu.memory_space<vmem>>
        %dma_wait3A_124 = arith.constant 0 : i32
        %dma_wait3A_125 = arith.constant 0 : i32
        %dma_wait3A_126 = tpu.memref_slice %arg13[%dma_wait3A_124, %dma_wait3A_125] : memref<10112x64xf32, #tpu.memory_space<vmem_shared>> -> memref<10112x64xf32, #tpu.memory_space<vmem_shared>>
        tpu.wait_indirect_dma semaphore(%arg16 : memref<!tpu.dma_semaphore, #tpu.memory_space<semaphore_mem>>) src(%arg11 : memref<256x64xf32, #tpu.memory_space<vmem>>) dst(%dma_wait3A_126 : memref<10112x64xf32, #tpu.memory_space<vmem_shared>>)
      } else {
      }
      %scan3A = arith.constant 0 : i32
      %scan3A_72 = arith.constant 0 : i32
      %scan3A_73 = arith.constant 64 : i32
      %scan3A_74 = arith.addi %scan3A_72, %scan3A_73 : i32
      %scan3A_75 = arith.constant 1 : i32
      scf.for %scan3A_120 = %scan3A_72 to %scan3A_74 step %scan3A_75  : i32 {
        %mul3A_121 = arith.constant 4 : i32
        %mul3A_122 = arith.muli %mul3A_121, %scan3A_120 : i32
        %add3A_123 = arith.constant 0 : i32
        %add3A_124 = arith.addi %mul3A_122, %add3A_123 : i32
        %get3A = arith.index_cast %add3A_124 : i32 to index
        %get3A_125 = arith.constant 0 : index
        %get3A_126 = tpu.vector_load %arg9[%get3A, %get3A_125] {strides = array<i32>} : memref<256x64xbf16, #tpu.memory_space<vmem>>, vector<32xbf16>,
        %bitcast3A = vector.bitcast %get3A_126 : vector<32xbf16> to vector<16xi32>
        %shift_left3A = arith.constant 16 : i32
        %shift_left3A_127 = vector.broadcast %shift_left3A : i32 to vector<16xi32>
        %shift_left3A_128 = arith.shli %bitcast3A, %shift_left3A_127 : vector<16xi32>
        %bitcast3A_129 = vector.bitcast %shift_left3A_128 : vector<16xi32> to vector<16xf32>
        %and3A_130 = arith.constant -65536 : i32
        %and3A_131 = vector.broadcast %and3A_130 : i32 to vector<16xi32>
        %and3A_132 = arith.andi %bitcast3A, %and3A_131 : vector<16xi32>
        %bitcast3A_133 = vector.bitcast %and3A_132 : vector<16xi32> to vector<16xf32>
        %swap3A = arith.index_cast %add3A_124 : i32 to index
        %swap3A_134 = arith.constant 0 : index
        %swap3A_135 = tpu.vector_load %arg11[%swap3A, %swap3A_134] {strides = array<i32>} : memref<256x64xf32, #tpu.memory_space<vmem>>, vector<16xf32>,
        tpu.vector_store %arg11[%swap3A, %swap3A_134], %bitcast3A_129 {strides = array<i32>} : memref<256x64xf32, #tpu.memory_space<vmem>>, vector<16xf32>,
        %swap3A_136 = arith.index_cast %add3A_124 : i32 to index
        %swap3A_137 = arith.constant 16 : index
        %swap3A_138 = tpu.vector_load %arg11[%swap3A_136, %swap3A_137] {strides = array<i32>} : memref<256x64xf32, #tpu.memory_space<vmem>>, vector<16xf32>,
        tpu.vector_store %arg11[%swap3A_136, %swap3A_137], %bitcast3A_133 {strides = array<i32>} : memref<256x64xf32, #tpu.memory_space<vmem>>, vector<16xf32>,
        %get3A_139 = arith.index_cast %add3A_124 : i32 to index
        %get3A_140 = arith.constant 32 : index
        %get3A_141 = tpu.vector_load %arg9[%get3A_139, %get3A_140] {strides = array<i32>} : memref<256x64xbf16, #tpu.memory_space<vmem>>, vector<32xbf16>,
        %bitcast3A_142 = vector.bitcast %get3A_141 : vector<32xbf16> to vector<16xi32>
        %shift_left3A_143 = arith.constant 16 : i32
        %shift_left3A_144 = vector.broadcast %shift_left3A_143 : i32 to vector<16xi32>
        %shift_left3A_145 = arith.shli %bitcast3A_142, %shift_left3A_144 : vector<16xi32>
        %bitcast3A_146 = vector.bitcast %shift_left3A_145 : vector<16xi32> to vector<16xf32>
        %and3A_147 = arith.constant -65536 : i32
        %and3A_148 = vector.broadcast %and3A_147 : i32 to vector<16xi32>
        %and3A_149 = arith.andi %bitcast3A_142, %and3A_148 : vector<16xi32>
        %bitcast3A_150 = vector.bitcast %and3A_149 : vector<16xi32> to vector<16xf32>
        %swap3A_151 = arith.index_cast %add3A_124 : i32 to index
        %swap3A_152 = arith.constant 32 : index
        %swap3A_153 = tpu.vector_load %arg11[%swap3A_151, %swap3A_152] {strides = array<i32>} : memref<256x64xf32, #tpu.memory_space<vmem>>, vector<16xf32>,
        tpu.vector_store %arg11[%swap3A_151, %swap3A_152], %bitcast3A_146 {strides = array<i32>} : memref<256x64xf32, #tpu.memory_space<vmem>>, vector<16xf32>,
        %swap3A_154 = arith.index_cast %add3A_124 : i32 to index
        %swap3A_155 = arith.constant 48 : index
        %swap3A_156 = tpu.vector_load %arg11[%swap3A_154, %swap3A_155] {strides = array<i32>} : memref<256x64xf32, #tpu.memory_space<vmem>>, vector<16xf32>,
        tpu.vector_store %arg11[%swap3A_154, %swap3A_155], %bitcast3A_150 {strides = array<i32>} : memref<256x64xf32, #tpu.memory_space<vmem>>, vector<16xf32>,
        %mul3A_157 = arith.constant 4 : i32
        %mul3A_158 = arith.muli %mul3A_157, %scan3A_120 : i32
        %add3A_159 = arith.constant 1 : i32
        %add3A_160 = arith.addi %mul3A_158, %add3A_159 : i32
        %get3A_161 = arith.index_cast %add3A_160 : i32 to index
        %get3A_162 = arith.constant 0 : index
        %get3A_163 = tpu.vector_load %arg9[%get3A_161, %get3A_162] {strides = array<i32>} : memref<256x64xbf16, #tpu.memory_space<vmem>>, vector<32xbf16>,
        %bitcast3A_164 = vector.bitcast %get3A_163 : vector<32xbf16> to vector<16xi32>
        %shift_left3A_165 = arith.constant 16 : i32
        %shift_left3A_166 = vector.broadcast %shift_left3A_165 : i32 to vector<16xi32>
        %shift_left3A_167 = arith.shli %bitcast3A_164, %shift_left3A_166 : vector<16xi32>
        %bitcast3A_168 = vector.bitcast %shift_left3A_167 : vector<16xi32> to vector<16xf32>
        %and3A_169 = arith.constant -65536 : i32
        %and3A_170 = vector.broadcast %and3A_169 : i32 to vector<16xi32>
        %and3A_171 = arith.andi %bitcast3A_164, %and3A_170 : vector<16xi32>
        %bitcast3A_172 = vector.bitcast %and3A_171 : vector<16xi32> to vector<16xf32>
        %swap3A_173 = arith.index_cast %add3A_160 : i32 to index
        %swap3A_174 = arith.constant 0 : index
        %swap3A_175 = tpu.vector_load %arg11[%swap3A_173, %swap3A_174] {strides = array<i32>} : memref<256x64xf32, #tpu.memory_space<vmem>>, vector<16xf32>,
        tpu.vector_store %arg11[%swap3A_173, %swap3A_174], %bitcast3A_168 {strides = array<i32>} : memref<256x64xf32, #tpu.memory_space<vmem>>, vector<16xf32>,
        %swap3A_176 = arith.index_cast %add3A_160 : i32 to index
        %swap3A_177 = arith.constant 16 : index
        %swap3A_178 = tpu.vector_load %arg11[%swap3A_176, %swap3A_177] {strides = array<i32>} : memref<256x64xf32, #tpu.memory_space<vmem>>, vector<16xf32>,
        tpu.vector_store %arg11[%swap3A_176, %swap3A_177], %bitcast3A_172 {strides = array<i32>} : memref<256x64xf32, #tpu.memory_space<vmem>>, vector<16xf32>,
        %get3A_179 = arith.index_cast %add3A_160 : i32 to index
        %get3A_180 = arith.constant 32 : index
        %get3A_181 = tpu.vector_load %arg9[%get3A_179, %get3A_180] {strides = array<i32>} : memref<256x64xbf16, #tpu.memory_space<vmem>>, vector<32xbf16>,
        %bitcast3A_182 = vector.bitcast %get3A_181 : vector<32xbf16> to vector<16xi32>
        %shift_left3A_183 = arith.constant 16 : i32
        %shift_left3A_184 = vector.broadcast %shift_left3A_183 : i32 to vector<16xi32>
        %shift_left3A_185 = arith.shli %bitcast3A_182, %shift_left3A_184 : vector<16xi32>
        %bitcast3A_186 = vector.bitcast %shift_left3A_185 : vector<16xi32> to vector<16xf32>
        %and3A_187 = arith.constant -65536 : i32
        %and3A_188 = vector.broadcast %and3A_187 : i32 to vector<16xi32>
        %and3A_189 = arith.andi %bitcast3A_182, %and3A_188 : vector<16xi32>
        %bitcast3A_190 = vector.bitcast %and3A_189 : vector<16xi32> to vector<16xf32>
        %swap3A_191 = arith.index_cast %add3A_160 : i32 to index
        %swap3A_192 = arith.constant 32 : index
        %swap3A_193 = tpu.vector_load %arg11[%swap3A_191, %swap3A_192] {strides = array<i32>} : memref<256x64xf32, #tpu.memory_space<vmem>>, vector<16xf32>,
        tpu.vector_store %arg11[%swap3A_191, %swap3A_192], %bitcast3A_186 {strides = array<i32>} : memref<256x64xf32, #tpu.memory_space<vmem>>, vector<16xf32>,
        %swap3A_194 = arith.index_cast %add3A_160 : i32 to index
        %swap3A_195 = arith.constant 48 : index
        %swap3A_196 = tpu.vector_load %arg11[%swap3A_194, %swap3A_195] {strides = array<i32>} : memref<256x64xf32, #tpu.memory_space<vmem>>, vector<16xf32>,
        tpu.vector_store %arg11[%swap3A_194, %swap3A_195], %bitcast3A_190 {strides = array<i32>} : memref<256x64xf32, #tpu.memory_space<vmem>>, vector<16xf32>,
        %mul3A_197 = arith.constant 4 : i32
        %mul3A_198 = arith.muli %mul3A_197, %scan3A_120 : i32
        %add3A_199 = arith.constant 2 : i32
        %add3A_200 = arith.addi %mul3A_198, %add3A_199 : i32
        %get3A_201 = arith.index_cast %add3A_200 : i32 to index
        %get3A_202 = arith.constant 0 : index
        %get3A_203 = tpu.vector_load %arg9[%get3A_201, %get3A_202] {strides = array<i32>} : memref<256x64xbf16, #tpu.memory_space<vmem>>, vector<32xbf16>,
        %bitcast3A_204 = vector.bitcast %get3A_203 : vector<32xbf16> to vector<16xi32>
        %shift_left3A_205 = arith.constant 16 : i32
        %shift_left3A_206 = vector.broadcast %shift_left3A_205 : i32 to vector<16xi32>
        %shift_left3A_207 = arith.shli %bitcast3A_204, %shift_left3A_206 : vector<16xi32>
        %bitcast3A_208 = vector.bitcast %shift_left3A_207 : vector<16xi32> to vector<16xf32>
        %and3A_209 = arith.constant -65536 : i32
        %and3A_210 = vector.broadcast %and3A_209 : i32 to vector<16xi32>
        %and3A_211 = arith.andi %bitcast3A_204, %and3A_210 : vector<16xi32>
        %bitcast3A_212 = vector.bitcast %and3A_211 : vector<16xi32> to vector<16xf32>
        %swap3A_213 = arith.index_cast %add3A_200 : i32 to index
        %swap3A_214 = arith.constant 0 : index
        %swap3A_215 = tpu.vector_load %arg11[%swap3A_213, %swap3A_214] {strides = array<i32>} : memref<256x64xf32, #tpu.memory_space<vmem>>, vector<16xf32>,
        tpu.vector_store %arg11[%swap3A_213, %swap3A_214], %bitcast3A_208 {strides = array<i32>} : memref<256x64xf32, #tpu.memory_space<vmem>>, vector<16xf32>,
        %swap3A_216 = arith.index_cast %add3A_200 : i32 to index
        %swap3A_217 = arith.constant 16 : index
        %swap3A_218 = tpu.vector_load %arg11[%swap3A_216, %swap3A_217] {strides = array<i32>} : memref<256x64xf32, #tpu.memory_space<vmem>>, vector<16xf32>,
        tpu.vector_store %arg11[%swap3A_216, %swap3A_217], %bitcast3A_212 {strides = array<i32>} : memref<256x64xf32, #tpu.memory_space<vmem>>, vector<16xf32>,
        %get3A_219 = arith.index_cast %add3A_200 : i32 to index
        %get3A_220 = arith.constant 32 : index
        %get3A_221 = tpu.vector_load %arg9[%get3A_219, %get3A_220] {strides = array<i32>} : memref<256x64xbf16, #tpu.memory_space<vmem>>, vector<32xbf16>,
        %bitcast3A_222 = vector.bitcast %get3A_221 : vector<32xbf16> to vector<16xi32>
        %shift_left3A_223 = arith.constant 16 : i32
        %shift_left3A_224 = vector.broadcast %shift_left3A_223 : i32 to vector<16xi32>
        %shift_left3A_225 = arith.shli %bitcast3A_222, %shift_left3A_224 : vector<16xi32>
        %bitcast3A_226 = vector.bitcast %shift_left3A_225 : vector<16xi32> to vector<16xf32>
        %and3A_227 = arith.constant -65536 : i32
        %and3A_228 = vector.broadcast %and3A_227 : i32 to vector<16xi32>
        %and3A_229 = arith.andi %bitcast3A_222, %and3A_228 : vector<16xi32>
        %bitcast3A_230 = vector.bitcast %and3A_229 : vector<16xi32> to vector<16xf32>
        %swap3A_231 = arith.index_cast %add3A_200 : i32 to index
        %swap3A_232 = arith.constant 32 : index
        %swap3A_233 = tpu.vector_load %arg11[%swap3A_231, %swap3A_232] {strides = array<i32>} : memref<256x64xf32, #tpu.memory_space<vmem>>, vector<16xf32>,
        tpu.vector_store %arg11[%swap3A_231, %swap3A_232], %bitcast3A_226 {strides = array<i32>} : memref<256x64xf32, #tpu.memory_space<vmem>>, vector<16xf32>,
        %swap3A_234 = arith.index_cast %add3A_200 : i32 to index
        %swap3A_235 = arith.constant 48 : index
        %swap3A_236 = tpu.vector_load %arg11[%swap3A_234, %swap3A_235] {strides = array<i32>} : memref<256x64xf32, #tpu.memory_space<vmem>>, vector<16xf32>,
        tpu.vector_store %arg11[%swap3A_234, %swap3A_235], %bitcast3A_230 {strides = array<i32>} : memref<256x64xf32, #tpu.memory_space<vmem>>, vector<16xf32>,
        %mul3A_237 = arith.constant 4 : i32
        %mul3A_238 = arith.muli %mul3A_237, %scan3A_120 : i32
        %add3A_239 = arith.constant 3 : i32
        %add3A_240 = arith.addi %mul3A_238, %add3A_239 : i32
        %get3A_241 = arith.index_cast %add3A_240 : i32 to index
        %get3A_242 = arith.constant 0 : index
        %get3A_243 = tpu.vector_load %arg9[%get3A_241, %get3A_242] {strides = array<i32>} : memref<256x64xbf16, #tpu.memory_space<vmem>>, vector<32xbf16>,
        %bitcast3A_244 = vector.bitcast %get3A_243 : vector<32xbf16> to vector<16xi32>
        %shift_left3A_245 = arith.constant 16 : i32
        %shift_left3A_246 = vector.broadcast %shift_left3A_245 : i32 to vector<16xi32>
        %shift_left3A_247 = arith.shli %bitcast3A_244, %shift_left3A_246 : vector<16xi32>
        %bitcast3A_248 = vector.bitcast %shift_left3A_247 : vector<16xi32> to vector<16xf32>
        %and3A_249 = arith.constant -65536 : i32
        %and3A_250 = vector.broadcast %and3A_249 : i32 to vector<16xi32>
        %and3A_251 = arith.andi %bitcast3A_244, %and3A_250 : vector<16xi32>
        %bitcast3A_252 = vector.bitcast %and3A_251 : vector<16xi32> to vector<16xf32>
        %swap3A_253 = arith.index_cast %add3A_240 : i32 to index
        %swap3A_254 = arith.constant 0 : index
        %swap3A_255 = tpu.vector_load %arg11[%swap3A_253, %swap3A_254] {strides = array<i32>} : memref<256x64xf32, #tpu.memory_space<vmem>>, vector<16xf32>,
        tpu.vector_store %arg11[%swap3A_253, %swap3A_254], %bitcast3A_248 {strides = array<i32>} : memref<256x64xf32, #tpu.memory_space<vmem>>, vector<16xf32>,
        %swap3A_256 = arith.index_cast %add3A_240 : i32 to index
        %swap3A_257 = arith.constant 16 : index
        %swap3A_258 = tpu.vector_load %arg11[%swap3A_256, %swap3A_257] {strides = array<i32>} : memref<256x64xf32, #tpu.memory_space<vmem>>, vector<16xf32>,
        tpu.vector_store %arg11[%swap3A_256, %swap3A_257], %bitcast3A_252 {strides = array<i32>} : memref<256x64xf32, #tpu.memory_space<vmem>>, vector<16xf32>,
        %get3A_259 = arith.index_cast %add3A_240 : i32 to index
        %get3A_260 = arith.constant 32 : index
        %get3A_261 = tpu.vector_load %arg9[%get3A_259, %get3A_260] {strides = array<i32>} : memref<256x64xbf16, #tpu.memory_space<vmem>>, vector<32xbf16>,
        %bitcast3A_262 = vector.bitcast %get3A_261 : vector<32xbf16> to vector<16xi32>
        %shift_left3A_263 = arith.constant 16 : i32
        %shift_left3A_264 = vector.broadcast %shift_left3A_263 : i32 to vector<16xi32>
        %shift_left3A_265 = arith.shli %bitcast3A_262, %shift_left3A_264 : vector<16xi32>
        %bitcast3A_266 = vector.bitcast %shift_left3A_265 : vector<16xi32> to vector<16xf32>
        %and3A_267 = arith.constant -65536 : i32
        %and3A_268 = vector.broadcast %and3A_267 : i32 to vector<16xi32>
        %and3A_269 = arith.andi %bitcast3A_262, %and3A_268 : vector<16xi32>
        %bitcast3A_270 = vector.bitcast %and3A_269 : vector<16xi32> to vector<16xf32>
        %swap3A_271 = arith.index_cast %add3A_240 : i32 to index
        %swap3A_272 = arith.constant 32 : index
        %swap3A_273 = tpu.vector_load %arg11[%swap3A_271, %swap3A_272] {strides = array<i32>} : memref<256x64xf32, #tpu.memory_space<vmem>>, vector<16xf32>,
        tpu.vector_store %arg11[%swap3A_271, %swap3A_272], %bitcast3A_266 {strides = array<i32>} : memref<256x64xf32, #tpu.memory_space<vmem>>, vector<16xf32>,
        %swap3A_274 = arith.index_cast %add3A_240 : i32 to index
        %swap3A_275 = arith.constant 48 : index
        %swap3A_276 = tpu.vector_load %arg11[%swap3A_274, %swap3A_275] {strides = array<i32>} : memref<256x64xf32, #tpu.memory_space<vmem>>, vector<16xf32>,
        tpu.vector_store %arg11[%swap3A_274, %swap3A_275], %bitcast3A_270 {strides = array<i32>} : memref<256x64xf32, #tpu.memory_space<vmem>>, vector<16xf32>,
      }
      %scan3A_76 = arith.constant 64 : i32
      %add3A_77 = arith.constant 2 : i32
      %add3A_78 = arith.addi %mul3A_62, %add3A_77 : i32
      %lt3A = arith.cmpi slt, %add3A_78, %select_n3A : i32
      %convert_element_type3A_79 = arith.extui %lt3A : i1 to i32
      %cond3A_80 = arith.constant 0 : i32
      %cond3A_81 = arith.cmpi ne, %convert_element_type3A_79, %cond3A_80 : i32
      scf.if %cond3A_81 {
        %add3A_120 = arith.constant 2 : i32
        %add3A_121 = arith.addi %mul3A_62, %add3A_120 : i32
        %dma_start3A_122 = arith.constant 0 : i32
        %dma_start3A_123 = tpu.memref_slice %arg7[%add3A_121, %dma_start3A_122] : memref<48x256xi32, #tpu.memory_space<vmem>> -> memref<1x256xi32, #tpu.memory_space<vmem>>
        %dma_start3A_124 = tpu.memref_squeeze %dma_start3A_123 : memref<1x256xi32, #tpu.memory_space<vmem>> -> memref<256xi32, #tpu.memory_space<vmem>>
        %dma_start3A_125 = arith.constant 0 : i32
        %dma_start3A_126 = arith.constant 0 : i32
        %dma_start3A_127 = tpu.memref_slice %arg2[%dma_start3A_125, %dma_start3A_126] : memref<10000x64xbf16, #tpu.memory_space<hbm>> -> memref<10000x64xbf16, #tpu.memory_space<hbm>>
        tpu.enqueue_indirect_dma source(%dma_start3A_127 : memref<10000x64xbf16, #tpu.memory_space<hbm>>) target(%arg9 : memref<256x64xbf16, #tpu.memory_space<vmem>>) offsets(%dma_start3A_124 : memref<256xi32, #tpu.memory_space<vmem>>) semaphore(%arg14 : memref<!tpu.dma_semaphore, #tpu.memory_space<semaphore_mem>>)
      } else {
      }
      %dma_start3A_82 = arith.constant 0 : i32
      %dma_start3A_83 = tpu.memref_slice %arg8[%mul3A_62, %dma_start3A_82] : memref<48x256xi32, #tpu.memory_space<vmem>> -> memref<1x256xi32, #tpu.memory_space<vmem>>
      %dma_start3A_84 = tpu.memref_squeeze %dma_start3A_83 : memref<1x256xi32, #tpu.memory_space<vmem>> -> memref<256xi32, #tpu.memory_space<vmem>>
      %dma_start3A_85 = arith.constant 0 : i32
      %dma_start3A_86 = arith.constant 0 : i32
      %dma_start3A_87 = tpu.memref_slice %arg13[%dma_start3A_85, %dma_start3A_86] : memref<10112x64xf32, #tpu.memory_space<vmem_shared>> -> memref<10112x64xf32, #tpu.memory_space<vmem_shared>>
      tpu.enqueue_indirect_dma source(%arg11 : memref<256x64xf32, #tpu.memory_space<vmem>>) target(%dma_start3A_87 : memref<10112x64xf32, #tpu.memory_space<vmem_shared>>) offsets(%dma_start3A_84 : memref<256xi32, #tpu.memory_space<vmem>>) semaphore(%arg16 : memref<!tpu.dma_semaphore, #tpu.memory_space<semaphore_mem>>) {add = true}
      %dma_wait3A_88 = arith.constant 0 : i32
      %dma_wait3A_89 = arith.constant 0 : i32
      %dma_wait3A_90 = tpu.memref_slice %arg7[%dma_wait3A_88, %dma_wait3A_89] : memref<48x256xi32, #tpu.memory_space<vmem>> -> memref<1x256xi32, #tpu.memory_space<vmem>>
      %dma_wait3A_91 = tpu.memref_squeeze %dma_wait3A_90 : memref<1x256xi32, #tpu.memory_space<vmem>> -> memref<256xi32, #tpu.memory_space<vmem>>
      %dma_wait3A_92 = arith.constant 0 : i32
      %dma_wait3A_93 = arith.constant 0 : i32
      %dma_wait3A_94 = tpu.memref_slice %arg2[%dma_wait3A_92, %dma_wait3A_93] : memref<10000x64xbf16, #tpu.memory_space<hbm>> -> memref<10000x64xbf16, #tpu.memory_space<hbm>>
      tpu.wait_indirect_dma semaphore(%arg15 : memref<!tpu.dma_semaphore, #tpu.memory_space<semaphore_mem>>) src(%dma_wait3A_94 : memref<10000x64xbf16, #tpu.memory_space<hbm>>) dst(%arg10 : memref<256x64xbf16, #tpu.memory_space<vmem>>)
      %gt3A_95 = arith.constant 0 : i32
      %gt3A_96 = arith.cmpi sgt, %while3A_60, %gt3A_95 : i32
      %convert_element_type3A_97 = arith.extui %gt3A_96 : i1 to i32
      %cond3A_98 = arith.constant 0 : i32
      %cond3A_99 = arith.cmpi ne, %convert_element_type3A_97, %cond3A_98 : i32
      scf.if %cond3A_99 {
        %dma_wait3A_120 = arith.constant 0 : i32
        %dma_wait3A_121 = arith.constant 0 : i32
        %dma_wait3A_122 = tpu.memref_slice %arg8[%dma_wait3A_120, %dma_wait3A_121] : memref<48x256xi32, #tpu.memory_space<vmem>> -> memref<1x256xi32, #tpu.memory_space<vmem>>
        %dma_wait3A_123 = tpu.memref_squeeze %dma_wait3A_122 : memref<1x256xi32, #tpu.memory_space<vmem>> -> memref<256xi32, #tpu.memory_space<vmem>>
        %dma_wait3A_124 = arith.constant 0 : i32
        %dma_wait3A_125 = arith.constant 0 : i32
        %dma_wait3A_126 = tpu.memref_slice %arg13[%dma_wait3A_124, %dma_wait3A_125] : memref<10112x64xf32, #tpu.memory_space<vmem_shared>> -> memref<10112x64xf32, #tpu.memory_space<vmem_shared>>
        tpu.wait_indirect_dma semaphore(%arg17 : memref<!tpu.dma_semaphore, #tpu.memory_space<semaphore_mem>>) src(%arg12 : memref<256x64xf32, #tpu.memory_space<vmem>>) dst(%dma_wait3A_126 : memref<10112x64xf32, #tpu.memory_space<vmem_shared>>)
      } else {
      }
      %scan3A_100 = arith.constant 0 : i32
      %scan3A_101 = arith.constant 0 : i32
      %scan3A_102 = arith.constant 64 : i32
      %scan3A_103 = arith.addi %scan3A_101, %scan3A_102 : i32
      %scan3A_104 = arith.constant 1 : i32
      scf.for %scan3A_120 = %scan3A_101 to %scan3A_103 step %scan3A_104  : i32 {
        %mul3A_121 = arith.constant 4 : i32
        %mul3A_122 = arith.muli %mul3A_121, %scan3A_120 : i32
        %add3A_123 = arith.constant 0 : i32
        %add3A_124 = arith.addi %mul3A_122, %add3A_123 : i32
        %get3A = arith.index_cast %add3A_124 : i32 to index
        %get3A_125 = arith.constant 0 : index
        %get3A_126 = tpu.vector_load %arg10[%get3A, %get3A_125] {strides = array<i32>} : memref<256x64xbf16, #tpu.memory_space<vmem>>, vector<32xbf16>,
        %bitcast3A = vector.bitcast %get3A_126 : vector<32xbf16> to vector<16xi32>
        %shift_left3A = arith.constant 16 : i32
        %shift_left3A_127 = vector.broadcast %shift_left3A : i32 to vector<16xi32>
        %shift_left3A_128 = arith.shli %bitcast3A, %shift_left3A_127 : vector<16xi32>
        %bitcast3A_129 = vector.bitcast %shift_left3A_128 : vector<16xi32> to vector<16xf32>
        %and3A_130 = arith.constant -65536 : i32
        %and3A_131 = vector.broadcast %and3A_130 : i32 to vector<16xi32>
        %and3A_132 = arith.andi %bitcast3A, %and3A_131 : vector<16xi32>
        %bitcast3A_133 = vector.bitcast %and3A_132 : vector<16xi32> to vector<16xf32>
        %swap3A = arith.index_cast %add3A_124 : i32 to index
        %swap3A_134 = arith.constant 0 : index
        %swap3A_135 = tpu.vector_load %arg12[%swap3A, %swap3A_134] {strides = array<i32>} : memref<256x64xf32, #tpu.memory_space<vmem>>, vector<16xf32>,
        tpu.vector_store %arg12[%swap3A, %swap3A_134], %bitcast3A_129 {strides = array<i32>} : memref<256x64xf32, #tpu.memory_space<vmem>>, vector<16xf32>,
        %swap3A_136 = arith.index_cast %add3A_124 : i32 to index
        %swap3A_137 = arith.constant 16 : index
        %swap3A_138 = tpu.vector_load %arg12[%swap3A_136, %swap3A_137] {strides = array<i32>} : memref<256x64xf32, #tpu.memory_space<vmem>>, vector<16xf32>,
        tpu.vector_store %arg12[%swap3A_136, %swap3A_137], %bitcast3A_133 {strides = array<i32>} : memref<256x64xf32, #tpu.memory_space<vmem>>, vector<16xf32>,
        %get3A_139 = arith.index_cast %add3A_124 : i32 to index
        %get3A_140 = arith.constant 32 : index
        %get3A_141 = tpu.vector_load %arg10[%get3A_139, %get3A_140] {strides = array<i32>} : memref<256x64xbf16, #tpu.memory_space<vmem>>, vector<32xbf16>,
        %bitcast3A_142 = vector.bitcast %get3A_141 : vector<32xbf16> to vector<16xi32>
        %shift_left3A_143 = arith.constant 16 : i32
        %shift_left3A_144 = vector.broadcast %shift_left3A_143 : i32 to vector<16xi32>
        %shift_left3A_145 = arith.shli %bitcast3A_142, %shift_left3A_144 : vector<16xi32>
        %bitcast3A_146 = vector.bitcast %shift_left3A_145 : vector<16xi32> to vector<16xf32>
        %and3A_147 = arith.constant -65536 : i32
        %and3A_148 = vector.broadcast %and3A_147 : i32 to vector<16xi32>
        %and3A_149 = arith.andi %bitcast3A_142, %and3A_148 : vector<16xi32>
        %bitcast3A_150 = vector.bitcast %and3A_149 : vector<16xi32> to vector<16xf32>
        %swap3A_151 = arith.index_cast %add3A_124 : i32 to index
        %swap3A_152 = arith.constant 32 : index
        %swap3A_153 = tpu.vector_load %arg12[%swap3A_151, %swap3A_152] {strides = array<i32>} : memref<256x64xf32, #tpu.memory_space<vmem>>, vector<16xf32>,
        tpu.vector_store %arg12[%swap3A_151, %swap3A_152], %bitcast3A_146 {strides = array<i32>} : memref<256x64xf32, #tpu.memory_space<vmem>>, vector<16xf32>,
        %swap3A_154 = arith.index_cast %add3A_124 : i32 to index
        %swap3A_155 = arith.constant 48 : index
        %swap3A_156 = tpu.vector_load %arg12[%swap3A_154, %swap3A_155] {strides = array<i32>} : memref<256x64xf32, #tpu.memory_space<vmem>>, vector<16xf32>,
        tpu.vector_store %arg12[%swap3A_154, %swap3A_155], %bitcast3A_150 {strides = array<i32>} : memref<256x64xf32, #tpu.memory_space<vmem>>, vector<16xf32>,
        %mul3A_157 = arith.constant 4 : i32
        %mul3A_158 = arith.muli %mul3A_157, %scan3A_120 : i32
        %add3A_159 = arith.constant 1 : i32
        %add3A_160 = arith.addi %mul3A_158, %add3A_159 : i32
        %get3A_161 = arith.index_cast %add3A_160 : i32 to index
        %get3A_162 = arith.constant 0 : index
        %get3A_163 = tpu.vector_load %arg10[%get3A_161, %get3A_162] {strides = array<i32>} : memref<256x64xbf16, #tpu.memory_space<vmem>>, vector<32xbf16>,
        %bitcast3A_164 = vector.bitcast %get3A_163 : vector<32xbf16> to vector<16xi32>
        %shift_left3A_165 = arith.constant 16 : i32
        %shift_left3A_166 = vector.broadcast %shift_left3A_165 : i32 to vector<16xi32>
        %shift_left3A_167 = arith.shli %bitcast3A_164, %shift_left3A_166 : vector<16xi32>
        %bitcast3A_168 = vector.bitcast %shift_left3A_167 : vector<16xi32> to vector<16xf32>
        %and3A_169 = arith.constant -65536 : i32
        %and3A_170 = vector.broadcast %and3A_169 : i32 to vector<16xi32>
        %and3A_171 = arith.andi %bitcast3A_164, %and3A_170 : vector<16xi32>
        %bitcast3A_172 = vector.bitcast %and3A_171 : vector<16xi32> to vector<16xf32>
        %swap3A_173 = arith.index_cast %add3A_160 : i32 to index
        %swap3A_174 = arith.constant 0 : index
        %swap3A_175 = tpu.vector_load %arg12[%swap3A_173, %swap3A_174] {strides = array<i32>} : memref<256x64xf32, #tpu.memory_space<vmem>>, vector<16xf32>,
        tpu.vector_store %arg12[%swap3A_173, %swap3A_174], %bitcast3A_168 {strides = array<i32>} : memref<256x64xf32, #tpu.memory_space<vmem>>, vector<16xf32>,
        %swap3A_176 = arith.index_cast %add3A_160 : i32 to index
        %swap3A_177 = arith.constant 16 : index
        %swap3A_178 = tpu.vector_load %arg12[%swap3A_176, %swap3A_177] {strides = array<i32>} : memref<256x64xf32, #tpu.memory_space<vmem>>, vector<16xf32>,
        tpu.vector_store %arg12[%swap3A_176, %swap3A_177], %bitcast3A_172 {strides = array<i32>} : memref<256x64xf32, #tpu.memory_space<vmem>>, vector<16xf32>,
        %get3A_179 = arith.index_cast %add3A_160 : i32 to index
        %get3A_180 = arith.constant 32 : index
        %get3A_181 = tpu.vector_load %arg10[%get3A_179, %get3A_180] {strides = array<i32>} : memref<256x64xbf16, #tpu.memory_space<vmem>>, vector<32xbf16>,
        %bitcast3A_182 = vector.bitcast %get3A_181 : vector<32xbf16> to vector<16xi32>
        %shift_left3A_183 = arith.constant 16 : i32
        %shift_left3A_184 = vector.broadcast %shift_left3A_183 : i32 to vector<16xi32>
        %shift_left3A_185 = arith.shli %bitcast3A_182, %shift_left3A_184 : vector<16xi32>
        %bitcast3A_186 = vector.bitcast %shift_left3A_185 : vector<16xi32> to vector<16xf32>
        %and3A_187 = arith.constant -65536 : i32
        %and3A_188 = vector.broadcast %and3A_187 : i32 to vector<16xi32>
        %and3A_189 = arith.andi %bitcast3A_182, %and3A_188 : vector<16xi32>
        %bitcast3A_190 = vector.bitcast %and3A_189 : vector<16xi32> to vector<16xf32>
        %swap3A_191 = arith.index_cast %add3A_160 : i32 to index
        %swap3A_192 = arith.constant 32 : index
        %swap3A_193 = tpu.vector_load %arg12[%swap3A_191, %swap3A_192] {strides = array<i32>} : memref<256x64xf32, #tpu.memory_space<vmem>>, vector<16xf32>,
        tpu.vector_store %arg12[%swap3A_191, %swap3A_192], %bitcast3A_186 {strides = array<i32>} : memref<256x64xf32, #tpu.memory_space<vmem>>, vector<16xf32>,
        %swap3A_194 = arith.index_cast %add3A_160 : i32 to index
        %swap3A_195 = arith.constant 48 : index
        %swap3A_196 = tpu.vector_load %arg12[%swap3A_194, %swap3A_195] {strides = array<i32>} : memref<256x64xf32, #tpu.memory_space<vmem>>, vector<16xf32>,
        tpu.vector_store %arg12[%swap3A_194, %swap3A_195], %bitcast3A_190 {strides = array<i32>} : memref<256x64xf32, #tpu.memory_space<vmem>>, vector<16xf32>,
        %mul3A_197 = arith.constant 4 : i32
        %mul3A_198 = arith.muli %mul3A_197, %scan3A_120 : i32
        %add3A_199 = arith.constant 2 : i32
        %add3A_200 = arith.addi %mul3A_198, %add3A_199 : i32
        %get3A_201 = arith.index_cast %add3A_200 : i32 to index
        %get3A_202 = arith.constant 0 : index
        %get3A_203 = tpu.vector_load %arg10[%get3A_201, %get3A_202] {strides = array<i32>} : memref<256x64xbf16, #tpu.memory_space<vmem>>, vector<32xbf16>,
        %bitcast3A_204 = vector.bitcast %get3A_203 : vector<32xbf16> to vector<16xi32>
        %shift_left3A_205 = arith.constant 16 : i32
        %shift_left3A_206 = vector.broadcast %shift_left3A_205 : i32 to vector<16xi32>
        %shift_left3A_207 = arith.shli %bitcast3A_204, %shift_left3A_206 : vector<16xi32>
        %bitcast3A_208 = vector.bitcast %shift_left3A_207 : vector<16xi32> to vector<16xf32>
        %and3A_209 = arith.constant -65536 : i32
        %and3A_210 = vector.broadcast %and3A_209 : i32 to vector<16xi32>
        %and3A_211 = arith.andi %bitcast3A_204, %and3A_210 : vector<16xi32>
        %bitcast3A_212 = vector.bitcast %and3A_211 : vector<16xi32> to vector<16xf32>
        %swap3A_213 = arith.index_cast %add3A_200 : i32 to index
        %swap3A_214 = arith.constant 0 : index
        %swap3A_215 = tpu.vector_load %arg12[%swap3A_213, %swap3A_214] {strides = array<i32>} : memref<256x64xf32, #tpu.memory_space<vmem>>, vector<16xf32>,
        tpu.vector_store %arg12[%swap3A_213, %swap3A_214], %bitcast3A_208 {strides = array<i32>} : memref<256x64xf32, #tpu.memory_space<vmem>>, vector<16xf32>,
        %swap3A_216 = arith.index_cast %add3A_200 : i32 to index
        %swap3A_217 = arith.constant 16 : index
        %swap3A_218 = tpu.vector_load %arg12[%swap3A_216, %swap3A_217] {strides = array<i32>} : memref<256x64xf32, #tpu.memory_space<vmem>>, vector<16xf32>,
        tpu.vector_store %arg12[%swap3A_216, %swap3A_217], %bitcast3A_212 {strides = array<i32>} : memref<256x64xf32, #tpu.memory_space<vmem>>, vector<16xf32>,
        %get3A_219 = arith.index_cast %add3A_200 : i32 to index
        %get3A_220 = arith.constant 32 : index
        %get3A_221 = tpu.vector_load %arg10[%get3A_219, %get3A_220] {strides = array<i32>} : memref<256x64xbf16, #tpu.memory_space<vmem>>, vector<32xbf16>,
        %bitcast3A_222 = vector.bitcast %get3A_221 : vector<32xbf16> to vector<16xi32>
        %shift_left3A_223 = arith.constant 16 : i32
        %shift_left3A_224 = vector.broadcast %shift_left3A_223 : i32 to vector<16xi32>
        %shift_left3A_225 = arith.shli %bitcast3A_222, %shift_left3A_224 : vector<16xi32>
        %bitcast3A_226 = vector.bitcast %shift_left3A_225 : vector<16xi32> to vector<16xf32>
        %and3A_227 = arith.constant -65536 : i32
        %and3A_228 = vector.broadcast %and3A_227 : i32 to vector<16xi32>
        %and3A_229 = arith.andi %bitcast3A_222, %and3A_228 : vector<16xi32>
        %bitcast3A_230 = vector.bitcast %and3A_229 : vector<16xi32> to vector<16xf32>
        %swap3A_231 = arith.index_cast %add3A_200 : i32 to index
        %swap3A_232 = arith.constant 32 : index
        %swap3A_233 = tpu.vector_load %arg12[%swap3A_231, %swap3A_232] {strides = array<i32>} : memref<256x64xf32, #tpu.memory_space<vmem>>, vector<16xf32>,
        tpu.vector_store %arg12[%swap3A_231, %swap3A_232], %bitcast3A_226 {strides = array<i32>} : memref<256x64xf32, #tpu.memory_space<vmem>>, vector<16xf32>,
        %swap3A_234 = arith.index_cast %add3A_200 : i32 to index
        %swap3A_235 = arith.constant 48 : index
        %swap3A_236 = tpu.vector_load %arg12[%swap3A_234, %swap3A_235] {strides = array<i32>} : memref<256x64xf32, #tpu.memory_space<vmem>>, vector<16xf32>,
        tpu.vector_store %arg12[%swap3A_234, %swap3A_235], %bitcast3A_230 {strides = array<i32>} : memref<256x64xf32, #tpu.memory_space<vmem>>, vector<16xf32>,
        %mul3A_237 = arith.constant 4 : i32
        %mul3A_238 = arith.muli %mul3A_237, %scan3A_120 : i32
        %add3A_239 = arith.constant 3 : i32
        %add3A_240 = arith.addi %mul3A_238, %add3A_239 : i32
        %get3A_241 = arith.index_cast %add3A_240 : i32 to index
        %get3A_242 = arith.constant 0 : index
        %get3A_243 = tpu.vector_load %arg10[%get3A_241, %get3A_242] {strides = array<i32>} : memref<256x64xbf16, #tpu.memory_space<vmem>>, vector<32xbf16>,
        %bitcast3A_244 = vector.bitcast %get3A_243 : vector<32xbf16> to vector<16xi32>
        %shift_left3A_245 = arith.constant 16 : i32
        %shift_left3A_246 = vector.broadcast %shift_left3A_245 : i32 to vector<16xi32>
        %shift_left3A_247 = arith.shli %bitcast3A_244, %shift_left3A_246 : vector<16xi32>
        %bitcast3A_248 = vector.bitcast %shift_left3A_247 : vector<16xi32> to vector<16xf32>
        %and3A_249 = arith.constant -65536 : i32
        %and3A_250 = vector.broadcast %and3A_249 : i32 to vector<16xi32>
        %and3A_251 = arith.andi %bitcast3A_244, %and3A_250 : vector<16xi32>
        %bitcast3A_252 = vector.bitcast %and3A_251 : vector<16xi32> to vector<16xf32>
        %swap3A_253 = arith.index_cast %add3A_240 : i32 to index
        %swap3A_254 = arith.constant 0 : index
        %swap3A_255 = tpu.vector_load %arg12[%swap3A_253, %swap3A_254] {strides = array<i32>} : memref<256x64xf32, #tpu.memory_space<vmem>>, vector<16xf32>,
        tpu.vector_store %arg12[%swap3A_253, %swap3A_254], %bitcast3A_248 {strides = array<i32>} : memref<256x64xf32, #tpu.memory_space<vmem>>, vector<16xf32>,
        %swap3A_256 = arith.index_cast %add3A_240 : i32 to index
        %swap3A_257 = arith.constant 16 : index
        %swap3A_258 = tpu.vector_load %arg12[%swap3A_256, %swap3A_257] {strides = array<i32>} : memref<256x64xf32, #tpu.memory_space<vmem>>, vector<16xf32>,
        tpu.vector_store %arg12[%swap3A_256, %swap3A_257], %bitcast3A_252 {strides = array<i32>} : memref<256x64xf32, #tpu.memory_space<vmem>>, vector<16xf32>,
        %get3A_259 = arith.index_cast %add3A_240 : i32 to index
        %get3A_260 = arith.constant 32 : index
        %get3A_261 = tpu.vector_load %arg10[%get3A_259, %get3A_260] {strides = array<i32>} : memref<256x64xbf16, #tpu.memory_space<vmem>>, vector<32xbf16>,
        %bitcast3A_262 = vector.bitcast %get3A_261 : vector<32xbf16> to vector<16xi32>
        %shift_left3A_263 = arith.constant 16 : i32
        %shift_left3A_264 = vector.broadcast %shift_left3A_263 : i32 to vector<16xi32>
        %shift_left3A_265 = arith.shli %bitcast3A_262, %shift_left3A_264 : vector<16xi32>
        %bitcast3A_266 = vector.bitcast %shift_left3A_265 : vector<16xi32> to vector<16xf32>
        %and3A_267 = arith.constant -65536 : i32
        %and3A_268 = vector.broadcast %and3A_267 : i32 to vector<16xi32>
        %and3A_269 = arith.andi %bitcast3A_262, %and3A_268 : vector<16xi32>
        %bitcast3A_270 = vector.bitcast %and3A_269 : vector<16xi32> to vector<16xf32>
        %swap3A_271 = arith.index_cast %add3A_240 : i32 to index
        %swap3A_272 = arith.constant 32 : index
        %swap3A_273 = tpu.vector_load %arg12[%swap3A_271, %swap3A_272] {strides = array<i32>} : memref<256x64xf32, #tpu.memory_space<vmem>>, vector<16xf32>,
        tpu.vector_store %arg12[%swap3A_271, %swap3A_272], %bitcast3A_266 {strides = array<i32>} : memref<256x64xf32, #tpu.memory_space<vmem>>, vector<16xf32>,
        %swap3A_274 = arith.index_cast %add3A_240 : i32 to index
        %swap3A_275 = arith.constant 48 : index
        %swap3A_276 = tpu.vector_load %arg12[%swap3A_274, %swap3A_275] {strides = array<i32>} : memref<256x64xf32, #tpu.memory_space<vmem>>, vector<16xf32>,
        tpu.vector_store %arg12[%swap3A_274, %swap3A_275], %bitcast3A_270 {strides = array<i32>} : memref<256x64xf32, #tpu.memory_space<vmem>>, vector<16xf32>,
      }
      %scan3A_105 = arith.constant 64 : i32
      %add3A_106 = arith.constant 3 : i32
      %add3A_107 = arith.addi %mul3A_62, %add3A_106 : i32
      %lt3A_108 = arith.cmpi slt, %add3A_107, %select_n3A : i32
      %convert_element_type3A_109 = arith.extui %lt3A_108 : i1 to i32
      %cond3A_110 = arith.constant 0 : i32
      %cond3A_111 = arith.cmpi ne, %convert_element_type3A_109, %cond3A_110 : i32
      scf.if %cond3A_111 {
        %add3A_120 = arith.constant 3 : i32
        %add3A_121 = arith.addi %mul3A_62, %add3A_120 : i32
        %dma_start3A_122 = arith.constant 0 : i32
        %dma_start3A_123 = tpu.memref_slice %arg7[%add3A_121, %dma_start3A_122] : memref<48x256xi32, #tpu.memory_space<vmem>> -> memref<1x256xi32, #tpu.memory_space<vmem>>
        %dma_start3A_124 = tpu.memref_squeeze %dma_start3A_123 : memref<1x256xi32, #tpu.memory_space<vmem>> -> memref<256xi32, #tpu.memory_space<vmem>>
        %dma_start3A_125 = arith.constant 0 : i32
        %dma_start3A_126 = arith.constant 0 : i32
        %dma_start3A_127 = tpu.memref_slice %arg2[%dma_start3A_125, %dma_start3A_126] : memref<10000x64xbf16, #tpu.memory_space<hbm>> -> memref<10000x64xbf16, #tpu.memory_space<hbm>>
        tpu.enqueue_indirect_dma source(%dma_start3A_127 : memref<10000x64xbf16, #tpu.memory_space<hbm>>) target(%arg10 : memref<256x64xbf16, #tpu.memory_space<vmem>>) offsets(%dma_start3A_124 : memref<256xi32, #tpu.memory_space<vmem>>) semaphore(%arg15 : memref<!tpu.dma_semaphore, #tpu.memory_space<semaphore_mem>>)
      } else {
      }
      %add3A_112 = arith.constant 1 : i32
      %add3A_113 = arith.addi %mul3A_62, %add3A_112 : i32
      %dma_start3A_114 = arith.constant 0 : i32
      %dma_start3A_115 = tpu.memref_slice %arg8[%add3A_113, %dma_start3A_114] : memref<48x256xi32, #tpu.memory_space<vmem>> -> memref<1x256xi32, #tpu.memory_space<vmem>>
      %dma_start3A_116 = tpu.memref_squeeze %dma_start3A_115 : memref<1x256xi32, #tpu.memory_space<vmem>> -> memref<256xi32, #tpu.memory_space<vmem>>
      %dma_start3A_117 = arith.constant 0 : i32
      %dma_start3A_118 = arith.constant 0 : i32
      %dma_start3A_119 = tpu.memref_slice %arg13[%dma_start3A_117, %dma_start3A_118] : memref<10112x64xf32, #tpu.memory_space<vmem_shared>> -> memref<10112x64xf32, #tpu.memory_space<vmem_shared>>
      tpu.enqueue_indirect_dma source(%arg12 : memref<256x64xf32, #tpu.memory_space<vmem>>) target(%dma_start3A_119 : memref<10112x64xf32, #tpu.memory_space<vmem_shared>>) offsets(%dma_start3A_116 : memref<256xi32, #tpu.memory_space<vmem>>) semaphore(%arg17 : memref<!tpu.dma_semaphore, #tpu.memory_space<semaphore_mem>>) {add = true}
    }
    %dma_wait3A = arith.constant 0 : i32
    %dma_wait3A_46 = arith.constant 0 : i32
    %dma_wait3A_47 = tpu.memref_slice %arg8[%dma_wait3A, %dma_wait3A_46] : memref<48x256xi32, #tpu.memory_space<vmem>> -> memref<1x256xi32, #tpu.memory_space<vmem>>
    %dma_wait3A_48 = tpu.memref_squeeze %dma_wait3A_47 : memref<1x256xi32, #tpu.memory_space<vmem>> -> memref<256xi32, #tpu.memory_space<vmem>>
    %dma_wait3A_49 = arith.constant 0 : i32
    %dma_wait3A_50 = arith.constant 0 : i32
    %dma_wait3A_51 = tpu.memref_slice %arg13[%dma_wait3A_49, %dma_wait3A_50] : memref<10112x64xf32, #tpu.memory_space<vmem_shared>> -> memref<10112x64xf32, #tpu.memory_space<vmem_shared>>
    tpu.wait_indirect_dma semaphore(%arg16 : memref<!tpu.dma_semaphore, #tpu.memory_space<semaphore_mem>>) src(%arg11 : memref<256x64xf32, #tpu.memory_space<vmem>>) dst(%dma_wait3A_51 : memref<10112x64xf32, #tpu.memory_space<vmem_shared>>)
    %dma_wait3A_52 = arith.constant 0 : i32
    %dma_wait3A_53 = arith.constant 0 : i32
    %dma_wait3A_54 = tpu.memref_slice %arg8[%dma_wait3A_52, %dma_wait3A_53] : memref<48x256xi32, #tpu.memory_space<vmem>> -> memref<1x256xi32, #tpu.memory_space<vmem>>
    %dma_wait3A_55 = tpu.memref_squeeze %dma_wait3A_54 : memref<1x256xi32, #tpu.memory_space<vmem>> -> memref<256xi32, #tpu.memory_space<vmem>>
    %dma_wait3A_56 = arith.constant 0 : i32
    %dma_wait3A_57 = arith.constant 0 : i32
    %dma_wait3A_58 = tpu.memref_slice %arg13[%dma_wait3A_56, %dma_wait3A_57] : memref<10112x64xf32, #tpu.memory_space<vmem_shared>> -> memref<10112x64xf32, #tpu.memory_space<vmem_shared>>
    tpu.wait_indirect_dma semaphore(%arg17 : memref<!tpu.dma_semaphore, #tpu.memory_space<semaphore_mem>>) src(%arg12 : memref<256x64xf32, #tpu.memory_space<vmem>>) dst(%dma_wait3A_58 : memref<10112x64xf32, #tpu.memory_space<vmem_shared>>)
    %barrier3A_59 = arith.constant 0 : index
    tpu.barrier barrier_id(%barrier3A_59)
    "tpu.region"() ({
      %run_scoped3A = tpu.sem_alloc : memref<!tpu.dma_semaphore, #tpu.memory_space<semaphore_mem>>
      %dma_start3A_60 = arith.constant 0 : i32
      %dma_start3A_61 = tpu.memref_slice %arg6[%arg0, %mul3A_0, %dma_start3A_60] : memref<2x10112x64xf32, #tpu.memory_space<hbm>> -> memref<1x632x64xf32, #tpu.memory_space<hbm>>
      %dma_start3A_62 = tpu.memref_squeeze %dma_start3A_61 : memref<1x632x64xf32, #tpu.memory_space<hbm>> -> memref<632x64xf32, #tpu.memory_space<hbm>>
      %dma_start3A_63 = arith.constant 0 : i32
      %dma_start3A_64 = tpu.memref_slice %arg13[%mul3A_0, %dma_start3A_63] : memref<10112x64xf32, #tpu.memory_space<vmem_shared>> -> memref<632x64xf32, #tpu.memory_space<vmem_shared>>
      tpu.enqueue_dma source(%dma_start3A_64 : memref<632x64xf32, #tpu.memory_space<vmem_shared>>) target(%dma_start3A_62 : memref<632x64xf32, #tpu.memory_space<hbm>>) target_semaphore(%run_scoped3A : memref<!tpu.dma_semaphore, #tpu.memory_space<semaphore_mem>>)
      %dma_wait3A_65 = arith.constant 0 : i32
      %dma_wait3A_66 = tpu.memref_slice %arg6[%arg0, %mul3A_0, %dma_wait3A_65] : memref<2x10112x64xf32, #tpu.memory_space<hbm>> -> memref<1x632x64xf32, #tpu.memory_space<hbm>>
      %dma_wait3A_67 = tpu.memref_squeeze %dma_wait3A_66 : memref<1x632x64xf32, #tpu.memory_space<hbm>> -> memref<632x64xf32, #tpu.memory_space<hbm>>
      %dma_wait3A_68 = arith.constant 0 : i32
      %dma_wait3A_69 = tpu.memref_slice %arg13[%mul3A_0, %dma_wait3A_68] : memref<10112x64xf32, #tpu.memory_space<vmem_shared>> -> memref<632x64xf32, #tpu.memory_space<vmem_shared>>
      tpu.wait_dma2 semaphore(%run_scoped3A : memref<!tpu.dma_semaphore, #tpu.memory_space<semaphore_mem>>) src(%dma_wait3A_69 : memref<632x64xf32, #tpu.memory_space<vmem_shared>>) dst(%dma_wait3A_67 : memref<632x64xf32, #tpu.memory_space<hbm>>)
      tpu.yield
    }) : () -> ()
    return
  }
}

#map = affine_map<(d0, d1) -> (0, 0)>
#map1 = affine_map<(d0, d1) -> (0, 0, 0)>
module attributes {stable_mosaic.version = 14 : i64} {
  func.func @body(%arg0: i32, %arg1: i32, %arg2: memref<10000x64xbf16, #tpu.memory_space<hbm>>, %arg3: memref<1344x256xi32, #tpu.memory_space<hbm>>, %arg4: memref<1344x256xi32, #tpu.memory_space<hbm>>, %arg5: memref<632x16xf32, #tpu.memory_space<hbm>>, %arg6: memref<256x16xf32, #tpu.memory_space<hbm>>, %arg7: memref<2x10112x64xf32, #tpu.memory_space<hbm>>, %arg8: memref<2x10112x16xf32, #tpu.memory_space<hbm>>, %arg9: memref<48x256xi32, #tpu.memory_space<vmem>>, %arg10: memref<48x256xi32, #tpu.memory_space<vmem>>, %arg11: memref<256x64xbf16, #tpu.memory_space<vmem>>, %arg12: memref<256x64xbf16, #tpu.memory_space<vmem>>, %arg13: memref<256x64xf32, #tpu.memory_space<vmem>>, %arg14: memref<256x64xf32, #tpu.memory_space<vmem>>, %arg15: memref<10112x64xf32, #tpu.memory_space<vmem_shared>>, %arg16: memref<!tpu.dma_semaphore, #tpu.memory_space<semaphore_mem>>, %arg17: memref<!tpu.dma_semaphore, #tpu.memory_space<semaphore_mem>>, %arg18: memref<!tpu.dma_semaphore, #tpu.memory_space<semaphore_mem>>, %arg19: memref<!tpu.dma_semaphore, #tpu.memory_space<semaphore_mem>>, %arg20: memref<256x16xf32, #tpu.memory_space<vmem>>, %arg21: memref<10112x16xf32, #tpu.memory_space<vmem_shared>>, %arg22: memref<!tpu.dma_semaphore, #tpu.memory_space<semaphore_mem>>, %arg23: memref<!tpu.dma_semaphore, #tpu.memory_space<semaphore_mem>>) attributes {dimension_semantics = [#tpu.dimension_semantics<core_parallel>, #tpu.dimension_semantics<subcore_parallel>], iteration_bounds = array<i64: 2, 16>, scalar_prefetch = 0 : i64, scratch_operands = 15 : i64, tpu.core_type = #tpu.core_type<sc_vector_subcore>, window_params = [{transform_indices = #map}, {transform_indices = #map}, {transform_indices = #map}, {transform_indices = #map}, {transform_indices = #map}, {transform_indices = #map1}, {transform_indices = #map1}]} {
    %mul3A = arith.constant 632 : i32
    %mul3A_0 = arith.muli %arg1, %mul3A : i32
    "tpu.region"() ({
      %run_scoped3A = tpu.sem_alloc : memref<!tpu.dma_semaphore, #tpu.memory_space<semaphore_mem>>
      %dma_start3A_74 = arith.constant 0 : i32
      %dma_start3A_75 = tpu.memref_slice %arg15[%mul3A_0, %dma_start3A_74] : memref<10112x64xf32, #tpu.memory_space<vmem_shared>> -> memref<632x16xf32, #tpu.memory_space<vmem_shared>>
      tpu.enqueue_dma source(%arg5 : memref<632x16xf32, #tpu.memory_space<hbm>>) target(%dma_start3A_75 : memref<632x16xf32, #tpu.memory_space<vmem_shared>>) target_semaphore(%run_scoped3A : memref<!tpu.dma_semaphore, #tpu.memory_space<semaphore_mem>>)
      %dma_wait3A_76 = arith.constant 0 : i32
      %dma_wait3A_77 = tpu.memref_slice %arg15[%mul3A_0, %dma_wait3A_76] : memref<10112x64xf32, #tpu.memory_space<vmem_shared>> -> memref<632x16xf32, #tpu.memory_space<vmem_shared>>
      tpu.wait_dma2 semaphore(%run_scoped3A : memref<!tpu.dma_semaphore, #tpu.memory_space<semaphore_mem>>) src(%arg5 : memref<632x16xf32, #tpu.memory_space<hbm>>) dst(%dma_wait3A_77 : memref<632x16xf32, #tpu.memory_space<vmem_shared>>)
      tpu.yield
    }) : () -> ()
    "tpu.region"() ({
      %run_scoped3A = tpu.sem_alloc : memref<!tpu.dma_semaphore, #tpu.memory_space<semaphore_mem>>
      %dma_start3A_74 = arith.constant 16 : i32
      %dma_start3A_75 = tpu.memref_slice %arg15[%mul3A_0, %dma_start3A_74] : memref<10112x64xf32, #tpu.memory_space<vmem_shared>> -> memref<632x16xf32, #tpu.memory_space<vmem_shared>>
      tpu.enqueue_dma source(%arg5 : memref<632x16xf32, #tpu.memory_space<hbm>>) target(%dma_start3A_75 : memref<632x16xf32, #tpu.memory_space<vmem_shared>>) target_semaphore(%run_scoped3A : memref<!tpu.dma_semaphore, #tpu.memory_space<semaphore_mem>>)
      %dma_wait3A_76 = arith.constant 16 : i32
      %dma_wait3A_77 = tpu.memref_slice %arg15[%mul3A_0, %dma_wait3A_76] : memref<10112x64xf32, #tpu.memory_space<vmem_shared>> -> memref<632x16xf32, #tpu.memory_space<vmem_shared>>
      tpu.wait_dma2 semaphore(%run_scoped3A : memref<!tpu.dma_semaphore, #tpu.memory_space<semaphore_mem>>) src(%arg5 : memref<632x16xf32, #tpu.memory_space<hbm>>) dst(%dma_wait3A_77 : memref<632x16xf32, #tpu.memory_space<vmem_shared>>)
      tpu.yield
    }) : () -> ()
    "tpu.region"() ({
      %run_scoped3A = tpu.sem_alloc : memref<!tpu.dma_semaphore, #tpu.memory_space<semaphore_mem>>
      %dma_start3A_74 = arith.constant 32 : i32
      %dma_start3A_75 = tpu.memref_slice %arg15[%mul3A_0, %dma_start3A_74] : memref<10112x64xf32, #tpu.memory_space<vmem_shared>> -> memref<632x16xf32, #tpu.memory_space<vmem_shared>>
      tpu.enqueue_dma source(%arg5 : memref<632x16xf32, #tpu.memory_space<hbm>>) target(%dma_start3A_75 : memref<632x16xf32, #tpu.memory_space<vmem_shared>>) target_semaphore(%run_scoped3A : memref<!tpu.dma_semaphore, #tpu.memory_space<semaphore_mem>>)
      %dma_wait3A_76 = arith.constant 32 : i32
      %dma_wait3A_77 = tpu.memref_slice %arg15[%mul3A_0, %dma_wait3A_76] : memref<10112x64xf32, #tpu.memory_space<vmem_shared>> -> memref<632x16xf32, #tpu.memory_space<vmem_shared>>
      tpu.wait_dma2 semaphore(%run_scoped3A : memref<!tpu.dma_semaphore, #tpu.memory_space<semaphore_mem>>) src(%arg5 : memref<632x16xf32, #tpu.memory_space<hbm>>) dst(%dma_wait3A_77 : memref<632x16xf32, #tpu.memory_space<vmem_shared>>)
      tpu.yield
    }) : () -> ()
    "tpu.region"() ({
      %run_scoped3A = tpu.sem_alloc : memref<!tpu.dma_semaphore, #tpu.memory_space<semaphore_mem>>
      %dma_start3A_74 = arith.constant 48 : i32
      %dma_start3A_75 = tpu.memref_slice %arg15[%mul3A_0, %dma_start3A_74] : memref<10112x64xf32, #tpu.memory_space<vmem_shared>> -> memref<632x16xf32, #tpu.memory_space<vmem_shared>>
      tpu.enqueue_dma source(%arg5 : memref<632x16xf32, #tpu.memory_space<hbm>>) target(%dma_start3A_75 : memref<632x16xf32, #tpu.memory_space<vmem_shared>>) target_semaphore(%run_scoped3A : memref<!tpu.dma_semaphore, #tpu.memory_space<semaphore_mem>>)
      %dma_wait3A_76 = arith.constant 48 : i32
      %dma_wait3A_77 = tpu.memref_slice %arg15[%mul3A_0, %dma_wait3A_76] : memref<10112x64xf32, #tpu.memory_space<vmem_shared>> -> memref<632x16xf32, #tpu.memory_space<vmem_shared>>
      tpu.wait_dma2 semaphore(%run_scoped3A : memref<!tpu.dma_semaphore, #tpu.memory_space<semaphore_mem>>) src(%arg5 : memref<632x16xf32, #tpu.memory_space<hbm>>) dst(%dma_wait3A_77 : memref<632x16xf32, #tpu.memory_space<vmem_shared>>)
      tpu.yield
    }) : () -> ()
    "tpu.region"() ({
      %run_scoped3A = tpu.sem_alloc : memref<!tpu.dma_semaphore, #tpu.memory_space<semaphore_mem>>
      %dma_start3A_74 = arith.constant 0 : i32
      %dma_start3A_75 = tpu.memref_slice %arg21[%mul3A_0, %dma_start3A_74] : memref<10112x16xf32, #tpu.memory_space<vmem_shared>> -> memref<632x16xf32, #tpu.memory_space<vmem_shared>>
      tpu.enqueue_dma source(%arg5 : memref<632x16xf32, #tpu.memory_space<hbm>>) target(%dma_start3A_75 : memref<632x16xf32, #tpu.memory_space<vmem_shared>>) target_semaphore(%run_scoped3A : memref<!tpu.dma_semaphore, #tpu.memory_space<semaphore_mem>>)
      %dma_wait3A_76 = arith.constant 0 : i32
      %dma_wait3A_77 = tpu.memref_slice %arg21[%mul3A_0, %dma_wait3A_76] : memref<10112x16xf32, #tpu.memory_space<vmem_shared>> -> memref<632x16xf32, #tpu.memory_space<vmem_shared>>
      tpu.wait_dma2 semaphore(%run_scoped3A : memref<!tpu.dma_semaphore, #tpu.memory_space<semaphore_mem>>) src(%arg5 : memref<632x16xf32, #tpu.memory_space<hbm>>) dst(%dma_wait3A_77 : memref<632x16xf32, #tpu.memory_space<vmem_shared>>)
      tpu.yield
    }) : () -> ()
    "tpu.region"() ({
      %run_scoped3A = tpu.sem_alloc : memref<!tpu.dma_semaphore, #tpu.memory_space<semaphore_mem>>
      tpu.enqueue_dma source(%arg6 : memref<256x16xf32, #tpu.memory_space<hbm>>) target(%arg20 : memref<256x16xf32, #tpu.memory_space<vmem>>) target_semaphore(%run_scoped3A : memref<!tpu.dma_semaphore, #tpu.memory_space<semaphore_mem>>)
      tpu.wait_dma2 semaphore(%run_scoped3A : memref<!tpu.dma_semaphore, #tpu.memory_space<semaphore_mem>>) src(%arg6 : memref<256x16xf32, #tpu.memory_space<hbm>>) dst(%arg20 : memref<256x16xf32, #tpu.memory_space<vmem>>)
      tpu.yield
    }) : () -> ()
    %eq3A = arith.constant 0 : i32
    %eq3A_1 = arith.cmpi eq, %arg0, %eq3A : i32
    %jit3A = arith.constant 48 : i32
    %jit3A_2 = arith.constant 32 : i32
    %select_n3A = arith.select %eq3A_1, %jit3A, %jit3A_2 : i32
    %mul3A_3 = arith.constant 768 : i32
    %mul3A_4 = arith.muli %arg0, %mul3A_3 : i32
    %mul3A_5 = arith.muli %arg1, %select_n3A : i32
    %add3A = arith.addi %mul3A_4, %mul3A_5 : i32
    "tpu.region"() ({
      %run_scoped3A = tpu.sem_alloc : memref<!tpu.dma_semaphore, #tpu.memory_space<semaphore_mem>>
      %dma_start3A_74 = arith.constant 0 : i32
      %dma_start3A_75 = tpu.memref_slice %arg3[%add3A, %dma_start3A_74] : memref<1344x256xi32, #tpu.memory_space<hbm>> -> memref<48x256xi32, #tpu.memory_space<hbm>>
      %dma_start3A_76 = arith.constant 0 : i32
      %dma_start3A_77 = tpu.memref_slice %arg3[%add3A, %dma_start3A_76] : memref<1344x256xi32, #tpu.memory_space<hbm>> -> memref<48x256xi32, #tpu.memory_space<hbm>>
      tpu.enqueue_dma source(%dma_start3A_77 : memref<48x256xi32, #tpu.memory_space<hbm>>) target(%arg9 : memref<48x256xi32, #tpu.memory_space<vmem>>) target_semaphore(%run_scoped3A : memref<!tpu.dma_semaphore, #tpu.memory_space<semaphore_mem>>)
      %dma_wait3A_78 = arith.constant 0 : i32
      %dma_wait3A_79 = tpu.memref_slice %arg3[%add3A, %dma_wait3A_78] : memref<1344x256xi32, #tpu.memory_space<hbm>> -> memref<48x256xi32, #tpu.memory_space<hbm>>
      %dma_wait3A_80 = arith.constant 0 : i32
      %dma_wait3A_81 = tpu.memref_slice %arg3[%add3A, %dma_wait3A_80] : memref<1344x256xi32, #tpu.memory_space<hbm>> -> memref<48x256xi32, #tpu.memory_space<hbm>>
      tpu.wait_dma2 semaphore(%run_scoped3A : memref<!tpu.dma_semaphore, #tpu.memory_space<semaphore_mem>>) src(%dma_wait3A_81 : memref<48x256xi32, #tpu.memory_space<hbm>>) dst(%arg9 : memref<48x256xi32, #tpu.memory_space<vmem>>)
      tpu.yield
    }) : () -> ()
    "tpu.region"() ({
      %run_scoped3A = tpu.sem_alloc : memref<!tpu.dma_semaphore, #tpu.memory_space<semaphore_mem>>
      %dma_start3A_74 = arith.constant 0 : i32
      %dma_start3A_75 = tpu.memref_slice %arg4[%add3A, %dma_start3A_74] : memref<1344x256xi32, #tpu.memory_space<hbm>> -> memref<48x256xi32, #tpu.memory_space<hbm>>
      %dma_start3A_76 = arith.constant 0 : i32
      %dma_start3A_77 = tpu.memref_slice %arg4[%add3A, %dma_start3A_76] : memref<1344x256xi32, #tpu.memory_space<hbm>> -> memref<48x256xi32, #tpu.memory_space<hbm>>
      tpu.enqueue_dma source(%dma_start3A_77 : memref<48x256xi32, #tpu.memory_space<hbm>>) target(%arg10 : memref<48x256xi32, #tpu.memory_space<vmem>>) target_semaphore(%run_scoped3A : memref<!tpu.dma_semaphore, #tpu.memory_space<semaphore_mem>>)
      %dma_wait3A_78 = arith.constant 0 : i32
      %dma_wait3A_79 = tpu.memref_slice %arg4[%add3A, %dma_wait3A_78] : memref<1344x256xi32, #tpu.memory_space<hbm>> -> memref<48x256xi32, #tpu.memory_space<hbm>>
      %dma_wait3A_80 = arith.constant 0 : i32
      %dma_wait3A_81 = tpu.memref_slice %arg4[%add3A, %dma_wait3A_80] : memref<1344x256xi32, #tpu.memory_space<hbm>> -> memref<48x256xi32, #tpu.memory_space<hbm>>
      tpu.wait_dma2 semaphore(%run_scoped3A : memref<!tpu.dma_semaphore, #tpu.memory_space<semaphore_mem>>) src(%dma_wait3A_81 : memref<48x256xi32, #tpu.memory_space<hbm>>) dst(%arg10 : memref<48x256xi32, #tpu.memory_space<vmem>>)
      tpu.yield
    }) : () -> ()
    %barrier3A = arith.constant 0 : index
    tpu.barrier barrier_id(%barrier3A)
    %dma_start3A = arith.constant 0 : i32
    %dma_start3A_6 = arith.constant 0 : i32
    %dma_start3A_7 = tpu.memref_slice %arg9[%dma_start3A, %dma_start3A_6] : memref<48x256xi32, #tpu.memory_space<vmem>> -> memref<1x256xi32, #tpu.memory_space<vmem>>
    %dma_start3A_8 = tpu.memref_squeeze %dma_start3A_7 : memref<1x256xi32, #tpu.memory_space<vmem>> -> memref<256xi32, #tpu.memory_space<vmem>>
    %dma_start3A_9 = arith.constant 0 : i32
    %dma_start3A_10 = arith.constant 0 : i32
    %dma_start3A_11 = tpu.memref_slice %arg2[%dma_start3A_9, %dma_start3A_10] : memref<10000x64xbf16, #tpu.memory_space<hbm>> -> memref<10000x64xbf16, #tpu.memory_space<hbm>>
    tpu.enqueue_indirect_dma source(%dma_start3A_11 : memref<10000x64xbf16, #tpu.memory_space<hbm>>) target(%arg11 : memref<256x64xbf16, #tpu.memory_space<vmem>>) offsets(%dma_start3A_8 : memref<256xi32, #tpu.memory_space<vmem>>) semaphore(%arg16 : memref<!tpu.dma_semaphore, #tpu.memory_space<semaphore_mem>>)
    %dma_start3A_12 = arith.constant 1 : i32
    %dma_start3A_13 = arith.constant 0 : i32
    %dma_start3A_14 = tpu.memref_slice %arg9[%dma_start3A_12, %dma_start3A_13] : memref<48x256xi32, #tpu.memory_space<vmem>> -> memref<1x256xi32, #tpu.memory_space<vmem>>
    %dma_start3A_15 = tpu.memref_squeeze %dma_start3A_14 : memref<1x256xi32, #tpu.memory_space<vmem>> -> memref<256xi32, #tpu.memory_space<vmem>>
    %dma_start3A_16 = arith.constant 0 : i32
    %dma_start3A_17 = arith.constant 0 : i32
    %dma_start3A_18 = tpu.memref_slice %arg2[%dma_start3A_16, %dma_start3A_17] : memref<10000x64xbf16, #tpu.memory_space<hbm>> -> memref<10000x64xbf16, #tpu.memory_space<hbm>>
    tpu.enqueue_indirect_dma source(%dma_start3A_18 : memref<10000x64xbf16, #tpu.memory_space<hbm>>) target(%arg12 : memref<256x64xbf16, #tpu.memory_space<vmem>>) offsets(%dma_start3A_15 : memref<256xi32, #tpu.memory_space<vmem>>) semaphore(%arg17 : memref<!tpu.dma_semaphore, #tpu.memory_space<semaphore_mem>>)
    %jit3A_19 = arith.constant 2 : i32
    %div3A = arith.divsi %select_n3A, %jit3A_19 : i32
    %sign3A = arith.constant 0 : i32
    %sign3A_20 = arith.cmpi sgt, %select_n3A, %sign3A : i32
    %sign3A_21 = arith.extui %sign3A_20 : i1 to i32
    %sign3A_22 = arith.constant 0 : i32
    %sign3A_23 = arith.cmpi slt, %select_n3A, %sign3A_22 : i32
    %sign3A_24 = arith.extui %sign3A_23 : i1 to i32
    %sign3A_25 = arith.subi %sign3A_21, %sign3A_24 : i32
    %sign3A_26 = arith.constant 0 : i32
    %sign3A_27 = arith.cmpi sgt, %jit3A_19, %sign3A_26 : i32
    %sign3A_28 = arith.extui %sign3A_27 : i1 to i32
    %sign3A_29 = arith.constant 0 : i32
    %sign3A_30 = arith.cmpi slt, %jit3A_19, %sign3A_29 : i32
    %sign3A_31 = arith.extui %sign3A_30 : i1 to i32
    %sign3A_32 = arith.subi %sign3A_28, %sign3A_31 : i32
    %ne3A = arith.cmpi ne, %sign3A_25, %sign3A_32 : i32
    %rem3A = arith.remsi %select_n3A, %jit3A_19 : i32
    %ne3A_33 = arith.constant 0 : i32
    %ne3A_34 = arith.cmpi ne, %rem3A, %ne3A_33 : i32
    %and3A = arith.andi %ne3A, %ne3A_34 : i1
    %sub3A = arith.constant 1 : i32
    %sub3A_35 = arith.subi %div3A, %sub3A : i32
    %select_n3A_36 = arith.select %and3A, %sub3A_35, %div3A : i32
    %while3A = arith.constant 0 : i32
    %while3A_37 = arith.constant 0 : i32
    %while3A_38 = arith.subi %select_n3A_36, %while3A_37 : i32
    %while3A_39 = arith.addi %while3A_37, %while3A_38 : i32
    %while3A_40 = arith.constant 1 : i32
    %while3A_41 = arith.divsi %while3A_38, %while3A_40 : i32
    %while3A_42 = arith.muli %while3A_41, %while3A_40 : i32
    %while3A_43 = arith.addi %while3A_37, %while3A_42 : i32
    %while3A_44 = arith.constant 1 : i32
    scf.for %while3A_74 = %while3A_37 to %while3A_43 step %while3A_44  : i32 {
      %mul3A_75 = arith.constant 2 : i32
      %mul3A_76 = arith.muli %mul3A_75, %while3A_74 : i32
      %dma_wait3A_77 = arith.constant 0 : i32
      %dma_wait3A_78 = arith.constant 0 : i32
      %dma_wait3A_79 = tpu.memref_slice %arg9[%dma_wait3A_77, %dma_wait3A_78] : memref<48x256xi32, #tpu.memory_space<vmem>> -> memref<1x256xi32, #tpu.memory_space<vmem>>
      %dma_wait3A_80 = tpu.memref_squeeze %dma_wait3A_79 : memref<1x256xi32, #tpu.memory_space<vmem>> -> memref<256xi32, #tpu.memory_space<vmem>>
      %dma_wait3A_81 = arith.constant 0 : i32
      %dma_wait3A_82 = arith.constant 0 : i32
      %dma_wait3A_83 = tpu.memref_slice %arg2[%dma_wait3A_81, %dma_wait3A_82] : memref<10000x64xbf16, #tpu.memory_space<hbm>> -> memref<10000x64xbf16, #tpu.memory_space<hbm>>
      tpu.wait_indirect_dma semaphore(%arg16 : memref<!tpu.dma_semaphore, #tpu.memory_space<semaphore_mem>>) src(%dma_wait3A_83 : memref<10000x64xbf16, #tpu.memory_space<hbm>>) dst(%arg11 : memref<256x64xbf16, #tpu.memory_space<vmem>>)
      %gt3A = arith.constant 0 : i32
      %gt3A_84 = arith.cmpi sgt, %while3A_74, %gt3A : i32
      %convert_element_type3A = arith.extui %gt3A_84 : i1 to i32
      %cond3A = arith.constant 0 : i32
      %cond3A_85 = arith.cmpi ne, %convert_element_type3A, %cond3A : i32
      scf.if %cond3A_85 {
        %dma_wait3A_146 = arith.constant 0 : i32
        %dma_wait3A_147 = arith.constant 0 : i32
        %dma_wait3A_148 = tpu.memref_slice %arg10[%dma_wait3A_146, %dma_wait3A_147] : memref<48x256xi32, #tpu.memory_space<vmem>> -> memref<1x256xi32, #tpu.memory_space<vmem>>
        %dma_wait3A_149 = tpu.memref_squeeze %dma_wait3A_148 : memref<1x256xi32, #tpu.memory_space<vmem>> -> memref<256xi32, #tpu.memory_space<vmem>>
        %dma_wait3A_150 = arith.constant 0 : i32
        %dma_wait3A_151 = arith.constant 0 : i32
        %dma_wait3A_152 = tpu.memref_slice %arg15[%dma_wait3A_150, %dma_wait3A_151] : memref<10112x64xf32, #tpu.memory_space<vmem_shared>> -> memref<10112x64xf32, #tpu.memory_space<vmem_shared>>
        tpu.wait_indirect_dma semaphore(%arg18 : memref<!tpu.dma_semaphore, #tpu.memory_space<semaphore_mem>>) src(%arg13 : memref<256x64xf32, #tpu.memory_space<vmem>>) dst(%dma_wait3A_152 : memref<10112x64xf32, #tpu.memory_space<vmem_shared>>)
        %dma_wait3A_153 = arith.constant 0 : i32
        %dma_wait3A_154 = arith.constant 0 : i32
        %dma_wait3A_155 = tpu.memref_slice %arg10[%dma_wait3A_153, %dma_wait3A_154] : memref<48x256xi32, #tpu.memory_space<vmem>> -> memref<1x256xi32, #tpu.memory_space<vmem>>
        %dma_wait3A_156 = tpu.memref_squeeze %dma_wait3A_155 : memref<1x256xi32, #tpu.memory_space<vmem>> -> memref<256xi32, #tpu.memory_space<vmem>>
        %dma_wait3A_157 = arith.constant 0 : i32
        %dma_wait3A_158 = arith.constant 0 : i32
        %dma_wait3A_159 = tpu.memref_slice %arg21[%dma_wait3A_157, %dma_wait3A_158] : memref<10112x16xf32, #tpu.memory_space<vmem_shared>> -> memref<10112x16xf32, #tpu.memory_space<vmem_shared>>
        tpu.wait_indirect_dma semaphore(%arg22 : memref<!tpu.dma_semaphore, #tpu.memory_space<semaphore_mem>>) src(%arg20 : memref<256x16xf32, #tpu.memory_space<vmem>>) dst(%dma_wait3A_159 : memref<10112x16xf32, #tpu.memory_space<vmem_shared>>)
      } else {
      }
      %scan3A = arith.constant 0 : i32
      %scan3A_86 = arith.constant 0 : i32
      %scan3A_87 = arith.constant 64 : i32
      %scan3A_88 = arith.addi %scan3A_86, %scan3A_87 : i32
      %scan3A_89 = arith.constant 1 : i32
      scf.for %scan3A_146 = %scan3A_86 to %scan3A_88 step %scan3A_89  : i32 {
        %mul3A_147 = arith.constant 4 : i32
        %mul3A_148 = arith.muli %mul3A_147, %scan3A_146 : i32
        %add3A_149 = arith.constant 0 : i32
        %add3A_150 = arith.addi %mul3A_148, %add3A_149 : i32
        %get3A = arith.index_cast %add3A_150 : i32 to index
        %get3A_151 = arith.constant 0 : index
        %get3A_152 = tpu.vector_load %arg11[%get3A, %get3A_151] {strides = array<i32>} : memref<256x64xbf16, #tpu.memory_space<vmem>>, vector<32xbf16>,
        %bitcast3A = vector.bitcast %get3A_152 : vector<32xbf16> to vector<16xi32>
        %shift_left3A = arith.constant 16 : i32
        %shift_left3A_153 = vector.broadcast %shift_left3A : i32 to vector<16xi32>
        %shift_left3A_154 = arith.shli %bitcast3A, %shift_left3A_153 : vector<16xi32>
        %bitcast3A_155 = vector.bitcast %shift_left3A_154 : vector<16xi32> to vector<16xf32>
        %and3A_156 = arith.constant -65536 : i32
        %and3A_157 = vector.broadcast %and3A_156 : i32 to vector<16xi32>
        %and3A_158 = arith.andi %bitcast3A, %and3A_157 : vector<16xi32>
        %bitcast3A_159 = vector.bitcast %and3A_158 : vector<16xi32> to vector<16xf32>
        %swap3A = arith.index_cast %add3A_150 : i32 to index
        %swap3A_160 = arith.constant 0 : index
        %swap3A_161 = tpu.vector_load %arg13[%swap3A, %swap3A_160] {strides = array<i32>} : memref<256x64xf32, #tpu.memory_space<vmem>>, vector<16xf32>,
        tpu.vector_store %arg13[%swap3A, %swap3A_160], %bitcast3A_155 {strides = array<i32>} : memref<256x64xf32, #tpu.memory_space<vmem>>, vector<16xf32>,
        %swap3A_162 = arith.index_cast %add3A_150 : i32 to index
        %swap3A_163 = arith.constant 16 : index
        %swap3A_164 = tpu.vector_load %arg13[%swap3A_162, %swap3A_163] {strides = array<i32>} : memref<256x64xf32, #tpu.memory_space<vmem>>, vector<16xf32>,
        tpu.vector_store %arg13[%swap3A_162, %swap3A_163], %bitcast3A_159 {strides = array<i32>} : memref<256x64xf32, #tpu.memory_space<vmem>>, vector<16xf32>,
        %get3A_165 = arith.index_cast %add3A_150 : i32 to index
        %get3A_166 = arith.constant 32 : index
        %get3A_167 = tpu.vector_load %arg11[%get3A_165, %get3A_166] {strides = array<i32>} : memref<256x64xbf16, #tpu.memory_space<vmem>>, vector<32xbf16>,
        %bitcast3A_168 = vector.bitcast %get3A_167 : vector<32xbf16> to vector<16xi32>
        %shift_left3A_169 = arith.constant 16 : i32
        %shift_left3A_170 = vector.broadcast %shift_left3A_169 : i32 to vector<16xi32>
        %shift_left3A_171 = arith.shli %bitcast3A_168, %shift_left3A_170 : vector<16xi32>
        %bitcast3A_172 = vector.bitcast %shift_left3A_171 : vector<16xi32> to vector<16xf32>
        %and3A_173 = arith.constant -65536 : i32
        %and3A_174 = vector.broadcast %and3A_173 : i32 to vector<16xi32>
        %and3A_175 = arith.andi %bitcast3A_168, %and3A_174 : vector<16xi32>
        %bitcast3A_176 = vector.bitcast %and3A_175 : vector<16xi32> to vector<16xf32>
        %swap3A_177 = arith.index_cast %add3A_150 : i32 to index
        %swap3A_178 = arith.constant 32 : index
        %swap3A_179 = tpu.vector_load %arg13[%swap3A_177, %swap3A_178] {strides = array<i32>} : memref<256x64xf32, #tpu.memory_space<vmem>>, vector<16xf32>,
        tpu.vector_store %arg13[%swap3A_177, %swap3A_178], %bitcast3A_172 {strides = array<i32>} : memref<256x64xf32, #tpu.memory_space<vmem>>, vector<16xf32>,
        %swap3A_180 = arith.index_cast %add3A_150 : i32 to index
        %swap3A_181 = arith.constant 48 : index
        %swap3A_182 = tpu.vector_load %arg13[%swap3A_180, %swap3A_181] {strides = array<i32>} : memref<256x64xf32, #tpu.memory_space<vmem>>, vector<16xf32>,
        tpu.vector_store %arg13[%swap3A_180, %swap3A_181], %bitcast3A_176 {strides = array<i32>} : memref<256x64xf32, #tpu.memory_space<vmem>>, vector<16xf32>,
        %mul3A_183 = arith.constant 4 : i32
        %mul3A_184 = arith.muli %mul3A_183, %scan3A_146 : i32
        %add3A_185 = arith.constant 1 : i32
        %add3A_186 = arith.addi %mul3A_184, %add3A_185 : i32
        %get3A_187 = arith.index_cast %add3A_186 : i32 to index
        %get3A_188 = arith.constant 0 : index
        %get3A_189 = tpu.vector_load %arg11[%get3A_187, %get3A_188] {strides = array<i32>} : memref<256x64xbf16, #tpu.memory_space<vmem>>, vector<32xbf16>,
        %bitcast3A_190 = vector.bitcast %get3A_189 : vector<32xbf16> to vector<16xi32>
        %shift_left3A_191 = arith.constant 16 : i32
        %shift_left3A_192 = vector.broadcast %shift_left3A_191 : i32 to vector<16xi32>
        %shift_left3A_193 = arith.shli %bitcast3A_190, %shift_left3A_192 : vector<16xi32>
        %bitcast3A_194 = vector.bitcast %shift_left3A_193 : vector<16xi32> to vector<16xf32>
        %and3A_195 = arith.constant -65536 : i32
        %and3A_196 = vector.broadcast %and3A_195 : i32 to vector<16xi32>
        %and3A_197 = arith.andi %bitcast3A_190, %and3A_196 : vector<16xi32>
        %bitcast3A_198 = vector.bitcast %and3A_197 : vector<16xi32> to vector<16xf32>
        %swap3A_199 = arith.index_cast %add3A_186 : i32 to index
        %swap3A_200 = arith.constant 0 : index
        %swap3A_201 = tpu.vector_load %arg13[%swap3A_199, %swap3A_200] {strides = array<i32>} : memref<256x64xf32, #tpu.memory_space<vmem>>, vector<16xf32>,
        tpu.vector_store %arg13[%swap3A_199, %swap3A_200], %bitcast3A_194 {strides = array<i32>} : memref<256x64xf32, #tpu.memory_space<vmem>>, vector<16xf32>,
        %swap3A_202 = arith.index_cast %add3A_186 : i32 to index
        %swap3A_203 = arith.constant 16 : index
        %swap3A_204 = tpu.vector_load %arg13[%swap3A_202, %swap3A_203] {strides = array<i32>} : memref<256x64xf32, #tpu.memory_space<vmem>>, vector<16xf32>,
        tpu.vector_store %arg13[%swap3A_202, %swap3A_203], %bitcast3A_198 {strides = array<i32>} : memref<256x64xf32, #tpu.memory_space<vmem>>, vector<16xf32>,
        %get3A_205 = arith.index_cast %add3A_186 : i32 to index
        %get3A_206 = arith.constant 32 : index
        %get3A_207 = tpu.vector_load %arg11[%get3A_205, %get3A_206] {strides = array<i32>} : memref<256x64xbf16, #tpu.memory_space<vmem>>, vector<32xbf16>,
        %bitcast3A_208 = vector.bitcast %get3A_207 : vector<32xbf16> to vector<16xi32>
        %shift_left3A_209 = arith.constant 16 : i32
        %shift_left3A_210 = vector.broadcast %shift_left3A_209 : i32 to vector<16xi32>
        %shift_left3A_211 = arith.shli %bitcast3A_208, %shift_left3A_210 : vector<16xi32>
        %bitcast3A_212 = vector.bitcast %shift_left3A_211 : vector<16xi32> to vector<16xf32>
        %and3A_213 = arith.constant -65536 : i32
        %and3A_214 = vector.broadcast %and3A_213 : i32 to vector<16xi32>
        %and3A_215 = arith.andi %bitcast3A_208, %and3A_214 : vector<16xi32>
        %bitcast3A_216 = vector.bitcast %and3A_215 : vector<16xi32> to vector<16xf32>
        %swap3A_217 = arith.index_cast %add3A_186 : i32 to index
        %swap3A_218 = arith.constant 32 : index
        %swap3A_219 = tpu.vector_load %arg13[%swap3A_217, %swap3A_218] {strides = array<i32>} : memref<256x64xf32, #tpu.memory_space<vmem>>, vector<16xf32>,
        tpu.vector_store %arg13[%swap3A_217, %swap3A_218], %bitcast3A_212 {strides = array<i32>} : memref<256x64xf32, #tpu.memory_space<vmem>>, vector<16xf32>,
        %swap3A_220 = arith.index_cast %add3A_186 : i32 to index
        %swap3A_221 = arith.constant 48 : index
        %swap3A_222 = tpu.vector_load %arg13[%swap3A_220, %swap3A_221] {strides = array<i32>} : memref<256x64xf32, #tpu.memory_space<vmem>>, vector<16xf32>,
        tpu.vector_store %arg13[%swap3A_220, %swap3A_221], %bitcast3A_216 {strides = array<i32>} : memref<256x64xf32, #tpu.memory_space<vmem>>, vector<16xf32>,
        %mul3A_223 = arith.constant 4 : i32
        %mul3A_224 = arith.muli %mul3A_223, %scan3A_146 : i32
        %add3A_225 = arith.constant 2 : i32
        %add3A_226 = arith.addi %mul3A_224, %add3A_225 : i32
        %get3A_227 = arith.index_cast %add3A_226 : i32 to index
        %get3A_228 = arith.constant 0 : index
        %get3A_229 = tpu.vector_load %arg11[%get3A_227, %get3A_228] {strides = array<i32>} : memref<256x64xbf16, #tpu.memory_space<vmem>>, vector<32xbf16>,
        %bitcast3A_230 = vector.bitcast %get3A_229 : vector<32xbf16> to vector<16xi32>
        %shift_left3A_231 = arith.constant 16 : i32
        %shift_left3A_232 = vector.broadcast %shift_left3A_231 : i32 to vector<16xi32>
        %shift_left3A_233 = arith.shli %bitcast3A_230, %shift_left3A_232 : vector<16xi32>
        %bitcast3A_234 = vector.bitcast %shift_left3A_233 : vector<16xi32> to vector<16xf32>
        %and3A_235 = arith.constant -65536 : i32
        %and3A_236 = vector.broadcast %and3A_235 : i32 to vector<16xi32>
        %and3A_237 = arith.andi %bitcast3A_230, %and3A_236 : vector<16xi32>
        %bitcast3A_238 = vector.bitcast %and3A_237 : vector<16xi32> to vector<16xf32>
        %swap3A_239 = arith.index_cast %add3A_226 : i32 to index
        %swap3A_240 = arith.constant 0 : index
        %swap3A_241 = tpu.vector_load %arg13[%swap3A_239, %swap3A_240] {strides = array<i32>} : memref<256x64xf32, #tpu.memory_space<vmem>>, vector<16xf32>,
        tpu.vector_store %arg13[%swap3A_239, %swap3A_240], %bitcast3A_234 {strides = array<i32>} : memref<256x64xf32, #tpu.memory_space<vmem>>, vector<16xf32>,
        %swap3A_242 = arith.index_cast %add3A_226 : i32 to index
        %swap3A_243 = arith.constant 16 : index
        %swap3A_244 = tpu.vector_load %arg13[%swap3A_242, %swap3A_243] {strides = array<i32>} : memref<256x64xf32, #tpu.memory_space<vmem>>, vector<16xf32>,
        tpu.vector_store %arg13[%swap3A_242, %swap3A_243], %bitcast3A_238 {strides = array<i32>} : memref<256x64xf32, #tpu.memory_space<vmem>>, vector<16xf32>,
        %get3A_245 = arith.index_cast %add3A_226 : i32 to index
        %get3A_246 = arith.constant 32 : index
        %get3A_247 = tpu.vector_load %arg11[%get3A_245, %get3A_246] {strides = array<i32>} : memref<256x64xbf16, #tpu.memory_space<vmem>>, vector<32xbf16>,
        %bitcast3A_248 = vector.bitcast %get3A_247 : vector<32xbf16> to vector<16xi32>
        %shift_left3A_249 = arith.constant 16 : i32
        %shift_left3A_250 = vector.broadcast %shift_left3A_249 : i32 to vector<16xi32>
        %shift_left3A_251 = arith.shli %bitcast3A_248, %shift_left3A_250 : vector<16xi32>
        %bitcast3A_252 = vector.bitcast %shift_left3A_251 : vector<16xi32> to vector<16xf32>
        %and3A_253 = arith.constant -65536 : i32
        %and3A_254 = vector.broadcast %and3A_253 : i32 to vector<16xi32>
        %and3A_255 = arith.andi %bitcast3A_248, %and3A_254 : vector<16xi32>
        %bitcast3A_256 = vector.bitcast %and3A_255 : vector<16xi32> to vector<16xf32>
        %swap3A_257 = arith.index_cast %add3A_226 : i32 to index
        %swap3A_258 = arith.constant 32 : index
        %swap3A_259 = tpu.vector_load %arg13[%swap3A_257, %swap3A_258] {strides = array<i32>} : memref<256x64xf32, #tpu.memory_space<vmem>>, vector<16xf32>,
        tpu.vector_store %arg13[%swap3A_257, %swap3A_258], %bitcast3A_252 {strides = array<i32>} : memref<256x64xf32, #tpu.memory_space<vmem>>, vector<16xf32>,
        %swap3A_260 = arith.index_cast %add3A_226 : i32 to index
        %swap3A_261 = arith.constant 48 : index
        %swap3A_262 = tpu.vector_load %arg13[%swap3A_260, %swap3A_261] {strides = array<i32>} : memref<256x64xf32, #tpu.memory_space<vmem>>, vector<16xf32>,
        tpu.vector_store %arg13[%swap3A_260, %swap3A_261], %bitcast3A_256 {strides = array<i32>} : memref<256x64xf32, #tpu.memory_space<vmem>>, vector<16xf32>,
        %mul3A_263 = arith.constant 4 : i32
        %mul3A_264 = arith.muli %mul3A_263, %scan3A_146 : i32
        %add3A_265 = arith.constant 3 : i32
        %add3A_266 = arith.addi %mul3A_264, %add3A_265 : i32
        %get3A_267 = arith.index_cast %add3A_266 : i32 to index
        %get3A_268 = arith.constant 0 : index
        %get3A_269 = tpu.vector_load %arg11[%get3A_267, %get3A_268] {strides = array<i32>} : memref<256x64xbf16, #tpu.memory_space<vmem>>, vector<32xbf16>,
        %bitcast3A_270 = vector.bitcast %get3A_269 : vector<32xbf16> to vector<16xi32>
        %shift_left3A_271 = arith.constant 16 : i32
        %shift_left3A_272 = vector.broadcast %shift_left3A_271 : i32 to vector<16xi32>
        %shift_left3A_273 = arith.shli %bitcast3A_270, %shift_left3A_272 : vector<16xi32>
        %bitcast3A_274 = vector.bitcast %shift_left3A_273 : vector<16xi32> to vector<16xf32>
        %and3A_275 = arith.constant -65536 : i32
        %and3A_276 = vector.broadcast %and3A_275 : i32 to vector<16xi32>
        %and3A_277 = arith.andi %bitcast3A_270, %and3A_276 : vector<16xi32>
        %bitcast3A_278 = vector.bitcast %and3A_277 : vector<16xi32> to vector<16xf32>
        %swap3A_279 = arith.index_cast %add3A_266 : i32 to index
        %swap3A_280 = arith.constant 0 : index
        %swap3A_281 = tpu.vector_load %arg13[%swap3A_279, %swap3A_280] {strides = array<i32>} : memref<256x64xf32, #tpu.memory_space<vmem>>, vector<16xf32>,
        tpu.vector_store %arg13[%swap3A_279, %swap3A_280], %bitcast3A_274 {strides = array<i32>} : memref<256x64xf32, #tpu.memory_space<vmem>>, vector<16xf32>,
        %swap3A_282 = arith.index_cast %add3A_266 : i32 to index
        %swap3A_283 = arith.constant 16 : index
        %swap3A_284 = tpu.vector_load %arg13[%swap3A_282, %swap3A_283] {strides = array<i32>} : memref<256x64xf32, #tpu.memory_space<vmem>>, vector<16xf32>,
        tpu.vector_store %arg13[%swap3A_282, %swap3A_283], %bitcast3A_278 {strides = array<i32>} : memref<256x64xf32, #tpu.memory_space<vmem>>, vector<16xf32>,
        %get3A_285 = arith.index_cast %add3A_266 : i32 to index
        %get3A_286 = arith.constant 32 : index
        %get3A_287 = tpu.vector_load %arg11[%get3A_285, %get3A_286] {strides = array<i32>} : memref<256x64xbf16, #tpu.memory_space<vmem>>, vector<32xbf16>,
        %bitcast3A_288 = vector.bitcast %get3A_287 : vector<32xbf16> to vector<16xi32>
        %shift_left3A_289 = arith.constant 16 : i32
        %shift_left3A_290 = vector.broadcast %shift_left3A_289 : i32 to vector<16xi32>
        %shift_left3A_291 = arith.shli %bitcast3A_288, %shift_left3A_290 : vector<16xi32>
        %bitcast3A_292 = vector.bitcast %shift_left3A_291 : vector<16xi32> to vector<16xf32>
        %and3A_293 = arith.constant -65536 : i32
        %and3A_294 = vector.broadcast %and3A_293 : i32 to vector<16xi32>
        %and3A_295 = arith.andi %bitcast3A_288, %and3A_294 : vector<16xi32>
        %bitcast3A_296 = vector.bitcast %and3A_295 : vector<16xi32> to vector<16xf32>
        %swap3A_297 = arith.index_cast %add3A_266 : i32 to index
        %swap3A_298 = arith.constant 32 : index
        %swap3A_299 = tpu.vector_load %arg13[%swap3A_297, %swap3A_298] {strides = array<i32>} : memref<256x64xf32, #tpu.memory_space<vmem>>, vector<16xf32>,
        tpu.vector_store %arg13[%swap3A_297, %swap3A_298], %bitcast3A_292 {strides = array<i32>} : memref<256x64xf32, #tpu.memory_space<vmem>>, vector<16xf32>,
        %swap3A_300 = arith.index_cast %add3A_266 : i32 to index
        %swap3A_301 = arith.constant 48 : index
        %swap3A_302 = tpu.vector_load %arg13[%swap3A_300, %swap3A_301] {strides = array<i32>} : memref<256x64xf32, #tpu.memory_space<vmem>>, vector<16xf32>,
        tpu.vector_store %arg13[%swap3A_300, %swap3A_301], %bitcast3A_296 {strides = array<i32>} : memref<256x64xf32, #tpu.memory_space<vmem>>, vector<16xf32>,
      }
      %scan3A_90 = arith.constant 64 : i32
      %add3A_91 = arith.constant 2 : i32
      %add3A_92 = arith.addi %mul3A_76, %add3A_91 : i32
      %lt3A = arith.cmpi slt, %add3A_92, %select_n3A : i32
      %convert_element_type3A_93 = arith.extui %lt3A : i1 to i32
      %cond3A_94 = arith.constant 0 : i32
      %cond3A_95 = arith.cmpi ne, %convert_element_type3A_93, %cond3A_94 : i32
      scf.if %cond3A_95 {
        %add3A_146 = arith.constant 2 : i32
        %add3A_147 = arith.addi %mul3A_76, %add3A_146 : i32
        %dma_start3A_148 = arith.constant 0 : i32
        %dma_start3A_149 = tpu.memref_slice %arg9[%add3A_147, %dma_start3A_148] : memref<48x256xi32, #tpu.memory_space<vmem>> -> memref<1x256xi32, #tpu.memory_space<vmem>>
        %dma_start3A_150 = tpu.memref_squeeze %dma_start3A_149 : memref<1x256xi32, #tpu.memory_space<vmem>> -> memref<256xi32, #tpu.memory_space<vmem>>
        %dma_start3A_151 = arith.constant 0 : i32
        %dma_start3A_152 = arith.constant 0 : i32
        %dma_start3A_153 = tpu.memref_slice %arg2[%dma_start3A_151, %dma_start3A_152] : memref<10000x64xbf16, #tpu.memory_space<hbm>> -> memref<10000x64xbf16, #tpu.memory_space<hbm>>
        tpu.enqueue_indirect_dma source(%dma_start3A_153 : memref<10000x64xbf16, #tpu.memory_space<hbm>>) target(%arg11 : memref<256x64xbf16, #tpu.memory_space<vmem>>) offsets(%dma_start3A_150 : memref<256xi32, #tpu.memory_space<vmem>>) semaphore(%arg16 : memref<!tpu.dma_semaphore, #tpu.memory_space<semaphore_mem>>)
      } else {
      }
      %dma_start3A_96 = arith.constant 0 : i32
      %dma_start3A_97 = tpu.memref_slice %arg10[%mul3A_76, %dma_start3A_96] : memref<48x256xi32, #tpu.memory_space<vmem>> -> memref<1x256xi32, #tpu.memory_space<vmem>>
      %dma_start3A_98 = tpu.memref_squeeze %dma_start3A_97 : memref<1x256xi32, #tpu.memory_space<vmem>> -> memref<256xi32, #tpu.memory_space<vmem>>
      %dma_start3A_99 = arith.constant 0 : i32
      %dma_start3A_100 = arith.constant 0 : i32
      %dma_start3A_101 = tpu.memref_slice %arg15[%dma_start3A_99, %dma_start3A_100] : memref<10112x64xf32, #tpu.memory_space<vmem_shared>> -> memref<10112x64xf32, #tpu.memory_space<vmem_shared>>
      tpu.enqueue_indirect_dma source(%arg13 : memref<256x64xf32, #tpu.memory_space<vmem>>) target(%dma_start3A_101 : memref<10112x64xf32, #tpu.memory_space<vmem_shared>>) offsets(%dma_start3A_98 : memref<256xi32, #tpu.memory_space<vmem>>) semaphore(%arg18 : memref<!tpu.dma_semaphore, #tpu.memory_space<semaphore_mem>>) {add = true}
      %dma_start3A_102 = arith.constant 0 : i32
      %dma_start3A_103 = tpu.memref_slice %arg10[%mul3A_76, %dma_start3A_102] : memref<48x256xi32, #tpu.memory_space<vmem>> -> memref<1x256xi32, #tpu.memory_space<vmem>>
      %dma_start3A_104 = tpu.memref_squeeze %dma_start3A_103 : memref<1x256xi32, #tpu.memory_space<vmem>> -> memref<256xi32, #tpu.memory_space<vmem>>
      %dma_start3A_105 = arith.constant 0 : i32
      %dma_start3A_106 = arith.constant 0 : i32
      %dma_start3A_107 = tpu.memref_slice %arg21[%dma_start3A_105, %dma_start3A_106] : memref<10112x16xf32, #tpu.memory_space<vmem_shared>> -> memref<10112x16xf32, #tpu.memory_space<vmem_shared>>
      tpu.enqueue_indirect_dma source(%arg20 : memref<256x16xf32, #tpu.memory_space<vmem>>) target(%dma_start3A_107 : memref<10112x16xf32, #tpu.memory_space<vmem_shared>>) offsets(%dma_start3A_104 : memref<256xi32, #tpu.memory_space<vmem>>) semaphore(%arg22 : memref<!tpu.dma_semaphore, #tpu.memory_space<semaphore_mem>>) {add = true}
      %dma_wait3A_108 = arith.constant 0 : i32
      %dma_wait3A_109 = arith.constant 0 : i32
      %dma_wait3A_110 = tpu.memref_slice %arg9[%dma_wait3A_108, %dma_wait3A_109] : memref<48x256xi32, #tpu.memory_space<vmem>> -> memref<1x256xi32, #tpu.memory_space<vmem>>
      %dma_wait3A_111 = tpu.memref_squeeze %dma_wait3A_110 : memref<1x256xi32, #tpu.memory_space<vmem>> -> memref<256xi32, #tpu.memory_space<vmem>>
      %dma_wait3A_112 = arith.constant 0 : i32
      %dma_wait3A_113 = arith.constant 0 : i32
      %dma_wait3A_114 = tpu.memref_slice %arg2[%dma_wait3A_112, %dma_wait3A_113] : memref<10000x64xbf16, #tpu.memory_space<hbm>> -> memref<10000x64xbf16, #tpu.memory_space<hbm>>
      tpu.wait_indirect_dma semaphore(%arg17 : memref<!tpu.dma_semaphore, #tpu.memory_space<semaphore_mem>>) src(%dma_wait3A_114 : memref<10000x64xbf16, #tpu.memory_space<hbm>>) dst(%arg12 : memref<256x64xbf16, #tpu.memory_space<vmem>>)
      %gt3A_115 = arith.constant 0 : i32
      %gt3A_116 = arith.cmpi sgt, %while3A_74, %gt3A_115 : i32
      %convert_element_type3A_117 = arith.extui %gt3A_116 : i1 to i32
      %cond3A_118 = arith.constant 0 : i32
      %cond3A_119 = arith.cmpi ne, %convert_element_type3A_117, %cond3A_118 : i32
      scf.if %cond3A_119 {
        %dma_wait3A_146 = arith.constant 0 : i32
        %dma_wait3A_147 = arith.constant 0 : i32
        %dma_wait3A_148 = tpu.memref_slice %arg10[%dma_wait3A_146, %dma_wait3A_147] : memref<48x256xi32, #tpu.memory_space<vmem>> -> memref<1x256xi32, #tpu.memory_space<vmem>>
        %dma_wait3A_149 = tpu.memref_squeeze %dma_wait3A_148 : memref<1x256xi32, #tpu.memory_space<vmem>> -> memref<256xi32, #tpu.memory_space<vmem>>
        %dma_wait3A_150 = arith.constant 0 : i32
        %dma_wait3A_151 = arith.constant 0 : i32
        %dma_wait3A_152 = tpu.memref_slice %arg15[%dma_wait3A_150, %dma_wait3A_151] : memref<10112x64xf32, #tpu.memory_space<vmem_shared>> -> memref<10112x64xf32, #tpu.memory_space<vmem_shared>>
        tpu.wait_indirect_dma semaphore(%arg19 : memref<!tpu.dma_semaphore, #tpu.memory_space<semaphore_mem>>) src(%arg14 : memref<256x64xf32, #tpu.memory_space<vmem>>) dst(%dma_wait3A_152 : memref<10112x64xf32, #tpu.memory_space<vmem_shared>>)
        %dma_wait3A_153 = arith.constant 0 : i32
        %dma_wait3A_154 = arith.constant 0 : i32
        %dma_wait3A_155 = tpu.memref_slice %arg10[%dma_wait3A_153, %dma_wait3A_154] : memref<48x256xi32, #tpu.memory_space<vmem>> -> memref<1x256xi32, #tpu.memory_space<vmem>>
        %dma_wait3A_156 = tpu.memref_squeeze %dma_wait3A_155 : memref<1x256xi32, #tpu.memory_space<vmem>> -> memref<256xi32, #tpu.memory_space<vmem>>
        %dma_wait3A_157 = arith.constant 0 : i32
        %dma_wait3A_158 = arith.constant 0 : i32
        %dma_wait3A_159 = tpu.memref_slice %arg21[%dma_wait3A_157, %dma_wait3A_158] : memref<10112x16xf32, #tpu.memory_space<vmem_shared>> -> memref<10112x16xf32, #tpu.memory_space<vmem_shared>>
        tpu.wait_indirect_dma semaphore(%arg23 : memref<!tpu.dma_semaphore, #tpu.memory_space<semaphore_mem>>) src(%arg20 : memref<256x16xf32, #tpu.memory_space<vmem>>) dst(%dma_wait3A_159 : memref<10112x16xf32, #tpu.memory_space<vmem_shared>>)
      } else {
      }
      %scan3A_120 = arith.constant 0 : i32
      %scan3A_121 = arith.constant 0 : i32
      %scan3A_122 = arith.constant 64 : i32
      %scan3A_123 = arith.addi %scan3A_121, %scan3A_122 : i32
      %scan3A_124 = arith.constant 1 : i32
      scf.for %scan3A_146 = %scan3A_121 to %scan3A_123 step %scan3A_124  : i32 {
        %mul3A_147 = arith.constant 4 : i32
        %mul3A_148 = arith.muli %mul3A_147, %scan3A_146 : i32
        %add3A_149 = arith.constant 0 : i32
        %add3A_150 = arith.addi %mul3A_148, %add3A_149 : i32
        %get3A = arith.index_cast %add3A_150 : i32 to index
        %get3A_151 = arith.constant 0 : index
        %get3A_152 = tpu.vector_load %arg12[%get3A, %get3A_151] {strides = array<i32>} : memref<256x64xbf16, #tpu.memory_space<vmem>>, vector<32xbf16>,
        %bitcast3A = vector.bitcast %get3A_152 : vector<32xbf16> to vector<16xi32>
        %shift_left3A = arith.constant 16 : i32
        %shift_left3A_153 = vector.broadcast %shift_left3A : i32 to vector<16xi32>
        %shift_left3A_154 = arith.shli %bitcast3A, %shift_left3A_153 : vector<16xi32>
        %bitcast3A_155 = vector.bitcast %shift_left3A_154 : vector<16xi32> to vector<16xf32>
        %and3A_156 = arith.constant -65536 : i32
        %and3A_157 = vector.broadcast %and3A_156 : i32 to vector<16xi32>
        %and3A_158 = arith.andi %bitcast3A, %and3A_157 : vector<16xi32>
        %bitcast3A_159 = vector.bitcast %and3A_158 : vector<16xi32> to vector<16xf32>
        %swap3A = arith.index_cast %add3A_150 : i32 to index
        %swap3A_160 = arith.constant 0 : index
        %swap3A_161 = tpu.vector_load %arg14[%swap3A, %swap3A_160] {strides = array<i32>} : memref<256x64xf32, #tpu.memory_space<vmem>>, vector<16xf32>,
        tpu.vector_store %arg14[%swap3A, %swap3A_160], %bitcast3A_155 {strides = array<i32>} : memref<256x64xf32, #tpu.memory_space<vmem>>, vector<16xf32>,
        %swap3A_162 = arith.index_cast %add3A_150 : i32 to index
        %swap3A_163 = arith.constant 16 : index
        %swap3A_164 = tpu.vector_load %arg14[%swap3A_162, %swap3A_163] {strides = array<i32>} : memref<256x64xf32, #tpu.memory_space<vmem>>, vector<16xf32>,
        tpu.vector_store %arg14[%swap3A_162, %swap3A_163], %bitcast3A_159 {strides = array<i32>} : memref<256x64xf32, #tpu.memory_space<vmem>>, vector<16xf32>,
        %get3A_165 = arith.index_cast %add3A_150 : i32 to index
        %get3A_166 = arith.constant 32 : index
        %get3A_167 = tpu.vector_load %arg12[%get3A_165, %get3A_166] {strides = array<i32>} : memref<256x64xbf16, #tpu.memory_space<vmem>>, vector<32xbf16>,
        %bitcast3A_168 = vector.bitcast %get3A_167 : vector<32xbf16> to vector<16xi32>
        %shift_left3A_169 = arith.constant 16 : i32
        %shift_left3A_170 = vector.broadcast %shift_left3A_169 : i32 to vector<16xi32>
        %shift_left3A_171 = arith.shli %bitcast3A_168, %shift_left3A_170 : vector<16xi32>
        %bitcast3A_172 = vector.bitcast %shift_left3A_171 : vector<16xi32> to vector<16xf32>
        %and3A_173 = arith.constant -65536 : i32
        %and3A_174 = vector.broadcast %and3A_173 : i32 to vector<16xi32>
        %and3A_175 = arith.andi %bitcast3A_168, %and3A_174 : vector<16xi32>
        %bitcast3A_176 = vector.bitcast %and3A_175 : vector<16xi32> to vector<16xf32>
        %swap3A_177 = arith.index_cast %add3A_150 : i32 to index
        %swap3A_178 = arith.constant 32 : index
        %swap3A_179 = tpu.vector_load %arg14[%swap3A_177, %swap3A_178] {strides = array<i32>} : memref<256x64xf32, #tpu.memory_space<vmem>>, vector<16xf32>,
        tpu.vector_store %arg14[%swap3A_177, %swap3A_178], %bitcast3A_172 {strides = array<i32>} : memref<256x64xf32, #tpu.memory_space<vmem>>, vector<16xf32>,
        %swap3A_180 = arith.index_cast %add3A_150 : i32 to index
        %swap3A_181 = arith.constant 48 : index
        %swap3A_182 = tpu.vector_load %arg14[%swap3A_180, %swap3A_181] {strides = array<i32>} : memref<256x64xf32, #tpu.memory_space<vmem>>, vector<16xf32>,
        tpu.vector_store %arg14[%swap3A_180, %swap3A_181], %bitcast3A_176 {strides = array<i32>} : memref<256x64xf32, #tpu.memory_space<vmem>>, vector<16xf32>,
        %mul3A_183 = arith.constant 4 : i32
        %mul3A_184 = arith.muli %mul3A_183, %scan3A_146 : i32
        %add3A_185 = arith.constant 1 : i32
        %add3A_186 = arith.addi %mul3A_184, %add3A_185 : i32
        %get3A_187 = arith.index_cast %add3A_186 : i32 to index
        %get3A_188 = arith.constant 0 : index
        %get3A_189 = tpu.vector_load %arg12[%get3A_187, %get3A_188] {strides = array<i32>} : memref<256x64xbf16, #tpu.memory_space<vmem>>, vector<32xbf16>,
        %bitcast3A_190 = vector.bitcast %get3A_189 : vector<32xbf16> to vector<16xi32>
        %shift_left3A_191 = arith.constant 16 : i32
        %shift_left3A_192 = vector.broadcast %shift_left3A_191 : i32 to vector<16xi32>
        %shift_left3A_193 = arith.shli %bitcast3A_190, %shift_left3A_192 : vector<16xi32>
        %bitcast3A_194 = vector.bitcast %shift_left3A_193 : vector<16xi32> to vector<16xf32>
        %and3A_195 = arith.constant -65536 : i32
        %and3A_196 = vector.broadcast %and3A_195 : i32 to vector<16xi32>
        %and3A_197 = arith.andi %bitcast3A_190, %and3A_196 : vector<16xi32>
        %bitcast3A_198 = vector.bitcast %and3A_197 : vector<16xi32> to vector<16xf32>
        %swap3A_199 = arith.index_cast %add3A_186 : i32 to index
        %swap3A_200 = arith.constant 0 : index
        %swap3A_201 = tpu.vector_load %arg14[%swap3A_199, %swap3A_200] {strides = array<i32>} : memref<256x64xf32, #tpu.memory_space<vmem>>, vector<16xf32>,
        tpu.vector_store %arg14[%swap3A_199, %swap3A_200], %bitcast3A_194 {strides = array<i32>} : memref<256x64xf32, #tpu.memory_space<vmem>>, vector<16xf32>,
        %swap3A_202 = arith.index_cast %add3A_186 : i32 to index
        %swap3A_203 = arith.constant 16 : index
        %swap3A_204 = tpu.vector_load %arg14[%swap3A_202, %swap3A_203] {strides = array<i32>} : memref<256x64xf32, #tpu.memory_space<vmem>>, vector<16xf32>,
        tpu.vector_store %arg14[%swap3A_202, %swap3A_203], %bitcast3A_198 {strides = array<i32>} : memref<256x64xf32, #tpu.memory_space<vmem>>, vector<16xf32>,
        %get3A_205 = arith.index_cast %add3A_186 : i32 to index
        %get3A_206 = arith.constant 32 : index
        %get3A_207 = tpu.vector_load %arg12[%get3A_205, %get3A_206] {strides = array<i32>} : memref<256x64xbf16, #tpu.memory_space<vmem>>, vector<32xbf16>,
        %bitcast3A_208 = vector.bitcast %get3A_207 : vector<32xbf16> to vector<16xi32>
        %shift_left3A_209 = arith.constant 16 : i32
        %shift_left3A_210 = vector.broadcast %shift_left3A_209 : i32 to vector<16xi32>
        %shift_left3A_211 = arith.shli %bitcast3A_208, %shift_left3A_210 : vector<16xi32>
        %bitcast3A_212 = vector.bitcast %shift_left3A_211 : vector<16xi32> to vector<16xf32>
        %and3A_213 = arith.constant -65536 : i32
        %and3A_214 = vector.broadcast %and3A_213 : i32 to vector<16xi32>
        %and3A_215 = arith.andi %bitcast3A_208, %and3A_214 : vector<16xi32>
        %bitcast3A_216 = vector.bitcast %and3A_215 : vector<16xi32> to vector<16xf32>
        %swap3A_217 = arith.index_cast %add3A_186 : i32 to index
        %swap3A_218 = arith.constant 32 : index
        %swap3A_219 = tpu.vector_load %arg14[%swap3A_217, %swap3A_218] {strides = array<i32>} : memref<256x64xf32, #tpu.memory_space<vmem>>, vector<16xf32>,
        tpu.vector_store %arg14[%swap3A_217, %swap3A_218], %bitcast3A_212 {strides = array<i32>} : memref<256x64xf32, #tpu.memory_space<vmem>>, vector<16xf32>,
        %swap3A_220 = arith.index_cast %add3A_186 : i32 to index
        %swap3A_221 = arith.constant 48 : index
        %swap3A_222 = tpu.vector_load %arg14[%swap3A_220, %swap3A_221] {strides = array<i32>} : memref<256x64xf32, #tpu.memory_space<vmem>>, vector<16xf32>,
        tpu.vector_store %arg14[%swap3A_220, %swap3A_221], %bitcast3A_216 {strides = array<i32>} : memref<256x64xf32, #tpu.memory_space<vmem>>, vector<16xf32>,
        %mul3A_223 = arith.constant 4 : i32
        %mul3A_224 = arith.muli %mul3A_223, %scan3A_146 : i32
        %add3A_225 = arith.constant 2 : i32
        %add3A_226 = arith.addi %mul3A_224, %add3A_225 : i32
        %get3A_227 = arith.index_cast %add3A_226 : i32 to index
        %get3A_228 = arith.constant 0 : index
        %get3A_229 = tpu.vector_load %arg12[%get3A_227, %get3A_228] {strides = array<i32>} : memref<256x64xbf16, #tpu.memory_space<vmem>>, vector<32xbf16>,
        %bitcast3A_230 = vector.bitcast %get3A_229 : vector<32xbf16> to vector<16xi32>
        %shift_left3A_231 = arith.constant 16 : i32
        %shift_left3A_232 = vector.broadcast %shift_left3A_231 : i32 to vector<16xi32>
        %shift_left3A_233 = arith.shli %bitcast3A_230, %shift_left3A_232 : vector<16xi32>
        %bitcast3A_234 = vector.bitcast %shift_left3A_233 : vector<16xi32> to vector<16xf32>
        %and3A_235 = arith.constant -65536 : i32
        %and3A_236 = vector.broadcast %and3A_235 : i32 to vector<16xi32>
        %and3A_237 = arith.andi %bitcast3A_230, %and3A_236 : vector<16xi32>
        %bitcast3A_238 = vector.bitcast %and3A_237 : vector<16xi32> to vector<16xf32>
        %swap3A_239 = arith.index_cast %add3A_226 : i32 to index
        %swap3A_240 = arith.constant 0 : index
        %swap3A_241 = tpu.vector_load %arg14[%swap3A_239, %swap3A_240] {strides = array<i32>} : memref<256x64xf32, #tpu.memory_space<vmem>>, vector<16xf32>,
        tpu.vector_store %arg14[%swap3A_239, %swap3A_240], %bitcast3A_234 {strides = array<i32>} : memref<256x64xf32, #tpu.memory_space<vmem>>, vector<16xf32>,
        %swap3A_242 = arith.index_cast %add3A_226 : i32 to index
        %swap3A_243 = arith.constant 16 : index
        %swap3A_244 = tpu.vector_load %arg14[%swap3A_242, %swap3A_243] {strides = array<i32>} : memref<256x64xf32, #tpu.memory_space<vmem>>, vector<16xf32>,
        tpu.vector_store %arg14[%swap3A_242, %swap3A_243], %bitcast3A_238 {strides = array<i32>} : memref<256x64xf32, #tpu.memory_space<vmem>>, vector<16xf32>,
        %get3A_245 = arith.index_cast %add3A_226 : i32 to index
        %get3A_246 = arith.constant 32 : index
        %get3A_247 = tpu.vector_load %arg12[%get3A_245, %get3A_246] {strides = array<i32>} : memref<256x64xbf16, #tpu.memory_space<vmem>>, vector<32xbf16>,
        %bitcast3A_248 = vector.bitcast %get3A_247 : vector<32xbf16> to vector<16xi32>
        %shift_left3A_249 = arith.constant 16 : i32
        %shift_left3A_250 = vector.broadcast %shift_left3A_249 : i32 to vector<16xi32>
        %shift_left3A_251 = arith.shli %bitcast3A_248, %shift_left3A_250 : vector<16xi32>
        %bitcast3A_252 = vector.bitcast %shift_left3A_251 : vector<16xi32> to vector<16xf32>
        %and3A_253 = arith.constant -65536 : i32
        %and3A_254 = vector.broadcast %and3A_253 : i32 to vector<16xi32>
        %and3A_255 = arith.andi %bitcast3A_248, %and3A_254 : vector<16xi32>
        %bitcast3A_256 = vector.bitcast %and3A_255 : vector<16xi32> to vector<16xf32>
        %swap3A_257 = arith.index_cast %add3A_226 : i32 to index
        %swap3A_258 = arith.constant 32 : index
        %swap3A_259 = tpu.vector_load %arg14[%swap3A_257, %swap3A_258] {strides = array<i32>} : memref<256x64xf32, #tpu.memory_space<vmem>>, vector<16xf32>,
        tpu.vector_store %arg14[%swap3A_257, %swap3A_258], %bitcast3A_252 {strides = array<i32>} : memref<256x64xf32, #tpu.memory_space<vmem>>, vector<16xf32>,
        %swap3A_260 = arith.index_cast %add3A_226 : i32 to index
        %swap3A_261 = arith.constant 48 : index
        %swap3A_262 = tpu.vector_load %arg14[%swap3A_260, %swap3A_261] {strides = array<i32>} : memref<256x64xf32, #tpu.memory_space<vmem>>, vector<16xf32>,
        tpu.vector_store %arg14[%swap3A_260, %swap3A_261], %bitcast3A_256 {strides = array<i32>} : memref<256x64xf32, #tpu.memory_space<vmem>>, vector<16xf32>,
        %mul3A_263 = arith.constant 4 : i32
        %mul3A_264 = arith.muli %mul3A_263, %scan3A_146 : i32
        %add3A_265 = arith.constant 3 : i32
        %add3A_266 = arith.addi %mul3A_264, %add3A_265 : i32
        %get3A_267 = arith.index_cast %add3A_266 : i32 to index
        %get3A_268 = arith.constant 0 : index
        %get3A_269 = tpu.vector_load %arg12[%get3A_267, %get3A_268] {strides = array<i32>} : memref<256x64xbf16, #tpu.memory_space<vmem>>, vector<32xbf16>,
        %bitcast3A_270 = vector.bitcast %get3A_269 : vector<32xbf16> to vector<16xi32>
        %shift_left3A_271 = arith.constant 16 : i32
        %shift_left3A_272 = vector.broadcast %shift_left3A_271 : i32 to vector<16xi32>
        %shift_left3A_273 = arith.shli %bitcast3A_270, %shift_left3A_272 : vector<16xi32>
        %bitcast3A_274 = vector.bitcast %shift_left3A_273 : vector<16xi32> to vector<16xf32>
        %and3A_275 = arith.constant -65536 : i32
        %and3A_276 = vector.broadcast %and3A_275 : i32 to vector<16xi32>
        %and3A_277 = arith.andi %bitcast3A_270, %and3A_276 : vector<16xi32>
        %bitcast3A_278 = vector.bitcast %and3A_277 : vector<16xi32> to vector<16xf32>
        %swap3A_279 = arith.index_cast %add3A_266 : i32 to index
        %swap3A_280 = arith.constant 0 : index
        %swap3A_281 = tpu.vector_load %arg14[%swap3A_279, %swap3A_280] {strides = array<i32>} : memref<256x64xf32, #tpu.memory_space<vmem>>, vector<16xf32>,
        tpu.vector_store %arg14[%swap3A_279, %swap3A_280], %bitcast3A_274 {strides = array<i32>} : memref<256x64xf32, #tpu.memory_space<vmem>>, vector<16xf32>,
        %swap3A_282 = arith.index_cast %add3A_266 : i32 to index
        %swap3A_283 = arith.constant 16 : index
        %swap3A_284 = tpu.vector_load %arg14[%swap3A_282, %swap3A_283] {strides = array<i32>} : memref<256x64xf32, #tpu.memory_space<vmem>>, vector<16xf32>,
        tpu.vector_store %arg14[%swap3A_282, %swap3A_283], %bitcast3A_278 {strides = array<i32>} : memref<256x64xf32, #tpu.memory_space<vmem>>, vector<16xf32>,
        %get3A_285 = arith.index_cast %add3A_266 : i32 to index
        %get3A_286 = arith.constant 32 : index
        %get3A_287 = tpu.vector_load %arg12[%get3A_285, %get3A_286] {strides = array<i32>} : memref<256x64xbf16, #tpu.memory_space<vmem>>, vector<32xbf16>,
        %bitcast3A_288 = vector.bitcast %get3A_287 : vector<32xbf16> to vector<16xi32>
        %shift_left3A_289 = arith.constant 16 : i32
        %shift_left3A_290 = vector.broadcast %shift_left3A_289 : i32 to vector<16xi32>
        %shift_left3A_291 = arith.shli %bitcast3A_288, %shift_left3A_290 : vector<16xi32>
        %bitcast3A_292 = vector.bitcast %shift_left3A_291 : vector<16xi32> to vector<16xf32>
        %and3A_293 = arith.constant -65536 : i32
        %and3A_294 = vector.broadcast %and3A_293 : i32 to vector<16xi32>
        %and3A_295 = arith.andi %bitcast3A_288, %and3A_294 : vector<16xi32>
        %bitcast3A_296 = vector.bitcast %and3A_295 : vector<16xi32> to vector<16xf32>
        %swap3A_297 = arith.index_cast %add3A_266 : i32 to index
        %swap3A_298 = arith.constant 32 : index
        %swap3A_299 = tpu.vector_load %arg14[%swap3A_297, %swap3A_298] {strides = array<i32>} : memref<256x64xf32, #tpu.memory_space<vmem>>, vector<16xf32>,
        tpu.vector_store %arg14[%swap3A_297, %swap3A_298], %bitcast3A_292 {strides = array<i32>} : memref<256x64xf32, #tpu.memory_space<vmem>>, vector<16xf32>,
        %swap3A_300 = arith.index_cast %add3A_266 : i32 to index
        %swap3A_301 = arith.constant 48 : index
        %swap3A_302 = tpu.vector_load %arg14[%swap3A_300, %swap3A_301] {strides = array<i32>} : memref<256x64xf32, #tpu.memory_space<vmem>>, vector<16xf32>,
        tpu.vector_store %arg14[%swap3A_300, %swap3A_301], %bitcast3A_296 {strides = array<i32>} : memref<256x64xf32, #tpu.memory_space<vmem>>, vector<16xf32>,
      }
      %scan3A_125 = arith.constant 64 : i32
      %add3A_126 = arith.constant 3 : i32
      %add3A_127 = arith.addi %mul3A_76, %add3A_126 : i32
      %lt3A_128 = arith.cmpi slt, %add3A_127, %select_n3A : i32
      %convert_element_type3A_129 = arith.extui %lt3A_128 : i1 to i32
      %cond3A_130 = arith.constant 0 : i32
      %cond3A_131 = arith.cmpi ne, %convert_element_type3A_129, %cond3A_130 : i32
      scf.if %cond3A_131 {
        %add3A_146 = arith.constant 3 : i32
        %add3A_147 = arith.addi %mul3A_76, %add3A_146 : i32
        %dma_start3A_148 = arith.constant 0 : i32
        %dma_start3A_149 = tpu.memref_slice %arg9[%add3A_147, %dma_start3A_148] : memref<48x256xi32, #tpu.memory_space<vmem>> -> memref<1x256xi32, #tpu.memory_space<vmem>>
        %dma_start3A_150 = tpu.memref_squeeze %dma_start3A_149 : memref<1x256xi32, #tpu.memory_space<vmem>> -> memref<256xi32, #tpu.memory_space<vmem>>
        %dma_start3A_151 = arith.constant 0 : i32
        %dma_start3A_152 = arith.constant 0 : i32
        %dma_start3A_153 = tpu.memref_slice %arg2[%dma_start3A_151, %dma_start3A_152] : memref<10000x64xbf16, #tpu.memory_space<hbm>> -> memref<10000x64xbf16, #tpu.memory_space<hbm>>
        tpu.enqueue_indirect_dma source(%dma_start3A_153 : memref<10000x64xbf16, #tpu.memory_space<hbm>>) target(%arg12 : memref<256x64xbf16, #tpu.memory_space<vmem>>) offsets(%dma_start3A_150 : memref<256xi32, #tpu.memory_space<vmem>>) semaphore(%arg17 : memref<!tpu.dma_semaphore, #tpu.memory_space<semaphore_mem>>)
      } else {
      }
      %add3A_132 = arith.constant 1 : i32
      %add3A_133 = arith.addi %mul3A_76, %add3A_132 : i32
      %dma_start3A_134 = arith.constant 0 : i32
      %dma_start3A_135 = tpu.memref_slice %arg10[%add3A_133, %dma_start3A_134] : memref<48x256xi32, #tpu.memory_space<vmem>> -> memref<1x256xi32, #tpu.memory_space<vmem>>
      %dma_start3A_136 = tpu.memref_squeeze %dma_start3A_135 : memref<1x256xi32, #tpu.memory_space<vmem>> -> memref<256xi32, #tpu.memory_space<vmem>>
      %dma_start3A_137 = arith.constant 0 : i32
      %dma_start3A_138 = arith.constant 0 : i32
      %dma_start3A_139 = tpu.memref_slice %arg15[%dma_start3A_137, %dma_start3A_138] : memref<10112x64xf32, #tpu.memory_space<vmem_shared>> -> memref<10112x64xf32, #tpu.memory_space<vmem_shared>>
      tpu.enqueue_indirect_dma source(%arg14 : memref<256x64xf32, #tpu.memory_space<vmem>>) target(%dma_start3A_139 : memref<10112x64xf32, #tpu.memory_space<vmem_shared>>) offsets(%dma_start3A_136 : memref<256xi32, #tpu.memory_space<vmem>>) semaphore(%arg19 : memref<!tpu.dma_semaphore, #tpu.memory_space<semaphore_mem>>) {add = true}
      %dma_start3A_140 = arith.constant 0 : i32
      %dma_start3A_141 = tpu.memref_slice %arg10[%add3A_133, %dma_start3A_140] : memref<48x256xi32, #tpu.memory_space<vmem>> -> memref<1x256xi32, #tpu.memory_space<vmem>>
      %dma_start3A_142 = tpu.memref_squeeze %dma_start3A_141 : memref<1x256xi32, #tpu.memory_space<vmem>> -> memref<256xi32, #tpu.memory_space<vmem>>
      %dma_start3A_143 = arith.constant 0 : i32
      %dma_start3A_144 = arith.constant 0 : i32
      %dma_start3A_145 = tpu.memref_slice %arg21[%dma_start3A_143, %dma_start3A_144] : memref<10112x16xf32, #tpu.memory_space<vmem_shared>> -> memref<10112x16xf32, #tpu.memory_space<vmem_shared>>
      tpu.enqueue_indirect_dma source(%arg20 : memref<256x16xf32, #tpu.memory_space<vmem>>) target(%dma_start3A_145 : memref<10112x16xf32, #tpu.memory_space<vmem_shared>>) offsets(%dma_start3A_142 : memref<256xi32, #tpu.memory_space<vmem>>) semaphore(%arg23 : memref<!tpu.dma_semaphore, #tpu.memory_space<semaphore_mem>>) {add = true}
    }
    %while3A_45 = arith.constant 1 : i32
    scf.for %while3A_74 = %while3A_43 to %while3A_39 step %while3A_45  : i32 {
      %mul3A_75 = arith.constant 2 : i32
      %mul3A_76 = arith.muli %mul3A_75, %while3A_74 : i32
      %dma_wait3A_77 = arith.constant 0 : i32
      %dma_wait3A_78 = arith.constant 0 : i32
      %dma_wait3A_79 = tpu.memref_slice %arg9[%dma_wait3A_77, %dma_wait3A_78] : memref<48x256xi32, #tpu.memory_space<vmem>> -> memref<1x256xi32, #tpu.memory_space<vmem>>
      %dma_wait3A_80 = tpu.memref_squeeze %dma_wait3A_79 : memref<1x256xi32, #tpu.memory_space<vmem>> -> memref<256xi32, #tpu.memory_space<vmem>>
      %dma_wait3A_81 = arith.constant 0 : i32
      %dma_wait3A_82 = arith.constant 0 : i32
      %dma_wait3A_83 = tpu.memref_slice %arg2[%dma_wait3A_81, %dma_wait3A_82] : memref<10000x64xbf16, #tpu.memory_space<hbm>> -> memref<10000x64xbf16, #tpu.memory_space<hbm>>
      tpu.wait_indirect_dma semaphore(%arg16 : memref<!tpu.dma_semaphore, #tpu.memory_space<semaphore_mem>>) src(%dma_wait3A_83 : memref<10000x64xbf16, #tpu.memory_space<hbm>>) dst(%arg11 : memref<256x64xbf16, #tpu.memory_space<vmem>>)
      %gt3A = arith.constant 0 : i32
      %gt3A_84 = arith.cmpi sgt, %while3A_74, %gt3A : i32
      %convert_element_type3A = arith.extui %gt3A_84 : i1 to i32
      %cond3A = arith.constant 0 : i32
      %cond3A_85 = arith.cmpi ne, %convert_element_type3A, %cond3A : i32
      scf.if %cond3A_85 {
        %dma_wait3A_146 = arith.constant 0 : i32
        %dma_wait3A_147 = arith.constant 0 : i32
        %dma_wait3A_148 = tpu.memref_slice %arg10[%dma_wait3A_146, %dma_wait3A_147] : memref<48x256xi32, #tpu.memory_space<vmem>> -> memref<1x256xi32, #tpu.memory_space<vmem>>
        %dma_wait3A_149 = tpu.memref_squeeze %dma_wait3A_148 : memref<1x256xi32, #tpu.memory_space<vmem>> -> memref<256xi32, #tpu.memory_space<vmem>>
        %dma_wait3A_150 = arith.constant 0 : i32
        %dma_wait3A_151 = arith.constant 0 : i32
        %dma_wait3A_152 = tpu.memref_slice %arg15[%dma_wait3A_150, %dma_wait3A_151] : memref<10112x64xf32, #tpu.memory_space<vmem_shared>> -> memref<10112x64xf32, #tpu.memory_space<vmem_shared>>
        tpu.wait_indirect_dma semaphore(%arg18 : memref<!tpu.dma_semaphore, #tpu.memory_space<semaphore_mem>>) src(%arg13 : memref<256x64xf32, #tpu.memory_space<vmem>>) dst(%dma_wait3A_152 : memref<10112x64xf32, #tpu.memory_space<vmem_shared>>)
        %dma_wait3A_153 = arith.constant 0 : i32
        %dma_wait3A_154 = arith.constant 0 : i32
        %dma_wait3A_155 = tpu.memref_slice %arg10[%dma_wait3A_153, %dma_wait3A_154] : memref<48x256xi32, #tpu.memory_space<vmem>> -> memref<1x256xi32, #tpu.memory_space<vmem>>
        %dma_wait3A_156 = tpu.memref_squeeze %dma_wait3A_155 : memref<1x256xi32, #tpu.memory_space<vmem>> -> memref<256xi32, #tpu.memory_space<vmem>>
        %dma_wait3A_157 = arith.constant 0 : i32
        %dma_wait3A_158 = arith.constant 0 : i32
        %dma_wait3A_159 = tpu.memref_slice %arg21[%dma_wait3A_157, %dma_wait3A_158] : memref<10112x16xf32, #tpu.memory_space<vmem_shared>> -> memref<10112x16xf32, #tpu.memory_space<vmem_shared>>
        tpu.wait_indirect_dma semaphore(%arg22 : memref<!tpu.dma_semaphore, #tpu.memory_space<semaphore_mem>>) src(%arg20 : memref<256x16xf32, #tpu.memory_space<vmem>>) dst(%dma_wait3A_159 : memref<10112x16xf32, #tpu.memory_space<vmem_shared>>)
      } else {
      }
      %scan3A = arith.constant 0 : i32
      %scan3A_86 = arith.constant 0 : i32
      %scan3A_87 = arith.constant 64 : i32
      %scan3A_88 = arith.addi %scan3A_86, %scan3A_87 : i32
      %scan3A_89 = arith.constant 1 : i32
      scf.for %scan3A_146 = %scan3A_86 to %scan3A_88 step %scan3A_89  : i32 {
        %mul3A_147 = arith.constant 4 : i32
        %mul3A_148 = arith.muli %mul3A_147, %scan3A_146 : i32
        %add3A_149 = arith.constant 0 : i32
        %add3A_150 = arith.addi %mul3A_148, %add3A_149 : i32
        %get3A = arith.index_cast %add3A_150 : i32 to index
        %get3A_151 = arith.constant 0 : index
        %get3A_152 = tpu.vector_load %arg11[%get3A, %get3A_151] {strides = array<i32>} : memref<256x64xbf16, #tpu.memory_space<vmem>>, vector<32xbf16>,
        %bitcast3A = vector.bitcast %get3A_152 : vector<32xbf16> to vector<16xi32>
        %shift_left3A = arith.constant 16 : i32
        %shift_left3A_153 = vector.broadcast %shift_left3A : i32 to vector<16xi32>
        %shift_left3A_154 = arith.shli %bitcast3A, %shift_left3A_153 : vector<16xi32>
        %bitcast3A_155 = vector.bitcast %shift_left3A_154 : vector<16xi32> to vector<16xf32>
        %and3A_156 = arith.constant -65536 : i32
        %and3A_157 = vector.broadcast %and3A_156 : i32 to vector<16xi32>
        %and3A_158 = arith.andi %bitcast3A, %and3A_157 : vector<16xi32>
        %bitcast3A_159 = vector.bitcast %and3A_158 : vector<16xi32> to vector<16xf32>
        %swap3A = arith.index_cast %add3A_150 : i32 to index
        %swap3A_160 = arith.constant 0 : index
        %swap3A_161 = tpu.vector_load %arg13[%swap3A, %swap3A_160] {strides = array<i32>} : memref<256x64xf32, #tpu.memory_space<vmem>>, vector<16xf32>,
        tpu.vector_store %arg13[%swap3A, %swap3A_160], %bitcast3A_155 {strides = array<i32>} : memref<256x64xf32, #tpu.memory_space<vmem>>, vector<16xf32>,
        %swap3A_162 = arith.index_cast %add3A_150 : i32 to index
        %swap3A_163 = arith.constant 16 : index
        %swap3A_164 = tpu.vector_load %arg13[%swap3A_162, %swap3A_163] {strides = array<i32>} : memref<256x64xf32, #tpu.memory_space<vmem>>, vector<16xf32>,
        tpu.vector_store %arg13[%swap3A_162, %swap3A_163], %bitcast3A_159 {strides = array<i32>} : memref<256x64xf32, #tpu.memory_space<vmem>>, vector<16xf32>,
        %get3A_165 = arith.index_cast %add3A_150 : i32 to index
        %get3A_166 = arith.constant 32 : index
        %get3A_167 = tpu.vector_load %arg11[%get3A_165, %get3A_166] {strides = array<i32>} : memref<256x64xbf16, #tpu.memory_space<vmem>>, vector<32xbf16>,
        %bitcast3A_168 = vector.bitcast %get3A_167 : vector<32xbf16> to vector<16xi32>
        %shift_left3A_169 = arith.constant 16 : i32
        %shift_left3A_170 = vector.broadcast %shift_left3A_169 : i32 to vector<16xi32>
        %shift_left3A_171 = arith.shli %bitcast3A_168, %shift_left3A_170 : vector<16xi32>
        %bitcast3A_172 = vector.bitcast %shift_left3A_171 : vector<16xi32> to vector<16xf32>
        %and3A_173 = arith.constant -65536 : i32
        %and3A_174 = vector.broadcast %and3A_173 : i32 to vector<16xi32>
        %and3A_175 = arith.andi %bitcast3A_168, %and3A_174 : vector<16xi32>
        %bitcast3A_176 = vector.bitcast %and3A_175 : vector<16xi32> to vector<16xf32>
        %swap3A_177 = arith.index_cast %add3A_150 : i32 to index
        %swap3A_178 = arith.constant 32 : index
        %swap3A_179 = tpu.vector_load %arg13[%swap3A_177, %swap3A_178] {strides = array<i32>} : memref<256x64xf32, #tpu.memory_space<vmem>>, vector<16xf32>,
        tpu.vector_store %arg13[%swap3A_177, %swap3A_178], %bitcast3A_172 {strides = array<i32>} : memref<256x64xf32, #tpu.memory_space<vmem>>, vector<16xf32>,
        %swap3A_180 = arith.index_cast %add3A_150 : i32 to index
        %swap3A_181 = arith.constant 48 : index
        %swap3A_182 = tpu.vector_load %arg13[%swap3A_180, %swap3A_181] {strides = array<i32>} : memref<256x64xf32, #tpu.memory_space<vmem>>, vector<16xf32>,
        tpu.vector_store %arg13[%swap3A_180, %swap3A_181], %bitcast3A_176 {strides = array<i32>} : memref<256x64xf32, #tpu.memory_space<vmem>>, vector<16xf32>,
        %mul3A_183 = arith.constant 4 : i32
        %mul3A_184 = arith.muli %mul3A_183, %scan3A_146 : i32
        %add3A_185 = arith.constant 1 : i32
        %add3A_186 = arith.addi %mul3A_184, %add3A_185 : i32
        %get3A_187 = arith.index_cast %add3A_186 : i32 to index
        %get3A_188 = arith.constant 0 : index
        %get3A_189 = tpu.vector_load %arg11[%get3A_187, %get3A_188] {strides = array<i32>} : memref<256x64xbf16, #tpu.memory_space<vmem>>, vector<32xbf16>,
        %bitcast3A_190 = vector.bitcast %get3A_189 : vector<32xbf16> to vector<16xi32>
        %shift_left3A_191 = arith.constant 16 : i32
        %shift_left3A_192 = vector.broadcast %shift_left3A_191 : i32 to vector<16xi32>
        %shift_left3A_193 = arith.shli %bitcast3A_190, %shift_left3A_192 : vector<16xi32>
        %bitcast3A_194 = vector.bitcast %shift_left3A_193 : vector<16xi32> to vector<16xf32>
        %and3A_195 = arith.constant -65536 : i32
        %and3A_196 = vector.broadcast %and3A_195 : i32 to vector<16xi32>
        %and3A_197 = arith.andi %bitcast3A_190, %and3A_196 : vector<16xi32>
        %bitcast3A_198 = vector.bitcast %and3A_197 : vector<16xi32> to vector<16xf32>
        %swap3A_199 = arith.index_cast %add3A_186 : i32 to index
        %swap3A_200 = arith.constant 0 : index
        %swap3A_201 = tpu.vector_load %arg13[%swap3A_199, %swap3A_200] {strides = array<i32>} : memref<256x64xf32, #tpu.memory_space<vmem>>, vector<16xf32>,
        tpu.vector_store %arg13[%swap3A_199, %swap3A_200], %bitcast3A_194 {strides = array<i32>} : memref<256x64xf32, #tpu.memory_space<vmem>>, vector<16xf32>,
        %swap3A_202 = arith.index_cast %add3A_186 : i32 to index
        %swap3A_203 = arith.constant 16 : index
        %swap3A_204 = tpu.vector_load %arg13[%swap3A_202, %swap3A_203] {strides = array<i32>} : memref<256x64xf32, #tpu.memory_space<vmem>>, vector<16xf32>,
        tpu.vector_store %arg13[%swap3A_202, %swap3A_203], %bitcast3A_198 {strides = array<i32>} : memref<256x64xf32, #tpu.memory_space<vmem>>, vector<16xf32>,
        %get3A_205 = arith.index_cast %add3A_186 : i32 to index
        %get3A_206 = arith.constant 32 : index
        %get3A_207 = tpu.vector_load %arg11[%get3A_205, %get3A_206] {strides = array<i32>} : memref<256x64xbf16, #tpu.memory_space<vmem>>, vector<32xbf16>,
        %bitcast3A_208 = vector.bitcast %get3A_207 : vector<32xbf16> to vector<16xi32>
        %shift_left3A_209 = arith.constant 16 : i32
        %shift_left3A_210 = vector.broadcast %shift_left3A_209 : i32 to vector<16xi32>
        %shift_left3A_211 = arith.shli %bitcast3A_208, %shift_left3A_210 : vector<16xi32>
        %bitcast3A_212 = vector.bitcast %shift_left3A_211 : vector<16xi32> to vector<16xf32>
        %and3A_213 = arith.constant -65536 : i32
        %and3A_214 = vector.broadcast %and3A_213 : i32 to vector<16xi32>
        %and3A_215 = arith.andi %bitcast3A_208, %and3A_214 : vector<16xi32>
        %bitcast3A_216 = vector.bitcast %and3A_215 : vector<16xi32> to vector<16xf32>
        %swap3A_217 = arith.index_cast %add3A_186 : i32 to index
        %swap3A_218 = arith.constant 32 : index
        %swap3A_219 = tpu.vector_load %arg13[%swap3A_217, %swap3A_218] {strides = array<i32>} : memref<256x64xf32, #tpu.memory_space<vmem>>, vector<16xf32>,
        tpu.vector_store %arg13[%swap3A_217, %swap3A_218], %bitcast3A_212 {strides = array<i32>} : memref<256x64xf32, #tpu.memory_space<vmem>>, vector<16xf32>,
        %swap3A_220 = arith.index_cast %add3A_186 : i32 to index
        %swap3A_221 = arith.constant 48 : index
        %swap3A_222 = tpu.vector_load %arg13[%swap3A_220, %swap3A_221] {strides = array<i32>} : memref<256x64xf32, #tpu.memory_space<vmem>>, vector<16xf32>,
        tpu.vector_store %arg13[%swap3A_220, %swap3A_221], %bitcast3A_216 {strides = array<i32>} : memref<256x64xf32, #tpu.memory_space<vmem>>, vector<16xf32>,
        %mul3A_223 = arith.constant 4 : i32
        %mul3A_224 = arith.muli %mul3A_223, %scan3A_146 : i32
        %add3A_225 = arith.constant 2 : i32
        %add3A_226 = arith.addi %mul3A_224, %add3A_225 : i32
        %get3A_227 = arith.index_cast %add3A_226 : i32 to index
        %get3A_228 = arith.constant 0 : index
        %get3A_229 = tpu.vector_load %arg11[%get3A_227, %get3A_228] {strides = array<i32>} : memref<256x64xbf16, #tpu.memory_space<vmem>>, vector<32xbf16>,
        %bitcast3A_230 = vector.bitcast %get3A_229 : vector<32xbf16> to vector<16xi32>
        %shift_left3A_231 = arith.constant 16 : i32
        %shift_left3A_232 = vector.broadcast %shift_left3A_231 : i32 to vector<16xi32>
        %shift_left3A_233 = arith.shli %bitcast3A_230, %shift_left3A_232 : vector<16xi32>
        %bitcast3A_234 = vector.bitcast %shift_left3A_233 : vector<16xi32> to vector<16xf32>
        %and3A_235 = arith.constant -65536 : i32
        %and3A_236 = vector.broadcast %and3A_235 : i32 to vector<16xi32>
        %and3A_237 = arith.andi %bitcast3A_230, %and3A_236 : vector<16xi32>
        %bitcast3A_238 = vector.bitcast %and3A_237 : vector<16xi32> to vector<16xf32>
        %swap3A_239 = arith.index_cast %add3A_226 : i32 to index
        %swap3A_240 = arith.constant 0 : index
        %swap3A_241 = tpu.vector_load %arg13[%swap3A_239, %swap3A_240] {strides = array<i32>} : memref<256x64xf32, #tpu.memory_space<vmem>>, vector<16xf32>,
        tpu.vector_store %arg13[%swap3A_239, %swap3A_240], %bitcast3A_234 {strides = array<i32>} : memref<256x64xf32, #tpu.memory_space<vmem>>, vector<16xf32>,
        %swap3A_242 = arith.index_cast %add3A_226 : i32 to index
        %swap3A_243 = arith.constant 16 : index
        %swap3A_244 = tpu.vector_load %arg13[%swap3A_242, %swap3A_243] {strides = array<i32>} : memref<256x64xf32, #tpu.memory_space<vmem>>, vector<16xf32>,
        tpu.vector_store %arg13[%swap3A_242, %swap3A_243], %bitcast3A_238 {strides = array<i32>} : memref<256x64xf32, #tpu.memory_space<vmem>>, vector<16xf32>,
        %get3A_245 = arith.index_cast %add3A_226 : i32 to index
        %get3A_246 = arith.constant 32 : index
        %get3A_247 = tpu.vector_load %arg11[%get3A_245, %get3A_246] {strides = array<i32>} : memref<256x64xbf16, #tpu.memory_space<vmem>>, vector<32xbf16>,
        %bitcast3A_248 = vector.bitcast %get3A_247 : vector<32xbf16> to vector<16xi32>
        %shift_left3A_249 = arith.constant 16 : i32
        %shift_left3A_250 = vector.broadcast %shift_left3A_249 : i32 to vector<16xi32>
        %shift_left3A_251 = arith.shli %bitcast3A_248, %shift_left3A_250 : vector<16xi32>
        %bitcast3A_252 = vector.bitcast %shift_left3A_251 : vector<16xi32> to vector<16xf32>
        %and3A_253 = arith.constant -65536 : i32
        %and3A_254 = vector.broadcast %and3A_253 : i32 to vector<16xi32>
        %and3A_255 = arith.andi %bitcast3A_248, %and3A_254 : vector<16xi32>
        %bitcast3A_256 = vector.bitcast %and3A_255 : vector<16xi32> to vector<16xf32>
        %swap3A_257 = arith.index_cast %add3A_226 : i32 to index
        %swap3A_258 = arith.constant 32 : index
        %swap3A_259 = tpu.vector_load %arg13[%swap3A_257, %swap3A_258] {strides = array<i32>} : memref<256x64xf32, #tpu.memory_space<vmem>>, vector<16xf32>,
        tpu.vector_store %arg13[%swap3A_257, %swap3A_258], %bitcast3A_252 {strides = array<i32>} : memref<256x64xf32, #tpu.memory_space<vmem>>, vector<16xf32>,
        %swap3A_260 = arith.index_cast %add3A_226 : i32 to index
        %swap3A_261 = arith.constant 48 : index
        %swap3A_262 = tpu.vector_load %arg13[%swap3A_260, %swap3A_261] {strides = array<i32>} : memref<256x64xf32, #tpu.memory_space<vmem>>, vector<16xf32>,
        tpu.vector_store %arg13[%swap3A_260, %swap3A_261], %bitcast3A_256 {strides = array<i32>} : memref<256x64xf32, #tpu.memory_space<vmem>>, vector<16xf32>,
        %mul3A_263 = arith.constant 4 : i32
        %mul3A_264 = arith.muli %mul3A_263, %scan3A_146 : i32
        %add3A_265 = arith.constant 3 : i32
        %add3A_266 = arith.addi %mul3A_264, %add3A_265 : i32
        %get3A_267 = arith.index_cast %add3A_266 : i32 to index
        %get3A_268 = arith.constant 0 : index
        %get3A_269 = tpu.vector_load %arg11[%get3A_267, %get3A_268] {strides = array<i32>} : memref<256x64xbf16, #tpu.memory_space<vmem>>, vector<32xbf16>,
        %bitcast3A_270 = vector.bitcast %get3A_269 : vector<32xbf16> to vector<16xi32>
        %shift_left3A_271 = arith.constant 16 : i32
        %shift_left3A_272 = vector.broadcast %shift_left3A_271 : i32 to vector<16xi32>
        %shift_left3A_273 = arith.shli %bitcast3A_270, %shift_left3A_272 : vector<16xi32>
        %bitcast3A_274 = vector.bitcast %shift_left3A_273 : vector<16xi32> to vector<16xf32>
        %and3A_275 = arith.constant -65536 : i32
        %and3A_276 = vector.broadcast %and3A_275 : i32 to vector<16xi32>
        %and3A_277 = arith.andi %bitcast3A_270, %and3A_276 : vector<16xi32>
        %bitcast3A_278 = vector.bitcast %and3A_277 : vector<16xi32> to vector<16xf32>
        %swap3A_279 = arith.index_cast %add3A_266 : i32 to index
        %swap3A_280 = arith.constant 0 : index
        %swap3A_281 = tpu.vector_load %arg13[%swap3A_279, %swap3A_280] {strides = array<i32>} : memref<256x64xf32, #tpu.memory_space<vmem>>, vector<16xf32>,
        tpu.vector_store %arg13[%swap3A_279, %swap3A_280], %bitcast3A_274 {strides = array<i32>} : memref<256x64xf32, #tpu.memory_space<vmem>>, vector<16xf32>,
        %swap3A_282 = arith.index_cast %add3A_266 : i32 to index
        %swap3A_283 = arith.constant 16 : index
        %swap3A_284 = tpu.vector_load %arg13[%swap3A_282, %swap3A_283] {strides = array<i32>} : memref<256x64xf32, #tpu.memory_space<vmem>>, vector<16xf32>,
        tpu.vector_store %arg13[%swap3A_282, %swap3A_283], %bitcast3A_278 {strides = array<i32>} : memref<256x64xf32, #tpu.memory_space<vmem>>, vector<16xf32>,
        %get3A_285 = arith.index_cast %add3A_266 : i32 to index
        %get3A_286 = arith.constant 32 : index
        %get3A_287 = tpu.vector_load %arg11[%get3A_285, %get3A_286] {strides = array<i32>} : memref<256x64xbf16, #tpu.memory_space<vmem>>, vector<32xbf16>,
        %bitcast3A_288 = vector.bitcast %get3A_287 : vector<32xbf16> to vector<16xi32>
        %shift_left3A_289 = arith.constant 16 : i32
        %shift_left3A_290 = vector.broadcast %shift_left3A_289 : i32 to vector<16xi32>
        %shift_left3A_291 = arith.shli %bitcast3A_288, %shift_left3A_290 : vector<16xi32>
        %bitcast3A_292 = vector.bitcast %shift_left3A_291 : vector<16xi32> to vector<16xf32>
        %and3A_293 = arith.constant -65536 : i32
        %and3A_294 = vector.broadcast %and3A_293 : i32 to vector<16xi32>
        %and3A_295 = arith.andi %bitcast3A_288, %and3A_294 : vector<16xi32>
        %bitcast3A_296 = vector.bitcast %and3A_295 : vector<16xi32> to vector<16xf32>
        %swap3A_297 = arith.index_cast %add3A_266 : i32 to index
        %swap3A_298 = arith.constant 32 : index
        %swap3A_299 = tpu.vector_load %arg13[%swap3A_297, %swap3A_298] {strides = array<i32>} : memref<256x64xf32, #tpu.memory_space<vmem>>, vector<16xf32>,
        tpu.vector_store %arg13[%swap3A_297, %swap3A_298], %bitcast3A_292 {strides = array<i32>} : memref<256x64xf32, #tpu.memory_space<vmem>>, vector<16xf32>,
        %swap3A_300 = arith.index_cast %add3A_266 : i32 to index
        %swap3A_301 = arith.constant 48 : index
        %swap3A_302 = tpu.vector_load %arg13[%swap3A_300, %swap3A_301] {strides = array<i32>} : memref<256x64xf32, #tpu.memory_space<vmem>>, vector<16xf32>,
        tpu.vector_store %arg13[%swap3A_300, %swap3A_301], %bitcast3A_296 {strides = array<i32>} : memref<256x64xf32, #tpu.memory_space<vmem>>, vector<16xf32>,
      }
      %scan3A_90 = arith.constant 64 : i32
      %add3A_91 = arith.constant 2 : i32
      %add3A_92 = arith.addi %mul3A_76, %add3A_91 : i32
      %lt3A = arith.cmpi slt, %add3A_92, %select_n3A : i32
      %convert_element_type3A_93 = arith.extui %lt3A : i1 to i32
      %cond3A_94 = arith.constant 0 : i32
      %cond3A_95 = arith.cmpi ne, %convert_element_type3A_93, %cond3A_94 : i32
      scf.if %cond3A_95 {
        %add3A_146 = arith.constant 2 : i32
        %add3A_147 = arith.addi %mul3A_76, %add3A_146 : i32
        %dma_start3A_148 = arith.constant 0 : i32
        %dma_start3A_149 = tpu.memref_slice %arg9[%add3A_147, %dma_start3A_148] : memref<48x256xi32, #tpu.memory_space<vmem>> -> memref<1x256xi32, #tpu.memory_space<vmem>>
        %dma_start3A_150 = tpu.memref_squeeze %dma_start3A_149 : memref<1x256xi32, #tpu.memory_space<vmem>> -> memref<256xi32, #tpu.memory_space<vmem>>
        %dma_start3A_151 = arith.constant 0 : i32
        %dma_start3A_152 = arith.constant 0 : i32
        %dma_start3A_153 = tpu.memref_slice %arg2[%dma_start3A_151, %dma_start3A_152] : memref<10000x64xbf16, #tpu.memory_space<hbm>> -> memref<10000x64xbf16, #tpu.memory_space<hbm>>
        tpu.enqueue_indirect_dma source(%dma_start3A_153 : memref<10000x64xbf16, #tpu.memory_space<hbm>>) target(%arg11 : memref<256x64xbf16, #tpu.memory_space<vmem>>) offsets(%dma_start3A_150 : memref<256xi32, #tpu.memory_space<vmem>>) semaphore(%arg16 : memref<!tpu.dma_semaphore, #tpu.memory_space<semaphore_mem>>)
      } else {
      }
      %dma_start3A_96 = arith.constant 0 : i32
      %dma_start3A_97 = tpu.memref_slice %arg10[%mul3A_76, %dma_start3A_96] : memref<48x256xi32, #tpu.memory_space<vmem>> -> memref<1x256xi32, #tpu.memory_space<vmem>>
      %dma_start3A_98 = tpu.memref_squeeze %dma_start3A_97 : memref<1x256xi32, #tpu.memory_space<vmem>> -> memref<256xi32, #tpu.memory_space<vmem>>
      %dma_start3A_99 = arith.constant 0 : i32
      %dma_start3A_100 = arith.constant 0 : i32
      %dma_start3A_101 = tpu.memref_slice %arg15[%dma_start3A_99, %dma_start3A_100] : memref<10112x64xf32, #tpu.memory_space<vmem_shared>> -> memref<10112x64xf32, #tpu.memory_space<vmem_shared>>
      tpu.enqueue_indirect_dma source(%arg13 : memref<256x64xf32, #tpu.memory_space<vmem>>) target(%dma_start3A_101 : memref<10112x64xf32, #tpu.memory_space<vmem_shared>>) offsets(%dma_start3A_98 : memref<256xi32, #tpu.memory_space<vmem>>) semaphore(%arg18 : memref<!tpu.dma_semaphore, #tpu.memory_space<semaphore_mem>>) {add = true}
      %dma_start3A_102 = arith.constant 0 : i32
      %dma_start3A_103 = tpu.memref_slice %arg10[%mul3A_76, %dma_start3A_102] : memref<48x256xi32, #tpu.memory_space<vmem>> -> memref<1x256xi32, #tpu.memory_space<vmem>>
      %dma_start3A_104 = tpu.memref_squeeze %dma_start3A_103 : memref<1x256xi32, #tpu.memory_space<vmem>> -> memref<256xi32, #tpu.memory_space<vmem>>
      %dma_start3A_105 = arith.constant 0 : i32
      %dma_start3A_106 = arith.constant 0 : i32
      %dma_start3A_107 = tpu.memref_slice %arg21[%dma_start3A_105, %dma_start3A_106] : memref<10112x16xf32, #tpu.memory_space<vmem_shared>> -> memref<10112x16xf32, #tpu.memory_space<vmem_shared>>
      tpu.enqueue_indirect_dma source(%arg20 : memref<256x16xf32, #tpu.memory_space<vmem>>) target(%dma_start3A_107 : memref<10112x16xf32, #tpu.memory_space<vmem_shared>>) offsets(%dma_start3A_104 : memref<256xi32, #tpu.memory_space<vmem>>) semaphore(%arg22 : memref<!tpu.dma_semaphore, #tpu.memory_space<semaphore_mem>>) {add = true}
      %dma_wait3A_108 = arith.constant 0 : i32
      %dma_wait3A_109 = arith.constant 0 : i32
      %dma_wait3A_110 = tpu.memref_slice %arg9[%dma_wait3A_108, %dma_wait3A_109] : memref<48x256xi32, #tpu.memory_space<vmem>> -> memref<1x256xi32, #tpu.memory_space<vmem>>
      %dma_wait3A_111 = tpu.memref_squeeze %dma_wait3A_110 : memref<1x256xi32, #tpu.memory_space<vmem>> -> memref<256xi32, #tpu.memory_space<vmem>>
      %dma_wait3A_112 = arith.constant 0 : i32
      %dma_wait3A_113 = arith.constant 0 : i32
      %dma_wait3A_114 = tpu.memref_slice %arg2[%dma_wait3A_112, %dma_wait3A_113] : memref<10000x64xbf16, #tpu.memory_space<hbm>> -> memref<10000x64xbf16, #tpu.memory_space<hbm>>
      tpu.wait_indirect_dma semaphore(%arg17 : memref<!tpu.dma_semaphore, #tpu.memory_space<semaphore_mem>>) src(%dma_wait3A_114 : memref<10000x64xbf16, #tpu.memory_space<hbm>>) dst(%arg12 : memref<256x64xbf16, #tpu.memory_space<vmem>>)
      %gt3A_115 = arith.constant 0 : i32
      %gt3A_116 = arith.cmpi sgt, %while3A_74, %gt3A_115 : i32
      %convert_element_type3A_117 = arith.extui %gt3A_116 : i1 to i32
      %cond3A_118 = arith.constant 0 : i32
      %cond3A_119 = arith.cmpi ne, %convert_element_type3A_117, %cond3A_118 : i32
      scf.if %cond3A_119 {
        %dma_wait3A_146 = arith.constant 0 : i32
        %dma_wait3A_147 = arith.constant 0 : i32
        %dma_wait3A_148 = tpu.memref_slice %arg10[%dma_wait3A_146, %dma_wait3A_147] : memref<48x256xi32, #tpu.memory_space<vmem>> -> memref<1x256xi32, #tpu.memory_space<vmem>>
        %dma_wait3A_149 = tpu.memref_squeeze %dma_wait3A_148 : memref<1x256xi32, #tpu.memory_space<vmem>> -> memref<256xi32, #tpu.memory_space<vmem>>
        %dma_wait3A_150 = arith.constant 0 : i32
        %dma_wait3A_151 = arith.constant 0 : i32
        %dma_wait3A_152 = tpu.memref_slice %arg15[%dma_wait3A_150, %dma_wait3A_151] : memref<10112x64xf32, #tpu.memory_space<vmem_shared>> -> memref<10112x64xf32, #tpu.memory_space<vmem_shared>>
        tpu.wait_indirect_dma semaphore(%arg19 : memref<!tpu.dma_semaphore, #tpu.memory_space<semaphore_mem>>) src(%arg14 : memref<256x64xf32, #tpu.memory_space<vmem>>) dst(%dma_wait3A_152 : memref<10112x64xf32, #tpu.memory_space<vmem_shared>>)
        %dma_wait3A_153 = arith.constant 0 : i32
        %dma_wait3A_154 = arith.constant 0 : i32
        %dma_wait3A_155 = tpu.memref_slice %arg10[%dma_wait3A_153, %dma_wait3A_154] : memref<48x256xi32, #tpu.memory_space<vmem>> -> memref<1x256xi32, #tpu.memory_space<vmem>>
        %dma_wait3A_156 = tpu.memref_squeeze %dma_wait3A_155 : memref<1x256xi32, #tpu.memory_space<vmem>> -> memref<256xi32, #tpu.memory_space<vmem>>
        %dma_wait3A_157 = arith.constant 0 : i32
        %dma_wait3A_158 = arith.constant 0 : i32
        %dma_wait3A_159 = tpu.memref_slice %arg21[%dma_wait3A_157, %dma_wait3A_158] : memref<10112x16xf32, #tpu.memory_space<vmem_shared>> -> memref<10112x16xf32, #tpu.memory_space<vmem_shared>>
        tpu.wait_indirect_dma semaphore(%arg23 : memref<!tpu.dma_semaphore, #tpu.memory_space<semaphore_mem>>) src(%arg20 : memref<256x16xf32, #tpu.memory_space<vmem>>) dst(%dma_wait3A_159 : memref<10112x16xf32, #tpu.memory_space<vmem_shared>>)
      } else {
      }
      %scan3A_120 = arith.constant 0 : i32
      %scan3A_121 = arith.constant 0 : i32
      %scan3A_122 = arith.constant 64 : i32
      %scan3A_123 = arith.addi %scan3A_121, %scan3A_122 : i32
      %scan3A_124 = arith.constant 1 : i32
      scf.for %scan3A_146 = %scan3A_121 to %scan3A_123 step %scan3A_124  : i32 {
        %mul3A_147 = arith.constant 4 : i32
        %mul3A_148 = arith.muli %mul3A_147, %scan3A_146 : i32
        %add3A_149 = arith.constant 0 : i32
        %add3A_150 = arith.addi %mul3A_148, %add3A_149 : i32
        %get3A = arith.index_cast %add3A_150 : i32 to index
        %get3A_151 = arith.constant 0 : index
        %get3A_152 = tpu.vector_load %arg12[%get3A, %get3A_151] {strides = array<i32>} : memref<256x64xbf16, #tpu.memory_space<vmem>>, vector<32xbf16>,
        %bitcast3A = vector.bitcast %get3A_152 : vector<32xbf16> to vector<16xi32>
        %shift_left3A = arith.constant 16 : i32
        %shift_left3A_153 = vector.broadcast %shift_left3A : i32 to vector<16xi32>
        %shift_left3A_154 = arith.shli %bitcast3A, %shift_left3A_153 : vector<16xi32>
        %bitcast3A_155 = vector.bitcast %shift_left3A_154 : vector<16xi32> to vector<16xf32>
        %and3A_156 = arith.constant -65536 : i32
        %and3A_157 = vector.broadcast %and3A_156 : i32 to vector<16xi32>
        %and3A_158 = arith.andi %bitcast3A, %and3A_157 : vector<16xi32>
        %bitcast3A_159 = vector.bitcast %and3A_158 : vector<16xi32> to vector<16xf32>
        %swap3A = arith.index_cast %add3A_150 : i32 to index
        %swap3A_160 = arith.constant 0 : index
        %swap3A_161 = tpu.vector_load %arg14[%swap3A, %swap3A_160] {strides = array<i32>} : memref<256x64xf32, #tpu.memory_space<vmem>>, vector<16xf32>,
        tpu.vector_store %arg14[%swap3A, %swap3A_160], %bitcast3A_155 {strides = array<i32>} : memref<256x64xf32, #tpu.memory_space<vmem>>, vector<16xf32>,
        %swap3A_162 = arith.index_cast %add3A_150 : i32 to index
        %swap3A_163 = arith.constant 16 : index
        %swap3A_164 = tpu.vector_load %arg14[%swap3A_162, %swap3A_163] {strides = array<i32>} : memref<256x64xf32, #tpu.memory_space<vmem>>, vector<16xf32>,
        tpu.vector_store %arg14[%swap3A_162, %swap3A_163], %bitcast3A_159 {strides = array<i32>} : memref<256x64xf32, #tpu.memory_space<vmem>>, vector<16xf32>,
        %get3A_165 = arith.index_cast %add3A_150 : i32 to index
        %get3A_166 = arith.constant 32 : index
        %get3A_167 = tpu.vector_load %arg12[%get3A_165, %get3A_166] {strides = array<i32>} : memref<256x64xbf16, #tpu.memory_space<vmem>>, vector<32xbf16>,
        %bitcast3A_168 = vector.bitcast %get3A_167 : vector<32xbf16> to vector<16xi32>
        %shift_left3A_169 = arith.constant 16 : i32
        %shift_left3A_170 = vector.broadcast %shift_left3A_169 : i32 to vector<16xi32>
        %shift_left3A_171 = arith.shli %bitcast3A_168, %shift_left3A_170 : vector<16xi32>
        %bitcast3A_172 = vector.bitcast %shift_left3A_171 : vector<16xi32> to vector<16xf32>
        %and3A_173 = arith.constant -65536 : i32
        %and3A_174 = vector.broadcast %and3A_173 : i32 to vector<16xi32>
        %and3A_175 = arith.andi %bitcast3A_168, %and3A_174 : vector<16xi32>
        %bitcast3A_176 = vector.bitcast %and3A_175 : vector<16xi32> to vector<16xf32>
        %swap3A_177 = arith.index_cast %add3A_150 : i32 to index
        %swap3A_178 = arith.constant 32 : index
        %swap3A_179 = tpu.vector_load %arg14[%swap3A_177, %swap3A_178] {strides = array<i32>} : memref<256x64xf32, #tpu.memory_space<vmem>>, vector<16xf32>,
        tpu.vector_store %arg14[%swap3A_177, %swap3A_178], %bitcast3A_172 {strides = array<i32>} : memref<256x64xf32, #tpu.memory_space<vmem>>, vector<16xf32>,
        %swap3A_180 = arith.index_cast %add3A_150 : i32 to index
        %swap3A_181 = arith.constant 48 : index
        %swap3A_182 = tpu.vector_load %arg14[%swap3A_180, %swap3A_181] {strides = array<i32>} : memref<256x64xf32, #tpu.memory_space<vmem>>, vector<16xf32>,
        tpu.vector_store %arg14[%swap3A_180, %swap3A_181], %bitcast3A_176 {strides = array<i32>} : memref<256x64xf32, #tpu.memory_space<vmem>>, vector<16xf32>,
        %mul3A_183 = arith.constant 4 : i32
        %mul3A_184 = arith.muli %mul3A_183, %scan3A_146 : i32
        %add3A_185 = arith.constant 1 : i32
        %add3A_186 = arith.addi %mul3A_184, %add3A_185 : i32
        %get3A_187 = arith.index_cast %add3A_186 : i32 to index
        %get3A_188 = arith.constant 0 : index
        %get3A_189 = tpu.vector_load %arg12[%get3A_187, %get3A_188] {strides = array<i32>} : memref<256x64xbf16, #tpu.memory_space<vmem>>, vector<32xbf16>,
        %bitcast3A_190 = vector.bitcast %get3A_189 : vector<32xbf16> to vector<16xi32>
        %shift_left3A_191 = arith.constant 16 : i32
        %shift_left3A_192 = vector.broadcast %shift_left3A_191 : i32 to vector<16xi32>
        %shift_left3A_193 = arith.shli %bitcast3A_190, %shift_left3A_192 : vector<16xi32>
        %bitcast3A_194 = vector.bitcast %shift_left3A_193 : vector<16xi32> to vector<16xf32>
        %and3A_195 = arith.constant -65536 : i32
        %and3A_196 = vector.broadcast %and3A_195 : i32 to vector<16xi32>
        %and3A_197 = arith.andi %bitcast3A_190, %and3A_196 : vector<16xi32>
        %bitcast3A_198 = vector.bitcast %and3A_197 : vector<16xi32> to vector<16xf32>
        %swap3A_199 = arith.index_cast %add3A_186 : i32 to index
        %swap3A_200 = arith.constant 0 : index
        %swap3A_201 = tpu.vector_load %arg14[%swap3A_199, %swap3A_200] {strides = array<i32>} : memref<256x64xf32, #tpu.memory_space<vmem>>, vector<16xf32>,
        tpu.vector_store %arg14[%swap3A_199, %swap3A_200], %bitcast3A_194 {strides = array<i32>} : memref<256x64xf32, #tpu.memory_space<vmem>>, vector<16xf32>,
        %swap3A_202 = arith.index_cast %add3A_186 : i32 to index
        %swap3A_203 = arith.constant 16 : index
        %swap3A_204 = tpu.vector_load %arg14[%swap3A_202, %swap3A_203] {strides = array<i32>} : memref<256x64xf32, #tpu.memory_space<vmem>>, vector<16xf32>,
        tpu.vector_store %arg14[%swap3A_202, %swap3A_203], %bitcast3A_198 {strides = array<i32>} : memref<256x64xf32, #tpu.memory_space<vmem>>, vector<16xf32>,
        %get3A_205 = arith.index_cast %add3A_186 : i32 to index
        %get3A_206 = arith.constant 32 : index
        %get3A_207 = tpu.vector_load %arg12[%get3A_205, %get3A_206] {strides = array<i32>} : memref<256x64xbf16, #tpu.memory_space<vmem>>, vector<32xbf16>,
        %bitcast3A_208 = vector.bitcast %get3A_207 : vector<32xbf16> to vector<16xi32>
        %shift_left3A_209 = arith.constant 16 : i32
        %shift_left3A_210 = vector.broadcast %shift_left3A_209 : i32 to vector<16xi32>
        %shift_left3A_211 = arith.shli %bitcast3A_208, %shift_left3A_210 : vector<16xi32>
        %bitcast3A_212 = vector.bitcast %shift_left3A_211 : vector<16xi32> to vector<16xf32>
        %and3A_213 = arith.constant -65536 : i32
        %and3A_214 = vector.broadcast %and3A_213 : i32 to vector<16xi32>
        %and3A_215 = arith.andi %bitcast3A_208, %and3A_214 : vector<16xi32>
        %bitcast3A_216 = vector.bitcast %and3A_215 : vector<16xi32> to vector<16xf32>
        %swap3A_217 = arith.index_cast %add3A_186 : i32 to index
        %swap3A_218 = arith.constant 32 : index
        %swap3A_219 = tpu.vector_load %arg14[%swap3A_217, %swap3A_218] {strides = array<i32>} : memref<256x64xf32, #tpu.memory_space<vmem>>, vector<16xf32>,
        tpu.vector_store %arg14[%swap3A_217, %swap3A_218], %bitcast3A_212 {strides = array<i32>} : memref<256x64xf32, #tpu.memory_space<vmem>>, vector<16xf32>,
        %swap3A_220 = arith.index_cast %add3A_186 : i32 to index
        %swap3A_221 = arith.constant 48 : index
        %swap3A_222 = tpu.vector_load %arg14[%swap3A_220, %swap3A_221] {strides = array<i32>} : memref<256x64xf32, #tpu.memory_space<vmem>>, vector<16xf32>,
        tpu.vector_store %arg14[%swap3A_220, %swap3A_221], %bitcast3A_216 {strides = array<i32>} : memref<256x64xf32, #tpu.memory_space<vmem>>, vector<16xf32>,
        %mul3A_223 = arith.constant 4 : i32
        %mul3A_224 = arith.muli %mul3A_223, %scan3A_146 : i32
        %add3A_225 = arith.constant 2 : i32
        %add3A_226 = arith.addi %mul3A_224, %add3A_225 : i32
        %get3A_227 = arith.index_cast %add3A_226 : i32 to index
        %get3A_228 = arith.constant 0 : index
        %get3A_229 = tpu.vector_load %arg12[%get3A_227, %get3A_228] {strides = array<i32>} : memref<256x64xbf16, #tpu.memory_space<vmem>>, vector<32xbf16>,
        %bitcast3A_230 = vector.bitcast %get3A_229 : vector<32xbf16> to vector<16xi32>
        %shift_left3A_231 = arith.constant 16 : i32
        %shift_left3A_232 = vector.broadcast %shift_left3A_231 : i32 to vector<16xi32>
        %shift_left3A_233 = arith.shli %bitcast3A_230, %shift_left3A_232 : vector<16xi32>
        %bitcast3A_234 = vector.bitcast %shift_left3A_233 : vector<16xi32> to vector<16xf32>
        %and3A_235 = arith.constant -65536 : i32
        %and3A_236 = vector.broadcast %and3A_235 : i32 to vector<16xi32>
        %and3A_237 = arith.andi %bitcast3A_230, %and3A_236 : vector<16xi32>
        %bitcast3A_238 = vector.bitcast %and3A_237 : vector<16xi32> to vector<16xf32>
        %swap3A_239 = arith.index_cast %add3A_226 : i32 to index
        %swap3A_240 = arith.constant 0 : index
        %swap3A_241 = tpu.vector_load %arg14[%swap3A_239, %swap3A_240] {strides = array<i32>} : memref<256x64xf32, #tpu.memory_space<vmem>>, vector<16xf32>,
        tpu.vector_store %arg14[%swap3A_239, %swap3A_240], %bitcast3A_234 {strides = array<i32>} : memref<256x64xf32, #tpu.memory_space<vmem>>, vector<16xf32>,
        %swap3A_242 = arith.index_cast %add3A_226 : i32 to index
        %swap3A_243 = arith.constant 16 : index
        %swap3A_244 = tpu.vector_load %arg14[%swap3A_242, %swap3A_243] {strides = array<i32>} : memref<256x64xf32, #tpu.memory_space<vmem>>, vector<16xf32>,
        tpu.vector_store %arg14[%swap3A_242, %swap3A_243], %bitcast3A_238 {strides = array<i32>} : memref<256x64xf32, #tpu.memory_space<vmem>>, vector<16xf32>,
        %get3A_245 = arith.index_cast %add3A_226 : i32 to index
        %get3A_246 = arith.constant 32 : index
        %get3A_247 = tpu.vector_load %arg12[%get3A_245, %get3A_246] {strides = array<i32>} : memref<256x64xbf16, #tpu.memory_space<vmem>>, vector<32xbf16>,
        %bitcast3A_248 = vector.bitcast %get3A_247 : vector<32xbf16> to vector<16xi32>
        %shift_left3A_249 = arith.constant 16 : i32
        %shift_left3A_250 = vector.broadcast %shift_left3A_249 : i32 to vector<16xi32>
        %shift_left3A_251 = arith.shli %bitcast3A_248, %shift_left3A_250 : vector<16xi32>
        %bitcast3A_252 = vector.bitcast %shift_left3A_251 : vector<16xi32> to vector<16xf32>
        %and3A_253 = arith.constant -65536 : i32
        %and3A_254 = vector.broadcast %and3A_253 : i32 to vector<16xi32>
        %and3A_255 = arith.andi %bitcast3A_248, %and3A_254 : vector<16xi32>
        %bitcast3A_256 = vector.bitcast %and3A_255 : vector<16xi32> to vector<16xf32>
        %swap3A_257 = arith.index_cast %add3A_226 : i32 to index
        %swap3A_258 = arith.constant 32 : index
        %swap3A_259 = tpu.vector_load %arg14[%swap3A_257, %swap3A_258] {strides = array<i32>} : memref<256x64xf32, #tpu.memory_space<vmem>>, vector<16xf32>,
        tpu.vector_store %arg14[%swap3A_257, %swap3A_258], %bitcast3A_252 {strides = array<i32>} : memref<256x64xf32, #tpu.memory_space<vmem>>, vector<16xf32>,
        %swap3A_260 = arith.index_cast %add3A_226 : i32 to index
        %swap3A_261 = arith.constant 48 : index
        %swap3A_262 = tpu.vector_load %arg14[%swap3A_260, %swap3A_261] {strides = array<i32>} : memref<256x64xf32, #tpu.memory_space<vmem>>, vector<16xf32>,
        tpu.vector_store %arg14[%swap3A_260, %swap3A_261], %bitcast3A_256 {strides = array<i32>} : memref<256x64xf32, #tpu.memory_space<vmem>>, vector<16xf32>,
        %mul3A_263 = arith.constant 4 : i32
        %mul3A_264 = arith.muli %mul3A_263, %scan3A_146 : i32
        %add3A_265 = arith.constant 3 : i32
        %add3A_266 = arith.addi %mul3A_264, %add3A_265 : i32
        %get3A_267 = arith.index_cast %add3A_266 : i32 to index
        %get3A_268 = arith.constant 0 : index
        %get3A_269 = tpu.vector_load %arg12[%get3A_267, %get3A_268] {strides = array<i32>} : memref<256x64xbf16, #tpu.memory_space<vmem>>, vector<32xbf16>,
        %bitcast3A_270 = vector.bitcast %get3A_269 : vector<32xbf16> to vector<16xi32>
        %shift_left3A_271 = arith.constant 16 : i32
        %shift_left3A_272 = vector.broadcast %shift_left3A_271 : i32 to vector<16xi32>
        %shift_left3A_273 = arith.shli %bitcast3A_270, %shift_left3A_272 : vector<16xi32>
        %bitcast3A_274 = vector.bitcast %shift_left3A_273 : vector<16xi32> to vector<16xf32>
        %and3A_275 = arith.constant -65536 : i32
        %and3A_276 = vector.broadcast %and3A_275 : i32 to vector<16xi32>
        %and3A_277 = arith.andi %bitcast3A_270, %and3A_276 : vector<16xi32>
        %bitcast3A_278 = vector.bitcast %and3A_277 : vector<16xi32> to vector<16xf32>
        %swap3A_279 = arith.index_cast %add3A_266 : i32 to index
        %swap3A_280 = arith.constant 0 : index
        %swap3A_281 = tpu.vector_load %arg14[%swap3A_279, %swap3A_280] {strides = array<i32>} : memref<256x64xf32, #tpu.memory_space<vmem>>, vector<16xf32>,
        tpu.vector_store %arg14[%swap3A_279, %swap3A_280], %bitcast3A_274 {strides = array<i32>} : memref<256x64xf32, #tpu.memory_space<vmem>>, vector<16xf32>,
        %swap3A_282 = arith.index_cast %add3A_266 : i32 to index
        %swap3A_283 = arith.constant 16 : index
        %swap3A_284 = tpu.vector_load %arg14[%swap3A_282, %swap3A_283] {strides = array<i32>} : memref<256x64xf32, #tpu.memory_space<vmem>>, vector<16xf32>,
        tpu.vector_store %arg14[%swap3A_282, %swap3A_283], %bitcast3A_278 {strides = array<i32>} : memref<256x64xf32, #tpu.memory_space<vmem>>, vector<16xf32>,
        %get3A_285 = arith.index_cast %add3A_266 : i32 to index
        %get3A_286 = arith.constant 32 : index
        %get3A_287 = tpu.vector_load %arg12[%get3A_285, %get3A_286] {strides = array<i32>} : memref<256x64xbf16, #tpu.memory_space<vmem>>, vector<32xbf16>,
        %bitcast3A_288 = vector.bitcast %get3A_287 : vector<32xbf16> to vector<16xi32>
        %shift_left3A_289 = arith.constant 16 : i32
        %shift_left3A_290 = vector.broadcast %shift_left3A_289 : i32 to vector<16xi32>
        %shift_left3A_291 = arith.shli %bitcast3A_288, %shift_left3A_290 : vector<16xi32>
        %bitcast3A_292 = vector.bitcast %shift_left3A_291 : vector<16xi32> to vector<16xf32>
        %and3A_293 = arith.constant -65536 : i32
        %and3A_294 = vector.broadcast %and3A_293 : i32 to vector<16xi32>
        %and3A_295 = arith.andi %bitcast3A_288, %and3A_294 : vector<16xi32>
        %bitcast3A_296 = vector.bitcast %and3A_295 : vector<16xi32> to vector<16xf32>
        %swap3A_297 = arith.index_cast %add3A_266 : i32 to index
        %swap3A_298 = arith.constant 32 : index
        %swap3A_299 = tpu.vector_load %arg14[%swap3A_297, %swap3A_298] {strides = array<i32>} : memref<256x64xf32, #tpu.memory_space<vmem>>, vector<16xf32>,
        tpu.vector_store %arg14[%swap3A_297, %swap3A_298], %bitcast3A_292 {strides = array<i32>} : memref<256x64xf32, #tpu.memory_space<vmem>>, vector<16xf32>,
        %swap3A_300 = arith.index_cast %add3A_266 : i32 to index
        %swap3A_301 = arith.constant 48 : index
        %swap3A_302 = tpu.vector_load %arg14[%swap3A_300, %swap3A_301] {strides = array<i32>} : memref<256x64xf32, #tpu.memory_space<vmem>>, vector<16xf32>,
        tpu.vector_store %arg14[%swap3A_300, %swap3A_301], %bitcast3A_296 {strides = array<i32>} : memref<256x64xf32, #tpu.memory_space<vmem>>, vector<16xf32>,
      }
      %scan3A_125 = arith.constant 64 : i32
      %add3A_126 = arith.constant 3 : i32
      %add3A_127 = arith.addi %mul3A_76, %add3A_126 : i32
      %lt3A_128 = arith.cmpi slt, %add3A_127, %select_n3A : i32
      %convert_element_type3A_129 = arith.extui %lt3A_128 : i1 to i32
      %cond3A_130 = arith.constant 0 : i32
      %cond3A_131 = arith.cmpi ne, %convert_element_type3A_129, %cond3A_130 : i32
      scf.if %cond3A_131 {
        %add3A_146 = arith.constant 3 : i32
        %add3A_147 = arith.addi %mul3A_76, %add3A_146 : i32
        %dma_start3A_148 = arith.constant 0 : i32
        %dma_start3A_149 = tpu.memref_slice %arg9[%add3A_147, %dma_start3A_148] : memref<48x256xi32, #tpu.memory_space<vmem>> -> memref<1x256xi32, #tpu.memory_space<vmem>>
        %dma_start3A_150 = tpu.memref_squeeze %dma_start3A_149 : memref<1x256xi32, #tpu.memory_space<vmem>> -> memref<256xi32, #tpu.memory_space<vmem>>
        %dma_start3A_151 = arith.constant 0 : i32
        %dma_start3A_152 = arith.constant 0 : i32
        %dma_start3A_153 = tpu.memref_slice %arg2[%dma_start3A_151, %dma_start3A_152] : memref<10000x64xbf16, #tpu.memory_space<hbm>> -> memref<10000x64xbf16, #tpu.memory_space<hbm>>
        tpu.enqueue_indirect_dma source(%dma_start3A_153 : memref<10000x64xbf16, #tpu.memory_space<hbm>>) target(%arg12 : memref<256x64xbf16, #tpu.memory_space<vmem>>) offsets(%dma_start3A_150 : memref<256xi32, #tpu.memory_space<vmem>>) semaphore(%arg17 : memref<!tpu.dma_semaphore, #tpu.memory_space<semaphore_mem>>)
      } else {
      }
      %add3A_132 = arith.constant 1 : i32
      %add3A_133 = arith.addi %mul3A_76, %add3A_132 : i32
      %dma_start3A_134 = arith.constant 0 : i32
      %dma_start3A_135 = tpu.memref_slice %arg10[%add3A_133, %dma_start3A_134] : memref<48x256xi32, #tpu.memory_space<vmem>> -> memref<1x256xi32, #tpu.memory_space<vmem>>
      %dma_start3A_136 = tpu.memref_squeeze %dma_start3A_135 : memref<1x256xi32, #tpu.memory_space<vmem>> -> memref<256xi32, #tpu.memory_space<vmem>>
      %dma_start3A_137 = arith.constant 0 : i32
      %dma_start3A_138 = arith.constant 0 : i32
      %dma_start3A_139 = tpu.memref_slice %arg15[%dma_start3A_137, %dma_start3A_138] : memref<10112x64xf32, #tpu.memory_space<vmem_shared>> -> memref<10112x64xf32, #tpu.memory_space<vmem_shared>>
      tpu.enqueue_indirect_dma source(%arg14 : memref<256x64xf32, #tpu.memory_space<vmem>>) target(%dma_start3A_139 : memref<10112x64xf32, #tpu.memory_space<vmem_shared>>) offsets(%dma_start3A_136 : memref<256xi32, #tpu.memory_space<vmem>>) semaphore(%arg19 : memref<!tpu.dma_semaphore, #tpu.memory_space<semaphore_mem>>) {add = true}
      %dma_start3A_140 = arith.constant 0 : i32
      %dma_start3A_141 = tpu.memref_slice %arg10[%add3A_133, %dma_start3A_140] : memref<48x256xi32, #tpu.memory_space<vmem>> -> memref<1x256xi32, #tpu.memory_space<vmem>>
      %dma_start3A_142 = tpu.memref_squeeze %dma_start3A_141 : memref<1x256xi32, #tpu.memory_space<vmem>> -> memref<256xi32, #tpu.memory_space<vmem>>
      %dma_start3A_143 = arith.constant 0 : i32
      %dma_start3A_144 = arith.constant 0 : i32
      %dma_start3A_145 = tpu.memref_slice %arg21[%dma_start3A_143, %dma_start3A_144] : memref<10112x16xf32, #tpu.memory_space<vmem_shared>> -> memref<10112x16xf32, #tpu.memory_space<vmem_shared>>
      tpu.enqueue_indirect_dma source(%arg20 : memref<256x16xf32, #tpu.memory_space<vmem>>) target(%dma_start3A_145 : memref<10112x16xf32, #tpu.memory_space<vmem_shared>>) offsets(%dma_start3A_142 : memref<256xi32, #tpu.memory_space<vmem>>) semaphore(%arg23 : memref<!tpu.dma_semaphore, #tpu.memory_space<semaphore_mem>>) {add = true}
    }
    %dma_wait3A = arith.constant 0 : i32
    %dma_wait3A_46 = arith.constant 0 : i32
    %dma_wait3A_47 = tpu.memref_slice %arg10[%dma_wait3A, %dma_wait3A_46] : memref<48x256xi32, #tpu.memory_space<vmem>> -> memref<1x256xi32, #tpu.memory_space<vmem>>
    %dma_wait3A_48 = tpu.memref_squeeze %dma_wait3A_47 : memref<1x256xi32, #tpu.memory_space<vmem>> -> memref<256xi32, #tpu.memory_space<vmem>>
    %dma_wait3A_49 = arith.constant 0 : i32
    %dma_wait3A_50 = arith.constant 0 : i32
    %dma_wait3A_51 = tpu.memref_slice %arg15[%dma_wait3A_49, %dma_wait3A_50] : memref<10112x64xf32, #tpu.memory_space<vmem_shared>> -> memref<10112x64xf32, #tpu.memory_space<vmem_shared>>
    tpu.wait_indirect_dma semaphore(%arg18 : memref<!tpu.dma_semaphore, #tpu.memory_space<semaphore_mem>>) src(%arg13 : memref<256x64xf32, #tpu.memory_space<vmem>>) dst(%dma_wait3A_51 : memref<10112x64xf32, #tpu.memory_space<vmem_shared>>)
    %dma_wait3A_52 = arith.constant 0 : i32
    %dma_wait3A_53 = arith.constant 0 : i32
    %dma_wait3A_54 = tpu.memref_slice %arg10[%dma_wait3A_52, %dma_wait3A_53] : memref<48x256xi32, #tpu.memory_space<vmem>> -> memref<1x256xi32, #tpu.memory_space<vmem>>
    %dma_wait3A_55 = tpu.memref_squeeze %dma_wait3A_54 : memref<1x256xi32, #tpu.memory_space<vmem>> -> memref<256xi32, #tpu.memory_space<vmem>>
    %dma_wait3A_56 = arith.constant 0 : i32
    %dma_wait3A_57 = arith.constant 0 : i32
    %dma_wait3A_58 = tpu.memref_slice %arg21[%dma_wait3A_56, %dma_wait3A_57] : memref<10112x16xf32, #tpu.memory_space<vmem_shared>> -> memref<10112x16xf32, #tpu.memory_space<vmem_shared>>
    tpu.wait_indirect_dma semaphore(%arg22 : memref<!tpu.dma_semaphore, #tpu.memory_space<semaphore_mem>>) src(%arg20 : memref<256x16xf32, #tpu.memory_space<vmem>>) dst(%dma_wait3A_58 : memref<10112x16xf32, #tpu.memory_space<vmem_shared>>)
    %dma_wait3A_59 = arith.constant 0 : i32
    %dma_wait3A_60 = arith.constant 0 : i32
    %dma_wait3A_61 = tpu.memref_slice %arg10[%dma_wait3A_59, %dma_wait3A_60] : memref<48x256xi32, #tpu.memory_space<vmem>> -> memref<1x256xi32, #tpu.memory_space<vmem>>
    %dma_wait3A_62 = tpu.memref_squeeze %dma_wait3A_61 : memref<1x256xi32, #tpu.memory_space<vmem>> -> memref<256xi32, #tpu.memory_space<vmem>>
    %dma_wait3A_63 = arith.constant 0 : i32
    %dma_wait3A_64 = arith.constant 0 : i32
    %dma_wait3A_65 = tpu.memref_slice %arg15[%dma_wait3A_63, %dma_wait3A_64] : memref<10112x64xf32, #tpu.memory_space<vmem_shared>> -> memref<10112x64xf32, #tpu.memory_space<vmem_shared>>
    tpu.wait_indirect_dma semaphore(%arg19 : memref<!tpu.dma_semaphore, #tpu.memory_space<semaphore_mem>>) src(%arg14 : memref<256x64xf32, #tpu.memory_space<vmem>>) dst(%dma_wait3A_65 : memref<10112x64xf32, #tpu.memory_space<vmem_shared>>)
    %dma_wait3A_66 = arith.constant 0 : i32
    %dma_wait3A_67 = arith.constant 0 : i32
    %dma_wait3A_68 = tpu.memref_slice %arg10[%dma_wait3A_66, %dma_wait3A_67] : memref<48x256xi32, #tpu.memory_space<vmem>> -> memref<1x256xi32, #tpu.memory_space<vmem>>
    %dma_wait3A_69 = tpu.memref_squeeze %dma_wait3A_68 : memref<1x256xi32, #tpu.memory_space<vmem>> -> memref<256xi32, #tpu.memory_space<vmem>>
    %dma_wait3A_70 = arith.constant 0 : i32
    %dma_wait3A_71 = arith.constant 0 : i32
    %dma_wait3A_72 = tpu.memref_slice %arg21[%dma_wait3A_70, %dma_wait3A_71] : memref<10112x16xf32, #tpu.memory_space<vmem_shared>> -> memref<10112x16xf32, #tpu.memory_space<vmem_shared>>
    tpu.wait_indirect_dma semaphore(%arg23 : memref<!tpu.dma_semaphore, #tpu.memory_space<semaphore_mem>>) src(%arg20 : memref<256x16xf32, #tpu.memory_space<vmem>>) dst(%dma_wait3A_72 : memref<10112x16xf32, #tpu.memory_space<vmem_shared>>)
    %barrier3A_73 = arith.constant 0 : index
    tpu.barrier barrier_id(%barrier3A_73)
    "tpu.region"() ({
      %run_scoped3A = tpu.sem_alloc : memref<!tpu.dma_semaphore, #tpu.memory_space<semaphore_mem>>
      %dma_start3A_74 = arith.constant 0 : i32
      %dma_start3A_75 = tpu.memref_slice %arg7[%arg0, %mul3A_0, %dma_start3A_74] : memref<2x10112x64xf32, #tpu.memory_space<hbm>> -> memref<1x632x64xf32, #tpu.memory_space<hbm>>
      %dma_start3A_76 = tpu.memref_squeeze %dma_start3A_75 : memref<1x632x64xf32, #tpu.memory_space<hbm>> -> memref<632x64xf32, #tpu.memory_space<hbm>>
      %dma_start3A_77 = arith.constant 0 : i32
      %dma_start3A_78 = tpu.memref_slice %arg15[%mul3A_0, %dma_start3A_77] : memref<10112x64xf32, #tpu.memory_space<vmem_shared>> -> memref<632x64xf32, #tpu.memory_space<vmem_shared>>
      tpu.enqueue_dma source(%dma_start3A_78 : memref<632x64xf32, #tpu.memory_space<vmem_shared>>) target(%dma_start3A_76 : memref<632x64xf32, #tpu.memory_space<hbm>>) target_semaphore(%run_scoped3A : memref<!tpu.dma_semaphore, #tpu.memory_space<semaphore_mem>>)
      %dma_wait3A_79 = arith.constant 0 : i32
      %dma_wait3A_80 = tpu.memref_slice %arg7[%arg0, %mul3A_0, %dma_wait3A_79] : memref<2x10112x64xf32, #tpu.memory_space<hbm>> -> memref<1x632x64xf32, #tpu.memory_space<hbm>>
      %dma_wait3A_81 = tpu.memref_squeeze %dma_wait3A_80 : memref<1x632x64xf32, #tpu.memory_space<hbm>> -> memref<632x64xf32, #tpu.memory_space<hbm>>
      %dma_wait3A_82 = arith.constant 0 : i32
      %dma_wait3A_83 = tpu.memref_slice %arg15[%mul3A_0, %dma_wait3A_82] : memref<10112x64xf32, #tpu.memory_space<vmem_shared>> -> memref<632x64xf32, #tpu.memory_space<vmem_shared>>
      tpu.wait_dma2 semaphore(%run_scoped3A : memref<!tpu.dma_semaphore, #tpu.memory_space<semaphore_mem>>) src(%dma_wait3A_83 : memref<632x64xf32, #tpu.memory_space<vmem_shared>>) dst(%dma_wait3A_81 : memref<632x64xf32, #tpu.memory_space<hbm>>)
      tpu.yield
    }) : () -> ()
    "tpu.region"() ({
      %run_scoped3A = tpu.sem_alloc : memref<!tpu.dma_semaphore, #tpu.memory_space<semaphore_mem>>
      %dma_start3A_74 = arith.constant 0 : i32
      %dma_start3A_75 = tpu.memref_slice %arg8[%arg0, %mul3A_0, %dma_start3A_74] : memref<2x10112x16xf32, #tpu.memory_space<hbm>> -> memref<1x632x16xf32, #tpu.memory_space<hbm>>
      %dma_start3A_76 = tpu.memref_squeeze %dma_start3A_75 : memref<1x632x16xf32, #tpu.memory_space<hbm>> -> memref<632x16xf32, #tpu.memory_space<hbm>>
      %dma_start3A_77 = arith.constant 0 : i32
      %dma_start3A_78 = tpu.memref_slice %arg21[%mul3A_0, %dma_start3A_77] : memref<10112x16xf32, #tpu.memory_space<vmem_shared>> -> memref<632x16xf32, #tpu.memory_space<vmem_shared>>
      tpu.enqueue_dma source(%dma_start3A_78 : memref<632x16xf32, #tpu.memory_space<vmem_shared>>) target(%dma_start3A_76 : memref<632x16xf32, #tpu.memory_space<hbm>>) target_semaphore(%run_scoped3A : memref<!tpu.dma_semaphore, #tpu.memory_space<semaphore_mem>>)
      %dma_wait3A_79 = arith.constant 0 : i32
      %dma_wait3A_80 = tpu.memref_slice %arg8[%arg0, %mul3A_0, %dma_wait3A_79] : memref<2x10112x16xf32, #tpu.memory_space<hbm>> -> memref<1x632x16xf32, #tpu.memory_space<hbm>>
      %dma_wait3A_81 = tpu.memref_squeeze %dma_wait3A_80 : memref<1x632x16xf32, #tpu.memory_space<hbm>> -> memref<632x16xf32, #tpu.memory_space<hbm>>
      %dma_wait3A_82 = arith.constant 0 : i32
      %dma_wait3A_83 = tpu.memref_slice %arg21[%mul3A_0, %dma_wait3A_82] : memref<10112x16xf32, #tpu.memory_space<vmem_shared>> -> memref<632x16xf32, #tpu.memory_space<vmem_shared>>
      tpu.wait_dma2 semaphore(%run_scoped3A : memref<!tpu.dma_semaphore, #tpu.memory_space<semaphore_mem>>) src(%dma_wait3A_83 : memref<632x16xf32, #tpu.memory_space<vmem_shared>>) dst(%dma_wait3A_81 : memref<632x16xf32, #tpu.memory_space<hbm>>)
      tpu.yield
    }) : () -> ()
    return
  }
}

#map = affine_map<(d0, d1) -> (0, 0)>
#map1 = affine_map<(d0, d1) -> (0, 0, 0)>
module attributes {stable_mosaic.version = 14 : i64} {
  func.func @body(%arg0: i32, %arg1: i32, %arg2: memref<10000x64xbf16, #tpu.memory_space<hbm>>, %arg3: memref<1344x256xi32, #tpu.memory_space<hbm>>, %arg4: memref<1344x256xi32, #tpu.memory_space<hbm>>, %arg5: memref<632x16xf32, #tpu.memory_space<hbm>>, %arg6: memref<2x10112x64xf32, #tpu.memory_space<hbm>>, %arg7: memref<48x256xi32, #tpu.memory_space<vmem>>, %arg8: memref<48x256xi32, #tpu.memory_space<vmem>>, %arg9: memref<256x64xbf16, #tpu.memory_space<vmem>>, %arg10: memref<256x64xbf16, #tpu.memory_space<vmem>>, %arg11: memref<256x64xf32, #tpu.memory_space<vmem>>, %arg12: memref<256x64xf32, #tpu.memory_space<vmem>>, %arg13: memref<10112x64xf32, #tpu.memory_space<vmem_shared>>, %arg14: memref<!tpu.dma_semaphore, #tpu.memory_space<semaphore_mem>>, %arg15: memref<!tpu.dma_semaphore, #tpu.memory_space<semaphore_mem>>, %arg16: memref<!tpu.dma_semaphore, #tpu.memory_space<semaphore_mem>>, %arg17: memref<!tpu.dma_semaphore, #tpu.memory_space<semaphore_mem>>) attributes {dimension_semantics = [#tpu.dimension_semantics<core_parallel>, #tpu.dimension_semantics<subcore_parallel>], iteration_bounds = array<i64: 2, 16>, scalar_prefetch = 0 : i64, scratch_operands = 11 : i64, tpu.core_type = #tpu.core_type<sc_vector_subcore>, window_params = [{transform_indices = #map}, {transform_indices = #map}, {transform_indices = #map}, {transform_indices = #map}, {transform_indices = #map1}]} {
    %mul3A = arith.constant 632 : i32
    %mul3A_0 = arith.muli %arg1, %mul3A : i32
    "tpu.region"() ({
      %run_scoped3A = tpu.sem_alloc : memref<!tpu.dma_semaphore, #tpu.memory_space<semaphore_mem>>
      %dma_start3A_60 = arith.constant 0 : i32
      %dma_start3A_61 = tpu.memref_slice %arg13[%mul3A_0, %dma_start3A_60] : memref<10112x64xf32, #tpu.memory_space<vmem_shared>> -> memref<632x16xf32, #tpu.memory_space<vmem_shared>>
      tpu.enqueue_dma source(%arg5 : memref<632x16xf32, #tpu.memory_space<hbm>>) target(%dma_start3A_61 : memref<632x16xf32, #tpu.memory_space<vmem_shared>>) target_semaphore(%run_scoped3A : memref<!tpu.dma_semaphore, #tpu.memory_space<semaphore_mem>>)
      %dma_wait3A_62 = arith.constant 0 : i32
      %dma_wait3A_63 = tpu.memref_slice %arg13[%mul3A_0, %dma_wait3A_62] : memref<10112x64xf32, #tpu.memory_space<vmem_shared>> -> memref<632x16xf32, #tpu.memory_space<vmem_shared>>
      tpu.wait_dma2 semaphore(%run_scoped3A : memref<!tpu.dma_semaphore, #tpu.memory_space<semaphore_mem>>) src(%arg5 : memref<632x16xf32, #tpu.memory_space<hbm>>) dst(%dma_wait3A_63 : memref<632x16xf32, #tpu.memory_space<vmem_shared>>)
      tpu.yield
    }) : () -> ()
    "tpu.region"() ({
      %run_scoped3A = tpu.sem_alloc : memref<!tpu.dma_semaphore, #tpu.memory_space<semaphore_mem>>
      %dma_start3A_60 = arith.constant 16 : i32
      %dma_start3A_61 = tpu.memref_slice %arg13[%mul3A_0, %dma_start3A_60] : memref<10112x64xf32, #tpu.memory_space<vmem_shared>> -> memref<632x16xf32, #tpu.memory_space<vmem_shared>>
      tpu.enqueue_dma source(%arg5 : memref<632x16xf32, #tpu.memory_space<hbm>>) target(%dma_start3A_61 : memref<632x16xf32, #tpu.memory_space<vmem_shared>>) target_semaphore(%run_scoped3A : memref<!tpu.dma_semaphore, #tpu.memory_space<semaphore_mem>>)
      %dma_wait3A_62 = arith.constant 16 : i32
      %dma_wait3A_63 = tpu.memref_slice %arg13[%mul3A_0, %dma_wait3A_62] : memref<10112x64xf32, #tpu.memory_space<vmem_shared>> -> memref<632x16xf32, #tpu.memory_space<vmem_shared>>
      tpu.wait_dma2 semaphore(%run_scoped3A : memref<!tpu.dma_semaphore, #tpu.memory_space<semaphore_mem>>) src(%arg5 : memref<632x16xf32, #tpu.memory_space<hbm>>) dst(%dma_wait3A_63 : memref<632x16xf32, #tpu.memory_space<vmem_shared>>)
      tpu.yield
    }) : () -> ()
    "tpu.region"() ({
      %run_scoped3A = tpu.sem_alloc : memref<!tpu.dma_semaphore, #tpu.memory_space<semaphore_mem>>
      %dma_start3A_60 = arith.constant 32 : i32
      %dma_start3A_61 = tpu.memref_slice %arg13[%mul3A_0, %dma_start3A_60] : memref<10112x64xf32, #tpu.memory_space<vmem_shared>> -> memref<632x16xf32, #tpu.memory_space<vmem_shared>>
      tpu.enqueue_dma source(%arg5 : memref<632x16xf32, #tpu.memory_space<hbm>>) target(%dma_start3A_61 : memref<632x16xf32, #tpu.memory_space<vmem_shared>>) target_semaphore(%run_scoped3A : memref<!tpu.dma_semaphore, #tpu.memory_space<semaphore_mem>>)
      %dma_wait3A_62 = arith.constant 32 : i32
      %dma_wait3A_63 = tpu.memref_slice %arg13[%mul3A_0, %dma_wait3A_62] : memref<10112x64xf32, #tpu.memory_space<vmem_shared>> -> memref<632x16xf32, #tpu.memory_space<vmem_shared>>
      tpu.wait_dma2 semaphore(%run_scoped3A : memref<!tpu.dma_semaphore, #tpu.memory_space<semaphore_mem>>) src(%arg5 : memref<632x16xf32, #tpu.memory_space<hbm>>) dst(%dma_wait3A_63 : memref<632x16xf32, #tpu.memory_space<vmem_shared>>)
      tpu.yield
    }) : () -> ()
    "tpu.region"() ({
      %run_scoped3A = tpu.sem_alloc : memref<!tpu.dma_semaphore, #tpu.memory_space<semaphore_mem>>
      %dma_start3A_60 = arith.constant 48 : i32
      %dma_start3A_61 = tpu.memref_slice %arg13[%mul3A_0, %dma_start3A_60] : memref<10112x64xf32, #tpu.memory_space<vmem_shared>> -> memref<632x16xf32, #tpu.memory_space<vmem_shared>>
      tpu.enqueue_dma source(%arg5 : memref<632x16xf32, #tpu.memory_space<hbm>>) target(%dma_start3A_61 : memref<632x16xf32, #tpu.memory_space<vmem_shared>>) target_semaphore(%run_scoped3A : memref<!tpu.dma_semaphore, #tpu.memory_space<semaphore_mem>>)
      %dma_wait3A_62 = arith.constant 48 : i32
      %dma_wait3A_63 = tpu.memref_slice %arg13[%mul3A_0, %dma_wait3A_62] : memref<10112x64xf32, #tpu.memory_space<vmem_shared>> -> memref<632x16xf32, #tpu.memory_space<vmem_shared>>
      tpu.wait_dma2 semaphore(%run_scoped3A : memref<!tpu.dma_semaphore, #tpu.memory_space<semaphore_mem>>) src(%arg5 : memref<632x16xf32, #tpu.memory_space<hbm>>) dst(%dma_wait3A_63 : memref<632x16xf32, #tpu.memory_space<vmem_shared>>)
      tpu.yield
    }) : () -> ()
    %eq3A = arith.constant 0 : i32
    %eq3A_1 = arith.cmpi eq, %arg0, %eq3A : i32
    %jit3A = arith.constant 48 : i32
    %jit3A_2 = arith.constant 32 : i32
    %select_n3A = arith.select %eq3A_1, %jit3A, %jit3A_2 : i32
    %mul3A_3 = arith.constant 768 : i32
    %mul3A_4 = arith.muli %arg0, %mul3A_3 : i32
    %mul3A_5 = arith.muli %arg1, %select_n3A : i32
    %add3A = arith.addi %mul3A_4, %mul3A_5 : i32
    "tpu.region"() ({
      %run_scoped3A = tpu.sem_alloc : memref<!tpu.dma_semaphore, #tpu.memory_space<semaphore_mem>>
      %dma_start3A_60 = arith.constant 0 : i32
      %dma_start3A_61 = tpu.memref_slice %arg3[%add3A, %dma_start3A_60] : memref<1344x256xi32, #tpu.memory_space<hbm>> -> memref<48x256xi32, #tpu.memory_space<hbm>>
      %dma_start3A_62 = arith.constant 0 : i32
      %dma_start3A_63 = tpu.memref_slice %arg3[%add3A, %dma_start3A_62] : memref<1344x256xi32, #tpu.memory_space<hbm>> -> memref<48x256xi32, #tpu.memory_space<hbm>>
      tpu.enqueue_dma source(%dma_start3A_63 : memref<48x256xi32, #tpu.memory_space<hbm>>) target(%arg7 : memref<48x256xi32, #tpu.memory_space<vmem>>) target_semaphore(%run_scoped3A : memref<!tpu.dma_semaphore, #tpu.memory_space<semaphore_mem>>)
      %dma_wait3A_64 = arith.constant 0 : i32
      %dma_wait3A_65 = tpu.memref_slice %arg3[%add3A, %dma_wait3A_64] : memref<1344x256xi32, #tpu.memory_space<hbm>> -> memref<48x256xi32, #tpu.memory_space<hbm>>
      %dma_wait3A_66 = arith.constant 0 : i32
      %dma_wait3A_67 = tpu.memref_slice %arg3[%add3A, %dma_wait3A_66] : memref<1344x256xi32, #tpu.memory_space<hbm>> -> memref<48x256xi32, #tpu.memory_space<hbm>>
      tpu.wait_dma2 semaphore(%run_scoped3A : memref<!tpu.dma_semaphore, #tpu.memory_space<semaphore_mem>>) src(%dma_wait3A_67 : memref<48x256xi32, #tpu.memory_space<hbm>>) dst(%arg7 : memref<48x256xi32, #tpu.memory_space<vmem>>)
      tpu.yield
    }) : () -> ()
    "tpu.region"() ({
      %run_scoped3A = tpu.sem_alloc : memref<!tpu.dma_semaphore, #tpu.memory_space<semaphore_mem>>
      %dma_start3A_60 = arith.constant 0 : i32
      %dma_start3A_61 = tpu.memref_slice %arg4[%add3A, %dma_start3A_60] : memref<1344x256xi32, #tpu.memory_space<hbm>> -> memref<48x256xi32, #tpu.memory_space<hbm>>
      %dma_start3A_62 = arith.constant 0 : i32
      %dma_start3A_63 = tpu.memref_slice %arg4[%add3A, %dma_start3A_62] : memref<1344x256xi32, #tpu.memory_space<hbm>> -> memref<48x256xi32, #tpu.memory_space<hbm>>
      tpu.enqueue_dma source(%dma_start3A_63 : memref<48x256xi32, #tpu.memory_space<hbm>>) target(%arg8 : memref<48x256xi32, #tpu.memory_space<vmem>>) target_semaphore(%run_scoped3A : memref<!tpu.dma_semaphore, #tpu.memory_space<semaphore_mem>>)
      %dma_wait3A_64 = arith.constant 0 : i32
      %dma_wait3A_65 = tpu.memref_slice %arg4[%add3A, %dma_wait3A_64] : memref<1344x256xi32, #tpu.memory_space<hbm>> -> memref<48x256xi32, #tpu.memory_space<hbm>>
      %dma_wait3A_66 = arith.constant 0 : i32
      %dma_wait3A_67 = tpu.memref_slice %arg4[%add3A, %dma_wait3A_66] : memref<1344x256xi32, #tpu.memory_space<hbm>> -> memref<48x256xi32, #tpu.memory_space<hbm>>
      tpu.wait_dma2 semaphore(%run_scoped3A : memref<!tpu.dma_semaphore, #tpu.memory_space<semaphore_mem>>) src(%dma_wait3A_67 : memref<48x256xi32, #tpu.memory_space<hbm>>) dst(%arg8 : memref<48x256xi32, #tpu.memory_space<vmem>>)
      tpu.yield
    }) : () -> ()
    %barrier3A = arith.constant 0 : index
    tpu.barrier barrier_id(%barrier3A)
    %dma_start3A = arith.constant 0 : i32
    %dma_start3A_6 = arith.constant 0 : i32
    %dma_start3A_7 = tpu.memref_slice %arg7[%dma_start3A, %dma_start3A_6] : memref<48x256xi32, #tpu.memory_space<vmem>> -> memref<1x256xi32, #tpu.memory_space<vmem>>
    %dma_start3A_8 = tpu.memref_squeeze %dma_start3A_7 : memref<1x256xi32, #tpu.memory_space<vmem>> -> memref<256xi32, #tpu.memory_space<vmem>>
    %dma_start3A_9 = arith.constant 0 : i32
    %dma_start3A_10 = arith.constant 0 : i32
    %dma_start3A_11 = tpu.memref_slice %arg2[%dma_start3A_9, %dma_start3A_10] : memref<10000x64xbf16, #tpu.memory_space<hbm>> -> memref<10000x64xbf16, #tpu.memory_space<hbm>>
    tpu.enqueue_indirect_dma source(%dma_start3A_11 : memref<10000x64xbf16, #tpu.memory_space<hbm>>) target(%arg9 : memref<256x64xbf16, #tpu.memory_space<vmem>>) offsets(%dma_start3A_8 : memref<256xi32, #tpu.memory_space<vmem>>) semaphore(%arg14 : memref<!tpu.dma_semaphore, #tpu.memory_space<semaphore_mem>>)
    %dma_start3A_12 = arith.constant 1 : i32
    %dma_start3A_13 = arith.constant 0 : i32
    %dma_start3A_14 = tpu.memref_slice %arg7[%dma_start3A_12, %dma_start3A_13] : memref<48x256xi32, #tpu.memory_space<vmem>> -> memref<1x256xi32, #tpu.memory_space<vmem>>
    %dma_start3A_15 = tpu.memref_squeeze %dma_start3A_14 : memref<1x256xi32, #tpu.memory_space<vmem>> -> memref<256xi32, #tpu.memory_space<vmem>>
    %dma_start3A_16 = arith.constant 0 : i32
    %dma_start3A_17 = arith.constant 0 : i32
    %dma_start3A_18 = tpu.memref_slice %arg2[%dma_start3A_16, %dma_start3A_17] : memref<10000x64xbf16, #tpu.memory_space<hbm>> -> memref<10000x64xbf16, #tpu.memory_space<hbm>>
    tpu.enqueue_indirect_dma source(%dma_start3A_18 : memref<10000x64xbf16, #tpu.memory_space<hbm>>) target(%arg10 : memref<256x64xbf16, #tpu.memory_space<vmem>>) offsets(%dma_start3A_15 : memref<256xi32, #tpu.memory_space<vmem>>) semaphore(%arg15 : memref<!tpu.dma_semaphore, #tpu.memory_space<semaphore_mem>>)
    %jit3A_19 = arith.constant 2 : i32
    %div3A = arith.divsi %select_n3A, %jit3A_19 : i32
    %sign3A = arith.constant 0 : i32
    %sign3A_20 = arith.cmpi sgt, %select_n3A, %sign3A : i32
    %sign3A_21 = arith.extui %sign3A_20 : i1 to i32
    %sign3A_22 = arith.constant 0 : i32
    %sign3A_23 = arith.cmpi slt, %select_n3A, %sign3A_22 : i32
    %sign3A_24 = arith.extui %sign3A_23 : i1 to i32
    %sign3A_25 = arith.subi %sign3A_21, %sign3A_24 : i32
    %sign3A_26 = arith.constant 0 : i32
    %sign3A_27 = arith.cmpi sgt, %jit3A_19, %sign3A_26 : i32
    %sign3A_28 = arith.extui %sign3A_27 : i1 to i32
    %sign3A_29 = arith.constant 0 : i32
    %sign3A_30 = arith.cmpi slt, %jit3A_19, %sign3A_29 : i32
    %sign3A_31 = arith.extui %sign3A_30 : i1 to i32
    %sign3A_32 = arith.subi %sign3A_28, %sign3A_31 : i32
    %ne3A = arith.cmpi ne, %sign3A_25, %sign3A_32 : i32
    %rem3A = arith.remsi %select_n3A, %jit3A_19 : i32
    %ne3A_33 = arith.constant 0 : i32
    %ne3A_34 = arith.cmpi ne, %rem3A, %ne3A_33 : i32
    %and3A = arith.andi %ne3A, %ne3A_34 : i1
    %sub3A = arith.constant 1 : i32
    %sub3A_35 = arith.subi %div3A, %sub3A : i32
    %select_n3A_36 = arith.select %and3A, %sub3A_35, %div3A : i32
    %while3A = arith.constant 0 : i32
    %while3A_37 = arith.constant 0 : i32
    %while3A_38 = arith.subi %select_n3A_36, %while3A_37 : i32
    %while3A_39 = arith.addi %while3A_37, %while3A_38 : i32
    %while3A_40 = arith.constant 1 : i32
    %while3A_41 = arith.divsi %while3A_38, %while3A_40 : i32
    %while3A_42 = arith.muli %while3A_41, %while3A_40 : i32
    %while3A_43 = arith.addi %while3A_37, %while3A_42 : i32
    %while3A_44 = arith.constant 1 : i32
    scf.for %while3A_60 = %while3A_37 to %while3A_43 step %while3A_44  : i32 {
      %mul3A_61 = arith.constant 2 : i32
      %mul3A_62 = arith.muli %mul3A_61, %while3A_60 : i32
      %dma_wait3A_63 = arith.constant 0 : i32
      %dma_wait3A_64 = arith.constant 0 : i32
      %dma_wait3A_65 = tpu.memref_slice %arg7[%dma_wait3A_63, %dma_wait3A_64] : memref<48x256xi32, #tpu.memory_space<vmem>> -> memref<1x256xi32, #tpu.memory_space<vmem>>
      %dma_wait3A_66 = tpu.memref_squeeze %dma_wait3A_65 : memref<1x256xi32, #tpu.memory_space<vmem>> -> memref<256xi32, #tpu.memory_space<vmem>>
      %dma_wait3A_67 = arith.constant 0 : i32
      %dma_wait3A_68 = arith.constant 0 : i32
      %dma_wait3A_69 = tpu.memref_slice %arg2[%dma_wait3A_67, %dma_wait3A_68] : memref<10000x64xbf16, #tpu.memory_space<hbm>> -> memref<10000x64xbf16, #tpu.memory_space<hbm>>
      tpu.wait_indirect_dma semaphore(%arg14 : memref<!tpu.dma_semaphore, #tpu.memory_space<semaphore_mem>>) src(%dma_wait3A_69 : memref<10000x64xbf16, #tpu.memory_space<hbm>>) dst(%arg9 : memref<256x64xbf16, #tpu.memory_space<vmem>>)
      %gt3A = arith.constant 0 : i32
      %gt3A_70 = arith.cmpi sgt, %while3A_60, %gt3A : i32
      %convert_element_type3A = arith.extui %gt3A_70 : i1 to i32
      %cond3A = arith.constant 0 : i32
      %cond3A_71 = arith.cmpi ne, %convert_element_type3A, %cond3A : i32
      scf.if %cond3A_71 {
        %dma_wait3A_120 = arith.constant 0 : i32
        %dma_wait3A_121 = arith.constant 0 : i32
        %dma_wait3A_122 = tpu.memref_slice %arg8[%dma_wait3A_120, %dma_wait3A_121] : memref<48x256xi32, #tpu.memory_space<vmem>> -> memref<1x256xi32, #tpu.memory_space<vmem>>
        %dma_wait3A_123 = tpu.memref_squeeze %dma_wait3A_122 : memref<1x256xi32, #tpu.memory_space<vmem>> -> memref<256xi32, #tpu.memory_space<vmem>>
        %dma_wait3A_124 = arith.constant 0 : i32
        %dma_wait3A_125 = arith.constant 0 : i32
        %dma_wait3A_126 = tpu.memref_slice %arg13[%dma_wait3A_124, %dma_wait3A_125] : memref<10112x64xf32, #tpu.memory_space<vmem_shared>> -> memref<10112x64xf32, #tpu.memory_space<vmem_shared>>
        tpu.wait_indirect_dma semaphore(%arg16 : memref<!tpu.dma_semaphore, #tpu.memory_space<semaphore_mem>>) src(%arg11 : memref<256x64xf32, #tpu.memory_space<vmem>>) dst(%dma_wait3A_126 : memref<10112x64xf32, #tpu.memory_space<vmem_shared>>)
      } else {
      }
      %scan3A = arith.constant 0 : i32
      %scan3A_72 = arith.constant 0 : i32
      %scan3A_73 = arith.constant 64 : i32
      %scan3A_74 = arith.addi %scan3A_72, %scan3A_73 : i32
      %scan3A_75 = arith.constant 1 : i32
      scf.for %scan3A_120 = %scan3A_72 to %scan3A_74 step %scan3A_75  : i32 {
        %mul3A_121 = arith.constant 4 : i32
        %mul3A_122 = arith.muli %mul3A_121, %scan3A_120 : i32
        %add3A_123 = arith.constant 0 : i32
        %add3A_124 = arith.addi %mul3A_122, %add3A_123 : i32
        %get3A = arith.index_cast %add3A_124 : i32 to index
        %get3A_125 = arith.constant 0 : index
        %get3A_126 = tpu.vector_load %arg9[%get3A, %get3A_125] {strides = array<i32>} : memref<256x64xbf16, #tpu.memory_space<vmem>>, vector<32xbf16>,
        %bitcast3A = vector.bitcast %get3A_126 : vector<32xbf16> to vector<16xi32>
        %shift_left3A = arith.constant 16 : i32
        %shift_left3A_127 = vector.broadcast %shift_left3A : i32 to vector<16xi32>
        %shift_left3A_128 = arith.shli %bitcast3A, %shift_left3A_127 : vector<16xi32>
        %bitcast3A_129 = vector.bitcast %shift_left3A_128 : vector<16xi32> to vector<16xf32>
        %and3A_130 = arith.constant -65536 : i32
        %and3A_131 = vector.broadcast %and3A_130 : i32 to vector<16xi32>
        %and3A_132 = arith.andi %bitcast3A, %and3A_131 : vector<16xi32>
        %bitcast3A_133 = vector.bitcast %and3A_132 : vector<16xi32> to vector<16xf32>
        %swap3A = arith.index_cast %add3A_124 : i32 to index
        %swap3A_134 = arith.constant 0 : index
        %swap3A_135 = tpu.vector_load %arg11[%swap3A, %swap3A_134] {strides = array<i32>} : memref<256x64xf32, #tpu.memory_space<vmem>>, vector<16xf32>,
        tpu.vector_store %arg11[%swap3A, %swap3A_134], %bitcast3A_129 {strides = array<i32>} : memref<256x64xf32, #tpu.memory_space<vmem>>, vector<16xf32>,
        %swap3A_136 = arith.index_cast %add3A_124 : i32 to index
        %swap3A_137 = arith.constant 16 : index
        %swap3A_138 = tpu.vector_load %arg11[%swap3A_136, %swap3A_137] {strides = array<i32>} : memref<256x64xf32, #tpu.memory_space<vmem>>, vector<16xf32>,
        tpu.vector_store %arg11[%swap3A_136, %swap3A_137], %bitcast3A_133 {strides = array<i32>} : memref<256x64xf32, #tpu.memory_space<vmem>>, vector<16xf32>,
        %get3A_139 = arith.index_cast %add3A_124 : i32 to index
        %get3A_140 = arith.constant 32 : index
        %get3A_141 = tpu.vector_load %arg9[%get3A_139, %get3A_140] {strides = array<i32>} : memref<256x64xbf16, #tpu.memory_space<vmem>>, vector<32xbf16>,
        %bitcast3A_142 = vector.bitcast %get3A_141 : vector<32xbf16> to vector<16xi32>
        %shift_left3A_143 = arith.constant 16 : i32
        %shift_left3A_144 = vector.broadcast %shift_left3A_143 : i32 to vector<16xi32>
        %shift_left3A_145 = arith.shli %bitcast3A_142, %shift_left3A_144 : vector<16xi32>
        %bitcast3A_146 = vector.bitcast %shift_left3A_145 : vector<16xi32> to vector<16xf32>
        %and3A_147 = arith.constant -65536 : i32
        %and3A_148 = vector.broadcast %and3A_147 : i32 to vector<16xi32>
        %and3A_149 = arith.andi %bitcast3A_142, %and3A_148 : vector<16xi32>
        %bitcast3A_150 = vector.bitcast %and3A_149 : vector<16xi32> to vector<16xf32>
        %swap3A_151 = arith.index_cast %add3A_124 : i32 to index
        %swap3A_152 = arith.constant 32 : index
        %swap3A_153 = tpu.vector_load %arg11[%swap3A_151, %swap3A_152] {strides = array<i32>} : memref<256x64xf32, #tpu.memory_space<vmem>>, vector<16xf32>,
        tpu.vector_store %arg11[%swap3A_151, %swap3A_152], %bitcast3A_146 {strides = array<i32>} : memref<256x64xf32, #tpu.memory_space<vmem>>, vector<16xf32>,
        %swap3A_154 = arith.index_cast %add3A_124 : i32 to index
        %swap3A_155 = arith.constant 48 : index
        %swap3A_156 = tpu.vector_load %arg11[%swap3A_154, %swap3A_155] {strides = array<i32>} : memref<256x64xf32, #tpu.memory_space<vmem>>, vector<16xf32>,
        tpu.vector_store %arg11[%swap3A_154, %swap3A_155], %bitcast3A_150 {strides = array<i32>} : memref<256x64xf32, #tpu.memory_space<vmem>>, vector<16xf32>,
        %mul3A_157 = arith.constant 4 : i32
        %mul3A_158 = arith.muli %mul3A_157, %scan3A_120 : i32
        %add3A_159 = arith.constant 1 : i32
        %add3A_160 = arith.addi %mul3A_158, %add3A_159 : i32
        %get3A_161 = arith.index_cast %add3A_160 : i32 to index
        %get3A_162 = arith.constant 0 : index
        %get3A_163 = tpu.vector_load %arg9[%get3A_161, %get3A_162] {strides = array<i32>} : memref<256x64xbf16, #tpu.memory_space<vmem>>, vector<32xbf16>,
        %bitcast3A_164 = vector.bitcast %get3A_163 : vector<32xbf16> to vector<16xi32>
        %shift_left3A_165 = arith.constant 16 : i32
        %shift_left3A_166 = vector.broadcast %shift_left3A_165 : i32 to vector<16xi32>
        %shift_left3A_167 = arith.shli %bitcast3A_164, %shift_left3A_166 : vector<16xi32>
        %bitcast3A_168 = vector.bitcast %shift_left3A_167 : vector<16xi32> to vector<16xf32>
        %and3A_169 = arith.constant -65536 : i32
        %and3A_170 = vector.broadcast %and3A_169 : i32 to vector<16xi32>
        %and3A_171 = arith.andi %bitcast3A_164, %and3A_170 : vector<16xi32>
        %bitcast3A_172 = vector.bitcast %and3A_171 : vector<16xi32> to vector<16xf32>
        %swap3A_173 = arith.index_cast %add3A_160 : i32 to index
        %swap3A_174 = arith.constant 0 : index
        %swap3A_175 = tpu.vector_load %arg11[%swap3A_173, %swap3A_174] {strides = array<i32>} : memref<256x64xf32, #tpu.memory_space<vmem>>, vector<16xf32>,
        tpu.vector_store %arg11[%swap3A_173, %swap3A_174], %bitcast3A_168 {strides = array<i32>} : memref<256x64xf32, #tpu.memory_space<vmem>>, vector<16xf32>,
        %swap3A_176 = arith.index_cast %add3A_160 : i32 to index
        %swap3A_177 = arith.constant 16 : index
        %swap3A_178 = tpu.vector_load %arg11[%swap3A_176, %swap3A_177] {strides = array<i32>} : memref<256x64xf32, #tpu.memory_space<vmem>>, vector<16xf32>,
        tpu.vector_store %arg11[%swap3A_176, %swap3A_177], %bitcast3A_172 {strides = array<i32>} : memref<256x64xf32, #tpu.memory_space<vmem>>, vector<16xf32>,
        %get3A_179 = arith.index_cast %add3A_160 : i32 to index
        %get3A_180 = arith.constant 32 : index
        %get3A_181 = tpu.vector_load %arg9[%get3A_179, %get3A_180] {strides = array<i32>} : memref<256x64xbf16, #tpu.memory_space<vmem>>, vector<32xbf16>,
        %bitcast3A_182 = vector.bitcast %get3A_181 : vector<32xbf16> to vector<16xi32>
        %shift_left3A_183 = arith.constant 16 : i32
        %shift_left3A_184 = vector.broadcast %shift_left3A_183 : i32 to vector<16xi32>
        %shift_left3A_185 = arith.shli %bitcast3A_182, %shift_left3A_184 : vector<16xi32>
        %bitcast3A_186 = vector.bitcast %shift_left3A_185 : vector<16xi32> to vector<16xf32>
        %and3A_187 = arith.constant -65536 : i32
        %and3A_188 = vector.broadcast %and3A_187 : i32 to vector<16xi32>
        %and3A_189 = arith.andi %bitcast3A_182, %and3A_188 : vector<16xi32>
        %bitcast3A_190 = vector.bitcast %and3A_189 : vector<16xi32> to vector<16xf32>
        %swap3A_191 = arith.index_cast %add3A_160 : i32 to index
        %swap3A_192 = arith.constant 32 : index
        %swap3A_193 = tpu.vector_load %arg11[%swap3A_191, %swap3A_192] {strides = array<i32>} : memref<256x64xf32, #tpu.memory_space<vmem>>, vector<16xf32>,
        tpu.vector_store %arg11[%swap3A_191, %swap3A_192], %bitcast3A_186 {strides = array<i32>} : memref<256x64xf32, #tpu.memory_space<vmem>>, vector<16xf32>,
        %swap3A_194 = arith.index_cast %add3A_160 : i32 to index
        %swap3A_195 = arith.constant 48 : index
        %swap3A_196 = tpu.vector_load %arg11[%swap3A_194, %swap3A_195] {strides = array<i32>} : memref<256x64xf32, #tpu.memory_space<vmem>>, vector<16xf32>,
        tpu.vector_store %arg11[%swap3A_194, %swap3A_195], %bitcast3A_190 {strides = array<i32>} : memref<256x64xf32, #tpu.memory_space<vmem>>, vector<16xf32>,
        %mul3A_197 = arith.constant 4 : i32
        %mul3A_198 = arith.muli %mul3A_197, %scan3A_120 : i32
        %add3A_199 = arith.constant 2 : i32
        %add3A_200 = arith.addi %mul3A_198, %add3A_199 : i32
        %get3A_201 = arith.index_cast %add3A_200 : i32 to index
        %get3A_202 = arith.constant 0 : index
        %get3A_203 = tpu.vector_load %arg9[%get3A_201, %get3A_202] {strides = array<i32>} : memref<256x64xbf16, #tpu.memory_space<vmem>>, vector<32xbf16>,
        %bitcast3A_204 = vector.bitcast %get3A_203 : vector<32xbf16> to vector<16xi32>
        %shift_left3A_205 = arith.constant 16 : i32
        %shift_left3A_206 = vector.broadcast %shift_left3A_205 : i32 to vector<16xi32>
        %shift_left3A_207 = arith.shli %bitcast3A_204, %shift_left3A_206 : vector<16xi32>
        %bitcast3A_208 = vector.bitcast %shift_left3A_207 : vector<16xi32> to vector<16xf32>
        %and3A_209 = arith.constant -65536 : i32
        %and3A_210 = vector.broadcast %and3A_209 : i32 to vector<16xi32>
        %and3A_211 = arith.andi %bitcast3A_204, %and3A_210 : vector<16xi32>
        %bitcast3A_212 = vector.bitcast %and3A_211 : vector<16xi32> to vector<16xf32>
        %swap3A_213 = arith.index_cast %add3A_200 : i32 to index
        %swap3A_214 = arith.constant 0 : index
        %swap3A_215 = tpu.vector_load %arg11[%swap3A_213, %swap3A_214] {strides = array<i32>} : memref<256x64xf32, #tpu.memory_space<vmem>>, vector<16xf32>,
        tpu.vector_store %arg11[%swap3A_213, %swap3A_214], %bitcast3A_208 {strides = array<i32>} : memref<256x64xf32, #tpu.memory_space<vmem>>, vector<16xf32>,
        %swap3A_216 = arith.index_cast %add3A_200 : i32 to index
        %swap3A_217 = arith.constant 16 : index
        %swap3A_218 = tpu.vector_load %arg11[%swap3A_216, %swap3A_217] {strides = array<i32>} : memref<256x64xf32, #tpu.memory_space<vmem>>, vector<16xf32>,
        tpu.vector_store %arg11[%swap3A_216, %swap3A_217], %bitcast3A_212 {strides = array<i32>} : memref<256x64xf32, #tpu.memory_space<vmem>>, vector<16xf32>,
        %get3A_219 = arith.index_cast %add3A_200 : i32 to index
        %get3A_220 = arith.constant 32 : index
        %get3A_221 = tpu.vector_load %arg9[%get3A_219, %get3A_220] {strides = array<i32>} : memref<256x64xbf16, #tpu.memory_space<vmem>>, vector<32xbf16>,
        %bitcast3A_222 = vector.bitcast %get3A_221 : vector<32xbf16> to vector<16xi32>
        %shift_left3A_223 = arith.constant 16 : i32
        %shift_left3A_224 = vector.broadcast %shift_left3A_223 : i32 to vector<16xi32>
        %shift_left3A_225 = arith.shli %bitcast3A_222, %shift_left3A_224 : vector<16xi32>
        %bitcast3A_226 = vector.bitcast %shift_left3A_225 : vector<16xi32> to vector<16xf32>
        %and3A_227 = arith.constant -65536 : i32
        %and3A_228 = vector.broadcast %and3A_227 : i32 to vector<16xi32>
        %and3A_229 = arith.andi %bitcast3A_222, %and3A_228 : vector<16xi32>
        %bitcast3A_230 = vector.bitcast %and3A_229 : vector<16xi32> to vector<16xf32>
        %swap3A_231 = arith.index_cast %add3A_200 : i32 to index
        %swap3A_232 = arith.constant 32 : index
        %swap3A_233 = tpu.vector_load %arg11[%swap3A_231, %swap3A_232] {strides = array<i32>} : memref<256x64xf32, #tpu.memory_space<vmem>>, vector<16xf32>,
        tpu.vector_store %arg11[%swap3A_231, %swap3A_232], %bitcast3A_226 {strides = array<i32>} : memref<256x64xf32, #tpu.memory_space<vmem>>, vector<16xf32>,
        %swap3A_234 = arith.index_cast %add3A_200 : i32 to index
        %swap3A_235 = arith.constant 48 : index
        %swap3A_236 = tpu.vector_load %arg11[%swap3A_234, %swap3A_235] {strides = array<i32>} : memref<256x64xf32, #tpu.memory_space<vmem>>, vector<16xf32>,
        tpu.vector_store %arg11[%swap3A_234, %swap3A_235], %bitcast3A_230 {strides = array<i32>} : memref<256x64xf32, #tpu.memory_space<vmem>>, vector<16xf32>,
        %mul3A_237 = arith.constant 4 : i32
        %mul3A_238 = arith.muli %mul3A_237, %scan3A_120 : i32
        %add3A_239 = arith.constant 3 : i32
        %add3A_240 = arith.addi %mul3A_238, %add3A_239 : i32
        %get3A_241 = arith.index_cast %add3A_240 : i32 to index
        %get3A_242 = arith.constant 0 : index
        %get3A_243 = tpu.vector_load %arg9[%get3A_241, %get3A_242] {strides = array<i32>} : memref<256x64xbf16, #tpu.memory_space<vmem>>, vector<32xbf16>,
        %bitcast3A_244 = vector.bitcast %get3A_243 : vector<32xbf16> to vector<16xi32>
        %shift_left3A_245 = arith.constant 16 : i32
        %shift_left3A_246 = vector.broadcast %shift_left3A_245 : i32 to vector<16xi32>
        %shift_left3A_247 = arith.shli %bitcast3A_244, %shift_left3A_246 : vector<16xi32>
        %bitcast3A_248 = vector.bitcast %shift_left3A_247 : vector<16xi32> to vector<16xf32>
        %and3A_249 = arith.constant -65536 : i32
        %and3A_250 = vector.broadcast %and3A_249 : i32 to vector<16xi32>
        %and3A_251 = arith.andi %bitcast3A_244, %and3A_250 : vector<16xi32>
        %bitcast3A_252 = vector.bitcast %and3A_251 : vector<16xi32> to vector<16xf32>
        %swap3A_253 = arith.index_cast %add3A_240 : i32 to index
        %swap3A_254 = arith.constant 0 : index
        %swap3A_255 = tpu.vector_load %arg11[%swap3A_253, %swap3A_254] {strides = array<i32>} : memref<256x64xf32, #tpu.memory_space<vmem>>, vector<16xf32>,
        tpu.vector_store %arg11[%swap3A_253, %swap3A_254], %bitcast3A_248 {strides = array<i32>} : memref<256x64xf32, #tpu.memory_space<vmem>>, vector<16xf32>,
        %swap3A_256 = arith.index_cast %add3A_240 : i32 to index
        %swap3A_257 = arith.constant 16 : index
        %swap3A_258 = tpu.vector_load %arg11[%swap3A_256, %swap3A_257] {strides = array<i32>} : memref<256x64xf32, #tpu.memory_space<vmem>>, vector<16xf32>,
        tpu.vector_store %arg11[%swap3A_256, %swap3A_257], %bitcast3A_252 {strides = array<i32>} : memref<256x64xf32, #tpu.memory_space<vmem>>, vector<16xf32>,
        %get3A_259 = arith.index_cast %add3A_240 : i32 to index
        %get3A_260 = arith.constant 32 : index
        %get3A_261 = tpu.vector_load %arg9[%get3A_259, %get3A_260] {strides = array<i32>} : memref<256x64xbf16, #tpu.memory_space<vmem>>, vector<32xbf16>,
        %bitcast3A_262 = vector.bitcast %get3A_261 : vector<32xbf16> to vector<16xi32>
        %shift_left3A_263 = arith.constant 16 : i32
        %shift_left3A_264 = vector.broadcast %shift_left3A_263 : i32 to vector<16xi32>
        %shift_left3A_265 = arith.shli %bitcast3A_262, %shift_left3A_264 : vector<16xi32>
        %bitcast3A_266 = vector.bitcast %shift_left3A_265 : vector<16xi32> to vector<16xf32>
        %and3A_267 = arith.constant -65536 : i32
        %and3A_268 = vector.broadcast %and3A_267 : i32 to vector<16xi32>
        %and3A_269 = arith.andi %bitcast3A_262, %and3A_268 : vector<16xi32>
        %bitcast3A_270 = vector.bitcast %and3A_269 : vector<16xi32> to vector<16xf32>
        %swap3A_271 = arith.index_cast %add3A_240 : i32 to index
        %swap3A_272 = arith.constant 32 : index
        %swap3A_273 = tpu.vector_load %arg11[%swap3A_271, %swap3A_272] {strides = array<i32>} : memref<256x64xf32, #tpu.memory_space<vmem>>, vector<16xf32>,
        tpu.vector_store %arg11[%swap3A_271, %swap3A_272], %bitcast3A_266 {strides = array<i32>} : memref<256x64xf32, #tpu.memory_space<vmem>>, vector<16xf32>,
        %swap3A_274 = arith.index_cast %add3A_240 : i32 to index
        %swap3A_275 = arith.constant 48 : index
        %swap3A_276 = tpu.vector_load %arg11[%swap3A_274, %swap3A_275] {strides = array<i32>} : memref<256x64xf32, #tpu.memory_space<vmem>>, vector<16xf32>,
        tpu.vector_store %arg11[%swap3A_274, %swap3A_275], %bitcast3A_270 {strides = array<i32>} : memref<256x64xf32, #tpu.memory_space<vmem>>, vector<16xf32>,
      }
      %scan3A_76 = arith.constant 64 : i32
      %add3A_77 = arith.constant 2 : i32
      %add3A_78 = arith.addi %mul3A_62, %add3A_77 : i32
      %lt3A = arith.cmpi slt, %add3A_78, %select_n3A : i32
      %convert_element_type3A_79 = arith.extui %lt3A : i1 to i32
      %cond3A_80 = arith.constant 0 : i32
      %cond3A_81 = arith.cmpi ne, %convert_element_type3A_79, %cond3A_80 : i32
      scf.if %cond3A_81 {
        %add3A_120 = arith.constant 2 : i32
        %add3A_121 = arith.addi %mul3A_62, %add3A_120 : i32
        %dma_start3A_122 = arith.constant 0 : i32
        %dma_start3A_123 = tpu.memref_slice %arg7[%add3A_121, %dma_start3A_122] : memref<48x256xi32, #tpu.memory_space<vmem>> -> memref<1x256xi32, #tpu.memory_space<vmem>>
        %dma_start3A_124 = tpu.memref_squeeze %dma_start3A_123 : memref<1x256xi32, #tpu.memory_space<vmem>> -> memref<256xi32, #tpu.memory_space<vmem>>
        %dma_start3A_125 = arith.constant 0 : i32
        %dma_start3A_126 = arith.constant 0 : i32
        %dma_start3A_127 = tpu.memref_slice %arg2[%dma_start3A_125, %dma_start3A_126] : memref<10000x64xbf16, #tpu.memory_space<hbm>> -> memref<10000x64xbf16, #tpu.memory_space<hbm>>
        tpu.enqueue_indirect_dma source(%dma_start3A_127 : memref<10000x64xbf16, #tpu.memory_space<hbm>>) target(%arg9 : memref<256x64xbf16, #tpu.memory_space<vmem>>) offsets(%dma_start3A_124 : memref<256xi32, #tpu.memory_space<vmem>>) semaphore(%arg14 : memref<!tpu.dma_semaphore, #tpu.memory_space<semaphore_mem>>)
      } else {
      }
      %dma_start3A_82 = arith.constant 0 : i32
      %dma_start3A_83 = tpu.memref_slice %arg8[%mul3A_62, %dma_start3A_82] : memref<48x256xi32, #tpu.memory_space<vmem>> -> memref<1x256xi32, #tpu.memory_space<vmem>>
      %dma_start3A_84 = tpu.memref_squeeze %dma_start3A_83 : memref<1x256xi32, #tpu.memory_space<vmem>> -> memref<256xi32, #tpu.memory_space<vmem>>
      %dma_start3A_85 = arith.constant 0 : i32
      %dma_start3A_86 = arith.constant 0 : i32
      %dma_start3A_87 = tpu.memref_slice %arg13[%dma_start3A_85, %dma_start3A_86] : memref<10112x64xf32, #tpu.memory_space<vmem_shared>> -> memref<10112x64xf32, #tpu.memory_space<vmem_shared>>
      tpu.enqueue_indirect_dma source(%arg11 : memref<256x64xf32, #tpu.memory_space<vmem>>) target(%dma_start3A_87 : memref<10112x64xf32, #tpu.memory_space<vmem_shared>>) offsets(%dma_start3A_84 : memref<256xi32, #tpu.memory_space<vmem>>) semaphore(%arg16 : memref<!tpu.dma_semaphore, #tpu.memory_space<semaphore_mem>>) {add = true}
      %dma_wait3A_88 = arith.constant 0 : i32
      %dma_wait3A_89 = arith.constant 0 : i32
      %dma_wait3A_90 = tpu.memref_slice %arg7[%dma_wait3A_88, %dma_wait3A_89] : memref<48x256xi32, #tpu.memory_space<vmem>> -> memref<1x256xi32, #tpu.memory_space<vmem>>
      %dma_wait3A_91 = tpu.memref_squeeze %dma_wait3A_90 : memref<1x256xi32, #tpu.memory_space<vmem>> -> memref<256xi32, #tpu.memory_space<vmem>>
      %dma_wait3A_92 = arith.constant 0 : i32
      %dma_wait3A_93 = arith.constant 0 : i32
      %dma_wait3A_94 = tpu.memref_slice %arg2[%dma_wait3A_92, %dma_wait3A_93] : memref<10000x64xbf16, #tpu.memory_space<hbm>> -> memref<10000x64xbf16, #tpu.memory_space<hbm>>
      tpu.wait_indirect_dma semaphore(%arg15 : memref<!tpu.dma_semaphore, #tpu.memory_space<semaphore_mem>>) src(%dma_wait3A_94 : memref<10000x64xbf16, #tpu.memory_space<hbm>>) dst(%arg10 : memref<256x64xbf16, #tpu.memory_space<vmem>>)
      %gt3A_95 = arith.constant 0 : i32
      %gt3A_96 = arith.cmpi sgt, %while3A_60, %gt3A_95 : i32
      %convert_element_type3A_97 = arith.extui %gt3A_96 : i1 to i32
      %cond3A_98 = arith.constant 0 : i32
      %cond3A_99 = arith.cmpi ne, %convert_element_type3A_97, %cond3A_98 : i32
      scf.if %cond3A_99 {
        %dma_wait3A_120 = arith.constant 0 : i32
        %dma_wait3A_121 = arith.constant 0 : i32
        %dma_wait3A_122 = tpu.memref_slice %arg8[%dma_wait3A_120, %dma_wait3A_121] : memref<48x256xi32, #tpu.memory_space<vmem>> -> memref<1x256xi32, #tpu.memory_space<vmem>>
        %dma_wait3A_123 = tpu.memref_squeeze %dma_wait3A_122 : memref<1x256xi32, #tpu.memory_space<vmem>> -> memref<256xi32, #tpu.memory_space<vmem>>
        %dma_wait3A_124 = arith.constant 0 : i32
        %dma_wait3A_125 = arith.constant 0 : i32
        %dma_wait3A_126 = tpu.memref_slice %arg13[%dma_wait3A_124, %dma_wait3A_125] : memref<10112x64xf32, #tpu.memory_space<vmem_shared>> -> memref<10112x64xf32, #tpu.memory_space<vmem_shared>>
        tpu.wait_indirect_dma semaphore(%arg17 : memref<!tpu.dma_semaphore, #tpu.memory_space<semaphore_mem>>) src(%arg12 : memref<256x64xf32, #tpu.memory_space<vmem>>) dst(%dma_wait3A_126 : memref<10112x64xf32, #tpu.memory_space<vmem_shared>>)
      } else {
      }
      %scan3A_100 = arith.constant 0 : i32
      %scan3A_101 = arith.constant 0 : i32
      %scan3A_102 = arith.constant 64 : i32
      %scan3A_103 = arith.addi %scan3A_101, %scan3A_102 : i32
      %scan3A_104 = arith.constant 1 : i32
      scf.for %scan3A_120 = %scan3A_101 to %scan3A_103 step %scan3A_104  : i32 {
        %mul3A_121 = arith.constant 4 : i32
        %mul3A_122 = arith.muli %mul3A_121, %scan3A_120 : i32
        %add3A_123 = arith.constant 0 : i32
        %add3A_124 = arith.addi %mul3A_122, %add3A_123 : i32
        %get3A = arith.index_cast %add3A_124 : i32 to index
        %get3A_125 = arith.constant 0 : index
        %get3A_126 = tpu.vector_load %arg10[%get3A, %get3A_125] {strides = array<i32>} : memref<256x64xbf16, #tpu.memory_space<vmem>>, vector<32xbf16>,
        %bitcast3A = vector.bitcast %get3A_126 : vector<32xbf16> to vector<16xi32>
        %shift_left3A = arith.constant 16 : i32
        %shift_left3A_127 = vector.broadcast %shift_left3A : i32 to vector<16xi32>
        %shift_left3A_128 = arith.shli %bitcast3A, %shift_left3A_127 : vector<16xi32>
        %bitcast3A_129 = vector.bitcast %shift_left3A_128 : vector<16xi32> to vector<16xf32>
        %and3A_130 = arith.constant -65536 : i32
        %and3A_131 = vector.broadcast %and3A_130 : i32 to vector<16xi32>
        %and3A_132 = arith.andi %bitcast3A, %and3A_131 : vector<16xi32>
        %bitcast3A_133 = vector.bitcast %and3A_132 : vector<16xi32> to vector<16xf32>
        %swap3A = arith.index_cast %add3A_124 : i32 to index
        %swap3A_134 = arith.constant 0 : index
        %swap3A_135 = tpu.vector_load %arg12[%swap3A, %swap3A_134] {strides = array<i32>} : memref<256x64xf32, #tpu.memory_space<vmem>>, vector<16xf32>,
        tpu.vector_store %arg12[%swap3A, %swap3A_134], %bitcast3A_129 {strides = array<i32>} : memref<256x64xf32, #tpu.memory_space<vmem>>, vector<16xf32>,
        %swap3A_136 = arith.index_cast %add3A_124 : i32 to index
        %swap3A_137 = arith.constant 16 : index
        %swap3A_138 = tpu.vector_load %arg12[%swap3A_136, %swap3A_137] {strides = array<i32>} : memref<256x64xf32, #tpu.memory_space<vmem>>, vector<16xf32>,
        tpu.vector_store %arg12[%swap3A_136, %swap3A_137], %bitcast3A_133 {strides = array<i32>} : memref<256x64xf32, #tpu.memory_space<vmem>>, vector<16xf32>,
        %get3A_139 = arith.index_cast %add3A_124 : i32 to index
        %get3A_140 = arith.constant 32 : index
        %get3A_141 = tpu.vector_load %arg10[%get3A_139, %get3A_140] {strides = array<i32>} : memref<256x64xbf16, #tpu.memory_space<vmem>>, vector<32xbf16>,
        %bitcast3A_142 = vector.bitcast %get3A_141 : vector<32xbf16> to vector<16xi32>
        %shift_left3A_143 = arith.constant 16 : i32
        %shift_left3A_144 = vector.broadcast %shift_left3A_143 : i32 to vector<16xi32>
        %shift_left3A_145 = arith.shli %bitcast3A_142, %shift_left3A_144 : vector<16xi32>
        %bitcast3A_146 = vector.bitcast %shift_left3A_145 : vector<16xi32> to vector<16xf32>
        %and3A_147 = arith.constant -65536 : i32
        %and3A_148 = vector.broadcast %and3A_147 : i32 to vector<16xi32>
        %and3A_149 = arith.andi %bitcast3A_142, %and3A_148 : vector<16xi32>
        %bitcast3A_150 = vector.bitcast %and3A_149 : vector<16xi32> to vector<16xf32>
        %swap3A_151 = arith.index_cast %add3A_124 : i32 to index
        %swap3A_152 = arith.constant 32 : index
        %swap3A_153 = tpu.vector_load %arg12[%swap3A_151, %swap3A_152] {strides = array<i32>} : memref<256x64xf32, #tpu.memory_space<vmem>>, vector<16xf32>,
        tpu.vector_store %arg12[%swap3A_151, %swap3A_152], %bitcast3A_146 {strides = array<i32>} : memref<256x64xf32, #tpu.memory_space<vmem>>, vector<16xf32>,
        %swap3A_154 = arith.index_cast %add3A_124 : i32 to index
        %swap3A_155 = arith.constant 48 : index
        %swap3A_156 = tpu.vector_load %arg12[%swap3A_154, %swap3A_155] {strides = array<i32>} : memref<256x64xf32, #tpu.memory_space<vmem>>, vector<16xf32>,
        tpu.vector_store %arg12[%swap3A_154, %swap3A_155], %bitcast3A_150 {strides = array<i32>} : memref<256x64xf32, #tpu.memory_space<vmem>>, vector<16xf32>,
        %mul3A_157 = arith.constant 4 : i32
        %mul3A_158 = arith.muli %mul3A_157, %scan3A_120 : i32
        %add3A_159 = arith.constant 1 : i32
        %add3A_160 = arith.addi %mul3A_158, %add3A_159 : i32
        %get3A_161 = arith.index_cast %add3A_160 : i32 to index
        %get3A_162 = arith.constant 0 : index
        %get3A_163 = tpu.vector_load %arg10[%get3A_161, %get3A_162] {strides = array<i32>} : memref<256x64xbf16, #tpu.memory_space<vmem>>, vector<32xbf16>,
        %bitcast3A_164 = vector.bitcast %get3A_163 : vector<32xbf16> to vector<16xi32>
        %shift_left3A_165 = arith.constant 16 : i32
        %shift_left3A_166 = vector.broadcast %shift_left3A_165 : i32 to vector<16xi32>
        %shift_left3A_167 = arith.shli %bitcast3A_164, %shift_left3A_166 : vector<16xi32>
        %bitcast3A_168 = vector.bitcast %shift_left3A_167 : vector<16xi32> to vector<16xf32>
        %and3A_169 = arith.constant -65536 : i32
        %and3A_170 = vector.broadcast %and3A_169 : i32 to vector<16xi32>
        %and3A_171 = arith.andi %bitcast3A_164, %and3A_170 : vector<16xi32>
        %bitcast3A_172 = vector.bitcast %and3A_171 : vector<16xi32> to vector<16xf32>
        %swap3A_173 = arith.index_cast %add3A_160 : i32 to index
        %swap3A_174 = arith.constant 0 : index
        %swap3A_175 = tpu.vector_load %arg12[%swap3A_173, %swap3A_174] {strides = array<i32>} : memref<256x64xf32, #tpu.memory_space<vmem>>, vector<16xf32>,
        tpu.vector_store %arg12[%swap3A_173, %swap3A_174], %bitcast3A_168 {strides = array<i32>} : memref<256x64xf32, #tpu.memory_space<vmem>>, vector<16xf32>,
        %swap3A_176 = arith.index_cast %add3A_160 : i32 to index
        %swap3A_177 = arith.constant 16 : index
        %swap3A_178 = tpu.vector_load %arg12[%swap3A_176, %swap3A_177] {strides = array<i32>} : memref<256x64xf32, #tpu.memory_space<vmem>>, vector<16xf32>,
        tpu.vector_store %arg12[%swap3A_176, %swap3A_177], %bitcast3A_172 {strides = array<i32>} : memref<256x64xf32, #tpu.memory_space<vmem>>, vector<16xf32>,
        %get3A_179 = arith.index_cast %add3A_160 : i32 to index
        %get3A_180 = arith.constant 32 : index
        %get3A_181 = tpu.vector_load %arg10[%get3A_179, %get3A_180] {strides = array<i32>} : memref<256x64xbf16, #tpu.memory_space<vmem>>, vector<32xbf16>,
        %bitcast3A_182 = vector.bitcast %get3A_181 : vector<32xbf16> to vector<16xi32>
        %shift_left3A_183 = arith.constant 16 : i32
        %shift_left3A_184 = vector.broadcast %shift_left3A_183 : i32 to vector<16xi32>
        %shift_left3A_185 = arith.shli %bitcast3A_182, %shift_left3A_184 : vector<16xi32>
        %bitcast3A_186 = vector.bitcast %shift_left3A_185 : vector<16xi32> to vector<16xf32>
        %and3A_187 = arith.constant -65536 : i32
        %and3A_188 = vector.broadcast %and3A_187 : i32 to vector<16xi32>
        %and3A_189 = arith.andi %bitcast3A_182, %and3A_188 : vector<16xi32>
        %bitcast3A_190 = vector.bitcast %and3A_189 : vector<16xi32> to vector<16xf32>
        %swap3A_191 = arith.index_cast %add3A_160 : i32 to index
        %swap3A_192 = arith.constant 32 : index
        %swap3A_193 = tpu.vector_load %arg12[%swap3A_191, %swap3A_192] {strides = array<i32>} : memref<256x64xf32, #tpu.memory_space<vmem>>, vector<16xf32>,
        tpu.vector_store %arg12[%swap3A_191, %swap3A_192], %bitcast3A_186 {strides = array<i32>} : memref<256x64xf32, #tpu.memory_space<vmem>>, vector<16xf32>,
        %swap3A_194 = arith.index_cast %add3A_160 : i32 to index
        %swap3A_195 = arith.constant 48 : index
        %swap3A_196 = tpu.vector_load %arg12[%swap3A_194, %swap3A_195] {strides = array<i32>} : memref<256x64xf32, #tpu.memory_space<vmem>>, vector<16xf32>,
        tpu.vector_store %arg12[%swap3A_194, %swap3A_195], %bitcast3A_190 {strides = array<i32>} : memref<256x64xf32, #tpu.memory_space<vmem>>, vector<16xf32>,
        %mul3A_197 = arith.constant 4 : i32
        %mul3A_198 = arith.muli %mul3A_197, %scan3A_120 : i32
        %add3A_199 = arith.constant 2 : i32
        %add3A_200 = arith.addi %mul3A_198, %add3A_199 : i32
        %get3A_201 = arith.index_cast %add3A_200 : i32 to index
        %get3A_202 = arith.constant 0 : index
        %get3A_203 = tpu.vector_load %arg10[%get3A_201, %get3A_202] {strides = array<i32>} : memref<256x64xbf16, #tpu.memory_space<vmem>>, vector<32xbf16>,
        %bitcast3A_204 = vector.bitcast %get3A_203 : vector<32xbf16> to vector<16xi32>
        %shift_left3A_205 = arith.constant 16 : i32
        %shift_left3A_206 = vector.broadcast %shift_left3A_205 : i32 to vector<16xi32>
        %shift_left3A_207 = arith.shli %bitcast3A_204, %shift_left3A_206 : vector<16xi32>
        %bitcast3A_208 = vector.bitcast %shift_left3A_207 : vector<16xi32> to vector<16xf32>
        %and3A_209 = arith.constant -65536 : i32
        %and3A_210 = vector.broadcast %and3A_209 : i32 to vector<16xi32>
        %and3A_211 = arith.andi %bitcast3A_204, %and3A_210 : vector<16xi32>
        %bitcast3A_212 = vector.bitcast %and3A_211 : vector<16xi32> to vector<16xf32>
        %swap3A_213 = arith.index_cast %add3A_200 : i32 to index
        %swap3A_214 = arith.constant 0 : index
        %swap3A_215 = tpu.vector_load %arg12[%swap3A_213, %swap3A_214] {strides = array<i32>} : memref<256x64xf32, #tpu.memory_space<vmem>>, vector<16xf32>,
        tpu.vector_store %arg12[%swap3A_213, %swap3A_214], %bitcast3A_208 {strides = array<i32>} : memref<256x64xf32, #tpu.memory_space<vmem>>, vector<16xf32>,
        %swap3A_216 = arith.index_cast %add3A_200 : i32 to index
        %swap3A_217 = arith.constant 16 : index
        %swap3A_218 = tpu.vector_load %arg12[%swap3A_216, %swap3A_217] {strides = array<i32>} : memref<256x64xf32, #tpu.memory_space<vmem>>, vector<16xf32>,
        tpu.vector_store %arg12[%swap3A_216, %swap3A_217], %bitcast3A_212 {strides = array<i32>} : memref<256x64xf32, #tpu.memory_space<vmem>>, vector<16xf32>,
        %get3A_219 = arith.index_cast %add3A_200 : i32 to index
        %get3A_220 = arith.constant 32 : index
        %get3A_221 = tpu.vector_load %arg10[%get3A_219, %get3A_220] {strides = array<i32>} : memref<256x64xbf16, #tpu.memory_space<vmem>>, vector<32xbf16>,
        %bitcast3A_222 = vector.bitcast %get3A_221 : vector<32xbf16> to vector<16xi32>
        %shift_left3A_223 = arith.constant 16 : i32
        %shift_left3A_224 = vector.broadcast %shift_left3A_223 : i32 to vector<16xi32>
        %shift_left3A_225 = arith.shli %bitcast3A_222, %shift_left3A_224 : vector<16xi32>
        %bitcast3A_226 = vector.bitcast %shift_left3A_225 : vector<16xi32> to vector<16xf32>
        %and3A_227 = arith.constant -65536 : i32
        %and3A_228 = vector.broadcast %and3A_227 : i32 to vector<16xi32>
        %and3A_229 = arith.andi %bitcast3A_222, %and3A_228 : vector<16xi32>
        %bitcast3A_230 = vector.bitcast %and3A_229 : vector<16xi32> to vector<16xf32>
        %swap3A_231 = arith.index_cast %add3A_200 : i32 to index
        %swap3A_232 = arith.constant 32 : index
        %swap3A_233 = tpu.vector_load %arg12[%swap3A_231, %swap3A_232] {strides = array<i32>} : memref<256x64xf32, #tpu.memory_space<vmem>>, vector<16xf32>,
        tpu.vector_store %arg12[%swap3A_231, %swap3A_232], %bitcast3A_226 {strides = array<i32>} : memref<256x64xf32, #tpu.memory_space<vmem>>, vector<16xf32>,
        %swap3A_234 = arith.index_cast %add3A_200 : i32 to index
        %swap3A_235 = arith.constant 48 : index
        %swap3A_236 = tpu.vector_load %arg12[%swap3A_234, %swap3A_235] {strides = array<i32>} : memref<256x64xf32, #tpu.memory_space<vmem>>, vector<16xf32>,
        tpu.vector_store %arg12[%swap3A_234, %swap3A_235], %bitcast3A_230 {strides = array<i32>} : memref<256x64xf32, #tpu.memory_space<vmem>>, vector<16xf32>,
        %mul3A_237 = arith.constant 4 : i32
        %mul3A_238 = arith.muli %mul3A_237, %scan3A_120 : i32
        %add3A_239 = arith.constant 3 : i32
        %add3A_240 = arith.addi %mul3A_238, %add3A_239 : i32
        %get3A_241 = arith.index_cast %add3A_240 : i32 to index
        %get3A_242 = arith.constant 0 : index
        %get3A_243 = tpu.vector_load %arg10[%get3A_241, %get3A_242] {strides = array<i32>} : memref<256x64xbf16, #tpu.memory_space<vmem>>, vector<32xbf16>,
        %bitcast3A_244 = vector.bitcast %get3A_243 : vector<32xbf16> to vector<16xi32>
        %shift_left3A_245 = arith.constant 16 : i32
        %shift_left3A_246 = vector.broadcast %shift_left3A_245 : i32 to vector<16xi32>
        %shift_left3A_247 = arith.shli %bitcast3A_244, %shift_left3A_246 : vector<16xi32>
        %bitcast3A_248 = vector.bitcast %shift_left3A_247 : vector<16xi32> to vector<16xf32>
        %and3A_249 = arith.constant -65536 : i32
        %and3A_250 = vector.broadcast %and3A_249 : i32 to vector<16xi32>
        %and3A_251 = arith.andi %bitcast3A_244, %and3A_250 : vector<16xi32>
        %bitcast3A_252 = vector.bitcast %and3A_251 : vector<16xi32> to vector<16xf32>
        %swap3A_253 = arith.index_cast %add3A_240 : i32 to index
        %swap3A_254 = arith.constant 0 : index
        %swap3A_255 = tpu.vector_load %arg12[%swap3A_253, %swap3A_254] {strides = array<i32>} : memref<256x64xf32, #tpu.memory_space<vmem>>, vector<16xf32>,
        tpu.vector_store %arg12[%swap3A_253, %swap3A_254], %bitcast3A_248 {strides = array<i32>} : memref<256x64xf32, #tpu.memory_space<vmem>>, vector<16xf32>,
        %swap3A_256 = arith.index_cast %add3A_240 : i32 to index
        %swap3A_257 = arith.constant 16 : index
        %swap3A_258 = tpu.vector_load %arg12[%swap3A_256, %swap3A_257] {strides = array<i32>} : memref<256x64xf32, #tpu.memory_space<vmem>>, vector<16xf32>,
        tpu.vector_store %arg12[%swap3A_256, %swap3A_257], %bitcast3A_252 {strides = array<i32>} : memref<256x64xf32, #tpu.memory_space<vmem>>, vector<16xf32>,
        %get3A_259 = arith.index_cast %add3A_240 : i32 to index
        %get3A_260 = arith.constant 32 : index
        %get3A_261 = tpu.vector_load %arg10[%get3A_259, %get3A_260] {strides = array<i32>} : memref<256x64xbf16, #tpu.memory_space<vmem>>, vector<32xbf16>,
        %bitcast3A_262 = vector.bitcast %get3A_261 : vector<32xbf16> to vector<16xi32>
        %shift_left3A_263 = arith.constant 16 : i32
        %shift_left3A_264 = vector.broadcast %shift_left3A_263 : i32 to vector<16xi32>
        %shift_left3A_265 = arith.shli %bitcast3A_262, %shift_left3A_264 : vector<16xi32>
        %bitcast3A_266 = vector.bitcast %shift_left3A_265 : vector<16xi32> to vector<16xf32>
        %and3A_267 = arith.constant -65536 : i32
        %and3A_268 = vector.broadcast %and3A_267 : i32 to vector<16xi32>
        %and3A_269 = arith.andi %bitcast3A_262, %and3A_268 : vector<16xi32>
        %bitcast3A_270 = vector.bitcast %and3A_269 : vector<16xi32> to vector<16xf32>
        %swap3A_271 = arith.index_cast %add3A_240 : i32 to index
        %swap3A_272 = arith.constant 32 : index
        %swap3A_273 = tpu.vector_load %arg12[%swap3A_271, %swap3A_272] {strides = array<i32>} : memref<256x64xf32, #tpu.memory_space<vmem>>, vector<16xf32>,
        tpu.vector_store %arg12[%swap3A_271, %swap3A_272], %bitcast3A_266 {strides = array<i32>} : memref<256x64xf32, #tpu.memory_space<vmem>>, vector<16xf32>,
        %swap3A_274 = arith.index_cast %add3A_240 : i32 to index
        %swap3A_275 = arith.constant 48 : index
        %swap3A_276 = tpu.vector_load %arg12[%swap3A_274, %swap3A_275] {strides = array<i32>} : memref<256x64xf32, #tpu.memory_space<vmem>>, vector<16xf32>,
        tpu.vector_store %arg12[%swap3A_274, %swap3A_275], %bitcast3A_270 {strides = array<i32>} : memref<256x64xf32, #tpu.memory_space<vmem>>, vector<16xf32>,
      }
      %scan3A_105 = arith.constant 64 : i32
      %add3A_106 = arith.constant 3 : i32
      %add3A_107 = arith.addi %mul3A_62, %add3A_106 : i32
      %lt3A_108 = arith.cmpi slt, %add3A_107, %select_n3A : i32
      %convert_element_type3A_109 = arith.extui %lt3A_108 : i1 to i32
      %cond3A_110 = arith.constant 0 : i32
      %cond3A_111 = arith.cmpi ne, %convert_element_type3A_109, %cond3A_110 : i32
      scf.if %cond3A_111 {
        %add3A_120 = arith.constant 3 : i32
        %add3A_121 = arith.addi %mul3A_62, %add3A_120 : i32
        %dma_start3A_122 = arith.constant 0 : i32
        %dma_start3A_123 = tpu.memref_slice %arg7[%add3A_121, %dma_start3A_122] : memref<48x256xi32, #tpu.memory_space<vmem>> -> memref<1x256xi32, #tpu.memory_space<vmem>>
        %dma_start3A_124 = tpu.memref_squeeze %dma_start3A_123 : memref<1x256xi32, #tpu.memory_space<vmem>> -> memref<256xi32, #tpu.memory_space<vmem>>
        %dma_start3A_125 = arith.constant 0 : i32
        %dma_start3A_126 = arith.constant 0 : i32
        %dma_start3A_127 = tpu.memref_slice %arg2[%dma_start3A_125, %dma_start3A_126] : memref<10000x64xbf16, #tpu.memory_space<hbm>> -> memref<10000x64xbf16, #tpu.memory_space<hbm>>
        tpu.enqueue_indirect_dma source(%dma_start3A_127 : memref<10000x64xbf16, #tpu.memory_space<hbm>>) target(%arg10 : memref<256x64xbf16, #tpu.memory_space<vmem>>) offsets(%dma_start3A_124 : memref<256xi32, #tpu.memory_space<vmem>>) semaphore(%arg15 : memref<!tpu.dma_semaphore, #tpu.memory_space<semaphore_mem>>)
      } else {
      }
      %add3A_112 = arith.constant 1 : i32
      %add3A_113 = arith.addi %mul3A_62, %add3A_112 : i32
      %dma_start3A_114 = arith.constant 0 : i32
      %dma_start3A_115 = tpu.memref_slice %arg8[%add3A_113, %dma_start3A_114] : memref<48x256xi32, #tpu.memory_space<vmem>> -> memref<1x256xi32, #tpu.memory_space<vmem>>
      %dma_start3A_116 = tpu.memref_squeeze %dma_start3A_115 : memref<1x256xi32, #tpu.memory_space<vmem>> -> memref<256xi32, #tpu.memory_space<vmem>>
      %dma_start3A_117 = arith.constant 0 : i32
      %dma_start3A_118 = arith.constant 0 : i32
      %dma_start3A_119 = tpu.memref_slice %arg13[%dma_start3A_117, %dma_start3A_118] : memref<10112x64xf32, #tpu.memory_space<vmem_shared>> -> memref<10112x64xf32, #tpu.memory_space<vmem_shared>>
      tpu.enqueue_indirect_dma source(%arg12 : memref<256x64xf32, #tpu.memory_space<vmem>>) target(%dma_start3A_119 : memref<10112x64xf32, #tpu.memory_space<vmem_shared>>) offsets(%dma_start3A_116 : memref<256xi32, #tpu.memory_space<vmem>>) semaphore(%arg17 : memref<!tpu.dma_semaphore, #tpu.memory_space<semaphore_mem>>) {add = true}
    }
    %while3A_45 = arith.constant 1 : i32
    scf.for %while3A_60 = %while3A_43 to %while3A_39 step %while3A_45  : i32 {
      %mul3A_61 = arith.constant 2 : i32
      %mul3A_62 = arith.muli %mul3A_61, %while3A_60 : i32
      %dma_wait3A_63 = arith.constant 0 : i32
      %dma_wait3A_64 = arith.constant 0 : i32
      %dma_wait3A_65 = tpu.memref_slice %arg7[%dma_wait3A_63, %dma_wait3A_64] : memref<48x256xi32, #tpu.memory_space<vmem>> -> memref<1x256xi32, #tpu.memory_space<vmem>>
      %dma_wait3A_66 = tpu.memref_squeeze %dma_wait3A_65 : memref<1x256xi32, #tpu.memory_space<vmem>> -> memref<256xi32, #tpu.memory_space<vmem>>
      %dma_wait3A_67 = arith.constant 0 : i32
      %dma_wait3A_68 = arith.constant 0 : i32
      %dma_wait3A_69 = tpu.memref_slice %arg2[%dma_wait3A_67, %dma_wait3A_68] : memref<10000x64xbf16, #tpu.memory_space<hbm>> -> memref<10000x64xbf16, #tpu.memory_space<hbm>>
      tpu.wait_indirect_dma semaphore(%arg14 : memref<!tpu.dma_semaphore, #tpu.memory_space<semaphore_mem>>) src(%dma_wait3A_69 : memref<10000x64xbf16, #tpu.memory_space<hbm>>) dst(%arg9 : memref<256x64xbf16, #tpu.memory_space<vmem>>)
      %gt3A = arith.constant 0 : i32
      %gt3A_70 = arith.cmpi sgt, %while3A_60, %gt3A : i32
      %convert_element_type3A = arith.extui %gt3A_70 : i1 to i32
      %cond3A = arith.constant 0 : i32
      %cond3A_71 = arith.cmpi ne, %convert_element_type3A, %cond3A : i32
      scf.if %cond3A_71 {
        %dma_wait3A_120 = arith.constant 0 : i32
        %dma_wait3A_121 = arith.constant 0 : i32
        %dma_wait3A_122 = tpu.memref_slice %arg8[%dma_wait3A_120, %dma_wait3A_121] : memref<48x256xi32, #tpu.memory_space<vmem>> -> memref<1x256xi32, #tpu.memory_space<vmem>>
        %dma_wait3A_123 = tpu.memref_squeeze %dma_wait3A_122 : memref<1x256xi32, #tpu.memory_space<vmem>> -> memref<256xi32, #tpu.memory_space<vmem>>
        %dma_wait3A_124 = arith.constant 0 : i32
        %dma_wait3A_125 = arith.constant 0 : i32
        %dma_wait3A_126 = tpu.memref_slice %arg13[%dma_wait3A_124, %dma_wait3A_125] : memref<10112x64xf32, #tpu.memory_space<vmem_shared>> -> memref<10112x64xf32, #tpu.memory_space<vmem_shared>>
        tpu.wait_indirect_dma semaphore(%arg16 : memref<!tpu.dma_semaphore, #tpu.memory_space<semaphore_mem>>) src(%arg11 : memref<256x64xf32, #tpu.memory_space<vmem>>) dst(%dma_wait3A_126 : memref<10112x64xf32, #tpu.memory_space<vmem_shared>>)
      } else {
      }
      %scan3A = arith.constant 0 : i32
      %scan3A_72 = arith.constant 0 : i32
      %scan3A_73 = arith.constant 64 : i32
      %scan3A_74 = arith.addi %scan3A_72, %scan3A_73 : i32
      %scan3A_75 = arith.constant 1 : i32
      scf.for %scan3A_120 = %scan3A_72 to %scan3A_74 step %scan3A_75  : i32 {
        %mul3A_121 = arith.constant 4 : i32
        %mul3A_122 = arith.muli %mul3A_121, %scan3A_120 : i32
        %add3A_123 = arith.constant 0 : i32
        %add3A_124 = arith.addi %mul3A_122, %add3A_123 : i32
        %get3A = arith.index_cast %add3A_124 : i32 to index
        %get3A_125 = arith.constant 0 : index
        %get3A_126 = tpu.vector_load %arg9[%get3A, %get3A_125] {strides = array<i32>} : memref<256x64xbf16, #tpu.memory_space<vmem>>, vector<32xbf16>,
        %bitcast3A = vector.bitcast %get3A_126 : vector<32xbf16> to vector<16xi32>
        %shift_left3A = arith.constant 16 : i32
        %shift_left3A_127 = vector.broadcast %shift_left3A : i32 to vector<16xi32>
        %shift_left3A_128 = arith.shli %bitcast3A, %shift_left3A_127 : vector<16xi32>
        %bitcast3A_129 = vector.bitcast %shift_left3A_128 : vector<16xi32> to vector<16xf32>
        %and3A_130 = arith.constant -65536 : i32
        %and3A_131 = vector.broadcast %and3A_130 : i32 to vector<16xi32>
        %and3A_132 = arith.andi %bitcast3A, %and3A_131 : vector<16xi32>
        %bitcast3A_133 = vector.bitcast %and3A_132 : vector<16xi32> to vector<16xf32>
        %swap3A = arith.index_cast %add3A_124 : i32 to index
        %swap3A_134 = arith.constant 0 : index
        %swap3A_135 = tpu.vector_load %arg11[%swap3A, %swap3A_134] {strides = array<i32>} : memref<256x64xf32, #tpu.memory_space<vmem>>, vector<16xf32>,
        tpu.vector_store %arg11[%swap3A, %swap3A_134], %bitcast3A_129 {strides = array<i32>} : memref<256x64xf32, #tpu.memory_space<vmem>>, vector<16xf32>,
        %swap3A_136 = arith.index_cast %add3A_124 : i32 to index
        %swap3A_137 = arith.constant 16 : index
        %swap3A_138 = tpu.vector_load %arg11[%swap3A_136, %swap3A_137] {strides = array<i32>} : memref<256x64xf32, #tpu.memory_space<vmem>>, vector<16xf32>,
        tpu.vector_store %arg11[%swap3A_136, %swap3A_137], %bitcast3A_133 {strides = array<i32>} : memref<256x64xf32, #tpu.memory_space<vmem>>, vector<16xf32>,
        %get3A_139 = arith.index_cast %add3A_124 : i32 to index
        %get3A_140 = arith.constant 32 : index
        %get3A_141 = tpu.vector_load %arg9[%get3A_139, %get3A_140] {strides = array<i32>} : memref<256x64xbf16, #tpu.memory_space<vmem>>, vector<32xbf16>,
        %bitcast3A_142 = vector.bitcast %get3A_141 : vector<32xbf16> to vector<16xi32>
        %shift_left3A_143 = arith.constant 16 : i32
        %shift_left3A_144 = vector.broadcast %shift_left3A_143 : i32 to vector<16xi32>
        %shift_left3A_145 = arith.shli %bitcast3A_142, %shift_left3A_144 : vector<16xi32>
        %bitcast3A_146 = vector.bitcast %shift_left3A_145 : vector<16xi32> to vector<16xf32>
        %and3A_147 = arith.constant -65536 : i32
        %and3A_148 = vector.broadcast %and3A_147 : i32 to vector<16xi32>
        %and3A_149 = arith.andi %bitcast3A_142, %and3A_148 : vector<16xi32>
        %bitcast3A_150 = vector.bitcast %and3A_149 : vector<16xi32> to vector<16xf32>
        %swap3A_151 = arith.index_cast %add3A_124 : i32 to index
        %swap3A_152 = arith.constant 32 : index
        %swap3A_153 = tpu.vector_load %arg11[%swap3A_151, %swap3A_152] {strides = array<i32>} : memref<256x64xf32, #tpu.memory_space<vmem>>, vector<16xf32>,
        tpu.vector_store %arg11[%swap3A_151, %swap3A_152], %bitcast3A_146 {strides = array<i32>} : memref<256x64xf32, #tpu.memory_space<vmem>>, vector<16xf32>,
        %swap3A_154 = arith.index_cast %add3A_124 : i32 to index
        %swap3A_155 = arith.constant 48 : index
        %swap3A_156 = tpu.vector_load %arg11[%swap3A_154, %swap3A_155] {strides = array<i32>} : memref<256x64xf32, #tpu.memory_space<vmem>>, vector<16xf32>,
        tpu.vector_store %arg11[%swap3A_154, %swap3A_155], %bitcast3A_150 {strides = array<i32>} : memref<256x64xf32, #tpu.memory_space<vmem>>, vector<16xf32>,
        %mul3A_157 = arith.constant 4 : i32
        %mul3A_158 = arith.muli %mul3A_157, %scan3A_120 : i32
        %add3A_159 = arith.constant 1 : i32
        %add3A_160 = arith.addi %mul3A_158, %add3A_159 : i32
        %get3A_161 = arith.index_cast %add3A_160 : i32 to index
        %get3A_162 = arith.constant 0 : index
        %get3A_163 = tpu.vector_load %arg9[%get3A_161, %get3A_162] {strides = array<i32>} : memref<256x64xbf16, #tpu.memory_space<vmem>>, vector<32xbf16>,
        %bitcast3A_164 = vector.bitcast %get3A_163 : vector<32xbf16> to vector<16xi32>
        %shift_left3A_165 = arith.constant 16 : i32
        %shift_left3A_166 = vector.broadcast %shift_left3A_165 : i32 to vector<16xi32>
        %shift_left3A_167 = arith.shli %bitcast3A_164, %shift_left3A_166 : vector<16xi32>
        %bitcast3A_168 = vector.bitcast %shift_left3A_167 : vector<16xi32> to vector<16xf32>
        %and3A_169 = arith.constant -65536 : i32
        %and3A_170 = vector.broadcast %and3A_169 : i32 to vector<16xi32>
        %and3A_171 = arith.andi %bitcast3A_164, %and3A_170 : vector<16xi32>
        %bitcast3A_172 = vector.bitcast %and3A_171 : vector<16xi32> to vector<16xf32>
        %swap3A_173 = arith.index_cast %add3A_160 : i32 to index
        %swap3A_174 = arith.constant 0 : index
        %swap3A_175 = tpu.vector_load %arg11[%swap3A_173, %swap3A_174] {strides = array<i32>} : memref<256x64xf32, #tpu.memory_space<vmem>>, vector<16xf32>,
        tpu.vector_store %arg11[%swap3A_173, %swap3A_174], %bitcast3A_168 {strides = array<i32>} : memref<256x64xf32, #tpu.memory_space<vmem>>, vector<16xf32>,
        %swap3A_176 = arith.index_cast %add3A_160 : i32 to index
        %swap3A_177 = arith.constant 16 : index
        %swap3A_178 = tpu.vector_load %arg11[%swap3A_176, %swap3A_177] {strides = array<i32>} : memref<256x64xf32, #tpu.memory_space<vmem>>, vector<16xf32>,
        tpu.vector_store %arg11[%swap3A_176, %swap3A_177], %bitcast3A_172 {strides = array<i32>} : memref<256x64xf32, #tpu.memory_space<vmem>>, vector<16xf32>,
        %get3A_179 = arith.index_cast %add3A_160 : i32 to index
        %get3A_180 = arith.constant 32 : index
        %get3A_181 = tpu.vector_load %arg9[%get3A_179, %get3A_180] {strides = array<i32>} : memref<256x64xbf16, #tpu.memory_space<vmem>>, vector<32xbf16>,
        %bitcast3A_182 = vector.bitcast %get3A_181 : vector<32xbf16> to vector<16xi32>
        %shift_left3A_183 = arith.constant 16 : i32
        %shift_left3A_184 = vector.broadcast %shift_left3A_183 : i32 to vector<16xi32>
        %shift_left3A_185 = arith.shli %bitcast3A_182, %shift_left3A_184 : vector<16xi32>
        %bitcast3A_186 = vector.bitcast %shift_left3A_185 : vector<16xi32> to vector<16xf32>
        %and3A_187 = arith.constant -65536 : i32
        %and3A_188 = vector.broadcast %and3A_187 : i32 to vector<16xi32>
        %and3A_189 = arith.andi %bitcast3A_182, %and3A_188 : vector<16xi32>
        %bitcast3A_190 = vector.bitcast %and3A_189 : vector<16xi32> to vector<16xf32>
        %swap3A_191 = arith.index_cast %add3A_160 : i32 to index
        %swap3A_192 = arith.constant 32 : index
        %swap3A_193 = tpu.vector_load %arg11[%swap3A_191, %swap3A_192] {strides = array<i32>} : memref<256x64xf32, #tpu.memory_space<vmem>>, vector<16xf32>,
        tpu.vector_store %arg11[%swap3A_191, %swap3A_192], %bitcast3A_186 {strides = array<i32>} : memref<256x64xf32, #tpu.memory_space<vmem>>, vector<16xf32>,
        %swap3A_194 = arith.index_cast %add3A_160 : i32 to index
        %swap3A_195 = arith.constant 48 : index
        %swap3A_196 = tpu.vector_load %arg11[%swap3A_194, %swap3A_195] {strides = array<i32>} : memref<256x64xf32, #tpu.memory_space<vmem>>, vector<16xf32>,
        tpu.vector_store %arg11[%swap3A_194, %swap3A_195], %bitcast3A_190 {strides = array<i32>} : memref<256x64xf32, #tpu.memory_space<vmem>>, vector<16xf32>,
        %mul3A_197 = arith.constant 4 : i32
        %mul3A_198 = arith.muli %mul3A_197, %scan3A_120 : i32
        %add3A_199 = arith.constant 2 : i32
        %add3A_200 = arith.addi %mul3A_198, %add3A_199 : i32
        %get3A_201 = arith.index_cast %add3A_200 : i32 to index
        %get3A_202 = arith.constant 0 : index
        %get3A_203 = tpu.vector_load %arg9[%get3A_201, %get3A_202] {strides = array<i32>} : memref<256x64xbf16, #tpu.memory_space<vmem>>, vector<32xbf16>,
        %bitcast3A_204 = vector.bitcast %get3A_203 : vector<32xbf16> to vector<16xi32>
        %shift_left3A_205 = arith.constant 16 : i32
        %shift_left3A_206 = vector.broadcast %shift_left3A_205 : i32 to vector<16xi32>
        %shift_left3A_207 = arith.shli %bitcast3A_204, %shift_left3A_206 : vector<16xi32>
        %bitcast3A_208 = vector.bitcast %shift_left3A_207 : vector<16xi32> to vector<16xf32>
        %and3A_209 = arith.constant -65536 : i32
        %and3A_210 = vector.broadcast %and3A_209 : i32 to vector<16xi32>
        %and3A_211 = arith.andi %bitcast3A_204, %and3A_210 : vector<16xi32>
        %bitcast3A_212 = vector.bitcast %and3A_211 : vector<16xi32> to vector<16xf32>
        %swap3A_213 = arith.index_cast %add3A_200 : i32 to index
        %swap3A_214 = arith.constant 0 : index
        %swap3A_215 = tpu.vector_load %arg11[%swap3A_213, %swap3A_214] {strides = array<i32>} : memref<256x64xf32, #tpu.memory_space<vmem>>, vector<16xf32>,
        tpu.vector_store %arg11[%swap3A_213, %swap3A_214], %bitcast3A_208 {strides = array<i32>} : memref<256x64xf32, #tpu.memory_space<vmem>>, vector<16xf32>,
        %swap3A_216 = arith.index_cast %add3A_200 : i32 to index
        %swap3A_217 = arith.constant 16 : index
        %swap3A_218 = tpu.vector_load %arg11[%swap3A_216, %swap3A_217] {strides = array<i32>} : memref<256x64xf32, #tpu.memory_space<vmem>>, vector<16xf32>,
        tpu.vector_store %arg11[%swap3A_216, %swap3A_217], %bitcast3A_212 {strides = array<i32>} : memref<256x64xf32, #tpu.memory_space<vmem>>, vector<16xf32>,
        %get3A_219 = arith.index_cast %add3A_200 : i32 to index
        %get3A_220 = arith.constant 32 : index
        %get3A_221 = tpu.vector_load %arg9[%get3A_219, %get3A_220] {strides = array<i32>} : memref<256x64xbf16, #tpu.memory_space<vmem>>, vector<32xbf16>,
        %bitcast3A_222 = vector.bitcast %get3A_221 : vector<32xbf16> to vector<16xi32>
        %shift_left3A_223 = arith.constant 16 : i32
        %shift_left3A_224 = vector.broadcast %shift_left3A_223 : i32 to vector<16xi32>
        %shift_left3A_225 = arith.shli %bitcast3A_222, %shift_left3A_224 : vector<16xi32>
        %bitcast3A_226 = vector.bitcast %shift_left3A_225 : vector<16xi32> to vector<16xf32>
        %and3A_227 = arith.constant -65536 : i32
        %and3A_228 = vector.broadcast %and3A_227 : i32 to vector<16xi32>
        %and3A_229 = arith.andi %bitcast3A_222, %and3A_228 : vector<16xi32>
        %bitcast3A_230 = vector.bitcast %and3A_229 : vector<16xi32> to vector<16xf32>
        %swap3A_231 = arith.index_cast %add3A_200 : i32 to index
        %swap3A_232 = arith.constant 32 : index
        %swap3A_233 = tpu.vector_load %arg11[%swap3A_231, %swap3A_232] {strides = array<i32>} : memref<256x64xf32, #tpu.memory_space<vmem>>, vector<16xf32>,
        tpu.vector_store %arg11[%swap3A_231, %swap3A_232], %bitcast3A_226 {strides = array<i32>} : memref<256x64xf32, #tpu.memory_space<vmem>>, vector<16xf32>,
        %swap3A_234 = arith.index_cast %add3A_200 : i32 to index
        %swap3A_235 = arith.constant 48 : index
        %swap3A_236 = tpu.vector_load %arg11[%swap3A_234, %swap3A_235] {strides = array<i32>} : memref<256x64xf32, #tpu.memory_space<vmem>>, vector<16xf32>,
        tpu.vector_store %arg11[%swap3A_234, %swap3A_235], %bitcast3A_230 {strides = array<i32>} : memref<256x64xf32, #tpu.memory_space<vmem>>, vector<16xf32>,
        %mul3A_237 = arith.constant 4 : i32
        %mul3A_238 = arith.muli %mul3A_237, %scan3A_120 : i32
        %add3A_239 = arith.constant 3 : i32
        %add3A_240 = arith.addi %mul3A_238, %add3A_239 : i32
        %get3A_241 = arith.index_cast %add3A_240 : i32 to index
        %get3A_242 = arith.constant 0 : index
        %get3A_243 = tpu.vector_load %arg9[%get3A_241, %get3A_242] {strides = array<i32>} : memref<256x64xbf16, #tpu.memory_space<vmem>>, vector<32xbf16>,
        %bitcast3A_244 = vector.bitcast %get3A_243 : vector<32xbf16> to vector<16xi32>
        %shift_left3A_245 = arith.constant 16 : i32
        %shift_left3A_246 = vector.broadcast %shift_left3A_245 : i32 to vector<16xi32>
        %shift_left3A_247 = arith.shli %bitcast3A_244, %shift_left3A_246 : vector<16xi32>
        %bitcast3A_248 = vector.bitcast %shift_left3A_247 : vector<16xi32> to vector<16xf32>
        %and3A_249 = arith.constant -65536 : i32
        %and3A_250 = vector.broadcast %and3A_249 : i32 to vector<16xi32>
        %and3A_251 = arith.andi %bitcast3A_244, %and3A_250 : vector<16xi32>
        %bitcast3A_252 = vector.bitcast %and3A_251 : vector<16xi32> to vector<16xf32>
        %swap3A_253 = arith.index_cast %add3A_240 : i32 to index
        %swap3A_254 = arith.constant 0 : index
        %swap3A_255 = tpu.vector_load %arg11[%swap3A_253, %swap3A_254] {strides = array<i32>} : memref<256x64xf32, #tpu.memory_space<vmem>>, vector<16xf32>,
        tpu.vector_store %arg11[%swap3A_253, %swap3A_254], %bitcast3A_248 {strides = array<i32>} : memref<256x64xf32, #tpu.memory_space<vmem>>, vector<16xf32>,
        %swap3A_256 = arith.index_cast %add3A_240 : i32 to index
        %swap3A_257 = arith.constant 16 : index
        %swap3A_258 = tpu.vector_load %arg11[%swap3A_256, %swap3A_257] {strides = array<i32>} : memref<256x64xf32, #tpu.memory_space<vmem>>, vector<16xf32>,
        tpu.vector_store %arg11[%swap3A_256, %swap3A_257], %bitcast3A_252 {strides = array<i32>} : memref<256x64xf32, #tpu.memory_space<vmem>>, vector<16xf32>,
        %get3A_259 = arith.index_cast %add3A_240 : i32 to index
        %get3A_260 = arith.constant 32 : index
        %get3A_261 = tpu.vector_load %arg9[%get3A_259, %get3A_260] {strides = array<i32>} : memref<256x64xbf16, #tpu.memory_space<vmem>>, vector<32xbf16>,
        %bitcast3A_262 = vector.bitcast %get3A_261 : vector<32xbf16> to vector<16xi32>
        %shift_left3A_263 = arith.constant 16 : i32
        %shift_left3A_264 = vector.broadcast %shift_left3A_263 : i32 to vector<16xi32>
        %shift_left3A_265 = arith.shli %bitcast3A_262, %shift_left3A_264 : vector<16xi32>
        %bitcast3A_266 = vector.bitcast %shift_left3A_265 : vector<16xi32> to vector<16xf32>
        %and3A_267 = arith.constant -65536 : i32
        %and3A_268 = vector.broadcast %and3A_267 : i32 to vector<16xi32>
        %and3A_269 = arith.andi %bitcast3A_262, %and3A_268 : vector<16xi32>
        %bitcast3A_270 = vector.bitcast %and3A_269 : vector<16xi32> to vector<16xf32>
        %swap3A_271 = arith.index_cast %add3A_240 : i32 to index
        %swap3A_272 = arith.constant 32 : index
        %swap3A_273 = tpu.vector_load %arg11[%swap3A_271, %swap3A_272] {strides = array<i32>} : memref<256x64xf32, #tpu.memory_space<vmem>>, vector<16xf32>,
        tpu.vector_store %arg11[%swap3A_271, %swap3A_272], %bitcast3A_266 {strides = array<i32>} : memref<256x64xf32, #tpu.memory_space<vmem>>, vector<16xf32>,
        %swap3A_274 = arith.index_cast %add3A_240 : i32 to index
        %swap3A_275 = arith.constant 48 : index
        %swap3A_276 = tpu.vector_load %arg11[%swap3A_274, %swap3A_275] {strides = array<i32>} : memref<256x64xf32, #tpu.memory_space<vmem>>, vector<16xf32>,
        tpu.vector_store %arg11[%swap3A_274, %swap3A_275], %bitcast3A_270 {strides = array<i32>} : memref<256x64xf32, #tpu.memory_space<vmem>>, vector<16xf32>,
      }
      %scan3A_76 = arith.constant 64 : i32
      %add3A_77 = arith.constant 2 : i32
      %add3A_78 = arith.addi %mul3A_62, %add3A_77 : i32
      %lt3A = arith.cmpi slt, %add3A_78, %select_n3A : i32
      %convert_element_type3A_79 = arith.extui %lt3A : i1 to i32
      %cond3A_80 = arith.constant 0 : i32
      %cond3A_81 = arith.cmpi ne, %convert_element_type3A_79, %cond3A_80 : i32
      scf.if %cond3A_81 {
        %add3A_120 = arith.constant 2 : i32
        %add3A_121 = arith.addi %mul3A_62, %add3A_120 : i32
        %dma_start3A_122 = arith.constant 0 : i32
        %dma_start3A_123 = tpu.memref_slice %arg7[%add3A_121, %dma_start3A_122] : memref<48x256xi32, #tpu.memory_space<vmem>> -> memref<1x256xi32, #tpu.memory_space<vmem>>
        %dma_start3A_124 = tpu.memref_squeeze %dma_start3A_123 : memref<1x256xi32, #tpu.memory_space<vmem>> -> memref<256xi32, #tpu.memory_space<vmem>>
        %dma_start3A_125 = arith.constant 0 : i32
        %dma_start3A_126 = arith.constant 0 : i32
        %dma_start3A_127 = tpu.memref_slice %arg2[%dma_start3A_125, %dma_start3A_126] : memref<10000x64xbf16, #tpu.memory_space<hbm>> -> memref<10000x64xbf16, #tpu.memory_space<hbm>>
        tpu.enqueue_indirect_dma source(%dma_start3A_127 : memref<10000x64xbf16, #tpu.memory_space<hbm>>) target(%arg9 : memref<256x64xbf16, #tpu.memory_space<vmem>>) offsets(%dma_start3A_124 : memref<256xi32, #tpu.memory_space<vmem>>) semaphore(%arg14 : memref<!tpu.dma_semaphore, #tpu.memory_space<semaphore_mem>>)
      } else {
      }
      %dma_start3A_82 = arith.constant 0 : i32
      %dma_start3A_83 = tpu.memref_slice %arg8[%mul3A_62, %dma_start3A_82] : memref<48x256xi32, #tpu.memory_space<vmem>> -> memref<1x256xi32, #tpu.memory_space<vmem>>
      %dma_start3A_84 = tpu.memref_squeeze %dma_start3A_83 : memref<1x256xi32, #tpu.memory_space<vmem>> -> memref<256xi32, #tpu.memory_space<vmem>>
      %dma_start3A_85 = arith.constant 0 : i32
      %dma_start3A_86 = arith.constant 0 : i32
      %dma_start3A_87 = tpu.memref_slice %arg13[%dma_start3A_85, %dma_start3A_86] : memref<10112x64xf32, #tpu.memory_space<vmem_shared>> -> memref<10112x64xf32, #tpu.memory_space<vmem_shared>>
      tpu.enqueue_indirect_dma source(%arg11 : memref<256x64xf32, #tpu.memory_space<vmem>>) target(%dma_start3A_87 : memref<10112x64xf32, #tpu.memory_space<vmem_shared>>) offsets(%dma_start3A_84 : memref<256xi32, #tpu.memory_space<vmem>>) semaphore(%arg16 : memref<!tpu.dma_semaphore, #tpu.memory_space<semaphore_mem>>) {add = true}
      %dma_wait3A_88 = arith.constant 0 : i32
      %dma_wait3A_89 = arith.constant 0 : i32
      %dma_wait3A_90 = tpu.memref_slice %arg7[%dma_wait3A_88, %dma_wait3A_89] : memref<48x256xi32, #tpu.memory_space<vmem>> -> memref<1x256xi32, #tpu.memory_space<vmem>>
      %dma_wait3A_91 = tpu.memref_squeeze %dma_wait3A_90 : memref<1x256xi32, #tpu.memory_space<vmem>> -> memref<256xi32, #tpu.memory_space<vmem>>
      %dma_wait3A_92 = arith.constant 0 : i32
      %dma_wait3A_93 = arith.constant 0 : i32
      %dma_wait3A_94 = tpu.memref_slice %arg2[%dma_wait3A_92, %dma_wait3A_93] : memref<10000x64xbf16, #tpu.memory_space<hbm>> -> memref<10000x64xbf16, #tpu.memory_space<hbm>>
      tpu.wait_indirect_dma semaphore(%arg15 : memref<!tpu.dma_semaphore, #tpu.memory_space<semaphore_mem>>) src(%dma_wait3A_94 : memref<10000x64xbf16, #tpu.memory_space<hbm>>) dst(%arg10 : memref<256x64xbf16, #tpu.memory_space<vmem>>)
      %gt3A_95 = arith.constant 0 : i32
      %gt3A_96 = arith.cmpi sgt, %while3A_60, %gt3A_95 : i32
      %convert_element_type3A_97 = arith.extui %gt3A_96 : i1 to i32
      %cond3A_98 = arith.constant 0 : i32
      %cond3A_99 = arith.cmpi ne, %convert_element_type3A_97, %cond3A_98 : i32
      scf.if %cond3A_99 {
        %dma_wait3A_120 = arith.constant 0 : i32
        %dma_wait3A_121 = arith.constant 0 : i32
        %dma_wait3A_122 = tpu.memref_slice %arg8[%dma_wait3A_120, %dma_wait3A_121] : memref<48x256xi32, #tpu.memory_space<vmem>> -> memref<1x256xi32, #tpu.memory_space<vmem>>
        %dma_wait3A_123 = tpu.memref_squeeze %dma_wait3A_122 : memref<1x256xi32, #tpu.memory_space<vmem>> -> memref<256xi32, #tpu.memory_space<vmem>>
        %dma_wait3A_124 = arith.constant 0 : i32
        %dma_wait3A_125 = arith.constant 0 : i32
        %dma_wait3A_126 = tpu.memref_slice %arg13[%dma_wait3A_124, %dma_wait3A_125] : memref<10112x64xf32, #tpu.memory_space<vmem_shared>> -> memref<10112x64xf32, #tpu.memory_space<vmem_shared>>
        tpu.wait_indirect_dma semaphore(%arg17 : memref<!tpu.dma_semaphore, #tpu.memory_space<semaphore_mem>>) src(%arg12 : memref<256x64xf32, #tpu.memory_space<vmem>>) dst(%dma_wait3A_126 : memref<10112x64xf32, #tpu.memory_space<vmem_shared>>)
      } else {
      }
      %scan3A_100 = arith.constant 0 : i32
      %scan3A_101 = arith.constant 0 : i32
      %scan3A_102 = arith.constant 64 : i32
      %scan3A_103 = arith.addi %scan3A_101, %scan3A_102 : i32
      %scan3A_104 = arith.constant 1 : i32
      scf.for %scan3A_120 = %scan3A_101 to %scan3A_103 step %scan3A_104  : i32 {
        %mul3A_121 = arith.constant 4 : i32
        %mul3A_122 = arith.muli %mul3A_121, %scan3A_120 : i32
        %add3A_123 = arith.constant 0 : i32
        %add3A_124 = arith.addi %mul3A_122, %add3A_123 : i32
        %get3A = arith.index_cast %add3A_124 : i32 to index
        %get3A_125 = arith.constant 0 : index
        %get3A_126 = tpu.vector_load %arg10[%get3A, %get3A_125] {strides = array<i32>} : memref<256x64xbf16, #tpu.memory_space<vmem>>, vector<32xbf16>,
        %bitcast3A = vector.bitcast %get3A_126 : vector<32xbf16> to vector<16xi32>
        %shift_left3A = arith.constant 16 : i32
        %shift_left3A_127 = vector.broadcast %shift_left3A : i32 to vector<16xi32>
        %shift_left3A_128 = arith.shli %bitcast3A, %shift_left3A_127 : vector<16xi32>
        %bitcast3A_129 = vector.bitcast %shift_left3A_128 : vector<16xi32> to vector<16xf32>
        %and3A_130 = arith.constant -65536 : i32
        %and3A_131 = vector.broadcast %and3A_130 : i32 to vector<16xi32>
        %and3A_132 = arith.andi %bitcast3A, %and3A_131 : vector<16xi32>
        %bitcast3A_133 = vector.bitcast %and3A_132 : vector<16xi32> to vector<16xf32>
        %swap3A = arith.index_cast %add3A_124 : i32 to index
        %swap3A_134 = arith.constant 0 : index
        %swap3A_135 = tpu.vector_load %arg12[%swap3A, %swap3A_134] {strides = array<i32>} : memref<256x64xf32, #tpu.memory_space<vmem>>, vector<16xf32>,
        tpu.vector_store %arg12[%swap3A, %swap3A_134], %bitcast3A_129 {strides = array<i32>} : memref<256x64xf32, #tpu.memory_space<vmem>>, vector<16xf32>,
        %swap3A_136 = arith.index_cast %add3A_124 : i32 to index
        %swap3A_137 = arith.constant 16 : index
        %swap3A_138 = tpu.vector_load %arg12[%swap3A_136, %swap3A_137] {strides = array<i32>} : memref<256x64xf32, #tpu.memory_space<vmem>>, vector<16xf32>,
        tpu.vector_store %arg12[%swap3A_136, %swap3A_137], %bitcast3A_133 {strides = array<i32>} : memref<256x64xf32, #tpu.memory_space<vmem>>, vector<16xf32>,
        %get3A_139 = arith.index_cast %add3A_124 : i32 to index
        %get3A_140 = arith.constant 32 : index
        %get3A_141 = tpu.vector_load %arg10[%get3A_139, %get3A_140] {strides = array<i32>} : memref<256x64xbf16, #tpu.memory_space<vmem>>, vector<32xbf16>,
        %bitcast3A_142 = vector.bitcast %get3A_141 : vector<32xbf16> to vector<16xi32>
        %shift_left3A_143 = arith.constant 16 : i32
        %shift_left3A_144 = vector.broadcast %shift_left3A_143 : i32 to vector<16xi32>
        %shift_left3A_145 = arith.shli %bitcast3A_142, %shift_left3A_144 : vector<16xi32>
        %bitcast3A_146 = vector.bitcast %shift_left3A_145 : vector<16xi32> to vector<16xf32>
        %and3A_147 = arith.constant -65536 : i32
        %and3A_148 = vector.broadcast %and3A_147 : i32 to vector<16xi32>
        %and3A_149 = arith.andi %bitcast3A_142, %and3A_148 : vector<16xi32>
        %bitcast3A_150 = vector.bitcast %and3A_149 : vector<16xi32> to vector<16xf32>
        %swap3A_151 = arith.index_cast %add3A_124 : i32 to index
        %swap3A_152 = arith.constant 32 : index
        %swap3A_153 = tpu.vector_load %arg12[%swap3A_151, %swap3A_152] {strides = array<i32>} : memref<256x64xf32, #tpu.memory_space<vmem>>, vector<16xf32>,
        tpu.vector_store %arg12[%swap3A_151, %swap3A_152], %bitcast3A_146 {strides = array<i32>} : memref<256x64xf32, #tpu.memory_space<vmem>>, vector<16xf32>,
        %swap3A_154 = arith.index_cast %add3A_124 : i32 to index
        %swap3A_155 = arith.constant 48 : index
        %swap3A_156 = tpu.vector_load %arg12[%swap3A_154, %swap3A_155] {strides = array<i32>} : memref<256x64xf32, #tpu.memory_space<vmem>>, vector<16xf32>,
        tpu.vector_store %arg12[%swap3A_154, %swap3A_155], %bitcast3A_150 {strides = array<i32>} : memref<256x64xf32, #tpu.memory_space<vmem>>, vector<16xf32>,
        %mul3A_157 = arith.constant 4 : i32
        %mul3A_158 = arith.muli %mul3A_157, %scan3A_120 : i32
        %add3A_159 = arith.constant 1 : i32
        %add3A_160 = arith.addi %mul3A_158, %add3A_159 : i32
        %get3A_161 = arith.index_cast %add3A_160 : i32 to index
        %get3A_162 = arith.constant 0 : index
        %get3A_163 = tpu.vector_load %arg10[%get3A_161, %get3A_162] {strides = array<i32>} : memref<256x64xbf16, #tpu.memory_space<vmem>>, vector<32xbf16>,
        %bitcast3A_164 = vector.bitcast %get3A_163 : vector<32xbf16> to vector<16xi32>
        %shift_left3A_165 = arith.constant 16 : i32
        %shift_left3A_166 = vector.broadcast %shift_left3A_165 : i32 to vector<16xi32>
        %shift_left3A_167 = arith.shli %bitcast3A_164, %shift_left3A_166 : vector<16xi32>
        %bitcast3A_168 = vector.bitcast %shift_left3A_167 : vector<16xi32> to vector<16xf32>
        %and3A_169 = arith.constant -65536 : i32
        %and3A_170 = vector.broadcast %and3A_169 : i32 to vector<16xi32>
        %and3A_171 = arith.andi %bitcast3A_164, %and3A_170 : vector<16xi32>
        %bitcast3A_172 = vector.bitcast %and3A_171 : vector<16xi32> to vector<16xf32>
        %swap3A_173 = arith.index_cast %add3A_160 : i32 to index
        %swap3A_174 = arith.constant 0 : index
        %swap3A_175 = tpu.vector_load %arg12[%swap3A_173, %swap3A_174] {strides = array<i32>} : memref<256x64xf32, #tpu.memory_space<vmem>>, vector<16xf32>,
        tpu.vector_store %arg12[%swap3A_173, %swap3A_174], %bitcast3A_168 {strides = array<i32>} : memref<256x64xf32, #tpu.memory_space<vmem>>, vector<16xf32>,
        %swap3A_176 = arith.index_cast %add3A_160 : i32 to index
        %swap3A_177 = arith.constant 16 : index
        %swap3A_178 = tpu.vector_load %arg12[%swap3A_176, %swap3A_177] {strides = array<i32>} : memref<256x64xf32, #tpu.memory_space<vmem>>, vector<16xf32>,
        tpu.vector_store %arg12[%swap3A_176, %swap3A_177], %bitcast3A_172 {strides = array<i32>} : memref<256x64xf32, #tpu.memory_space<vmem>>, vector<16xf32>,
        %get3A_179 = arith.index_cast %add3A_160 : i32 to index
        %get3A_180 = arith.constant 32 : index
        %get3A_181 = tpu.vector_load %arg10[%get3A_179, %get3A_180] {strides = array<i32>} : memref<256x64xbf16, #tpu.memory_space<vmem>>, vector<32xbf16>,
        %bitcast3A_182 = vector.bitcast %get3A_181 : vector<32xbf16> to vector<16xi32>
        %shift_left3A_183 = arith.constant 16 : i32
        %shift_left3A_184 = vector.broadcast %shift_left3A_183 : i32 to vector<16xi32>
        %shift_left3A_185 = arith.shli %bitcast3A_182, %shift_left3A_184 : vector<16xi32>
        %bitcast3A_186 = vector.bitcast %shift_left3A_185 : vector<16xi32> to vector<16xf32>
        %and3A_187 = arith.constant -65536 : i32
        %and3A_188 = vector.broadcast %and3A_187 : i32 to vector<16xi32>
        %and3A_189 = arith.andi %bitcast3A_182, %and3A_188 : vector<16xi32>
        %bitcast3A_190 = vector.bitcast %and3A_189 : vector<16xi32> to vector<16xf32>
        %swap3A_191 = arith.index_cast %add3A_160 : i32 to index
        %swap3A_192 = arith.constant 32 : index
        %swap3A_193 = tpu.vector_load %arg12[%swap3A_191, %swap3A_192] {strides = array<i32>} : memref<256x64xf32, #tpu.memory_space<vmem>>, vector<16xf32>,
        tpu.vector_store %arg12[%swap3A_191, %swap3A_192], %bitcast3A_186 {strides = array<i32>} : memref<256x64xf32, #tpu.memory_space<vmem>>, vector<16xf32>,
        %swap3A_194 = arith.index_cast %add3A_160 : i32 to index
        %swap3A_195 = arith.constant 48 : index
        %swap3A_196 = tpu.vector_load %arg12[%swap3A_194, %swap3A_195] {strides = array<i32>} : memref<256x64xf32, #tpu.memory_space<vmem>>, vector<16xf32>,
        tpu.vector_store %arg12[%swap3A_194, %swap3A_195], %bitcast3A_190 {strides = array<i32>} : memref<256x64xf32, #tpu.memory_space<vmem>>, vector<16xf32>,
        %mul3A_197 = arith.constant 4 : i32
        %mul3A_198 = arith.muli %mul3A_197, %scan3A_120 : i32
        %add3A_199 = arith.constant 2 : i32
        %add3A_200 = arith.addi %mul3A_198, %add3A_199 : i32
        %get3A_201 = arith.index_cast %add3A_200 : i32 to index
        %get3A_202 = arith.constant 0 : index
        %get3A_203 = tpu.vector_load %arg10[%get3A_201, %get3A_202] {strides = array<i32>} : memref<256x64xbf16, #tpu.memory_space<vmem>>, vector<32xbf16>,
        %bitcast3A_204 = vector.bitcast %get3A_203 : vector<32xbf16> to vector<16xi32>
        %shift_left3A_205 = arith.constant 16 : i32
        %shift_left3A_206 = vector.broadcast %shift_left3A_205 : i32 to vector<16xi32>
        %shift_left3A_207 = arith.shli %bitcast3A_204, %shift_left3A_206 : vector<16xi32>
        %bitcast3A_208 = vector.bitcast %shift_left3A_207 : vector<16xi32> to vector<16xf32>
        %and3A_209 = arith.constant -65536 : i32
        %and3A_210 = vector.broadcast %and3A_209 : i32 to vector<16xi32>
        %and3A_211 = arith.andi %bitcast3A_204, %and3A_210 : vector<16xi32>
        %bitcast3A_212 = vector.bitcast %and3A_211 : vector<16xi32> to vector<16xf32>
        %swap3A_213 = arith.index_cast %add3A_200 : i32 to index
        %swap3A_214 = arith.constant 0 : index
        %swap3A_215 = tpu.vector_load %arg12[%swap3A_213, %swap3A_214] {strides = array<i32>} : memref<256x64xf32, #tpu.memory_space<vmem>>, vector<16xf32>,
        tpu.vector_store %arg12[%swap3A_213, %swap3A_214], %bitcast3A_208 {strides = array<i32>} : memref<256x64xf32, #tpu.memory_space<vmem>>, vector<16xf32>,
        %swap3A_216 = arith.index_cast %add3A_200 : i32 to index
        %swap3A_217 = arith.constant 16 : index
        %swap3A_218 = tpu.vector_load %arg12[%swap3A_216, %swap3A_217] {strides = array<i32>} : memref<256x64xf32, #tpu.memory_space<vmem>>, vector<16xf32>,
        tpu.vector_store %arg12[%swap3A_216, %swap3A_217], %bitcast3A_212 {strides = array<i32>} : memref<256x64xf32, #tpu.memory_space<vmem>>, vector<16xf32>,
        %get3A_219 = arith.index_cast %add3A_200 : i32 to index
        %get3A_220 = arith.constant 32 : index
        %get3A_221 = tpu.vector_load %arg10[%get3A_219, %get3A_220] {strides = array<i32>} : memref<256x64xbf16, #tpu.memory_space<vmem>>, vector<32xbf16>,
        %bitcast3A_222 = vector.bitcast %get3A_221 : vector<32xbf16> to vector<16xi32>
        %shift_left3A_223 = arith.constant 16 : i32
        %shift_left3A_224 = vector.broadcast %shift_left3A_223 : i32 to vector<16xi32>
        %shift_left3A_225 = arith.shli %bitcast3A_222, %shift_left3A_224 : vector<16xi32>
        %bitcast3A_226 = vector.bitcast %shift_left3A_225 : vector<16xi32> to vector<16xf32>
        %and3A_227 = arith.constant -65536 : i32
        %and3A_228 = vector.broadcast %and3A_227 : i32 to vector<16xi32>
        %and3A_229 = arith.andi %bitcast3A_222, %and3A_228 : vector<16xi32>
        %bitcast3A_230 = vector.bitcast %and3A_229 : vector<16xi32> to vector<16xf32>
        %swap3A_231 = arith.index_cast %add3A_200 : i32 to index
        %swap3A_232 = arith.constant 32 : index
        %swap3A_233 = tpu.vector_load %arg12[%swap3A_231, %swap3A_232] {strides = array<i32>} : memref<256x64xf32, #tpu.memory_space<vmem>>, vector<16xf32>,
        tpu.vector_store %arg12[%swap3A_231, %swap3A_232], %bitcast3A_226 {strides = array<i32>} : memref<256x64xf32, #tpu.memory_space<vmem>>, vector<16xf32>,
        %swap3A_234 = arith.index_cast %add3A_200 : i32 to index
        %swap3A_235 = arith.constant 48 : index
        %swap3A_236 = tpu.vector_load %arg12[%swap3A_234, %swap3A_235] {strides = array<i32>} : memref<256x64xf32, #tpu.memory_space<vmem>>, vector<16xf32>,
        tpu.vector_store %arg12[%swap3A_234, %swap3A_235], %bitcast3A_230 {strides = array<i32>} : memref<256x64xf32, #tpu.memory_space<vmem>>, vector<16xf32>,
        %mul3A_237 = arith.constant 4 : i32
        %mul3A_238 = arith.muli %mul3A_237, %scan3A_120 : i32
        %add3A_239 = arith.constant 3 : i32
        %add3A_240 = arith.addi %mul3A_238, %add3A_239 : i32
        %get3A_241 = arith.index_cast %add3A_240 : i32 to index
        %get3A_242 = arith.constant 0 : index
        %get3A_243 = tpu.vector_load %arg10[%get3A_241, %get3A_242] {strides = array<i32>} : memref<256x64xbf16, #tpu.memory_space<vmem>>, vector<32xbf16>,
        %bitcast3A_244 = vector.bitcast %get3A_243 : vector<32xbf16> to vector<16xi32>
        %shift_left3A_245 = arith.constant 16 : i32
        %shift_left3A_246 = vector.broadcast %shift_left3A_245 : i32 to vector<16xi32>
        %shift_left3A_247 = arith.shli %bitcast3A_244, %shift_left3A_246 : vector<16xi32>
        %bitcast3A_248 = vector.bitcast %shift_left3A_247 : vector<16xi32> to vector<16xf32>
        %and3A_249 = arith.constant -65536 : i32
        %and3A_250 = vector.broadcast %and3A_249 : i32 to vector<16xi32>
        %and3A_251 = arith.andi %bitcast3A_244, %and3A_250 : vector<16xi32>
        %bitcast3A_252 = vector.bitcast %and3A_251 : vector<16xi32> to vector<16xf32>
        %swap3A_253 = arith.index_cast %add3A_240 : i32 to index
        %swap3A_254 = arith.constant 0 : index
        %swap3A_255 = tpu.vector_load %arg12[%swap3A_253, %swap3A_254] {strides = array<i32>} : memref<256x64xf32, #tpu.memory_space<vmem>>, vector<16xf32>,
        tpu.vector_store %arg12[%swap3A_253, %swap3A_254], %bitcast3A_248 {strides = array<i32>} : memref<256x64xf32, #tpu.memory_space<vmem>>, vector<16xf32>,
        %swap3A_256 = arith.index_cast %add3A_240 : i32 to index
        %swap3A_257 = arith.constant 16 : index
        %swap3A_258 = tpu.vector_load %arg12[%swap3A_256, %swap3A_257] {strides = array<i32>} : memref<256x64xf32, #tpu.memory_space<vmem>>, vector<16xf32>,
        tpu.vector_store %arg12[%swap3A_256, %swap3A_257], %bitcast3A_252 {strides = array<i32>} : memref<256x64xf32, #tpu.memory_space<vmem>>, vector<16xf32>,
        %get3A_259 = arith.index_cast %add3A_240 : i32 to index
        %get3A_260 = arith.constant 32 : index
        %get3A_261 = tpu.vector_load %arg10[%get3A_259, %get3A_260] {strides = array<i32>} : memref<256x64xbf16, #tpu.memory_space<vmem>>, vector<32xbf16>,
        %bitcast3A_262 = vector.bitcast %get3A_261 : vector<32xbf16> to vector<16xi32>
        %shift_left3A_263 = arith.constant 16 : i32
        %shift_left3A_264 = vector.broadcast %shift_left3A_263 : i32 to vector<16xi32>
        %shift_left3A_265 = arith.shli %bitcast3A_262, %shift_left3A_264 : vector<16xi32>
        %bitcast3A_266 = vector.bitcast %shift_left3A_265 : vector<16xi32> to vector<16xf32>
        %and3A_267 = arith.constant -65536 : i32
        %and3A_268 = vector.broadcast %and3A_267 : i32 to vector<16xi32>
        %and3A_269 = arith.andi %bitcast3A_262, %and3A_268 : vector<16xi32>
        %bitcast3A_270 = vector.bitcast %and3A_269 : vector<16xi32> to vector<16xf32>
        %swap3A_271 = arith.index_cast %add3A_240 : i32 to index
        %swap3A_272 = arith.constant 32 : index
        %swap3A_273 = tpu.vector_load %arg12[%swap3A_271, %swap3A_272] {strides = array<i32>} : memref<256x64xf32, #tpu.memory_space<vmem>>, vector<16xf32>,
        tpu.vector_store %arg12[%swap3A_271, %swap3A_272], %bitcast3A_266 {strides = array<i32>} : memref<256x64xf32, #tpu.memory_space<vmem>>, vector<16xf32>,
        %swap3A_274 = arith.index_cast %add3A_240 : i32 to index
        %swap3A_275 = arith.constant 48 : index
        %swap3A_276 = tpu.vector_load %arg12[%swap3A_274, %swap3A_275] {strides = array<i32>} : memref<256x64xf32, #tpu.memory_space<vmem>>, vector<16xf32>,
        tpu.vector_store %arg12[%swap3A_274, %swap3A_275], %bitcast3A_270 {strides = array<i32>} : memref<256x64xf32, #tpu.memory_space<vmem>>, vector<16xf32>,
      }
      %scan3A_105 = arith.constant 64 : i32
      %add3A_106 = arith.constant 3 : i32
      %add3A_107 = arith.addi %mul3A_62, %add3A_106 : i32
      %lt3A_108 = arith.cmpi slt, %add3A_107, %select_n3A : i32
      %convert_element_type3A_109 = arith.extui %lt3A_108 : i1 to i32
      %cond3A_110 = arith.constant 0 : i32
      %cond3A_111 = arith.cmpi ne, %convert_element_type3A_109, %cond3A_110 : i32
      scf.if %cond3A_111 {
        %add3A_120 = arith.constant 3 : i32
        %add3A_121 = arith.addi %mul3A_62, %add3A_120 : i32
        %dma_start3A_122 = arith.constant 0 : i32
        %dma_start3A_123 = tpu.memref_slice %arg7[%add3A_121, %dma_start3A_122] : memref<48x256xi32, #tpu.memory_space<vmem>> -> memref<1x256xi32, #tpu.memory_space<vmem>>
        %dma_start3A_124 = tpu.memref_squeeze %dma_start3A_123 : memref<1x256xi32, #tpu.memory_space<vmem>> -> memref<256xi32, #tpu.memory_space<vmem>>
        %dma_start3A_125 = arith.constant 0 : i32
        %dma_start3A_126 = arith.constant 0 : i32
        %dma_start3A_127 = tpu.memref_slice %arg2[%dma_start3A_125, %dma_start3A_126] : memref<10000x64xbf16, #tpu.memory_space<hbm>> -> memref<10000x64xbf16, #tpu.memory_space<hbm>>
        tpu.enqueue_indirect_dma source(%dma_start3A_127 : memref<10000x64xbf16, #tpu.memory_space<hbm>>) target(%arg10 : memref<256x64xbf16, #tpu.memory_space<vmem>>) offsets(%dma_start3A_124 : memref<256xi32, #tpu.memory_space<vmem>>) semaphore(%arg15 : memref<!tpu.dma_semaphore, #tpu.memory_space<semaphore_mem>>)
      } else {
      }
      %add3A_112 = arith.constant 1 : i32
      %add3A_113 = arith.addi %mul3A_62, %add3A_112 : i32
      %dma_start3A_114 = arith.constant 0 : i32
      %dma_start3A_115 = tpu.memref_slice %arg8[%add3A_113, %dma_start3A_114] : memref<48x256xi32, #tpu.memory_space<vmem>> -> memref<1x256xi32, #tpu.memory_space<vmem>>
      %dma_start3A_116 = tpu.memref_squeeze %dma_start3A_115 : memref<1x256xi32, #tpu.memory_space<vmem>> -> memref<256xi32, #tpu.memory_space<vmem>>
      %dma_start3A_117 = arith.constant 0 : i32
      %dma_start3A_118 = arith.constant 0 : i32
      %dma_start3A_119 = tpu.memref_slice %arg13[%dma_start3A_117, %dma_start3A_118] : memref<10112x64xf32, #tpu.memory_space<vmem_shared>> -> memref<10112x64xf32, #tpu.memory_space<vmem_shared>>
      tpu.enqueue_indirect_dma source(%arg12 : memref<256x64xf32, #tpu.memory_space<vmem>>) target(%dma_start3A_119 : memref<10112x64xf32, #tpu.memory_space<vmem_shared>>) offsets(%dma_start3A_116 : memref<256xi32, #tpu.memory_space<vmem>>) semaphore(%arg17 : memref<!tpu.dma_semaphore, #tpu.memory_space<semaphore_mem>>) {add = true}
    }
    %dma_wait3A = arith.constant 0 : i32
    %dma_wait3A_46 = arith.constant 0 : i32
    %dma_wait3A_47 = tpu.memref_slice %arg8[%dma_wait3A, %dma_wait3A_46] : memref<48x256xi32, #tpu.memory_space<vmem>> -> memref<1x256xi32, #tpu.memory_space<vmem>>
    %dma_wait3A_48 = tpu.memref_squeeze %dma_wait3A_47 : memref<1x256xi32, #tpu.memory_space<vmem>> -> memref<256xi32, #tpu.memory_space<vmem>>
    %dma_wait3A_49 = arith.constant 0 : i32
    %dma_wait3A_50 = arith.constant 0 : i32
    %dma_wait3A_51 = tpu.memref_slice %arg13[%dma_wait3A_49, %dma_wait3A_50] : memref<10112x64xf32, #tpu.memory_space<vmem_shared>> -> memref<10112x64xf32, #tpu.memory_space<vmem_shared>>
    tpu.wait_indirect_dma semaphore(%arg16 : memref<!tpu.dma_semaphore, #tpu.memory_space<semaphore_mem>>) src(%arg11 : memref<256x64xf32, #tpu.memory_space<vmem>>) dst(%dma_wait3A_51 : memref<10112x64xf32, #tpu.memory_space<vmem_shared>>)
    %dma_wait3A_52 = arith.constant 0 : i32
    %dma_wait3A_53 = arith.constant 0 : i32
    %dma_wait3A_54 = tpu.memref_slice %arg8[%dma_wait3A_52, %dma_wait3A_53] : memref<48x256xi32, #tpu.memory_space<vmem>> -> memref<1x256xi32, #tpu.memory_space<vmem>>
    %dma_wait3A_55 = tpu.memref_squeeze %dma_wait3A_54 : memref<1x256xi32, #tpu.memory_space<vmem>> -> memref<256xi32, #tpu.memory_space<vmem>>
    %dma_wait3A_56 = arith.constant 0 : i32
    %dma_wait3A_57 = arith.constant 0 : i32
    %dma_wait3A_58 = tpu.memref_slice %arg13[%dma_wait3A_56, %dma_wait3A_57] : memref<10112x64xf32, #tpu.memory_space<vmem_shared>> -> memref<10112x64xf32, #tpu.memory_space<vmem_shared>>
    tpu.wait_indirect_dma semaphore(%arg17 : memref<!tpu.dma_semaphore, #tpu.memory_space<semaphore_mem>>) src(%arg12 : memref<256x64xf32, #tpu.memory_space<vmem>>) dst(%dma_wait3A_58 : memref<10112x64xf32, #tpu.memory_space<vmem_shared>>)
    %barrier3A_59 = arith.constant 0 : index
    tpu.barrier barrier_id(%barrier3A_59)
    "tpu.region"() ({
      %run_scoped3A = tpu.sem_alloc : memref<!tpu.dma_semaphore, #tpu.memory_space<semaphore_mem>>
      %dma_start3A_60 = arith.constant 0 : i32
      %dma_start3A_61 = tpu.memref_slice %arg6[%arg0, %mul3A_0, %dma_start3A_60] : memref<2x10112x64xf32, #tpu.memory_space<hbm>> -> memref<1x632x64xf32, #tpu.memory_space<hbm>>
      %dma_start3A_62 = tpu.memref_squeeze %dma_start3A_61 : memref<1x632x64xf32, #tpu.memory_space<hbm>> -> memref<632x64xf32, #tpu.memory_space<hbm>>
      %dma_start3A_63 = arith.constant 0 : i32
      %dma_start3A_64 = tpu.memref_slice %arg13[%mul3A_0, %dma_start3A_63] : memref<10112x64xf32, #tpu.memory_space<vmem_shared>> -> memref<632x64xf32, #tpu.memory_space<vmem_shared>>
      tpu.enqueue_dma source(%dma_start3A_64 : memref<632x64xf32, #tpu.memory_space<vmem_shared>>) target(%dma_start3A_62 : memref<632x64xf32, #tpu.memory_space<hbm>>) target_semaphore(%run_scoped3A : memref<!tpu.dma_semaphore, #tpu.memory_space<semaphore_mem>>)
      %dma_wait3A_65 = arith.constant 0 : i32
      %dma_wait3A_66 = tpu.memref_slice %arg6[%arg0, %mul3A_0, %dma_wait3A_65] : memref<2x10112x64xf32, #tpu.memory_space<hbm>> -> memref<1x632x64xf32, #tpu.memory_space<hbm>>
      %dma_wait3A_67 = tpu.memref_squeeze %dma_wait3A_66 : memref<1x632x64xf32, #tpu.memory_space<hbm>> -> memref<632x64xf32, #tpu.memory_space<hbm>>
      %dma_wait3A_68 = arith.constant 0 : i32
      %dma_wait3A_69 = tpu.memref_slice %arg13[%mul3A_0, %dma_wait3A_68] : memref<10112x64xf32, #tpu.memory_space<vmem_shared>> -> memref<632x64xf32, #tpu.memory_space<vmem_shared>>
      tpu.wait_dma2 semaphore(%run_scoped3A : memref<!tpu.dma_semaphore, #tpu.memory_space<semaphore_mem>>) src(%dma_wait3A_69 : memref<632x64xf32, #tpu.memory_space<vmem_shared>>) dst(%dma_wait3A_67 : memref<632x64xf32, #tpu.memory_space<hbm>>)
      tpu.yield
    }) : () -> ()
    return
  }
}

module attributes {stable_mosaic.version = 14 : i64} {
  func.func @_prep_body(%arg0: i32, %arg1: memref<2000x128xf32, #tpu.memory_space<vmem>>, %arg2: memref<128x64xf32, #tpu.memory_space<vmem>>, %arg3: memref<128x64xf32, #tpu.memory_space<vmem>>, %arg4: memref<1x64xf32, #tpu.memory_space<vmem>>, %arg5: memref<2000x64xbf16, #tpu.memory_space<vmem>>, %arg6: memref<2000x64xf32, #tpu.memory_space<vmem>>) attributes {dimension_semantics = [#tpu.dimension_semantics<arbitrary>], iteration_bounds = array<i64: 5>, scalar_prefetch = 0 : i64, scratch_operands = 0 : i64, tpu.core_type = #tpu.core_type<tc>, window_params = [{transform_indices = @transform_0, window_bounds = array<i64: 2000, 128>}, {pipeline_mode = #tpu.pipeline_mode<synchronous>, transform_indices = @transform_1, window_bounds = array<i64: 128, 64>}, {pipeline_mode = #tpu.pipeline_mode<synchronous>, transform_indices = @transform_2, window_bounds = array<i64: 128, 64>}, {pipeline_mode = #tpu.pipeline_mode<synchronous>, transform_indices = @transform_3, window_bounds = array<i64: 1, 64>}, {transform_indices = @transform_4, window_bounds = array<i64: 2000, 64>}, {transform_indices = @transform_5, window_bounds = array<i64: 2000, 64>}]} {
    %get3A = arith.constant 0 : index
    %get3A_0 = arith.constant 0 : index
    %get3A_1 = vector.load %arg1[%get3A, %get3A_0] : memref<2000x128xf32, #tpu.memory_space<vmem>>, vector<2000x128xf32>
    %get3A_2 = arith.constant 0 : index
    %get3A_3 = arith.constant 0 : index
    %get3A_4 = vector.load %arg2[%get3A_2, %get3A_3] : memref<128x64xf32, #tpu.memory_space<vmem>>, vector<128x64xf32>
    %dot_general3A = arith.constant dense<0.000000e+00> : vector<2000x64xf32>
    %dot_general3A_5 = tpu.matmul %get3A_1, %get3A_4, %dot_general3A {dimension_numbers = #tpu.dot_dimension_numbers<[1], [0], [0], [1], [0, 0, 1, 1], [], []>, precision = #tpu.contract_precision<fp32>, transpose_lhs_hint = false} : vector<2000x128xf32>, vector<128x64xf32>, vector<2000x64xf32> -> vector<2000x64xf32>
    %convert_element_type3A = arith.truncf %dot_general3A_5 : vector<2000x64xf32> to vector<2000x64xbf16>
    %swap3A = arith.constant 0 : index
    %swap3A_6 = arith.constant 0 : index
    %swap3A_7 = vector.load %arg5[%swap3A, %swap3A_6] : memref<2000x64xbf16, #tpu.memory_space<vmem>>, vector<2000x64xbf16>
    tpu.vector_store %arg5[%swap3A, %swap3A_6], %convert_element_type3A {strides = array<i32>} : memref<2000x64xbf16, #tpu.memory_space<vmem>>, vector<2000x64xbf16>,
    %get3A_8 = arith.constant 0 : index
    %get3A_9 = arith.constant 0 : index
    %get3A_10 = vector.load %arg3[%get3A_8, %get3A_9] : memref<128x64xf32, #tpu.memory_space<vmem>>, vector<128x64xf32>
    %dot_general3A_11 = arith.constant dense<0.000000e+00> : vector<2000x64xf32>
    %dot_general3A_12 = tpu.matmul %get3A_1, %get3A_10, %dot_general3A_11 {dimension_numbers = #tpu.dot_dimension_numbers<[1], [0], [0], [1], [0, 0, 1, 1], [], []>, precision = #tpu.contract_precision<fp32>, transpose_lhs_hint = false} : vector<2000x128xf32>, vector<128x64xf32>, vector<2000x64xf32> -> vector<2000x64xf32>
    %get3A_13 = arith.constant 0 : index
    %get3A_14 = arith.constant 0 : index
    %get3A_15 = vector.load %arg4[%get3A_13, %get3A_14] : memref<1x64xf32, #tpu.memory_space<vmem>>, vector<1x64xf32>
    %add3A = vector.broadcast %get3A_15 : vector<1x64xf32> to vector<2000x64xf32>
    %add3A_16 = arith.addf %dot_general3A_12, %add3A : vector<2000x64xf32>
    %swap3A_17 = arith.constant 0 : index
    %swap3A_18 = arith.constant 0 : index
    %swap3A_19 = vector.load %arg6[%swap3A_17, %swap3A_18] : memref<2000x64xf32, #tpu.memory_space<vmem>>, vector<2000x64xf32>
    tpu.vector_store %arg6[%swap3A_17, %swap3A_18], %add3A_16 {strides = array<i32>} : memref<2000x64xf32, #tpu.memory_space<vmem>>, vector<2000x64xf32>,
    return
  }
  func.func @transform_0(%arg0: i32) -> (i32, i32) {
    %c0_i32 = arith.constant 0 : i32
    %c0_i32_0 = arith.constant 0 : i32
    return %arg0, %c0_i32 : i32, i32
  }
  func.func @transform_1(%arg0: i32) -> (i32, i32) {
    %c0_i32 = arith.constant 0 : i32
    %c0_i32_0 = arith.constant 0 : i32
    %c0_i32_1 = arith.constant 0 : i32
    return %c0_i32, %c0_i32_0 : i32, i32
  }
  func.func @transform_2(%arg0: i32) -> (i32, i32) {
    %c0_i32 = arith.constant 0 : i32
    %c0_i32_0 = arith.constant 0 : i32
    %c0_i32_1 = arith.constant 0 : i32
    return %c0_i32, %c0_i32_0 : i32, i32
  }
  func.func @transform_3(%arg0: i32) -> (i32, i32) {
    %c0_i32 = arith.constant 0 : i32
    %c0_i32_0 = arith.constant 0 : i32
    %c0_i32_1 = arith.constant 0 : i32
    return %c0_i32, %c0_i32_0 : i32, i32
  }
  func.func @transform_4(%arg0: i32) -> (i32, i32) {
    %c0_i32 = arith.constant 0 : i32
    %c0_i32_0 = arith.constant 0 : i32
    return %arg0, %c0_i32 : i32, i32
  }
  func.func @transform_5(%arg0: i32) -> (i32, i32) {
    %c0_i32 = arith.constant 0 : i32
    %c0_i32_0 = arith.constant 0 : i32
    return %arg0, %c0_i32 : i32, i32
  }
}

module attributes {stable_mosaic.version = 14 : i64} {
  func.func @_comb_body(%arg0: i32, %arg1: memref<2x2000x64xf32, #tpu.memory_space<vmem>>, %arg2: memref<2x2000x16xf32, #tpu.memory_space<vmem>>, %arg3: memref<2000x64xf32, #tpu.memory_space<vmem>>, %arg4: memref<64x64xf32, #tpu.memory_space<vmem>>, %arg5: memref<64x64xf32, #tpu.memory_space<vmem>>, %arg6: memref<1x64xf32, #tpu.memory_space<vmem>>, %arg7: memref<2000x64xbf16, #tpu.memory_space<vmem>>, %arg8: memref<2000x64xf32, #tpu.memory_space<vmem>>) attributes {dimension_semantics = [#tpu.dimension_semantics<arbitrary>], iteration_bounds = array<i64: 5>, scalar_prefetch = 0 : i64, scratch_operands = 0 : i64, tpu.core_type = #tpu.core_type<tc>, window_params = [{transform_indices = @transform_0, window_bounds = array<i64: 2, 2000, 64>}, {transform_indices = @transform_1, window_bounds = array<i64: 2, 2000, 16>}, {transform_indices = @transform_2, window_bounds = array<i64: 2000, 64>}, {pipeline_mode = #tpu.pipeline_mode<synchronous>, transform_indices = @transform_3, window_bounds = array<i64: 64, 64>}, {pipeline_mode = #tpu.pipeline_mode<synchronous>, transform_indices = @transform_4, window_bounds = array<i64: 64, 64>}, {pipeline_mode = #tpu.pipeline_mode<synchronous>, transform_indices = @transform_5, window_bounds = array<i64: 1, 64>}, {transform_indices = @transform_6, window_bounds = array<i64: 2000, 64>}, {transform_indices = @transform_7, window_bounds = array<i64: 2000, 64>}]} {
    %get3A = arith.constant 0 : index
    %get3A_0 = arith.constant 0 : index
    %get3A_1 = arith.constant 0 : index
    %get3A_2 = vector.load %arg2[%get3A, %get3A_0, %get3A_1] : memref<2x2000x16xf32, #tpu.memory_space<vmem>>, vector<1x2000x1xf32>
    %get3A_3 = vector.shape_cast %get3A_2 : vector<1x2000x1xf32> to vector<2000x1xf32>
    %add3A = arith.constant 0.000000e+00 : f32
    %add3A_4 = vector.broadcast %add3A : f32 to vector<2000x1xf32>
    %add3A_5 = arith.addf %add3A_4, %get3A_3 : vector<2000x1xf32>
    %get3A_6 = arith.constant 1 : index
    %get3A_7 = arith.constant 0 : index
    %get3A_8 = arith.constant 0 : index
    %get3A_9 = vector.load %arg2[%get3A_6, %get3A_7, %get3A_8] : memref<2x2000x16xf32, #tpu.memory_space<vmem>>, vector<1x2000x1xf32>
    %get3A_10 = vector.shape_cast %get3A_9 : vector<1x2000x1xf32> to vector<2000x1xf32>
    %add3A_11 = arith.addf %add3A_5, %get3A_10 : vector<2000x1xf32>
    %max3A = arith.constant 1.000000e+00 : f32
    %max3A_12 = vector.broadcast %max3A : f32 to vector<2000x1xf32>
    %max3A_13 = arith.maximumf %add3A_11, %max3A_12 : vector<2000x1xf32>
    %div3A = arith.constant 1.000000e+00 : f32
    %div3A_14 = vector.broadcast %div3A : f32 to vector<2000x1xf32>
    %div3A_15 = arith.divf %div3A_14, %max3A_13 : vector<2000x1xf32>
    %get3A_16 = arith.constant 0 : index
    %get3A_17 = arith.constant 0 : index
    %get3A_18 = arith.constant 0 : index
    %get3A_19 = vector.load %arg1[%get3A_16, %get3A_17, %get3A_18] : memref<2x2000x64xf32, #tpu.memory_space<vmem>>, vector<1x2000x64xf32>
    %get3A_20 = vector.shape_cast %get3A_19 : vector<1x2000x64xf32> to vector<2000x64xf32>
    %add3A_21 = arith.constant 0.000000e+00 : f32
    %add3A_22 = vector.broadcast %add3A_21 : f32 to vector<2000x64xf32>
    %add3A_23 = arith.addf %add3A_22, %get3A_20 : vector<2000x64xf32>
    %get3A_24 = arith.constant 1 : index
    %get3A_25 = arith.constant 0 : index
    %get3A_26 = arith.constant 0 : index
    %get3A_27 = vector.load %arg1[%get3A_24, %get3A_25, %get3A_26] : memref<2x2000x64xf32, #tpu.memory_space<vmem>>, vector<1x2000x64xf32>
    %get3A_28 = vector.shape_cast %get3A_27 : vector<1x2000x64xf32> to vector<2000x64xf32>
    %add3A_29 = arith.addf %add3A_23, %get3A_28 : vector<2000x64xf32>
    %mul3A = vector.broadcast %div3A_15 : vector<2000x1xf32> to vector<2000x64xf32>
    %mul3A_30 = arith.mulf %add3A_29, %mul3A : vector<2000x64xf32>
    %get3A_31 = arith.constant 0 : index
    %get3A_32 = arith.constant 0 : index
    %get3A_33 = vector.load %arg3[%get3A_31, %get3A_32] : memref<2000x64xf32, #tpu.memory_space<vmem>>, vector<2000x64xf32>
    %add3A_34 = arith.addf %mul3A_30, %get3A_33 : vector<2000x64xf32>
    %max3A_35 = arith.constant 0.000000e+00 : f32
    %max3A_36 = vector.broadcast %max3A_35 : f32 to vector<2000x64xf32>
    %max3A_37 = arith.maximumf %add3A_34, %max3A_36 : vector<2000x64xf32>
    %get3A_38 = arith.constant 0 : index
    %get3A_39 = arith.constant 0 : index
    %get3A_40 = vector.load %arg4[%get3A_38, %get3A_39] : memref<64x64xf32, #tpu.memory_space<vmem>>, vector<64x64xf32>
    %dot_general3A = arith.constant dense<0.000000e+00> : vector<2000x64xf32>
    %dot_general3A_41 = tpu.matmul %max3A_37, %get3A_40, %dot_general3A {dimension_numbers = #tpu.dot_dimension_numbers<[1], [0], [0], [1], [0, 0, 1, 1], [], []>, precision = #tpu.contract_precision<fp32>, transpose_lhs_hint = false} : vector<2000x64xf32>, vector<64x64xf32>, vector<2000x64xf32> -> vector<2000x64xf32>
    %convert_element_type3A = arith.truncf %dot_general3A_41 : vector<2000x64xf32> to vector<2000x64xbf16>
    %swap3A = arith.constant 0 : index
    %swap3A_42 = arith.constant 0 : index
    %swap3A_43 = vector.load %arg7[%swap3A, %swap3A_42] : memref<2000x64xbf16, #tpu.memory_space<vmem>>, vector<2000x64xbf16>
    tpu.vector_store %arg7[%swap3A, %swap3A_42], %convert_element_type3A {strides = array<i32>} : memref<2000x64xbf16, #tpu.memory_space<vmem>>, vector<2000x64xbf16>,
    %get3A_44 = arith.constant 0 : index
    %get3A_45 = arith.constant 0 : index
    %get3A_46 = vector.load %arg5[%get3A_44, %get3A_45] : memref<64x64xf32, #tpu.memory_space<vmem>>, vector<64x64xf32>
    %dot_general3A_47 = arith.constant dense<0.000000e+00> : vector<2000x64xf32>
    %dot_general3A_48 = tpu.matmul %max3A_37, %get3A_46, %dot_general3A_47 {dimension_numbers = #tpu.dot_dimension_numbers<[1], [0], [0], [1], [0, 0, 1, 1], [], []>, precision = #tpu.contract_precision<fp32>, transpose_lhs_hint = false} : vector<2000x64xf32>, vector<64x64xf32>, vector<2000x64xf32> -> vector<2000x64xf32>
    %get3A_49 = arith.constant 0 : index
    %get3A_50 = arith.constant 0 : index
    %get3A_51 = vector.load %arg6[%get3A_49, %get3A_50] : memref<1x64xf32, #tpu.memory_space<vmem>>, vector<1x64xf32>
    %add3A_52 = vector.broadcast %get3A_51 : vector<1x64xf32> to vector<2000x64xf32>
    %add3A_53 = arith.addf %dot_general3A_48, %add3A_52 : vector<2000x64xf32>
    %swap3A_54 = arith.constant 0 : index
    %swap3A_55 = arith.constant 0 : index
    %swap3A_56 = vector.load %arg8[%swap3A_54, %swap3A_55] : memref<2000x64xf32, #tpu.memory_space<vmem>>, vector<2000x64xf32>
    tpu.vector_store %arg8[%swap3A_54, %swap3A_55], %add3A_53 {strides = array<i32>} : memref<2000x64xf32, #tpu.memory_space<vmem>>, vector<2000x64xf32>,
    return
  }
  func.func @transform_0(%arg0: i32) -> (i32, i32, i32) {
    %c0_i32 = arith.constant 0 : i32
    %c0_i32_0 = arith.constant 0 : i32
    %c0_i32_1 = arith.constant 0 : i32
    return %c0_i32, %arg0, %c0_i32_0 : i32, i32, i32
  }
  func.func @transform_1(%arg0: i32) -> (i32, i32, i32) {
    %c0_i32 = arith.constant 0 : i32
    %c0_i32_0 = arith.constant 0 : i32
    %c0_i32_1 = arith.constant 0 : i32
    return %c0_i32, %arg0, %c0_i32_0 : i32, i32, i32
  }
  func.func @transform_2(%arg0: i32) -> (i32, i32) {
    %c0_i32 = arith.constant 0 : i32
    %c0_i32_0 = arith.constant 0 : i32
    return %arg0, %c0_i32 : i32, i32
  }
  func.func @transform_3(%arg0: i32) -> (i32, i32) {
    %c0_i32 = arith.constant 0 : i32
    %c0_i32_0 = arith.constant 0 : i32
    %c0_i32_1 = arith.constant 0 : i32
    return %c0_i32, %c0_i32_0 : i32, i32
  }
  func.func @transform_4(%arg0: i32) -> (i32, i32) {
    %c0_i32 = arith.constant 0 : i32
    %c0_i32_0 = arith.constant 0 : i32
    %c0_i32_1 = arith.constant 0 : i32
    return %c0_i32, %c0_i32_0 : i32, i32
  }
  func.func @transform_5(%arg0: i32) -> (i32, i32) {
    %c0_i32 = arith.constant 0 : i32
    %c0_i32_0 = arith.constant 0 : i32
    %c0_i32_1 = arith.constant 0 : i32
    return %c0_i32, %c0_i32_0 : i32, i32
  }
  func.func @transform_6(%arg0: i32) -> (i32, i32) {
    %c0_i32 = arith.constant 0 : i32
    %c0_i32_0 = arith.constant 0 : i32
    return %arg0, %c0_i32 : i32, i32
  }
  func.func @transform_7(%arg0: i32) -> (i32, i32) {
    %c0_i32 = arith.constant 0 : i32
    %c0_i32_0 = arith.constant 0 : i32
    return %arg0, %c0_i32 : i32, i32
  }
}

module attributes {stable_mosaic.version = 14 : i64} {
  func.func @_final_body(%arg0: i32, %arg1: memref<2x2000x64xf32, #tpu.memory_space<vmem>>, %arg2: memref<2x2000x16xf32, #tpu.memory_space<vmem>>, %arg3: memref<2000x64xf32, #tpu.memory_space<vmem>>, %arg4: memref<64x10xf32, #tpu.memory_space<vmem>>, %arg5: memref<1x10xf32, #tpu.memory_space<vmem>>, %arg6: memref<2000x10xf32, #tpu.memory_space<vmem>>) attributes {dimension_semantics = [#tpu.dimension_semantics<arbitrary>], iteration_bounds = array<i64: 5>, scalar_prefetch = 0 : i64, scratch_operands = 0 : i64, tpu.core_type = #tpu.core_type<tc>, window_params = [{transform_indices = @transform_0, window_bounds = array<i64: 2, 2000, 64>}, {transform_indices = @transform_1, window_bounds = array<i64: 2, 2000, 16>}, {transform_indices = @transform_2, window_bounds = array<i64: 2000, 64>}, {pipeline_mode = #tpu.pipeline_mode<synchronous>, transform_indices = @transform_3, window_bounds = array<i64: 64, 10>}, {pipeline_mode = #tpu.pipeline_mode<synchronous>, transform_indices = @transform_4, window_bounds = array<i64: 1, 10>}, {transform_indices = @transform_5, window_bounds = array<i64: 2000, 10>}]} {
    %get3A = arith.constant 0 : index
    %get3A_0 = arith.constant 0 : index
    %get3A_1 = arith.constant 0 : index
    %get3A_2 = vector.load %arg2[%get3A, %get3A_0, %get3A_1] : memref<2x2000x16xf32, #tpu.memory_space<vmem>>, vector<1x2000x1xf32>
    %get3A_3 = vector.shape_cast %get3A_2 : vector<1x2000x1xf32> to vector<2000x1xf32>
    %add3A = arith.constant 0.000000e+00 : f32
    %add3A_4 = vector.broadcast %add3A : f32 to vector<2000x1xf32>
    %add3A_5 = arith.addf %add3A_4, %get3A_3 : vector<2000x1xf32>
    %get3A_6 = arith.constant 1 : index
    %get3A_7 = arith.constant 0 : index
    %get3A_8 = arith.constant 0 : index
    %get3A_9 = vector.load %arg2[%get3A_6, %get3A_7, %get3A_8] : memref<2x2000x16xf32, #tpu.memory_space<vmem>>, vector<1x2000x1xf32>
    %get3A_10 = vector.shape_cast %get3A_9 : vector<1x2000x1xf32> to vector<2000x1xf32>
    %add3A_11 = arith.addf %add3A_5, %get3A_10 : vector<2000x1xf32>
    %max3A = arith.constant 1.000000e+00 : f32
    %max3A_12 = vector.broadcast %max3A : f32 to vector<2000x1xf32>
    %max3A_13 = arith.maximumf %add3A_11, %max3A_12 : vector<2000x1xf32>
    %div3A = arith.constant 1.000000e+00 : f32
    %div3A_14 = vector.broadcast %div3A : f32 to vector<2000x1xf32>
    %div3A_15 = arith.divf %div3A_14, %max3A_13 : vector<2000x1xf32>
    %get3A_16 = arith.constant 0 : index
    %get3A_17 = arith.constant 0 : index
    %get3A_18 = arith.constant 0 : index
    %get3A_19 = vector.load %arg1[%get3A_16, %get3A_17, %get3A_18] : memref<2x2000x64xf32, #tpu.memory_space<vmem>>, vector<1x2000x64xf32>
    %get3A_20 = vector.shape_cast %get3A_19 : vector<1x2000x64xf32> to vector<2000x64xf32>
    %add3A_21 = arith.constant 0.000000e+00 : f32
    %add3A_22 = vector.broadcast %add3A_21 : f32 to vector<2000x64xf32>
    %add3A_23 = arith.addf %add3A_22, %get3A_20 : vector<2000x64xf32>
    %get3A_24 = arith.constant 1 : index
    %get3A_25 = arith.constant 0 : index
    %get3A_26 = arith.constant 0 : index
    %get3A_27 = vector.load %arg1[%get3A_24, %get3A_25, %get3A_26] : memref<2x2000x64xf32, #tpu.memory_space<vmem>>, vector<1x2000x64xf32>
    %get3A_28 = vector.shape_cast %get3A_27 : vector<1x2000x64xf32> to vector<2000x64xf32>
    %add3A_29 = arith.addf %add3A_23, %get3A_28 : vector<2000x64xf32>
    %mul3A = vector.broadcast %div3A_15 : vector<2000x1xf32> to vector<2000x64xf32>
    %mul3A_30 = arith.mulf %add3A_29, %mul3A : vector<2000x64xf32>
    %get3A_31 = arith.constant 0 : index
    %get3A_32 = arith.constant 0 : index
    %get3A_33 = vector.load %arg3[%get3A_31, %get3A_32] : memref<2000x64xf32, #tpu.memory_space<vmem>>, vector<2000x64xf32>
    %add3A_34 = arith.addf %mul3A_30, %get3A_33 : vector<2000x64xf32>
    %max3A_35 = arith.constant 0.000000e+00 : f32
    %max3A_36 = vector.broadcast %max3A_35 : f32 to vector<2000x64xf32>
    %max3A_37 = arith.maximumf %add3A_34, %max3A_36 : vector<2000x64xf32>
    %get3A_38 = arith.constant 0 : index
    %get3A_39 = arith.constant 0 : index
    %get3A_40 = vector.load %arg4[%get3A_38, %get3A_39] : memref<64x10xf32, #tpu.memory_space<vmem>>, vector<64x10xf32>
    %dot_general3A = arith.constant dense<0.000000e+00> : vector<2000x10xf32>
    %dot_general3A_41 = tpu.matmul %max3A_37, %get3A_40, %dot_general3A {dimension_numbers = #tpu.dot_dimension_numbers<[1], [0], [0], [1], [0, 0, 1, 1], [], []>, precision = #tpu.contract_precision<fp32>, transpose_lhs_hint = false} : vector<2000x64xf32>, vector<64x10xf32>, vector<2000x10xf32> -> vector<2000x10xf32>
    %get3A_42 = arith.constant 0 : index
    %get3A_43 = arith.constant 0 : index
    %get3A_44 = vector.load %arg5[%get3A_42, %get3A_43] : memref<1x10xf32, #tpu.memory_space<vmem>>, vector<1x10xf32>
    %add3A_45 = vector.broadcast %get3A_44 : vector<1x10xf32> to vector<2000x10xf32>
    %add3A_46 = arith.addf %dot_general3A_41, %add3A_45 : vector<2000x10xf32>
    %reduce_max3A = arith.constant dense<0xFF800000> : vector<2000xf32>
    %reduce_max3A_47 = vector.multi_reduction <maximumf>, %add3A_46, %reduce_max3A [1] : vector<2000x10xf32> to vector<2000xf32>
    %broadcast_in_dim3A = vector.shape_cast %reduce_max3A_47 : vector<2000xf32> to vector<2000x1xf32>
    %sub3A = vector.broadcast %broadcast_in_dim3A : vector<2000x1xf32> to vector<2000x10xf32>
    %sub3A_48 = arith.subf %add3A_46, %sub3A : vector<2000x10xf32>
    %exp3A = math.exp %sub3A_48 : vector<2000x10xf32>
    %reduce_sum3A = arith.constant dense<0.000000e+00> : vector<2000xf32>
    %reduce_sum3A_49 = vector.multi_reduction <add>, %exp3A, %reduce_sum3A [1] : vector<2000x10xf32> to vector<2000xf32>
    %broadcast_in_dim3A_50 = vector.shape_cast %reduce_sum3A_49 : vector<2000xf32> to vector<2000x1xf32>
    %log3A = math.log %broadcast_in_dim3A_50 : vector<2000x1xf32>
    %sub3A_51 = vector.broadcast %log3A : vector<2000x1xf32> to vector<2000x10xf32>
    %sub3A_52 = arith.subf %sub3A_48, %sub3A_51 : vector<2000x10xf32>
    %swap3A = arith.constant 0 : index
    %swap3A_53 = arith.constant 0 : index
    %swap3A_54 = vector.load %arg6[%swap3A, %swap3A_53] : memref<2000x10xf32, #tpu.memory_space<vmem>>, vector<2000x10xf32>
    tpu.vector_store %arg6[%swap3A, %swap3A_53], %sub3A_52 {strides = array<i32>} : memref<2000x10xf32, #tpu.memory_space<vmem>>, vector<2000x10xf32>,
    return
  }
  func.func @transform_0(%arg0: i32) -> (i32, i32, i32) {
    %c0_i32 = arith.constant 0 : i32
    %c0_i32_0 = arith.constant 0 : i32
    %c0_i32_1 = arith.constant 0 : i32
    return %c0_i32, %arg0, %c0_i32_0 : i32, i32, i32
  }
  func.func @transform_1(%arg0: i32) -> (i32, i32, i32) {
    %c0_i32 = arith.constant 0 : i32
    %c0_i32_0 = arith.constant 0 : i32
    %c0_i32_1 = arith.constant 0 : i32
    return %c0_i32, %arg0, %c0_i32_0 : i32, i32, i32
  }
  func.func @transform_2(%arg0: i32) -> (i32, i32) {
    %c0_i32 = arith.constant 0 : i32
    %c0_i32_0 = arith.constant 0 : i32
    return %arg0, %c0_i32 : i32, i32
  }
  func.func @transform_3(%arg0: i32) -> (i32, i32) {
    %c0_i32 = arith.constant 0 : i32
    %c0_i32_0 = arith.constant 0 : i32
    %c0_i32_1 = arith.constant 0 : i32
    return %c0_i32, %c0_i32_0 : i32, i32
  }
  func.func @transform_4(%arg0: i32) -> (i32, i32) {
    %c0_i32 = arith.constant 0 : i32
    %c0_i32_0 = arith.constant 0 : i32
    %c0_i32_1 = arith.constant 0 : i32
    return %c0_i32, %c0_i32_0 : i32, i32
  }
  func.func @transform_5(%arg0: i32) -> (i32, i32) {
    %c0_i32 = arith.constant 0 : i32
    %c0_i32_0 = arith.constant 0 : i32
    return %arg0, %c0_i32 : i32, i32
  }
}

</mosaic_0001>

<sc_bundles>
// kernel: kernel.12.cloned.1.call-start
scs
__scs_entry_jumppad:
0x0: {  	(pc) =	sbr.rel $0x88, $3  }
0x1: {  	(tag) =	ssettag $0x0;
	lr =	simm.s32 $0x1  }
0x2: {  	[smem:$0x3F94] =	sst lr;
	_ =	strace $0xD0000000  }
0x3: {  	_ = 	snop  }
0x4: {  	_ = 	snop  }
0x5: {  	_ = 	snop  }
0x6: {  	_ = 	snop  }
0x7: {  	_ = 	snop  }
__scs_overlays_trampoline_lowered:
0x8: {  	[smem:$0x3FA3] =	sst s0  }
0x9: {  	[smem:$0x3FA4] =	sst s1  }
0xa: {  	[smem:$0x3FA5] =	sst s2  }
0xb: {  	[smem:$0x3FA6] =	sst s3  }
0xc: {  	[smem:$0x3FA7] =	sst s4  }
0xd: {  	[smem:$0x3FA8] =	sst s5  }
0xe: {  	[smem:$0x3FA9] =	sst s6  }
0xf: {  	[smem:$0x3FAA] =	sst s7  }
0x10: {  	[smem:$0x3FAB] =	sst s8  }
0x11: {  	[smem:$0x3FAC] =	sst s9;
	s0 =	simm.s32 @!p0 $0x0  }
0x12: {  	s1 =	sld [smem:$0x3F92];
	s0 =	simm.s32 @p0 $0x1  }
0x13: {  	[smem:$0x3FAD] =	sst s0;
	s0 =	simm.s32 @!p1 $0x0  }
0x14: {  	s2 =	sld [smem:$0x3F91];
	s0 =	simm.s32 @p1 $0x1  }
0x15: {  	[smem:$0x3FAE] =	sst s0;
	s0 =	simm.s32 @!p2 $0x0  }
0x16: {  	s3 =	sld [smem:$0x3FDB];
	s0 =	simm.s32 @p2 $0x1  }
0x17: {  	s4 =	simm.s32 $0x1BF5;
	[smem:$0x3FB0] =	sst s0  }
0x18: {  	s0 =	sld [smem:$0x3F93];
	_ =	swait.ge [sflag:s4], $0x0  }
0x19: {  	s7 =	sld [smem:$0x3F94]  }
0x1a: {  	s8 =	sadd.s32 $0xFFFFE003, lr  }
0x1b: {  	s9 =	sadd.s32 $0xFFFFFEF7, lr;
	s5 =	simm.s32 $0xFFFFFFFF;
	p2 =	slt.u32 s8, $0xFFFFF086  }
0x1c: {  	p1 =	slt.u32 s9, $0xF7A;
	s5 =	simm.s32 @!p2 $0x0  }
0x1d: {  	s5 =	simm.s32 @p1 $0x1;
	p0 =	seq.s32 s7, s2  }
0x1e: {  	s7 =	smul.u32 @!p0 $0xF7A, s2;
	p2 =	seq.s32 @!p0 s5, $0x0  }
0x1f: {  	s9 =	smul.u32 $0xF7A, s1;
	s8 =	simm.s32 @!p0 $0x1BF5;
	p2 =	por !p2, p0  }
0x20: {  	[sflag:s8] =	ssyncset.s32 @!p0 $0xFFFFF086;
	s6 =	sadd.s32 @!p0 s3, s7;
	s7 =	simm.s32 @!p0 $0x108  }
0x21: {  	s3 =	sadd.s32 s3, s9;
	s6 =	sadd.s32 @!p0 $0x88, s6;
	s7 =	simm.s32 @p2 $0x1082  }
0x22: {  	[simem:s7], [sflag:s8] =	dma.local @!p0 [hbm:s6], $0xF7A  }
0x23: {  	s9 =	sor.u32 $0xD0000000, s2;
	s6 =	simm.s32 $0x108;
	_ =	swait.ge @!p0 [sflag:s8], $0x0  }
0x24: {  	s3 =	sadd.s32 $0x88, s3;
	s6 =	simm.s32 @!p1 $0x1082;
	[sflag:s4] =	ssyncset.s32 $0xFFFFF086  }
0x25: {  	[simem:s6], [sflag:s4] =	dma.local [hbm:s3], $0xF7A  }
0x26: {  	[smem:$0x3F94] =	sst s1;
	(tag) =	ssettag s2;
	_ =	strace s9  }
0x27: {  	s1 =	sld [smem:$0x3FA4]  }
0x28: {  	s2 =	sld [smem:$0x3FA5]  }
0x29: {  	s4 =	sld [smem:$0x3FA7]  }
0x2a: {  	p0 =	seq.s32 s5, $0x0;
	s5 =	sld [smem:$0x3FA8]  }
0x2b: {  	s6 =	sld [smem:$0x3FA9]  }
0x2c: {  	s7 =	sld [smem:$0x3FAA]  }
0x2d: {  	s3 =	simm.s32 $0x108;
	s8 =	sld [smem:$0x3FAB]  }
0x2e: {  	s3 =	simm.s32 @!p0 $0x1082;
	s9 =	sld [smem:$0x3FAC]  }
0x2f: {  	lr =	sadd.s32 s0, s3;
	s0 =	sld [smem:$0x3FA3]  }
0x30: {  	s3 =	sld [smem:$0x3FA6]  }
0x31: {  	[smem:$0x3FAF] =	sst s10  }
0x32: {  	s10 =	sld [smem:$0x3FAD];
	_ =	sdelay $0x3  }
0x33: {  	p0 =	seq.s32 s10, $0x1;
	s10 =	sld [smem:$0x3FAF];
	_ =	sdelay $0x3  }
0x34: {  	[smem:$0x3FAF] =	sst s10  }
0x35: {  	s10 =	sld [smem:$0x3FAE];
	_ =	sdelay $0x3  }
0x36: {  	p1 =	seq.s32 s10, $0x1;
	s10 =	sld [smem:$0x3FAF];
	_ =	sdelay $0x3  }
0x37: {  	[smem:$0x3FAF] =	sst s10  }
0x38: {  	s10 =	sld [smem:$0x3FB0]  }
0x39: {  	_ = 	snop;
	(pc) =	sbr.ind lr, $3  }
0x3a: {  	_ = 	snop  }
0x3b: {  	_ = 	snop  }
0x3c: {  	p2 =	seq.s32 s10, $0x1;
	s10 =	sld [smem:$0x3FAF]  }
0x3d: {  	_ =	shalt  }
0x3e: {  	_ =	shalt  }
0x3f: {  	_ =	shalt  }
0x40: {  	_ =	shalt  }
0x41: {  	_ =	shalt  }
0x42: {  	_ =	shalt  }
0x43: {  	_ =	shalt  }
0x44: {  	_ =	shalt  }
0x45: {  	_ =	shalt  }
0x46: {  	_ =	shalt  }
0x47: {  	_ =	shalt  }
0x48: {  	_ =	shalt  }
0x49: {  	_ =	shalt  }
0x4a: {  	_ =	shalt  }
0x4b: {  	_ =	shalt  }
0x4c: {  	_ =	shalt  }
0x4d: {  	_ =	shalt  }
0x4e: {  	_ =	shalt  }
0x4f: {  	_ =	shalt  }
0x50: {  	_ =	shalt  }
0x51: {  	_ =	shalt  }
0x52: {  	_ =	shalt  }
0x53: {  	_ =	shalt  }
0x54: {  	_ =	shalt  }
0x55: {  	_ =	shalt  }
0x56: {  	_ =	shalt  }
0x57: {  	_ =	shalt  }
0x58: {  	_ =	shalt  }
0x59: {  	_ =	shalt  }
0x5a: {  	_ =	shalt  }
0x5b: {  	_ =	shalt  }
0x5c: {  	_ =	shalt  }
0x5d: {  	_ =	shalt  }
0x5e: {  	_ =	shalt  }
0x5f: {  	_ =	shalt  }
0x60: {  	_ =	shalt  }
0x61: {  	_ =	shalt  }
0x62: {  	_ =	shalt  }
0x63: {  	_ =	shalt  }
0x64: {  	_ =	shalt  }
0x65: {  	_ =	shalt  }
0x66: {  	_ =	shalt  }
0x67: {  	_ =	shalt  }
0x68: {  	_ =	shalt  }
0x69: {  	_ =	shalt  }
0x6a: {  	_ =	shalt  }
0x6b: {  	_ =	shalt  }
0x6c: {  	_ =	shalt  }
0x6d: {  	_ =	shalt  }
0x6e: {  	_ =	shalt  }
0x6f: {  	_ =	shalt  }
0x70: {  	_ =	shalt  }
0x71: {  	_ =	shalt  }
0x72: {  	_ =	shalt  }
0x73: {  	_ =	shalt  }
0x74: {  	_ =	shalt  }
0x75: {  	_ =	shalt  }
0x76: {  	_ =	shalt  }
0x77: {  	_ =	shalt  }
0x78: {  	_ =	shalt  }
0x79: {  	_ =	shalt  }
0x7a: {  	_ =	shalt  }
0x7b: {  	_ =	shalt  }
0x7c: {  	_ =	shalt  }
0x7d: {  	_ =	shalt  }
0x7e: {  	_ =	shalt  }
0x7f: {  	_ =	shalt  }
0x80: {  	_ =	shalt  }
0x81: {  	_ =	shalt  }
0x82: {  	_ =	shalt  }
0x83: {  	_ =	shalt  }
0x84: {  	_ =	shalt  }
0x85: {  	_ =	shalt  }
0x86: {  	_ =	shalt  }
0x87: {  	_ =	shalt  }
.Lfunc_end0:
.L_simem_size_0:
called_computation.1_lowered:
.L_overlay_start_0:
0x88: {  	s2 =	sld [smem:$0x3FD9]  }
0x89: {  	s3 =	sld [smem:$0x3FFE];
	_ =	sdelay $0x1  }
0x8a: {  	s1 =	srdreg.scid  }
0x8b: {  	s0 =	sand.u32 $0x1, s1  }
0x8c: {  	s17 =	sshll.u32 s0, $0xA;
	s2 =	sadd.s32 s3, s2  }
0x8d: {  	s2 =	sadd.s32 s2, s17  }
0x8e: {  	[smem:$0x3FBB] =	sst s2  }
0x8f: {  	_ = 	snop  }
0x90: {  	s2 =	sld [smem:$0x3FD0];
	(tm) =	ssettm $0x1  }
0x91: {  	s18 =	sld [smem:$0x3FFB];
	_ =	sdelay $0x3  }
0x92: {  	_ =	strace s18  }
0x93: {  	s3 =	sld [smem:$0x3FFC];
	_ =	sdelay $0x3  }
0x94: {  	_ =	strace s3  }
0x95: {  	s3 =	sld [smem:$0x3FFD];
	_ =	sdelay $0x3  }
0x96: {  	_ =	strace s3  }
0x97: {  	_ =	strace $0x8FFFFFFF  }
0x98: {  	s19 =	sld [smem:$0x3FDB];
	_ =	sdelay $0x1  }
0x99: {  	s4 =	simm.s32 $_scs_section_size  }
0x9a: {  	s5 =	simm.s32 $_size__tile_overlayer_lowered;
	s6 =	simm.s32 $_tile_overlayer_lowered  }
0x9b: {  	s22 =	simm.s32 $0x1BFF;
	s21 =	sshll.u32 s6, $0x1;
	s3 =	sadd.s32 s4, s19  }
0x9c: {  	s7 =	simm.s32 $0x0;
	s20 =	sshll.u32 s5, $0x1;
	s5 =	sadd.s32 s21, s3  }
0x9d: {  	[timem:s7], [sflag:s22] =	dma.local [hbm:s5], s20  }
0x9e: {  	_ =	swait.ge [sflag:s22], s20  }
0x9f: {  	s4 =	ssub.s32 $0x0, s20;
	[sflag:s22] =	ssyncset.done $0x0  }
0xa0: {  	[sflag:s22] =	ssyncadd.s32 s4;
	_ =	sdelay $0x1  }
0xa1: {  	s23 =	simm.s32 $0x1B8B  }
0xa2: {  	_ =	swait.ge [sflag:s23], $0x1  }
0xa3: {  	[sflag:s23] =	ssyncset.done $0x0  }
0xa4: {  	s25 =	simm.s32 $0x1B8E;
	s24 =	sld [smem:$0x3FFE];
	[sflag:s23] =	ssyncadd.s32 $0xFFFFFFFF  }
0xa5: {  	s26 =	simm.s32 $execute0_lowered;
	[smem:$0x3FD2] =	sst s25  }
0xa6: {  	s5 =	sshll.u32 s26, $0x1;
	_ =	strace $0x80000049;
	[dreg:$0x1] =	wrdreg $0xFFFFFFFF  }
0xa7: {  	s28 =	simm.s32 $_size_execute0_lowered;
	s3 =	sadd.s32 s3, s5;
	[dreg:$0x0] =	wrdreg $0x0  }
0xa8: {  	s5 =	sshll.u32 s28, $0x1;
	[dreg:$0x2] =	wrdreg s3  }
0xa9: {  	[dreg:$0x3] =	wrdreg s5  }
0xaa: {  	[dreg:$0x4] =	wrdreg $0xC0  }
0xab: {  	_ =	task [dreg:s7], $0x5FFFF  }
0xac: {  	[dreg:$0x1] =	wrdreg $0xFFFFFFFF  }
0xad: {  	[dreg:$0x0] =	wrdreg $0x60  }
0xae: {  	[dreg:$0x2] =	wrdreg s24  }
0xaf: {  	[dreg:$0x3] =	wrdreg s2  }
0xb0: {  	[dreg:$0x4] =	wrdreg $0x120000  }
0xb1: {  	[dreg:$0x5] =	wrdreg $0x9  }
0xb2: {  	_ =	task.clear_ibuf [dreg:s7], $0x6FFFF;
	_ =	strace $0x90000049  }
0xb3: {  	s29 =	simm.s32 $0x9;
	_ =	strace $0x8000004B  }
0xb4: {  	_ =	swait.ge [sflag:s29], $0x1  }
0xb5: {  	[sflag:s29] =	ssyncadd.s32 $0xFFFFFFFF  }
0xb6: {  	_ =	strace $0x9000004B  }
0xb7: {  	_ =	sfence  }
0xb8: {  	s30 =	sld [smem:$0x0];
	_ =	sdelay $0x2  }
0xb9: {  	s31 =	sshll.u32 s1, $0xD;
	s1 =	sshrl.u32 s1, $0x2  }
0xba: {  	s3 =	sand.u32 $0x4000, s31;
	s1 =	sadd.s32 s1, s30  }
0xbb: {  	s0 =	sor.u32 s3, s0;
	s1 =	sshll.u32 s1, $0x11  }
0xbc: {  	s0 =	sor.u32 s1, s0  }
0xbd: {  	s0 =	sadd.s32 $0x8F2B, s0  }
0xbe: {  	[sflag:s0] =	ssyncadd.remote.s32 $0x1  }
0xbf: {  	_ =	sfence.sel $0xFFFF  }
0xc0: {  	[dreg:$0x0] =	wrdreg $0xFFFFFFFF;
	(pc) =	sbr.abs _section_cstart, $3  }
0xc1: {  	[dreg:$0x1] =	wrdreg $0xFFFFFFFF  }
0xc2: {  	_ =	task.clear_ibuf [dreg:s7], $0x2FFFF;
	_ =	strace $0x9FFFFFFF  }
0xc3: {  	(tm) =	ssettm $0x7FFFFFFF  }
tec
execute0_lowered:
.L_overlay_start_1:
0x0: {  	(tag) =	ssettag $0x1  }
0x1: {  	s0 =	srdreg.scid;
	s2 =	rddreg [dreg:$0x0]  }
0x2: {  	s11 =	stileid.u32;
	s1 =	simm.s32 $0x30;
	s3 =	rddreg [dreg:$0x1]  }
0x3: {  	s4 =	rddreg [dreg:$0x2];
	s5 =	simm.s32 $0x0;
	s14 =	simm.s32 $0x1  }
0x4: {  	s15 =	simm.s32 $0x8;
	s16 =	simm.s32 $0x2;
	s17 =	simm.s32 $0x5  }
0x5: {  	s22 =	simm.s32 $0x100;
	s28 =	simm.s32 $0x3;
	s29 =	simm.s32 $0x4  }
0x6: {  	s30 =	simm.s32 $0x0;
	s0 =	sand.u32 $0x1, s0;
	s8 =	smul.u32 $0x9E00, s11  }
0x7: {  	[smem:$0x7FF] =	sst s5;
	s25 =	sshll.u32 s11, $0x6;
	s6 =	smul.u32 $0x300, s0  }
0x8: {  	p0 =	seq.s32 s0, $0x0;
	s9 =	smul.u32 $0x9E000, s0;
	s0 =	ssub.s32 $0x2, s0  }
0x9: {  	_ =	strace $0x8000004A;
	s1 =	simm.s32 @!p0 $0x20;
	s24 =	sshrl.u32 s0, $0x1  }
0xa: {  	s7 =	smul.u32 s11, s1;
	s9 =	sadd.s32 s8, s9;
	s8 =	sadd.s32 s8, s4  }
0xb: {  	s0 =	ssub.s32 s0, s24;
	s9 =	sshrl.u32 s9, $0x3;
	s18 =	sadd.s32 $0x10, s8  }
0xc: {  	s19 =	sadd.s32 $0x20, s8;
	s20 =	sadd.s32 $0x30, s8;
	s12 =	smax.u32 s0, $0x1  }
0xd: {  	s13 =	sshrl.u32 s8, $0x3;
	s7 =	sadd.s32 s6, s7;
	s6 =	sadd.s32 $0x2A00, s2  }
0xe: {  	s18 =	sshrl.u32 s18, $0x3;
	s19 =	sshrl.u32 s19, $0x3;
	s7 =	sshll.u32 s7, $0x5  }
0xf: {  	s20 =	sshrl.u32 s20, $0x3;
	s10 =	sadd.s32 s7, s2;
	s2 =	sadd.s32 s9, s2  }
0x10: {  	s7 =	sor.u32 $0x1C05, s25;
	s25 =	simm.s32 $0xA000;
	s26 =	sadd.s32 $0x17000, s10  }
0x11: {  	s31 =	sadd.s32 $0xC800, s10;
	s10 =	sshrl.u32 s1, $0x1;
	[dreg:$0x4] =	wrdreg s26  }
0x12: {  	s11 =	sadd.s32 $0x21800, s2;
	[dreg:$0x5] =	wrdreg s31;
	s26 =	simm.s32 $0xE000  }
.LBB2_1:
0x13: {  	[spmem:s13@s15], [sflag:s7] =	dma.strided [hbm:s3@s16], $0x4F0, s14, $0x2   }
0x14: {  	_ =	swait.ge [sflag:s17], $0x4F0  }
0x15: {  	[sflag:s17] =	ssyncset.done $0x0  }
0x16: {  	[sflag:s17] =	ssyncadd.s32 $0xFFFFFB10  }
0x17: {  	[spmem:s18@s15], [sflag:s7] =	dma.strided [hbm:s3@s16], $0x4F0, s14, $0x2   }
0x18: {  	_ =	swait.ge [sflag:s17], $0x4F0  }
0x19: {  	[sflag:s17] =	ssyncset.done $0x0  }
0x1a: {  	[sflag:s17] =	ssyncadd.s32 $0xFFFFFB10  }
0x1b: {  	[spmem:s19@s15], [sflag:s7] =	dma.strided [hbm:s3@s16], $0x4F0, s14, $0x2   }
0x1c: {  	_ =	swait.ge [sflag:s17], $0x4F0  }
0x1d: {  	[sflag:s17] =	ssyncset.done $0x0  }
0x1e: {  	[sflag:s17] =	ssyncadd.s32 $0xFFFFFB10  }
0x1f: {  	[spmem:s20@s15], [sflag:s7] =	dma.strided [hbm:s3@s16], $0x4F0, s14, $0x2   }
0x20: {  	_ =	swait.ge [sflag:s17], $0x4F0  }
0x21: {  	[sflag:s17] =	ssyncset.done $0x0  }
0x22: {  	s0 =	rddreg [dreg:$0x4];
	[sflag:s17] =	ssyncadd.s32 $0xFFFFFB10  }
0x23: {  	[tilespmem:s5], [sflag:$0x5] =	stream.linear.gather [hbm4b:s0+s5], $0x3000, $0x38;
	[tilespmem:$0x1BE00] =	vst v63  }
0x24: {  	_ =	swait.ge [sflag:s17], $0x3000  }
0x25: {  	[sflag:s17] =	ssyncset.done $0x0  }
0x26: {  	s2 =	simm.s32 $0x3000;
	s21 =	rddreg [dreg:$0x5];
	[sflag:s17] =	ssyncadd.s32 $0xFFFFD000  }
0x27: {  	[tilespmem:s2], [sflag:$0x5] =	stream.linear.gather [hbm4b:s21+s5], $0x3000, $0x38;
	[tilespmem:$0x1BE00] =	vst v63  }
0x28: {  	_ =	swait.ge [sflag:s17], $0x3000  }
0x29: {  	[sflag:s17] =	ssyncset.done $0x0  }
0x2a: {  	[sflag:s17] =	ssyncadd.s32 $0xFFFFD000  }
0x2b: {  	s23 =	simm.s32 $0x6000;
	[bflag:$0x0] =	sbarrier.arrive $0xFFFF  }
0x2c: {  	[tilespmem:s23], [sflag:$0x1] =	stream.indirect.gather [hbm4b:s6+s22], $0x20, s5, s22, $0xb8;
	[tilespmem:$0x1BE00] =	vst v63  }
0x2d: {  	s24 =	simm.s32 $0x8000;
	s31 =	simm.s32 $0x0  }
0x2e: {  	[tilespmem:s24], [sflag:$0x2] =	stream.indirect.gather [hbm4b:s6+s22], $0x20, s22, s22, $0xb8;
	[tilespmem:$0x1BE00] =	vst v63  }
.LBB2_2:
0x2f: {  	_ =	swait.ge [sflag:s14], $0x2000  }
0x30: {  	p0 =	seq.s32 s31, $0x0;
	[sflag:s14] =	ssyncset.done $0x0  }
0x31: {  	s0 =	simm.s32 @!p0 $0x3;
	[sflag:s14] =	ssyncadd.s32 $0xFFFFE000  }
0x32: {  	_ =	swait.ge @!p0 [sflag:s0], $0x4000  }
0x33: {  	[sflag:s0] =	ssyncset.done @!p0 $0x0  }
0x34: {  	s21 =	simm.s32 $0x0;
	[sflag:s0] =	ssyncadd.s32 @!p0 $0xFFFFC000  }
0x35: {  	v0 =	vld [tilespmem:s21+$0x6000];
	_ =	sdelay $0x4  }
0x36: {  	s0 =	simm.s32 $0xA080;
	v1 =	vshll.u32 v0, $0x10  }
0x37: {  	v0 =	vand.u32 $0xFFFF0000, v0;
	[tilespmem:s0+$0xFFFFFF80] =	vst v1  }
0x38: {  	[tilespmem:s0+$0xFFFFFF90] =	vst v0  }
0x39: {  	v0 =	vld [tilespmem:s21+$0x6010];
	_ =	sdelay $0x4  }
0x3a: {  	v1 =	vshll.u32 v0, $0x10  }
0x3b: {  	v0 =	vand.u32 $0xFFFF0000, v0;
	[tilespmem:s0+$0xFFFFFFA0] =	vst v1  }
0x3c: {  	[tilespmem:s0+$0xFFFFFFB0] =	vst v0  }
0x3d: {  	v0 =	vld [tilespmem:s21+$0x6020];
	_ =	sdelay $0x4  }
0x3e: {  	v1 =	vshll.u32 v0, $0x10  }
0x3f: {  	v0 =	vand.u32 $0xFFFF0000, v0;
	[tilespmem:s0+$0xFFFFFFC0] =	vst v1  }
0x40: {  	[tilespmem:s0+$0xFFFFFFD0] =	vst v0  }
0x41: {  	v0 =	vld [tilespmem:s21+$0x6030];
	_ =	sdelay $0x4  }
0x42: {  	v1 =	vshll.u32 v0, $0x10  }
0x43: {  	v0 =	vand.u32 $0xFFFF0000, v0;
	[tilespmem:s0+$0xFFFFFFE0] =	vst v1  }
0x44: {  	[tilespmem:s0+$0xFFFFFFF0] =	vst v0  }
0x45: {  	v0 =	vld [tilespmem:s21+$0x6040];
	_ =	sdelay $0x4  }
0x46: {  	v1 =	vshll.u32 v0, $0x10  }
0x47: {  	v0 =	vand.u32 $0xFFFF0000, v0;
	[tilespmem:s0+$0x0] =	vst v1  }
0x48: {  	[tilespmem:s0+$0x10] =	vst v0  }
0x49: {  	v0 =	vld [tilespmem:s21+$0x6050];
	_ =	sdelay $0x4  }
0x4a: {  	v1 =	vshll.u32 v0, $0x10  }
0x4b: {  	v0 =	vand.u32 $0xFFFF0000, v0;
	[tilespmem:s0+$0x20] =	vst v1  }
0x4c: {  	[tilespmem:s0+$0x30] =	vst v0  }
0x4d: {  	v0 =	vld [tilespmem:s21+$0x6060];
	_ =	sdelay $0x4  }
0x4e: {  	v1 =	vshll.u32 v0, $0x10  }
0x4f: {  	s2 =	sshll.u32 s31, $0x1;
	s23 =	simm.s32 $0x200;
	s24 =	simm.s32 $0xA080;
	v0 =	vand.u32 $0xFFFF0000, v0;
	[tilespmem:s0+$0x40] =	vst v1  }
.LBB2_3:
0x50: {  	p1 =	sne.s32 s23, $0x7E00  }
0x51: {  	[tilespmem:s0+$0x50] =	vst v0;
	s24 =	sadd.s32 $0x100, s24;
	s8 =	smov.u32 s23;
	s23 =	sadd.s32 $0x200, s23  }
0x52: {  	v0 =	vld [tilespmem:s21+$0x6070];
	_ =	sdelay $0x4  }
0x53: {  	v1 =	vshll.u32 v0, $0x10;
	v0 =	vand.u32 $0xFFFF0000, v0  }
0x54: {  	[tilespmem:s0+$0x60] =	vst v1  }
0x55: {  	s21 =	sshra.s32 s8, $0x2;
	[tilespmem:s0+$0x70] =	vst v0;
	s0 =	smov.u32 s24  }
0x56: {  	v0 =	vld [tilespmem:s21+$0x6000];
	_ =	sdelay $0x4  }
0x57: {  	v1 =	vshll.u32 v0, $0x10;
	v0 =	vand.u32 $0xFFFF0000, v0  }
0x58: {  	[tilespmem:s24+$0xFFFFFF80] =	vst v1  }
0x59: {  	[tilespmem:s24+$0xFFFFFF90] =	vst v0  }
0x5a: {  	v0 =	vld [tilespmem:s21+$0x6010];
	_ =	sdelay $0x4  }
0x5b: {  	v1 =	vshll.u32 v0, $0x10;
	v0 =	vand.u32 $0xFFFF0000, v0  }
0x5c: {  	[tilespmem:s24+$0xFFFFFFA0] =	vst v1  }
0x5d: {  	[tilespmem:s24+$0xFFFFFFB0] =	vst v0  }
0x5e: {  	v0 =	vld [tilespmem:s21+$0x6020];
	_ =	sdelay $0x4  }
0x5f: {  	v1 =	vshll.u32 v0, $0x10;
	v0 =	vand.u32 $0xFFFF0000, v0  }
0x60: {  	[tilespmem:s24+$0xFFFFFFC0] =	vst v1  }
0x61: {  	[tilespmem:s24+$0xFFFFFFD0] =	vst v0  }
0x62: {  	v0 =	vld [tilespmem:s21+$0x6030];
	_ =	sdelay $0x4  }
0x63: {  	v1 =	vshll.u32 v0, $0x10;
	v0 =	vand.u32 $0xFFFF0000, v0  }
0x64: {  	[tilespmem:s24+$0xFFFFFFE0] =	vst v1  }
0x65: {  	[tilespmem:s24+$0xFFFFFFF0] =	vst v0  }
0x66: {  	v0 =	vld [tilespmem:s21+$0x6040];
	_ =	sdelay $0x4  }
0x67: {  	v1 =	vshll.u32 v0, $0x10;
	v0 =	vand.u32 $0xFFFF0000, v0  }
0x68: {  	[tilespmem:s24+$0x0] =	vst v1  }
0x69: {  	[tilespmem:s24+$0x10] =	vst v0  }
0x6a: {  	v0 =	vld [tilespmem:s21+$0x6050];
	_ =	sdelay $0x4  }
0x6b: {  	v1 =	vshll.u32 v0, $0x10;
	v0 =	vand.u32 $0xFFFF0000, v0  }
0x6c: {  	[tilespmem:s24+$0x20] =	vst v1  }
0x6d: {  	[tilespmem:s24+$0x30] =	vst v0  }
0x6e: {  	v0 =	vld [tilespmem:s21+$0x6060];
	_ =	sdelay $0x1  }
.Ltmp0:
0x6f: {  	(pc) =	sbr.rel @p1 .LBB2_3-.Ltmp0, $3  }
0x70: {  	_ =	sdelay $0x1  }
0x71: {  	v1 =	vshll.u32 v0, $0x10;
	v0 =	vand.u32 $0xFFFF0000, v0  }
0x72: {  	[tilespmem:s24+$0x40] =	vst v1  }
0x73: {  	[tilespmem:s0+$0x50] =	vst v0  }
0x74: {  	v0 =	vld [tilespmem:s21+$0x6070];
	_ =	sdelay $0x3  }
0x75: {  	s8 =	sadd.s32 $0x2, s2  }
0x76: {  	p1 =	sge.u32 s8, s1;
	v1 =	vshll.u32 v0, $0x10  }
0x77: {  	s23 =	sshll.u32 s31, $0xB;
	s8 =	sshll.u32 @!p1 s8, $0x8;
	v0 =	vand.u32 $0xFFFF0000, v0;
	[tilespmem:s0+$0x60] =	vst v1  }
0x78: {  	s21 =	simm.s32 @!p1 $0x6000;
	[tilespmem:s0+$0x70] =	vst v0;
	s0 =	sand.u32 @!p1 $0x3FFFFF00, s8;
	s8 =	simm.s32 @!p1 $0x100  }
0x79: {  	[tilespmem:s21], [sflag:$0x1] =	stream.indirect.gather @!p1 [hbm4b:s6+s8], $0x20, s0, s8, $0xb8;
	[tilespmem:$0x1BE00] =	vst v63  }
0x7a: {  	s0 =	sshra.s32 s23, $0x2  }
0x7b: {  	s24 =	sadd.s32 $0x3000, s0  }
0x7c: {  	[spmem:s4] =	stream.indirect.scatter.add.f32 [tilespmem:s25], [sflag:$0x3], $0x40, s24, s22, $0xb8;
	[tilespmem:$0x1BE00] =	vst v63  }
0x7d: {  	_ =	swait.ge [sflag:s16], $0x2000  }
0x7e: {  	[sflag:s16] =	ssyncset.done $0x0  }
0x7f: {  	s8 =	simm.s32 @!p0 $0x4;
	[sflag:s16] =	ssyncadd.s32 $0xFFFFE000  }
0x80: {  	_ =	swait.ge @!p0 [sflag:s8], $0x4000  }
0x81: {  	[sflag:s8] =	ssyncset.done @!p0 $0x0  }
0x82: {  	s23 =	simm.s32 $0x0;
	[sflag:s8] =	ssyncadd.s32 @!p0 $0xFFFFC000  }
0x83: {  	v0 =	vld [tilespmem:s23+$0x8000];
	_ =	sdelay $0x4  }
0x84: {  	s21 =	simm.s32 $0xE080;
	v1 =	vshll.u32 v0, $0x10  }
0x85: {  	v0 =	vand.u32 $0xFFFF0000, v0;
	[tilespmem:s21+$0xFFFFFF80] =	vst v1  }
0x86: {  	[tilespmem:s21+$0xFFFFFF90] =	vst v0  }
0x87: {  	v0 =	vld [tilespmem:s23+$0x8010];
	_ =	sdelay $0x4  }
0x88: {  	v1 =	vshll.u32 v0, $0x10  }
0x89: {  	v0 =	vand.u32 $0xFFFF0000, v0;
	[tilespmem:s21+$0xFFFFFFA0] =	vst v1  }
0x8a: {  	[tilespmem:s21+$0xFFFFFFB0] =	vst v0  }
0x8b: {  	v0 =	vld [tilespmem:s23+$0x8020];
	_ =	sdelay $0x4  }
0x8c: {  	v1 =	vshll.u32 v0, $0x10  }
0x8d: {  	v0 =	vand.u32 $0xFFFF0000, v0;
	[tilespmem:s21+$0xFFFFFFC0] =	vst v1  }
0x8e: {  	[tilespmem:s21+$0xFFFFFFD0] =	vst v0  }
0x8f: {  	v0 =	vld [tilespmem:s23+$0x8030];
	_ =	sdelay $0x4  }
0x90: {  	v1 =	vshll.u32 v0, $0x10  }
0x91: {  	v0 =	vand.u32 $0xFFFF0000, v0;
	[tilespmem:s21+$0xFFFFFFE0] =	vst v1  }
0x92: {  	[tilespmem:s21+$0xFFFFFFF0] =	vst v0  }
0x93: {  	v0 =	vld [tilespmem:s23+$0x8040];
	_ =	sdelay $0x4  }
0x94: {  	v1 =	vshll.u32 v0, $0x10  }
0x95: {  	v0 =	vand.u32 $0xFFFF0000, v0;
	[tilespmem:s21+$0x0] =	vst v1  }
0x96: {  	[tilespmem:s21+$0x10] =	vst v0  }
0x97: {  	v0 =	vld [tilespmem:s23+$0x8050];
	_ =	sdelay $0x4  }
0x98: {  	v1 =	vshll.u32 v0, $0x10  }
0x99: {  	v0 =	vand.u32 $0xFFFF0000, v0;
	[tilespmem:s21+$0x20] =	vst v1  }
0x9a: {  	[tilespmem:s21+$0x30] =	vst v0  }
0x9b: {  	v0 =	vld [tilespmem:s23+$0x8060];
	_ =	sdelay $0x4  }
0x9c: {  	v1 =	vshll.u32 v0, $0x10  }
0x9d: {  	s24 =	simm.s32 $0x200;
	s8 =	simm.s32 $0xE080;
	v0 =	vand.u32 $0xFFFF0000, v0;
	[tilespmem:s21+$0x40] =	vst v1  }
.LBB2_5:
0x9e: {  	p0 =	sne.s32 s24, $0x7E00  }
0x9f: {  	[tilespmem:s21+$0x50] =	vst v0;
	s8 =	sadd.s32 $0x100, s8;
	s9 =	smov.u32 s24;
	s24 =	sadd.s32 $0x200, s24  }
0xa0: {  	v0 =	vld [tilespmem:s23+$0x8070];
	_ =	sdelay $0x4  }
0xa1: {  	v1 =	vshll.u32 v0, $0x10;
	v0 =	vand.u32 $0xFFFF0000, v0  }
0xa2: {  	[tilespmem:s21+$0x60] =	vst v1  }
0xa3: {  	s23 =	sshra.s32 s9, $0x2;
	[tilespmem:s21+$0x70] =	vst v0;
	s21 =	smov.u32 s8  }
0xa4: {  	v0 =	vld [tilespmem:s23+$0x8000];
	_ =	sdelay $0x4  }
0xa5: {  	v1 =	vshll.u32 v0, $0x10;
	v0 =	vand.u32 $0xFFFF0000, v0  }
0xa6: {  	[tilespmem:s8+$0xFFFFFF80] =	vst v1  }
0xa7: {  	[tilespmem:s8+$0xFFFFFF90] =	vst v0  }
0xa8: {  	v0 =	vld [tilespmem:s23+$0x8010];
	_ =	sdelay $0x4  }
0xa9: {  	v1 =	vshll.u32 v0, $0x10;
	v0 =	vand.u32 $0xFFFF0000, v0  }
0xaa: {  	[tilespmem:s8+$0xFFFFFFA0] =	vst v1  }
0xab: {  	[tilespmem:s8+$0xFFFFFFB0] =	vst v0  }
0xac: {  	v0 =	vld [tilespmem:s23+$0x8020];
	_ =	sdelay $0x4  }
0xad: {  	v1 =	vshll.u32 v0, $0x10;
	v0 =	vand.u32 $0xFFFF0000, v0  }
0xae: {  	[tilespmem:s8+$0xFFFFFFC0] =	vst v1  }
0xaf: {  	[tilespmem:s8+$0xFFFFFFD0] =	vst v0  }
0xb0: {  	v0 =	vld [tilespmem:s23+$0x8030];
	_ =	sdelay $0x4  }
0xb1: {  	v1 =	vshll.u32 v0, $0x10;
	v0 =	vand.u32 $0xFFFF0000, v0  }
0xb2: {  	[tilespmem:s8+$0xFFFFFFE0] =	vst v1  }
0xb3: {  	[tilespmem:s8+$0xFFFFFFF0] =	vst v0  }
0xb4: {  	v0 =	vld [tilespmem:s23+$0x8040];
	_ =	sdelay $0x4  }
0xb5: {  	v1 =	vshll.u32 v0, $0x10;
	v0 =	vand.u32 $0xFFFF0000, v0  }
0xb6: {  	[tilespmem:s8+$0x0] =	vst v1  }
0xb7: {  	[tilespmem:s8+$0x10] =	vst v0  }
0xb8: {  	v0 =	vld [tilespmem:s23+$0x8050];
	_ =	sdelay $0x4  }
0xb9: {  	v1 =	vshll.u32 v0, $0x10;
	v0 =	vand.u32 $0xFFFF0000, v0  }
0xba: {  	[tilespmem:s8+$0x20] =	vst v1  }
0xbb: {  	[tilespmem:s8+$0x30] =	vst v0  }
0xbc: {  	v0 =	vld [tilespmem:s23+$0x8060];
	_ =	sdelay $0x1  }
.Ltmp1:
0xbd: {  	(pc) =	sbr.rel @p0 .LBB2_5-.Ltmp1, $3  }
0xbe: {  	_ =	sdelay $0x1  }
0xbf: {  	v1 =	vshll.u32 v0, $0x10;
	v0 =	vand.u32 $0xFFFF0000, v0  }
0xc0: {  	[tilespmem:s8+$0x40] =	vst v1  }
0xc1: {  	[tilespmem:s21+$0x50] =	vst v0  }
0xc2: {  	v0 =	vld [tilespmem:s23+$0x8070];
	_ =	sdelay $0x3  }
0xc3: {  	s2 =	sadd.s32 $0x3, s2  }
0xc4: {  	p0 =	sge.u32 s2, s1;
	v1 =	vshll.u32 v0, $0x10  }
0xc5: {  	s31 =	sadd.s32 $0x1, s31;
	s2 =	sshll.u32 @!p0 s2, $0x8;
	v0 =	vand.u32 $0xFFFF0000, v0;
	[tilespmem:s21+$0x60] =	vst v1  }
0xc6: {  	s8 =	simm.s32 @!p0 $0x100;
	s9 =	simm.s32 @!p0 $0x8000;
	s2 =	sand.u32 @!p0 $0x3FFFFF00, s2;
	[tilespmem:s21+$0x70] =	vst v0  }
0xc7: {  	[tilespmem:s9], [sflag:$0x2] =	stream.indirect.gather @!p0 [hbm4b:s6+s8], $0x20, s2, s8, $0xb8;
	[tilespmem:$0x1BE00] =	vst v63  }
0xc8: {  	p0 =	sne.s32 s31, s10  }
.Ltmp2:
0xc9: {  	_ = 	snop;
	(pc) =	sbr.rel @p0 .LBB2_2-.Ltmp2, $3  }
0xca: {  	_ =	sdelay $0x1  }
0xcb: {  	s0 =	sadd.s32 $0x3100, s0  }
0xcc: {  	[spmem:s4] =	stream.indirect.scatter.add.f32 [tilespmem:s26], [sflag:$0x4], $0x40, s0, s22, $0xb8;
	[tilespmem:$0x1BE00] =	vst v63  }
0xcd: {  	_ =	swait.ge [sflag:s28], $0x4000  }
0xce: {  	[sflag:s28] =	ssyncset.done $0x0  }
0xcf: {  	[sflag:s28] =	ssyncadd.s32 $0xFFFFC000  }
0xd0: {  	_ =	swait.ge [sflag:s29], $0x4000  }
0xd1: {  	s30 =	sadd.s32 $0x1, s30;
	[sflag:s29] =	ssyncset.done $0x0  }
0xd2: {  	p0 =	sne.s32 s30, s12;
	[sflag:s29] =	ssyncadd.s32 $0xFFFFC000  }
.Ltmp3:
0xd3: {  	[bflag:$0x0] =	sbarrier.arrive $0xFFFF;
	(pc) =	sbr.rel @p0 .LBB2_1-.Ltmp3, $4  }
0xd4: {  	[hbm:s11], [sflag:s7] =	dma.local [spmem:s13], $0x13C0  }
0xd5: {  	_ =	swait.ge [sflag:s17], $0x13C0  }
0xd6: {  	[sflag:s17] =	ssyncset.done $0x0  }
0xd7: {  	[sflag:s17] =	ssyncadd.s32 $0xFFFFEC40  }
0xd8: {  	_ =	sfence.sel $0x180000  }
0xd9: {  	[bflag:$0x0] =	sbarrier.arrive $0xFFFF  }
0xda: {  	_ =	strace $0x9000004A  }
0xdb: {  	s0 =	stileid.u32;
	[bflag:$0x2] =	sbarrier.arrive $0xFFFF  }
0xdc: {  	p0 =	sne.s32 s0, $0x0;
	s0 =	rddreg [dreg:$0x3]  }
0xdd: {  	s0 =	sadd.s32 @!p0 $0x100000, s0  }
0xde: {  	[sflag:s0] =	ssyncadd.tile.s32 @!p0 $0x1;
	_ =	shalt  }
.Lfunc_end2:
_tile_overlayer_lowered:
.L_overlay_start_2:
0xdf: {  	(tag) =	ssettag $0x2  }
0xe0: {  	s0 =	rddreg [dreg:$0x0];
	s2 =	stileid.u32  }
0xe1: {  	s1 =	rddreg [dreg:$0x1];
	p0 =	sne.s32 s2, $0x0  }
0xe2: {  	s3 =	rddreg [dreg:$0x2];
	[bflag:$0x3] =	sbarrier.arrive $0xFFFF;
	s2 =	simm.s32 @!p0 $0x1C05  }
0xe3: {  	[timem:s3], [sflag:s2] =	dma.local @!p0 [hbm:s0], s1  }
0xe4: {  	s0 =	simm.s32 @!p0 $0x5  }
0xe5: {  	_ =	swait.ge @!p0 [sflag:s0], s1  }
0xe6: {  	s1 =	ssub.s32 @!p0 $0x0, s1;
	[sflag:s0] =	ssyncset.done @!p0 $0x0  }
0xe7: {  	[sflag:s0] =	ssyncadd.s32 @!p0 s1  }
0xe8: {  	[bflag:$0x3] =	sbarrier.arrive $0xFFFF  }
0xe9: {  	_ =	shalt  }

// kernel: kernel.15.cloned.1.call-start
scs
__scs_entry_jumppad:
0x0: {  	(pc) =	sbr.rel $0x88, $3  }
0x1: {  	(tag) =	ssettag $0x0;
	lr =	simm.s32 $0x1  }
0x2: {  	[smem:$0x3F94] =	sst lr;
	_ =	strace $0xD0000000  }
0x3: {  	_ = 	snop  }
0x4: {  	_ = 	snop  }
0x5: {  	_ = 	snop  }
0x6: {  	_ = 	snop  }
0x7: {  	_ = 	snop  }
__scs_overlays_trampoline_lowered:
0x8: {  	[smem:$0x3FA3] =	sst s0  }
0x9: {  	[smem:$0x3FA4] =	sst s1  }
0xa: {  	[smem:$0x3FA5] =	sst s2  }
0xb: {  	[smem:$0x3FA6] =	sst s3  }
0xc: {  	[smem:$0x3FA7] =	sst s4  }
0xd: {  	[smem:$0x3FA8] =	sst s5  }
0xe: {  	[smem:$0x3FA9] =	sst s6  }
0xf: {  	[smem:$0x3FAA] =	sst s7  }
0x10: {  	[smem:$0x3FAB] =	sst s8  }
0x11: {  	[smem:$0x3FAC] =	sst s9;
	s0 =	simm.s32 @!p0 $0x0  }
0x12: {  	s1 =	sld [smem:$0x3F92];
	s0 =	simm.s32 @p0 $0x1  }
0x13: {  	[smem:$0x3FAD] =	sst s0;
	s0 =	simm.s32 @!p1 $0x0  }
0x14: {  	s2 =	sld [smem:$0x3F91];
	s0 =	simm.s32 @p1 $0x1  }
0x15: {  	[smem:$0x3FAE] =	sst s0;
	s0 =	simm.s32 @!p2 $0x0  }
0x16: {  	s3 =	sld [smem:$0x3FDB];
	s0 =	simm.s32 @p2 $0x1  }
0x17: {  	s4 =	simm.s32 $0x1BF5;
	[smem:$0x3FB0] =	sst s0  }
0x18: {  	s0 =	sld [smem:$0x3F93];
	_ =	swait.ge [sflag:s4], $0x0  }
0x19: {  	s7 =	sld [smem:$0x3F94]  }
0x1a: {  	s8 =	sadd.s32 $0xFFFFE003, lr  }
0x1b: {  	s9 =	sadd.s32 $0xFFFFFEF7, lr;
	s5 =	simm.s32 $0xFFFFFFFF;
	p2 =	slt.u32 s8, $0xFFFFF086  }
0x1c: {  	p1 =	slt.u32 s9, $0xF7A;
	s5 =	simm.s32 @!p2 $0x0  }
0x1d: {  	s5 =	simm.s32 @p1 $0x1;
	p0 =	seq.s32 s7, s2  }
0x1e: {  	s7 =	smul.u32 @!p0 $0xF7A, s2;
	p2 =	seq.s32 @!p0 s5, $0x0  }
0x1f: {  	s9 =	smul.u32 $0xF7A, s1;
	s8 =	simm.s32 @!p0 $0x1BF5;
	p2 =	por !p2, p0  }
0x20: {  	[sflag:s8] =	ssyncset.s32 @!p0 $0xFFFFF086;
	s6 =	sadd.s32 @!p0 s3, s7;
	s7 =	simm.s32 @!p0 $0x108  }
0x21: {  	s3 =	sadd.s32 s3, s9;
	s6 =	sadd.s32 @!p0 $0x88, s6;
	s7 =	simm.s32 @p2 $0x1082  }
0x22: {  	[simem:s7], [sflag:s8] =	dma.local @!p0 [hbm:s6], $0xF7A  }
0x23: {  	s9 =	sor.u32 $0xD0000000, s2;
	s6 =	simm.s32 $0x108;
	_ =	swait.ge @!p0 [sflag:s8], $0x0  }
0x24: {  	s3 =	sadd.s32 $0x88, s3;
	s6 =	simm.s32 @!p1 $0x1082;
	[sflag:s4] =	ssyncset.s32 $0xFFFFF086  }
0x25: {  	[simem:s6], [sflag:s4] =	dma.local [hbm:s3], $0xF7A  }
0x26: {  	[smem:$0x3F94] =	sst s1;
	(tag) =	ssettag s2;
	_ =	strace s9  }
0x27: {  	s1 =	sld [smem:$0x3FA4]  }
0x28: {  	s2 =	sld [smem:$0x3FA5]  }
0x29: {  	s4 =	sld [smem:$0x3FA7]  }
0x2a: {  	p0 =	seq.s32 s5, $0x0;
	s5 =	sld [smem:$0x3FA8]  }
0x2b: {  	s6 =	sld [smem:$0x3FA9]  }
0x2c: {  	s7 =	sld [smem:$0x3FAA]  }
0x2d: {  	s3 =	simm.s32 $0x108;
	s8 =	sld [smem:$0x3FAB]  }
0x2e: {  	s3 =	simm.s32 @!p0 $0x1082;
	s9 =	sld [smem:$0x3FAC]  }
0x2f: {  	lr =	sadd.s32 s0, s3;
	s0 =	sld [smem:$0x3FA3]  }
0x30: {  	s3 =	sld [smem:$0x3FA6]  }
0x31: {  	[smem:$0x3FAF] =	sst s10  }
0x32: {  	s10 =	sld [smem:$0x3FAD];
	_ =	sdelay $0x3  }
0x33: {  	p0 =	seq.s32 s10, $0x1;
	s10 =	sld [smem:$0x3FAF];
	_ =	sdelay $0x3  }
0x34: {  	[smem:$0x3FAF] =	sst s10  }
0x35: {  	s10 =	sld [smem:$0x3FAE];
	_ =	sdelay $0x3  }
0x36: {  	p1 =	seq.s32 s10, $0x1;
	s10 =	sld [smem:$0x3FAF];
	_ =	sdelay $0x3  }
0x37: {  	[smem:$0x3FAF] =	sst s10  }
0x38: {  	s10 =	sld [smem:$0x3FB0]  }
0x39: {  	_ = 	snop;
	(pc) =	sbr.ind lr, $3  }
0x3a: {  	_ = 	snop  }
0x3b: {  	_ = 	snop  }
0x3c: {  	p2 =	seq.s32 s10, $0x1;
	s10 =	sld [smem:$0x3FAF]  }
0x3d: {  	_ =	shalt  }
0x3e: {  	_ =	shalt  }
0x3f: {  	_ =	shalt  }
0x40: {  	_ =	shalt  }
0x41: {  	_ =	shalt  }
0x42: {  	_ =	shalt  }
0x43: {  	_ =	shalt  }
0x44: {  	_ =	shalt  }
0x45: {  	_ =	shalt  }
0x46: {  	_ =	shalt  }
0x47: {  	_ =	shalt  }
0x48: {  	_ =	shalt  }
0x49: {  	_ =	shalt  }
0x4a: {  	_ =	shalt  }
0x4b: {  	_ =	shalt  }
0x4c: {  	_ =	shalt  }
0x4d: {  	_ =	shalt  }
0x4e: {  	_ =	shalt  }
0x4f: {  	_ =	shalt  }
0x50: {  	_ =	shalt  }
0x51: {  	_ =	shalt  }
0x52: {  	_ =	shalt  }
0x53: {  	_ =	shalt  }
0x54: {  	_ =	shalt  }
0x55: {  	_ =	shalt  }
0x56: {  	_ =	shalt  }
0x57: {  	_ =	shalt  }
0x58: {  	_ =	shalt  }
0x59: {  	_ =	shalt  }
0x5a: {  	_ =	shalt  }
0x5b: {  	_ =	shalt  }
0x5c: {  	_ =	shalt  }
0x5d: {  	_ =	shalt  }
0x5e: {  	_ =	shalt  }
0x5f: {  	_ =	shalt  }
0x60: {  	_ =	shalt  }
0x61: {  	_ =	shalt  }
0x62: {  	_ =	shalt  }
0x63: {  	_ =	shalt  }
0x64: {  	_ =	shalt  }
0x65: {  	_ =	shalt  }
0x66: {  	_ =	shalt  }
0x67: {  	_ =	shalt  }
0x68: {  	_ =	shalt  }
0x69: {  	_ =	shalt  }
0x6a: {  	_ =	shalt  }
0x6b: {  	_ =	shalt  }
0x6c: {  	_ =	shalt  }
0x6d: {  	_ =	shalt  }
0x6e: {  	_ =	shalt  }
0x6f: {  	_ =	shalt  }
0x70: {  	_ =	shalt  }
0x71: {  	_ =	shalt  }
0x72: {  	_ =	shalt  }
0x73: {  	_ =	shalt  }
0x74: {  	_ =	shalt  }
0x75: {  	_ =	shalt  }
0x76: {  	_ =	shalt  }
0x77: {  	_ =	shalt  }
0x78: {  	_ =	shalt  }
0x79: {  	_ =	shalt  }
0x7a: {  	_ =	shalt  }
0x7b: {  	_ =	shalt  }
0x7c: {  	_ =	shalt  }
0x7d: {  	_ =	shalt  }
0x7e: {  	_ =	shalt  }
0x7f: {  	_ =	shalt  }
0x80: {  	_ =	shalt  }
0x81: {  	_ =	shalt  }
0x82: {  	_ =	shalt  }
0x83: {  	_ =	shalt  }
0x84: {  	_ =	shalt  }
0x85: {  	_ =	shalt  }
0x86: {  	_ =	shalt  }
0x87: {  	_ =	shalt  }
.Lfunc_end0:
.L_simem_size_0:
called_computation.2_lowered:
.L_overlay_start_0:
0x88: {  	s2 =	sld [smem:$0x3FD9]  }
0x89: {  	s3 =	sld [smem:$0x3FFE];
	_ =	sdelay $0x1  }
0x8a: {  	s1 =	srdreg.scid  }
0x8b: {  	s0 =	sand.u32 $0x1, s1  }
0x8c: {  	s17 =	sshll.u32 s0, $0xA;
	s2 =	sadd.s32 s3, s2  }
0x8d: {  	s2 =	sadd.s32 s2, s17  }
0x8e: {  	[smem:$0x3FBB] =	sst s2  }
0x8f: {  	_ = 	snop  }
0x90: {  	s2 =	sld [smem:$0x3FD0];
	(tm) =	ssettm $0x1  }
0x91: {  	s18 =	sld [smem:$0x3FFB];
	_ =	sdelay $0x3  }
0x92: {  	_ =	strace s18  }
0x93: {  	s3 =	sld [smem:$0x3FFC];
	_ =	sdelay $0x3  }
0x94: {  	_ =	strace s3  }
0x95: {  	s3 =	sld [smem:$0x3FFD];
	_ =	sdelay $0x3  }
0x96: {  	_ =	strace s3  }
0x97: {  	_ =	strace $0x8FFFFFFF  }
0x98: {  	s19 =	sld [smem:$0x3FDB];
	_ =	sdelay $0x1  }
0x99: {  	s4 =	simm.s32 $_scs_section_size  }
0x9a: {  	s5 =	simm.s32 $_size__tile_overlayer_lowered;
	s6 =	simm.s32 $_tile_overlayer_lowered  }
0x9b: {  	s22 =	simm.s32 $0x1BFF;
	s21 =	sshll.u32 s6, $0x1;
	s3 =	sadd.s32 s4, s19  }
0x9c: {  	s7 =	simm.s32 $0x0;
	s20 =	sshll.u32 s5, $0x1;
	s5 =	sadd.s32 s21, s3  }
0x9d: {  	[timem:s7], [sflag:s22] =	dma.local [hbm:s5], s20  }
0x9e: {  	_ =	swait.ge [sflag:s22], s20  }
0x9f: {  	s4 =	ssub.s32 $0x0, s20;
	[sflag:s22] =	ssyncset.done $0x0  }
0xa0: {  	[sflag:s22] =	ssyncadd.s32 s4;
	_ =	sdelay $0x1  }
0xa1: {  	s23 =	simm.s32 $0x1B8B  }
0xa2: {  	_ =	swait.ge [sflag:s23], $0x1  }
0xa3: {  	[sflag:s23] =	ssyncset.done $0x0  }
0xa4: {  	s25 =	simm.s32 $0x1B8E;
	s24 =	sld [smem:$0x3FFE];
	[sflag:s23] =	ssyncadd.s32 $0xFFFFFFFF  }
0xa5: {  	s26 =	simm.s32 $execute0_lowered;
	[smem:$0x3FD2] =	sst s25  }
0xa6: {  	s5 =	sshll.u32 s26, $0x1;
	_ =	strace $0x8000004C;
	[dreg:$0x1] =	wrdreg $0xFFFFFFFF  }
0xa7: {  	s28 =	simm.s32 $_size_execute0_lowered;
	s3 =	sadd.s32 s3, s5;
	[dreg:$0x0] =	wrdreg $0x0  }
0xa8: {  	s5 =	sshll.u32 s28, $0x1;
	[dreg:$0x2] =	wrdreg s3  }
0xa9: {  	[dreg:$0x3] =	wrdreg s5  }
0xaa: {  	[dreg:$0x4] =	wrdreg $0xC0  }
0xab: {  	_ =	task [dreg:s7], $0x5FFFF  }
0xac: {  	[dreg:$0x1] =	wrdreg $0xFFFFFFFF  }
0xad: {  	[dreg:$0x0] =	wrdreg $0x60  }
0xae: {  	[dreg:$0x2] =	wrdreg s24  }
0xaf: {  	[dreg:$0x3] =	wrdreg s2  }
0xb0: {  	[dreg:$0x4] =	wrdreg $0x120000  }
0xb1: {  	[dreg:$0x5] =	wrdreg $0x9  }
0xb2: {  	_ =	task.clear_ibuf [dreg:s7], $0x6FFFF;
	_ =	strace $0x9000004C  }
0xb3: {  	s29 =	simm.s32 $0x9;
	_ =	strace $0x8000004E  }
0xb4: {  	_ =	swait.ge [sflag:s29], $0x1  }
0xb5: {  	[sflag:s29] =	ssyncadd.s32 $0xFFFFFFFF  }
0xb6: {  	_ =	strace $0x9000004E  }
0xb7: {  	_ =	sfence  }
0xb8: {  	s30 =	sld [smem:$0x0];
	_ =	sdelay $0x2  }
0xb9: {  	s31 =	sshll.u32 s1, $0xD;
	s1 =	sshrl.u32 s1, $0x2  }
0xba: {  	s3 =	sand.u32 $0x4000, s31;
	s1 =	sadd.s32 s1, s30  }
0xbb: {  	s0 =	sor.u32 s3, s0;
	s1 =	sshll.u32 s1, $0x11  }
0xbc: {  	s0 =	sor.u32 s1, s0  }
0xbd: {  	s0 =	sadd.s32 $0x8F2B, s0  }
0xbe: {  	[sflag:s0] =	ssyncadd.remote.s32 $0x1  }
0xbf: {  	_ =	sfence.sel $0xFFFF  }
0xc0: {  	[dreg:$0x0] =	wrdreg $0xFFFFFFFF;
	(pc) =	sbr.abs _section_cstart, $3  }
0xc1: {  	[dreg:$0x1] =	wrdreg $0xFFFFFFFF  }
0xc2: {  	_ =	task.clear_ibuf [dreg:s7], $0x2FFFF;
	_ =	strace $0x9FFFFFFF  }
0xc3: {  	(tm) =	ssettm $0x7FFFFFFF  }
tec
execute0_lowered:
.L_overlay_start_1:
0x0: {  	(tag) =	ssettag $0x1  }
0x1: {  	s0 =	srdreg.scid;
	s2 =	rddreg [dreg:$0x0]  }
0x2: {  	s11 =	stileid.u32;
	s1 =	simm.s32 $0x30;
	s3 =	rddreg [dreg:$0x1]  }
0x3: {  	s4 =	rddreg [dreg:$0x2];
	s5 =	simm.s32 $0x0;
	s14 =	simm.s32 $0x1  }
0x4: {  	s15 =	simm.s32 $0x8;
	s16 =	simm.s32 $0x2;
	s17 =	simm.s32 $0x5  }
0x5: {  	s22 =	simm.s32 $0x100;
	s28 =	simm.s32 $0x3;
	s29 =	simm.s32 $0x4  }
0x6: {  	s30 =	simm.s32 $0x0;
	s0 =	sand.u32 $0x1, s0;
	s8 =	smul.u32 $0x9E00, s11  }
0x7: {  	[smem:$0x7FF] =	sst s5;
	s25 =	sshll.u32 s11, $0x6;
	s6 =	smul.u32 $0x300, s0  }
0x8: {  	p0 =	seq.s32 s0, $0x0;
	s9 =	smul.u32 $0x9E000, s0;
	s0 =	ssub.s32 $0x2, s0  }
0x9: {  	_ =	strace $0x8000004D;
	s1 =	simm.s32 @!p0 $0x20;
	s24 =	sshrl.u32 s0, $0x1  }
0xa: {  	s7 =	smul.u32 s11, s1;
	s9 =	sadd.s32 s8, s9;
	s8 =	sadd.s32 s8, s4  }
0xb: {  	s0 =	ssub.s32 s0, s24;
	s9 =	sshrl.u32 s9, $0x3;
	s18 =	sadd.s32 $0x10, s8  }
0xc: {  	s19 =	sadd.s32 $0x20, s8;
	s20 =	sadd.s32 $0x30, s8;
	s12 =	smax.u32 s0, $0x1  }
0xd: {  	s13 =	sshrl.u32 s8, $0x3;
	s7 =	sadd.s32 s6, s7;
	s6 =	sadd.s32 $0x2A00, s2  }
0xe: {  	s18 =	sshrl.u32 s18, $0x3;
	s19 =	sshrl.u32 s19, $0x3;
	s7 =	sshll.u32 s7, $0x5  }
0xf: {  	s20 =	sshrl.u32 s20, $0x3;
	s10 =	sadd.s32 s7, s2;
	s2 =	sadd.s32 s9, s2  }
0x10: {  	s7 =	sor.u32 $0x1C05, s25;
	s25 =	simm.s32 $0xA000;
	s26 =	sadd.s32 $0x17000, s10  }
0x11: {  	s31 =	sadd.s32 $0xC800, s10;
	s10 =	sshrl.u32 s1, $0x1;
	[dreg:$0x4] =	wrdreg s26  }
0x12: {  	s11 =	sadd.s32 $0x21800, s2;
	[dreg:$0x5] =	wrdreg s31;
	s26 =	simm.s32 $0xE000  }
.LBB2_1:
0x13: {  	[spmem:s13@s15], [sflag:s7] =	dma.strided [hbm:s3@s16], $0x4F0, s14, $0x2   }
0x14: {  	_ =	swait.ge [sflag:s17], $0x4F0  }
0x15: {  	[sflag:s17] =	ssyncset.done $0x0  }
0x16: {  	[sflag:s17] =	ssyncadd.s32 $0xFFFFFB10  }
0x17: {  	[spmem:s18@s15], [sflag:s7] =	dma.strided [hbm:s3@s16], $0x4F0, s14, $0x2   }
0x18: {  	_ =	swait.ge [sflag:s17], $0x4F0  }
0x19: {  	[sflag:s17] =	ssyncset.done $0x0  }
0x1a: {  	[sflag:s17] =	ssyncadd.s32 $0xFFFFFB10  }
0x1b: {  	[spmem:s19@s15], [sflag:s7] =	dma.strided [hbm:s3@s16], $0x4F0, s14, $0x2   }
0x1c: {  	_ =	swait.ge [sflag:s17], $0x4F0  }
0x1d: {  	[sflag:s17] =	ssyncset.done $0x0  }
0x1e: {  	[sflag:s17] =	ssyncadd.s32 $0xFFFFFB10  }
0x1f: {  	[spmem:s20@s15], [sflag:s7] =	dma.strided [hbm:s3@s16], $0x4F0, s14, $0x2   }
0x20: {  	_ =	swait.ge [sflag:s17], $0x4F0  }
0x21: {  	[sflag:s17] =	ssyncset.done $0x0  }
0x22: {  	s0 =	rddreg [dreg:$0x4];
	[sflag:s17] =	ssyncadd.s32 $0xFFFFFB10  }
0x23: {  	[tilespmem:s5], [sflag:$0x5] =	stream.linear.gather [hbm4b:s0+s5], $0x3000, $0x38;
	[tilespmem:$0x1BE00] =	vst v63  }
0x24: {  	_ =	swait.ge [sflag:s17], $0x3000  }
0x25: {  	[sflag:s17] =	ssyncset.done $0x0  }
0x26: {  	s2 =	simm.s32 $0x3000;
	s21 =	rddreg [dreg:$0x5];
	[sflag:s17] =	ssyncadd.s32 $0xFFFFD000  }
0x27: {  	[tilespmem:s2], [sflag:$0x5] =	stream.linear.gather [hbm4b:s21+s5], $0x3000, $0x38;
	[tilespmem:$0x1BE00] =	vst v63  }
0x28: {  	_ =	swait.ge [sflag:s17], $0x3000  }
0x29: {  	[sflag:s17] =	ssyncset.done $0x0  }
0x2a: {  	[sflag:s17] =	ssyncadd.s32 $0xFFFFD000  }
0x2b: {  	s23 =	simm.s32 $0x6000;
	[bflag:$0x0] =	sbarrier.arrive $0xFFFF  }
0x2c: {  	[tilespmem:s23], [sflag:$0x1] =	stream.indirect.gather [hbm4b:s6+s22], $0x20, s5, s22, $0xb8;
	[tilespmem:$0x1BE00] =	vst v63  }
0x2d: {  	s24 =	simm.s32 $0x8000;
	s31 =	simm.s32 $0x0  }
0x2e: {  	[tilespmem:s24], [sflag:$0x2] =	stream.indirect.gather [hbm4b:s6+s22], $0x20, s22, s22, $0xb8;
	[tilespmem:$0x1BE00] =	vst v63  }
.LBB2_2:
0x2f: {  	_ =	swait.ge [sflag:s14], $0x2000  }
0x30: {  	p0 =	seq.s32 s31, $0x0;
	[sflag:s14] =	ssyncset.done $0x0  }
0x31: {  	s0 =	simm.s32 @!p0 $0x3;
	[sflag:s14] =	ssyncadd.s32 $0xFFFFE000  }
0x32: {  	_ =	swait.ge @!p0 [sflag:s0], $0x4000  }
0x33: {  	[sflag:s0] =	ssyncset.done @!p0 $0x0  }
0x34: {  	s21 =	simm.s32 $0x0;
	[sflag:s0] =	ssyncadd.s32 @!p0 $0xFFFFC000  }
0x35: {  	v0 =	vld [tilespmem:s21+$0x6000];
	_ =	sdelay $0x4  }
0x36: {  	s0 =	simm.s32 $0xA080;
	v1 =	vshll.u32 v0, $0x10  }
0x37: {  	v0 =	vand.u32 $0xFFFF0000, v0;
	[tilespmem:s0+$0xFFFFFF80] =	vst v1  }
0x38: {  	[tilespmem:s0+$0xFFFFFF90] =	vst v0  }
0x39: {  	v0 =	vld [tilespmem:s21+$0x6010];
	_ =	sdelay $0x4  }
0x3a: {  	v1 =	vshll.u32 v0, $0x10  }
0x3b: {  	v0 =	vand.u32 $0xFFFF0000, v0;
	[tilespmem:s0+$0xFFFFFFA0] =	vst v1  }
0x3c: {  	[tilespmem:s0+$0xFFFFFFB0] =	vst v0  }
0x3d: {  	v0 =	vld [tilespmem:s21+$0x6020];
	_ =	sdelay $0x4  }
0x3e: {  	v1 =	vshll.u32 v0, $0x10  }
0x3f: {  	v0 =	vand.u32 $0xFFFF0000, v0;
	[tilespmem:s0+$0xFFFFFFC0] =	vst v1  }
0x40: {  	[tilespmem:s0+$0xFFFFFFD0] =	vst v0  }
0x41: {  	v0 =	vld [tilespmem:s21+$0x6030];
	_ =	sdelay $0x4  }
0x42: {  	v1 =	vshll.u32 v0, $0x10  }
0x43: {  	v0 =	vand.u32 $0xFFFF0000, v0;
	[tilespmem:s0+$0xFFFFFFE0] =	vst v1  }
0x44: {  	[tilespmem:s0+$0xFFFFFFF0] =	vst v0  }
0x45: {  	v0 =	vld [tilespmem:s21+$0x6040];
	_ =	sdelay $0x4  }
0x46: {  	v1 =	vshll.u32 v0, $0x10  }
0x47: {  	v0 =	vand.u32 $0xFFFF0000, v0;
	[tilespmem:s0+$0x0] =	vst v1  }
0x48: {  	[tilespmem:s0+$0x10] =	vst v0  }
0x49: {  	v0 =	vld [tilespmem:s21+$0x6050];
	_ =	sdelay $0x4  }
0x4a: {  	v1 =	vshll.u32 v0, $0x10  }
0x4b: {  	v0 =	vand.u32 $0xFFFF0000, v0;
	[tilespmem:s0+$0x20] =	vst v1  }
0x4c: {  	[tilespmem:s0+$0x30] =	vst v0  }
0x4d: {  	v0 =	vld [tilespmem:s21+$0x6060];
	_ =	sdelay $0x4  }
0x4e: {  	v1 =	vshll.u32 v0, $0x10  }
0x4f: {  	s2 =	sshll.u32 s31, $0x1;
	s23 =	simm.s32 $0x200;
	s24 =	simm.s32 $0xA080;
	v0 =	vand.u32 $0xFFFF0000, v0;
	[tilespmem:s0+$0x40] =	vst v1  }
.LBB2_3:
0x50: {  	p1 =	sne.s32 s23, $0x7E00  }
0x51: {  	[tilespmem:s0+$0x50] =	vst v0;
	s24 =	sadd.s32 $0x100, s24;
	s8 =	smov.u32 s23;
	s23 =	sadd.s32 $0x200, s23  }
0x52: {  	v0 =	vld [tilespmem:s21+$0x6070];
	_ =	sdelay $0x4  }
0x53: {  	v1 =	vshll.u32 v0, $0x10;
	v0 =	vand.u32 $0xFFFF0000, v0  }
0x54: {  	[tilespmem:s0+$0x60] =	vst v1  }
0x55: {  	s21 =	sshra.s32 s8, $0x2;
	[tilespmem:s0+$0x70] =	vst v0;
	s0 =	smov.u32 s24  }
0x56: {  	v0 =	vld [tilespmem:s21+$0x6000];
	_ =	sdelay $0x4  }
0x57: {  	v1 =	vshll.u32 v0, $0x10;
	v0 =	vand.u32 $0xFFFF0000, v0  }
0x58: {  	[tilespmem:s24+$0xFFFFFF80] =	vst v1  }
0x59: {  	[tilespmem:s24+$0xFFFFFF90] =	vst v0  }
0x5a: {  	v0 =	vld [tilespmem:s21+$0x6010];
	_ =	sdelay $0x4  }
0x5b: {  	v1 =	vshll.u32 v0, $0x10;
	v0 =	vand.u32 $0xFFFF0000, v0  }
0x5c: {  	[tilespmem:s24+$0xFFFFFFA0] =	vst v1  }
0x5d: {  	[tilespmem:s24+$0xFFFFFFB0] =	vst v0  }
0x5e: {  	v0 =	vld [tilespmem:s21+$0x6020];
	_ =	sdelay $0x4  }
0x5f: {  	v1 =	vshll.u32 v0, $0x10;
	v0 =	vand.u32 $0xFFFF0000, v0  }
0x60: {  	[tilespmem:s24+$0xFFFFFFC0] =	vst v1  }
0x61: {  	[tilespmem:s24+$0xFFFFFFD0] =	vst v0  }
0x62: {  	v0 =	vld [tilespmem:s21+$0x6030];
	_ =	sdelay $0x4  }
0x63: {  	v1 =	vshll.u32 v0, $0x10;
	v0 =	vand.u32 $0xFFFF0000, v0  }
0x64: {  	[tilespmem:s24+$0xFFFFFFE0] =	vst v1  }
0x65: {  	[tilespmem:s24+$0xFFFFFFF0] =	vst v0  }
0x66: {  	v0 =	vld [tilespmem:s21+$0x6040];
	_ =	sdelay $0x4  }
0x67: {  	v1 =	vshll.u32 v0, $0x10;
	v0 =	vand.u32 $0xFFFF0000, v0  }
0x68: {  	[tilespmem:s24+$0x0] =	vst v1  }
0x69: {  	[tilespmem:s24+$0x10] =	vst v0  }
0x6a: {  	v0 =	vld [tilespmem:s21+$0x6050];
	_ =	sdelay $0x4  }
0x6b: {  	v1 =	vshll.u32 v0, $0x10;
	v0 =	vand.u32 $0xFFFF0000, v0  }
0x6c: {  	[tilespmem:s24+$0x20] =	vst v1  }
0x6d: {  	[tilespmem:s24+$0x30] =	vst v0  }
0x6e: {  	v0 =	vld [tilespmem:s21+$0x6060];
	_ =	sdelay $0x1  }
.Ltmp0:
0x6f: {  	(pc) =	sbr.rel @p1 .LBB2_3-.Ltmp0, $3  }
0x70: {  	_ =	sdelay $0x1  }
0x71: {  	v1 =	vshll.u32 v0, $0x10;
	v0 =	vand.u32 $0xFFFF0000, v0  }
0x72: {  	[tilespmem:s24+$0x40] =	vst v1  }
0x73: {  	[tilespmem:s0+$0x50] =	vst v0  }
0x74: {  	v0 =	vld [tilespmem:s21+$0x6070];
	_ =	sdelay $0x3  }
0x75: {  	s8 =	sadd.s32 $0x2, s2  }
0x76: {  	p1 =	sge.u32 s8, s1;
	v1 =	vshll.u32 v0, $0x10  }
0x77: {  	s23 =	sshll.u32 s31, $0xB;
	s8 =	sshll.u32 @!p1 s8, $0x8;
	v0 =	vand.u32 $0xFFFF0000, v0;
	[tilespmem:s0+$0x60] =	vst v1  }
0x78: {  	s21 =	simm.s32 @!p1 $0x6000;
	[tilespmem:s0+$0x70] =	vst v0;
	s0 =	sand.u32 @!p1 $0x3FFFFF00, s8;
	s8 =	simm.s32 @!p1 $0x100  }
0x79: {  	[tilespmem:s21], [sflag:$0x1] =	stream.indirect.gather @!p1 [hbm4b:s6+s8], $0x20, s0, s8, $0xb8;
	[tilespmem:$0x1BE00] =	vst v63  }
0x7a: {  	s0 =	sshra.s32 s23, $0x2  }
0x7b: {  	s24 =	sadd.s32 $0x3000, s0  }
0x7c: {  	[spmem:s4] =	stream.indirect.scatter.add.f32 [tilespmem:s25], [sflag:$0x3], $0x40, s24, s22, $0xb8;
	[tilespmem:$0x1BE00] =	vst v63  }
0x7d: {  	_ =	swait.ge [sflag:s16], $0x2000  }
0x7e: {  	[sflag:s16] =	ssyncset.done $0x0  }
0x7f: {  	s8 =	simm.s32 @!p0 $0x4;
	[sflag:s16] =	ssyncadd.s32 $0xFFFFE000  }
0x80: {  	_ =	swait.ge @!p0 [sflag:s8], $0x4000  }
0x81: {  	[sflag:s8] =	ssyncset.done @!p0 $0x0  }
0x82: {  	s23 =	simm.s32 $0x0;
	[sflag:s8] =	ssyncadd.s32 @!p0 $0xFFFFC000  }
0x83: {  	v0 =	vld [tilespmem:s23+$0x8000];
	_ =	sdelay $0x4  }
0x84: {  	s21 =	simm.s32 $0xE080;
	v1 =	vshll.u32 v0, $0x10  }
0x85: {  	v0 =	vand.u32 $0xFFFF0000, v0;
	[tilespmem:s21+$0xFFFFFF80] =	vst v1  }
0x86: {  	[tilespmem:s21+$0xFFFFFF90] =	vst v0  }
0x87: {  	v0 =	vld [tilespmem:s23+$0x8010];
	_ =	sdelay $0x4  }
0x88: {  	v1 =	vshll.u32 v0, $0x10  }
0x89: {  	v0 =	vand.u32 $0xFFFF0000, v0;
	[tilespmem:s21+$0xFFFFFFA0] =	vst v1  }
0x8a: {  	[tilespmem:s21+$0xFFFFFFB0] =	vst v0  }
0x8b: {  	v0 =	vld [tilespmem:s23+$0x8020];
	_ =	sdelay $0x4  }
0x8c: {  	v1 =	vshll.u32 v0, $0x10  }
0x8d: {  	v0 =	vand.u32 $0xFFFF0000, v0;
	[tilespmem:s21+$0xFFFFFFC0] =	vst v1  }
0x8e: {  	[tilespmem:s21+$0xFFFFFFD0] =	vst v0  }
0x8f: {  	v0 =	vld [tilespmem:s23+$0x8030];
	_ =	sdelay $0x4  }
0x90: {  	v1 =	vshll.u32 v0, $0x10  }
0x91: {  	v0 =	vand.u32 $0xFFFF0000, v0;
	[tilespmem:s21+$0xFFFFFFE0] =	vst v1  }
0x92: {  	[tilespmem:s21+$0xFFFFFFF0] =	vst v0  }
0x93: {  	v0 =	vld [tilespmem:s23+$0x8040];
	_ =	sdelay $0x4  }
0x94: {  	v1 =	vshll.u32 v0, $0x10  }
0x95: {  	v0 =	vand.u32 $0xFFFF0000, v0;
	[tilespmem:s21+$0x0] =	vst v1  }
0x96: {  	[tilespmem:s21+$0x10] =	vst v0  }
0x97: {  	v0 =	vld [tilespmem:s23+$0x8050];
	_ =	sdelay $0x4  }
0x98: {  	v1 =	vshll.u32 v0, $0x10  }
0x99: {  	v0 =	vand.u32 $0xFFFF0000, v0;
	[tilespmem:s21+$0x20] =	vst v1  }
0x9a: {  	[tilespmem:s21+$0x30] =	vst v0  }
0x9b: {  	v0 =	vld [tilespmem:s23+$0x8060];
	_ =	sdelay $0x4  }
0x9c: {  	v1 =	vshll.u32 v0, $0x10  }
0x9d: {  	s24 =	simm.s32 $0x200;
	s8 =	simm.s32 $0xE080;
	v0 =	vand.u32 $0xFFFF0000, v0;
	[tilespmem:s21+$0x40] =	vst v1  }
.LBB2_5:
0x9e: {  	p0 =	sne.s32 s24, $0x7E00  }
0x9f: {  	[tilespmem:s21+$0x50] =	vst v0;
	s8 =	sadd.s32 $0x100, s8;
	s9 =	smov.u32 s24;
	s24 =	sadd.s32 $0x200, s24  }
0xa0: {  	v0 =	vld [tilespmem:s23+$0x8070];
	_ =	sdelay $0x4  }
0xa1: {  	v1 =	vshll.u32 v0, $0x10;
	v0 =	vand.u32 $0xFFFF0000, v0  }
0xa2: {  	[tilespmem:s21+$0x60] =	vst v1  }
0xa3: {  	s23 =	sshra.s32 s9, $0x2;
	[tilespmem:s21+$0x70] =	vst v0;
	s21 =	smov.u32 s8  }
0xa4: {  	v0 =	vld [tilespmem:s23+$0x8000];
	_ =	sdelay $0x4  }
0xa5: {  	v1 =	vshll.u32 v0, $0x10;
	v0 =	vand.u32 $0xFFFF0000, v0  }
0xa6: {  	[tilespmem:s8+$0xFFFFFF80] =	vst v1  }
0xa7: {  	[tilespmem:s8+$0xFFFFFF90] =	vst v0  }
0xa8: {  	v0 =	vld [tilespmem:s23+$0x8010];
	_ =	sdelay $0x4  }
0xa9: {  	v1 =	vshll.u32 v0, $0x10;
	v0 =	vand.u32 $0xFFFF0000, v0  }
0xaa: {  	[tilespmem:s8+$0xFFFFFFA0] =	vst v1  }
0xab: {  	[tilespmem:s8+$0xFFFFFFB0] =	vst v0  }
0xac: {  	v0 =	vld [tilespmem:s23+$0x8020];
	_ =	sdelay $0x4  }
0xad: {  	v1 =	vshll.u32 v0, $0x10;
	v0 =	vand.u32 $0xFFFF0000, v0  }
0xae: {  	[tilespmem:s8+$0xFFFFFFC0] =	vst v1  }
0xaf: {  	[tilespmem:s8+$0xFFFFFFD0] =	vst v0  }
0xb0: {  	v0 =	vld [tilespmem:s23+$0x8030];
	_ =	sdelay $0x4  }
0xb1: {  	v1 =	vshll.u32 v0, $0x10;
	v0 =	vand.u32 $0xFFFF0000, v0  }
0xb2: {  	[tilespmem:s8+$0xFFFFFFE0] =	vst v1  }
0xb3: {  	[tilespmem:s8+$0xFFFFFFF0] =	vst v0  }
0xb4: {  	v0 =	vld [tilespmem:s23+$0x8040];
	_ =	sdelay $0x4  }
0xb5: {  	v1 =	vshll.u32 v0, $0x10;
	v0 =	vand.u32 $0xFFFF0000, v0  }
0xb6: {  	[tilespmem:s8+$0x0] =	vst v1  }
0xb7: {  	[tilespmem:s8+$0x10] =	vst v0  }
0xb8: {  	v0 =	vld [tilespmem:s23+$0x8050];
	_ =	sdelay $0x4  }
0xb9: {  	v1 =	vshll.u32 v0, $0x10;
	v0 =	vand.u32 $0xFFFF0000, v0  }
0xba: {  	[tilespmem:s8+$0x20] =	vst v1  }
0xbb: {  	[tilespmem:s8+$0x30] =	vst v0  }
0xbc: {  	v0 =	vld [tilespmem:s23+$0x8060];
	_ =	sdelay $0x1  }
.Ltmp1:
0xbd: {  	(pc) =	sbr.rel @p0 .LBB2_5-.Ltmp1, $3  }
0xbe: {  	_ =	sdelay $0x1  }
0xbf: {  	v1 =	vshll.u32 v0, $0x10;
	v0 =	vand.u32 $0xFFFF0000, v0  }
0xc0: {  	[tilespmem:s8+$0x40] =	vst v1  }
0xc1: {  	[tilespmem:s21+$0x50] =	vst v0  }
0xc2: {  	v0 =	vld [tilespmem:s23+$0x8070];
	_ =	sdelay $0x3  }
0xc3: {  	s2 =	sadd.s32 $0x3, s2  }
0xc4: {  	p0 =	sge.u32 s2, s1;
	v1 =	vshll.u32 v0, $0x10  }
0xc5: {  	s31 =	sadd.s32 $0x1, s31;
	s2 =	sshll.u32 @!p0 s2, $0x8;
	v0 =	vand.u32 $0xFFFF0000, v0;
	[tilespmem:s21+$0x60] =	vst v1  }
0xc6: {  	s8 =	simm.s32 @!p0 $0x100;
	s9 =	simm.s32 @!p0 $0x8000;
	s2 =	sand.u32 @!p0 $0x3FFFFF00, s2;
	[tilespmem:s21+$0x70] =	vst v0  }
0xc7: {  	[tilespmem:s9], [sflag:$0x2] =	stream.indirect.gather @!p0 [hbm4b:s6+s8], $0x20, s2, s8, $0xb8;
	[tilespmem:$0x1BE00] =	vst v63  }
0xc8: {  	p0 =	sne.s32 s31, s10  }
.Ltmp2:
0xc9: {  	_ = 	snop;
	(pc) =	sbr.rel @p0 .LBB2_2-.Ltmp2, $3  }
0xca: {  	_ =	sdelay $0x1  }
0xcb: {  	s0 =	sadd.s32 $0x3100, s0  }
0xcc: {  	[spmem:s4] =	stream.indirect.scatter.add.f32 [tilespmem:s26], [sflag:$0x4], $0x40, s0, s22, $0xb8;
	[tilespmem:$0x1BE00] =	vst v63  }
0xcd: {  	_ =	swait.ge [sflag:s28], $0x4000  }
0xce: {  	[sflag:s28] =	ssyncset.done $0x0  }
0xcf: {  	[sflag:s28] =	ssyncadd.s32 $0xFFFFC000  }
0xd0: {  	_ =	swait.ge [sflag:s29], $0x4000  }
0xd1: {  	s30 =	sadd.s32 $0x1, s30;
	[sflag:s29] =	ssyncset.done $0x0  }
0xd2: {  	p0 =	sne.s32 s30, s12;
	[sflag:s29] =	ssyncadd.s32 $0xFFFFC000  }
.Ltmp3:
0xd3: {  	[bflag:$0x0] =	sbarrier.arrive $0xFFFF;
	(pc) =	sbr.rel @p0 .LBB2_1-.Ltmp3, $4  }
0xd4: {  	[hbm:s11], [sflag:s7] =	dma.local [spmem:s13], $0x13C0  }
0xd5: {  	_ =	swait.ge [sflag:s17], $0x13C0  }
0xd6: {  	[sflag:s17] =	ssyncset.done $0x0  }
0xd7: {  	[sflag:s17] =	ssyncadd.s32 $0xFFFFEC40  }
0xd8: {  	_ =	sfence.sel $0x180000  }
0xd9: {  	[bflag:$0x0] =	sbarrier.arrive $0xFFFF  }
0xda: {  	_ =	strace $0x9000004D  }
0xdb: {  	s0 =	stileid.u32;
	[bflag:$0x2] =	sbarrier.arrive $0xFFFF  }
0xdc: {  	p0 =	sne.s32 s0, $0x0;
	s0 =	rddreg [dreg:$0x3]  }
0xdd: {  	s0 =	sadd.s32 @!p0 $0x100000, s0  }
0xde: {  	[sflag:s0] =	ssyncadd.tile.s32 @!p0 $0x1;
	_ =	shalt  }
.Lfunc_end2:
_tile_overlayer_lowered:
.L_overlay_start_2:
0xdf: {  	(tag) =	ssettag $0x2  }
0xe0: {  	s0 =	rddreg [dreg:$0x0];
	s2 =	stileid.u32  }
0xe1: {  	s1 =	rddreg [dreg:$0x1];
	p0 =	sne.s32 s2, $0x0  }
0xe2: {  	s3 =	rddreg [dreg:$0x2];
	[bflag:$0x3] =	sbarrier.arrive $0xFFFF;
	s2 =	simm.s32 @!p0 $0x1C05  }
0xe3: {  	[timem:s3], [sflag:s2] =	dma.local @!p0 [hbm:s0], s1  }
0xe4: {  	s0 =	simm.s32 @!p0 $0x5  }
0xe5: {  	_ =	swait.ge @!p0 [sflag:s0], s1  }
0xe6: {  	s1 =	ssub.s32 @!p0 $0x0, s1;
	[sflag:s0] =	ssyncset.done @!p0 $0x0  }
0xe7: {  	[sflag:s0] =	ssyncadd.s32 @!p0 s1  }
0xe8: {  	[bflag:$0x3] =	sbarrier.arrive $0xFFFF  }
0xe9: {  	_ =	shalt  }

// kernel: kernel.9.cloned.1.call-start
scs
__scs_entry_jumppad:
0x0: {  	(pc) =	sbr.rel $0x88, $3  }
0x1: {  	(tag) =	ssettag $0x0;
	lr =	simm.s32 $0x1  }
0x2: {  	[smem:$0x3F94] =	sst lr;
	_ =	strace $0xD0000000  }
0x3: {  	_ = 	snop  }
0x4: {  	_ = 	snop  }
0x5: {  	_ = 	snop  }
0x6: {  	_ = 	snop  }
0x7: {  	_ = 	snop  }
__scs_overlays_trampoline_lowered:
0x8: {  	[smem:$0x3FA3] =	sst s0  }
0x9: {  	[smem:$0x3FA4] =	sst s1  }
0xa: {  	[smem:$0x3FA5] =	sst s2  }
0xb: {  	[smem:$0x3FA6] =	sst s3  }
0xc: {  	[smem:$0x3FA7] =	sst s4  }
0xd: {  	[smem:$0x3FA8] =	sst s5  }
0xe: {  	[smem:$0x3FA9] =	sst s6  }
0xf: {  	[smem:$0x3FAA] =	sst s7  }
0x10: {  	[smem:$0x3FAB] =	sst s8  }
0x11: {  	[smem:$0x3FAC] =	sst s9;
	s0 =	simm.s32 @!p0 $0x0  }
0x12: {  	s1 =	sld [smem:$0x3F92];
	s0 =	simm.s32 @p0 $0x1  }
0x13: {  	[smem:$0x3FAD] =	sst s0;
	s0 =	simm.s32 @!p1 $0x0  }
0x14: {  	s2 =	sld [smem:$0x3F91];
	s0 =	simm.s32 @p1 $0x1  }
0x15: {  	[smem:$0x3FAE] =	sst s0;
	s0 =	simm.s32 @!p2 $0x0  }
0x16: {  	s3 =	sld [smem:$0x3FDB];
	s0 =	simm.s32 @p2 $0x1  }
0x17: {  	s4 =	simm.s32 $0x1BF5;
	[smem:$0x3FB0] =	sst s0  }
0x18: {  	s0 =	sld [smem:$0x3F93];
	_ =	swait.ge [sflag:s4], $0x0  }
0x19: {  	s7 =	sld [smem:$0x3F94]  }
0x1a: {  	s8 =	sadd.s32 $0xFFFFE003, lr  }
0x1b: {  	s9 =	sadd.s32 $0xFFFFFEF7, lr;
	s5 =	simm.s32 $0xFFFFFFFF;
	p2 =	slt.u32 s8, $0xFFFFF086  }
0x1c: {  	p1 =	slt.u32 s9, $0xF7A;
	s5 =	simm.s32 @!p2 $0x0  }
0x1d: {  	s5 =	simm.s32 @p1 $0x1;
	p0 =	seq.s32 s7, s2  }
0x1e: {  	s7 =	smul.u32 @!p0 $0xF7A, s2;
	p2 =	seq.s32 @!p0 s5, $0x0  }
0x1f: {  	s9 =	smul.u32 $0xF7A, s1;
	s8 =	simm.s32 @!p0 $0x1BF5;
	p2 =	por !p2, p0  }
0x20: {  	[sflag:s8] =	ssyncset.s32 @!p0 $0xFFFFF086;
	s6 =	sadd.s32 @!p0 s3, s7;
	s7 =	simm.s32 @!p0 $0x108  }
0x21: {  	s3 =	sadd.s32 s3, s9;
	s6 =	sadd.s32 @!p0 $0x88, s6;
	s7 =	simm.s32 @p2 $0x1082  }
0x22: {  	[simem:s7], [sflag:s8] =	dma.local @!p0 [hbm:s6], $0xF7A  }
0x23: {  	s9 =	sor.u32 $0xD0000000, s2;
	s6 =	simm.s32 $0x108;
	_ =	swait.ge @!p0 [sflag:s8], $0x0  }
0x24: {  	s3 =	sadd.s32 $0x88, s3;
	s6 =	simm.s32 @!p1 $0x1082;
	[sflag:s4] =	ssyncset.s32 $0xFFFFF086  }
0x25: {  	[simem:s6], [sflag:s4] =	dma.local [hbm:s3], $0xF7A  }
0x26: {  	[smem:$0x3F94] =	sst s1;
	(tag) =	ssettag s2;
	_ =	strace s9  }
0x27: {  	s1 =	sld [smem:$0x3FA4]  }
0x28: {  	s2 =	sld [smem:$0x3FA5]  }
0x29: {  	s4 =	sld [smem:$0x3FA7]  }
0x2a: {  	p0 =	seq.s32 s5, $0x0;
	s5 =	sld [smem:$0x3FA8]  }
0x2b: {  	s6 =	sld [smem:$0x3FA9]  }
0x2c: {  	s7 =	sld [smem:$0x3FAA]  }
0x2d: {  	s3 =	simm.s32 $0x108;
	s8 =	sld [smem:$0x3FAB]  }
0x2e: {  	s3 =	simm.s32 @!p0 $0x1082;
	s9 =	sld [smem:$0x3FAC]  }
0x2f: {  	lr =	sadd.s32 s0, s3;
	s0 =	sld [smem:$0x3FA3]  }
0x30: {  	s3 =	sld [smem:$0x3FA6]  }
0x31: {  	[smem:$0x3FAF] =	sst s10  }
0x32: {  	s10 =	sld [smem:$0x3FAD];
	_ =	sdelay $0x3  }
0x33: {  	p0 =	seq.s32 s10, $0x1;
	s10 =	sld [smem:$0x3FAF];
	_ =	sdelay $0x3  }
0x34: {  	[smem:$0x3FAF] =	sst s10  }
0x35: {  	s10 =	sld [smem:$0x3FAE];
	_ =	sdelay $0x3  }
0x36: {  	p1 =	seq.s32 s10, $0x1;
	s10 =	sld [smem:$0x3FAF];
	_ =	sdelay $0x3  }
0x37: {  	[smem:$0x3FAF] =	sst s10  }
0x38: {  	s10 =	sld [smem:$0x3FB0]  }
0x39: {  	_ = 	snop;
	(pc) =	sbr.ind lr, $3  }
0x3a: {  	_ = 	snop  }
0x3b: {  	_ = 	snop  }
0x3c: {  	p2 =	seq.s32 s10, $0x1;
	s10 =	sld [smem:$0x3FAF]  }
0x3d: {  	_ =	shalt  }
0x3e: {  	_ =	shalt  }
0x3f: {  	_ =	shalt  }
0x40: {  	_ =	shalt  }
0x41: {  	_ =	shalt  }
0x42: {  	_ =	shalt  }
0x43: {  	_ =	shalt  }
0x44: {  	_ =	shalt  }
0x45: {  	_ =	shalt  }
0x46: {  	_ =	shalt  }
0x47: {  	_ =	shalt  }
0x48: {  	_ =	shalt  }
0x49: {  	_ =	shalt  }
0x4a: {  	_ =	shalt  }
0x4b: {  	_ =	shalt  }
0x4c: {  	_ =	shalt  }
0x4d: {  	_ =	shalt  }
0x4e: {  	_ =	shalt  }
0x4f: {  	_ =	shalt  }
0x50: {  	_ =	shalt  }
0x51: {  	_ =	shalt  }
0x52: {  	_ =	shalt  }
0x53: {  	_ =	shalt  }
0x54: {  	_ =	shalt  }
0x55: {  	_ =	shalt  }
0x56: {  	_ =	shalt  }
0x57: {  	_ =	shalt  }
0x58: {  	_ =	shalt  }
0x59: {  	_ =	shalt  }
0x5a: {  	_ =	shalt  }
0x5b: {  	_ =	shalt  }
0x5c: {  	_ =	shalt  }
0x5d: {  	_ =	shalt  }
0x5e: {  	_ =	shalt  }
0x5f: {  	_ =	shalt  }
0x60: {  	_ =	shalt  }
0x61: {  	_ =	shalt  }
0x62: {  	_ =	shalt  }
0x63: {  	_ =	shalt  }
0x64: {  	_ =	shalt  }
0x65: {  	_ =	shalt  }
0x66: {  	_ =	shalt  }
0x67: {  	_ =	shalt  }
0x68: {  	_ =	shalt  }
0x69: {  	_ =	shalt  }
0x6a: {  	_ =	shalt  }
0x6b: {  	_ =	shalt  }
0x6c: {  	_ =	shalt  }
0x6d: {  	_ =	shalt  }
0x6e: {  	_ =	shalt  }
0x6f: {  	_ =	shalt  }
0x70: {  	_ =	shalt  }
0x71: {  	_ =	shalt  }
0x72: {  	_ =	shalt  }
0x73: {  	_ =	shalt  }
0x74: {  	_ =	shalt  }
0x75: {  	_ =	shalt  }
0x76: {  	_ =	shalt  }
0x77: {  	_ =	shalt  }
0x78: {  	_ =	shalt  }
0x79: {  	_ =	shalt  }
0x7a: {  	_ =	shalt  }
0x7b: {  	_ =	shalt  }
0x7c: {  	_ =	shalt  }
0x7d: {  	_ =	shalt  }
0x7e: {  	_ =	shalt  }
0x7f: {  	_ =	shalt  }
0x80: {  	_ =	shalt  }
0x81: {  	_ =	shalt  }
0x82: {  	_ =	shalt  }
0x83: {  	_ =	shalt  }
0x84: {  	_ =	shalt  }
0x85: {  	_ =	shalt  }
0x86: {  	_ =	shalt  }
0x87: {  	_ =	shalt  }
.Lfunc_end0:
.L_simem_size_0:
called_computation_lowered:
.L_overlay_start_0:
0x88: {  	s2 =	sld [smem:$0x3FD9]  }
0x89: {  	s3 =	sld [smem:$0x3FFE];
	_ =	sdelay $0x1  }
0x8a: {  	s1 =	srdreg.scid  }
0x8b: {  	s0 =	sand.u32 $0x1, s1  }
0x8c: {  	s17 =	sshll.u32 s0, $0xA;
	s2 =	sadd.s32 s3, s2  }
0x8d: {  	s2 =	sadd.s32 s2, s17  }
0x8e: {  	[smem:$0x3FBB] =	sst s2  }
0x8f: {  	_ = 	snop  }
0x90: {  	s2 =	sld [smem:$0x3FD0];
	(tm) =	ssettm $0x1  }
0x91: {  	s18 =	sld [smem:$0x3FFB];
	_ =	sdelay $0x3  }
0x92: {  	_ =	strace s18  }
0x93: {  	s3 =	sld [smem:$0x3FFC];
	_ =	sdelay $0x3  }
0x94: {  	_ =	strace s3  }
0x95: {  	s3 =	sld [smem:$0x3FFD];
	_ =	sdelay $0x3  }
0x96: {  	_ =	strace s3  }
0x97: {  	_ =	strace $0x8FFFFFFF  }
0x98: {  	s19 =	sld [smem:$0x3FDB];
	_ =	sdelay $0x1  }
0x99: {  	s4 =	simm.s32 $_scs_section_size  }
0x9a: {  	s5 =	simm.s32 $_size__tile_overlayer_lowered;
	s6 =	simm.s32 $_tile_overlayer_lowered  }
0x9b: {  	s22 =	simm.s32 $0x1BFF;
	s21 =	sshll.u32 s6, $0x1;
	s3 =	sadd.s32 s4, s19  }
0x9c: {  	s7 =	simm.s32 $0x0;
	s20 =	sshll.u32 s5, $0x1;
	s5 =	sadd.s32 s21, s3  }
0x9d: {  	[timem:s7], [sflag:s22] =	dma.local [hbm:s5], s20  }
0x9e: {  	_ =	swait.ge [sflag:s22], s20  }
0x9f: {  	s4 =	ssub.s32 $0x0, s20;
	[sflag:s22] =	ssyncset.done $0x0  }
0xa0: {  	[sflag:s22] =	ssyncadd.s32 s4;
	_ =	sdelay $0x1  }
0xa1: {  	s23 =	simm.s32 $0x1B8B  }
0xa2: {  	_ =	swait.ge [sflag:s23], $0x1  }
0xa3: {  	[sflag:s23] =	ssyncset.done $0x0  }
0xa4: {  	s25 =	simm.s32 $0x1B8E;
	s24 =	sld [smem:$0x3FFE];
	[sflag:s23] =	ssyncadd.s32 $0xFFFFFFFF  }
0xa5: {  	s26 =	simm.s32 $execute0_lowered;
	[smem:$0x3FD2] =	sst s25  }
0xa6: {  	s5 =	sshll.u32 s26, $0x1;
	_ =	strace $0x80000046;
	[dreg:$0x1] =	wrdreg $0xFFFFFFFF  }
0xa7: {  	s28 =	simm.s32 $_size_execute0_lowered;
	s3 =	sadd.s32 s3, s5;
	[dreg:$0x0] =	wrdreg $0x0  }
0xa8: {  	s5 =	sshll.u32 s28, $0x1;
	[dreg:$0x2] =	wrdreg s3  }
0xa9: {  	[dreg:$0x3] =	wrdreg s5  }
0xaa: {  	[dreg:$0x4] =	wrdreg $0xC0  }
0xab: {  	_ =	task [dreg:s7], $0x5FFFF  }
0xac: {  	[dreg:$0x1] =	wrdreg $0xFFFFFFFF  }
0xad: {  	[dreg:$0x0] =	wrdreg $0x60  }
0xae: {  	[dreg:$0x2] =	wrdreg s24  }
0xaf: {  	[dreg:$0x3] =	wrdreg s2  }
0xb0: {  	[dreg:$0x4] =	wrdreg $0x120000  }
0xb1: {  	[dreg:$0x5] =	wrdreg $0x1CE000  }
0xb2: {  	[dreg:$0x6] =	wrdreg $0x9  }
0xb3: {  	_ =	task.clear_ibuf [dreg:s7], $0x7FFFF;
	_ =	strace $0x90000046  }
0xb4: {  	s29 =	simm.s32 $0x9;
	_ =	strace $0x80000048  }
0xb5: {  	_ =	swait.ge [sflag:s29], $0x1  }
0xb6: {  	[sflag:s29] =	ssyncadd.s32 $0xFFFFFFFF  }
0xb7: {  	_ =	strace $0x90000048  }
0xb8: {  	_ =	sfence  }
0xb9: {  	s30 =	sld [smem:$0x0];
	_ =	sdelay $0x2  }
0xba: {  	s31 =	sshll.u32 s1, $0xD;
	s1 =	sshrl.u32 s1, $0x2  }
0xbb: {  	s3 =	sand.u32 $0x4000, s31;
	s1 =	sadd.s32 s1, s30  }
0xbc: {  	s0 =	sor.u32 s3, s0;
	s1 =	sshll.u32 s1, $0x11  }
0xbd: {  	s0 =	sor.u32 s1, s0  }
0xbe: {  	s0 =	sadd.s32 $0x8F2B, s0  }
0xbf: {  	[sflag:s0] =	ssyncadd.remote.s32 $0x1  }
0xc0: {  	_ =	sfence.sel $0xFFFF  }
0xc1: {  	[dreg:$0x0] =	wrdreg $0xFFFFFFFF;
	(pc) =	sbr.abs _section_cstart, $3  }
0xc2: {  	[dreg:$0x1] =	wrdreg $0xFFFFFFFF  }
0xc3: {  	_ =	task.clear_ibuf [dreg:s7], $0x2FFFF;
	_ =	strace $0x9FFFFFFF  }
0xc4: {  	(tm) =	ssettm $0x7FFFFFFF  }
0xc5: {  	_ =	shalt  }
tec
execute0_lowered:
.L_overlay_start_1:
0x0: {  	(tag) =	ssettag $0x1  }
0x1: {  	s0 =	rddreg [dreg:$0x0]  }
0x2: {  	s1 =	rddreg [dreg:$0x1]  }
0x3: {  	s2 =	srdreg.scid;
	s4 =	rddreg [dreg:$0x2]  }
0x4: {  	s13 =	stileid.u32;
	s5 =	rddreg [dreg:$0x3];
	s6 =	simm.s32 $0x0  }
0x5: {  	s18 =	simm.s32 $0x1;
	s19 =	simm.s32 $0x8;
	s28 =	simm.s32 $0x100  }
0x6: {  	s31 =	simm.s32 $0xA000;
	s29 =	simm.s32 $0x4;
	s9 =	smul.u32 $0x9E00, s13  }
0x7: {  	s30 =	simm.s32 $0x6;
	s3 =	sand.u32 $0x1, s2;
	s23 =	smul.u32 $0x2780, s13  }
0x8: {  	s2 =	simm.s32 $0x30;
	[smem:$0x7FF] =	sst s6;
	s7 =	smul.u32 $0x300, s3  }
0x9: {  	s14 =	sadd.s32 $0x21800, s0;
	p0 =	seq.s32 s3, $0x0;
	s10 =	smul.u32 $0x9E000, s3  }
0xa: {  	_ =	strace $0x80000047;
	s12 =	smul.u32 $0x27800, s3;
	s3 =	ssub.s32 $0x2, s3  }
0xb: {  	[dreg:$0x5] =	wrdreg s14;
	s2 =	simm.s32 @!p0 $0x20;
	s24 =	sshrl.u32 s3, $0x1  }
0xc: {  	s25 =	sadd.s32 s9, s4;
	s8 =	smul.u32 s13, s2;
	s10 =	sadd.s32 s9, s10  }
0xd: {  	s12 =	sadd.s32 s23, s12;
	s13 =	sshll.u32 s13, $0x6;
	s3 =	ssub.s32 s3, s24  }
0xe: {  	s26 =	sadd.s32 $0x10, s25;
	s15 =	sadd.s32 $0x20, s25;
	s16 =	sadd.s32 $0x30, s25  }
0xf: {  	s17 =	sshrl.u32 s25, $0x3;
	s10 =	sshrl.u32 s10, $0x3;
	s12 =	sshrl.u32 s12, $0x3  }
0x10: {  	s9 =	sor.u32 $0x1C07, s13;
	s13 =	sshrl.u32 s2, $0x1;
	s24 =	sshrl.u32 s26, $0x3  }
0x11: {  	s25 =	sshrl.u32 s15, $0x3;
	s26 =	sshrl.u32 s16, $0x3;
	[dreg:$0xc] =	wrdreg s24  }
0x12: {  	s7 =	sadd.s32 s7, s8;
	s10 =	sadd.s32 s10, s0;
	[dreg:$0xd] =	wrdreg s25  }
0x13: {  	s8 =	sadd.s32 s23, s5;
	s23 =	smax.u32 s3, $0x1;
	[dreg:$0xe] =	wrdreg s26  }
0x14: {  	s25 =	simm.s32 $0x1BE00;
	s11 =	sshll.u32 s7, $0x5;
	[dreg:$0x6] =	wrdreg s8  }
0x15: {  	s22 =	sadd.s32 $0x2B800, s10;
	[dreg:$0xb] =	wrdreg s23;
	s11 =	sadd.s32 s11, s0  }
0x16: {  	s7 =	sadd.s32 $0x2A00, s0;
	[dreg:$0x9] =	wrdreg s22;
	s20 =	sadd.s32 $0x17000, s11  }
0x17: {  	s0 =	sadd.s32 s12, s0;
	s21 =	sadd.s32 $0xC800, s11;
	[dreg:$0x7] =	wrdreg s20  }
0x18: {  	s3 =	simm.s32 $0xE000;
	s0 =	sadd.s32 $0x21A00, s0;
	[dreg:$0x8] =	wrdreg s21  }
0x19: {  	s26 =	simm.s32 $0x5;
	s8 =	simm.s32 $0x0;
	[dreg:$0xa] =	wrdreg s0  }
0x1a: {  	s20 =	simm.s32 $0x2;
	s21 =	simm.s32 $0x7;
	s0 =	simm.s32 $0x3  }
.LBB2_1:
0x1b: {  	[spmem:s17@s19], [sflag:s9] =	dma.strided [hbm:s1@s20], $0x4F0, s18, $0x2   }
0x1c: {  	_ =	swait.ge [sflag:s21], $0x4F0  }
0x1d: {  	[sflag:s21] =	ssyncset.done $0x0  }
0x1e: {  	s10 =	rddreg [dreg:$0xc];
	[sflag:s21] =	ssyncadd.s32 $0xFFFFFB10  }
0x1f: {  	[spmem:s10@s19], [sflag:s9] =	dma.strided [hbm:s1@s20], $0x4F0, s18, $0x2   }
0x20: {  	_ =	swait.ge [sflag:s21], $0x4F0  }
0x21: {  	[sflag:s21] =	ssyncset.done $0x0  }
0x22: {  	s12 =	rddreg [dreg:$0xd];
	[sflag:s21] =	ssyncadd.s32 $0xFFFFFB10  }
0x23: {  	[spmem:s12@s19], [sflag:s9] =	dma.strided [hbm:s1@s20], $0x4F0, s18, $0x2   }
0x24: {  	_ =	swait.ge [sflag:s21], $0x4F0  }
0x25: {  	[sflag:s21] =	ssyncset.done $0x0  }
0x26: {  	s14 =	rddreg [dreg:$0xe];
	[sflag:s21] =	ssyncadd.s32 $0xFFFFFB10  }
0x27: {  	[spmem:s14@s19], [sflag:s9] =	dma.strided [hbm:s1@s20], $0x4F0, s18, $0x2   }
0x28: {  	_ =	swait.ge [sflag:s21], $0x4F0  }
0x29: {  	[sflag:s21] =	ssyncset.done $0x0;
	s15 =	rddreg [dreg:$0x6]  }
0x2a: {  	[sflag:s21] =	ssyncadd.s32 $0xFFFFFB10;
	s10 =	sshrl.u32 s15, $0x3  }
0x2b: {  	[spmem:s10], [sflag:s9] =	dma.local [hbm:s1], $0x4F0  }
0x2c: {  	_ =	swait.ge [sflag:s21], $0x4F0  }
0x2d: {  	[sflag:s21] =	ssyncset.done $0x0  }
0x2e: {  	s11 =	rddreg [dreg:$0x5];
	[sflag:s21] =	ssyncadd.s32 $0xFFFFFB10  }
0x2f: {  	[tilespmem:s25], [sflag:$0x7] =	stream.linear.gather [hbm4b:s11+s6], $0x1000, $0x38;
	[tilespmem:$0x1F580] =	vst v63  }
0x30: {  	_ =	swait.ge [sflag:s21], $0x1000  }
0x31: {  	[sflag:s21] =	ssyncset.done $0x0  }
0x32: {  	s16 =	rddreg [dreg:$0x7];
	[sflag:s21] =	ssyncadd.s32 $0xFFFFF000  }
0x33: {  	[tilespmem:s6], [sflag:$0x7] =	stream.linear.gather [hbm4b:s16+s6], $0x3000, $0x38;
	[tilespmem:$0x1F580] =	vst v63  }
0x34: {  	_ =	swait.ge [sflag:s21], $0x3000  }
0x35: {  	[sflag:s21] =	ssyncset.done $0x0  }
0x36: {  	s12 =	simm.s32 $0x3000;
	s22 =	rddreg [dreg:$0x8];
	[sflag:s21] =	ssyncadd.s32 $0xFFFFD000  }
0x37: {  	[tilespmem:s12], [sflag:$0x7] =	stream.linear.gather [hbm4b:s22+s6], $0x3000, $0x38;
	[tilespmem:$0x1F580] =	vst v63  }
0x38: {  	_ =	swait.ge [sflag:s21], $0x3000  }
0x39: {  	[sflag:s21] =	ssyncset.done $0x0  }
0x3a: {  	[sflag:s21] =	ssyncadd.s32 $0xFFFFD000  }
0x3b: {  	s23 =	simm.s32 $0x6000;
	[bflag:$0x0] =	sbarrier.arrive $0xFFFF  }
0x3c: {  	[tilespmem:s23], [sflag:$0x1] =	stream.indirect.gather [hbm4b:s7+s28], $0x20, s6, s28, $0xb8;
	[tilespmem:$0x1F580] =	vst v63  }
0x3d: {  	s24 =	simm.s32 $0x8000;
	s11 =	simm.s32 $0x0  }
0x3e: {  	[tilespmem:s24], [sflag:$0x2] =	stream.indirect.gather [hbm4b:s7+s28], $0x20, s28, s28, $0xb8;
	[tilespmem:$0x1F580] =	vst v63  }
.LBB2_2:
0x3f: {  	_ =	swait.ge [sflag:s18], $0x2000  }
0x40: {  	p0 =	seq.s32 s11, $0x0;
	[sflag:s18] =	ssyncset.done $0x0  }
0x41: {  	s12 =	simm.s32 @!p0 $0x3;
	[sflag:s18] =	ssyncadd.s32 $0xFFFFE000  }
0x42: {  	_ =	swait.ge @!p0 [sflag:s12], $0x4000  }
0x43: {  	[sflag:s12] =	ssyncset.done @!p0 $0x0  }
0x44: {  	[sflag:s12] =	ssyncadd.s32 @!p0 $0xFFFFC000;
	s12 =	simm.s32 @!p0 $0x5  }
0x45: {  	_ =	swait.ge @!p0 [sflag:s12], $0x1000  }
0x46: {  	[sflag:s12] =	ssyncset.done @!p0 $0x0  }
0x47: {  	s15 =	simm.s32 $0x0;
	[sflag:s12] =	ssyncadd.s32 @!p0 $0xFFFFF000  }
0x48: {  	v0 =	vld [tilespmem:s15+$0x6000];
	_ =	sdelay $0x4  }
0x49: {  	s14 =	simm.s32 $0xA080;
	v1 =	vshll.u32 v0, $0x10  }
0x4a: {  	v0 =	vand.u32 $0xFFFF0000, v0;
	[tilespmem:s14+$0xFFFFFF80] =	vst v1  }
0x4b: {  	[tilespmem:s14+$0xFFFFFF90] =	vst v0  }
0x4c: {  	v0 =	vld [tilespmem:s15+$0x6010];
	_ =	sdelay $0x4  }
0x4d: {  	v1 =	vshll.u32 v0, $0x10  }
0x4e: {  	v0 =	vand.u32 $0xFFFF0000, v0;
	[tilespmem:s14+$0xFFFFFFA0] =	vst v1  }
0x4f: {  	[tilespmem:s14+$0xFFFFFFB0] =	vst v0  }
0x50: {  	v0 =	vld [tilespmem:s15+$0x6020];
	_ =	sdelay $0x4  }
0x51: {  	v1 =	vshll.u32 v0, $0x10  }
0x52: {  	v0 =	vand.u32 $0xFFFF0000, v0;
	[tilespmem:s14+$0xFFFFFFC0] =	vst v1  }
0x53: {  	[tilespmem:s14+$0xFFFFFFD0] =	vst v0  }
0x54: {  	v0 =	vld [tilespmem:s15+$0x6030];
	_ =	sdelay $0x4  }
0x55: {  	v1 =	vshll.u32 v0, $0x10  }
0x56: {  	v0 =	vand.u32 $0xFFFF0000, v0;
	[tilespmem:s14+$0xFFFFFFE0] =	vst v1  }
0x57: {  	[tilespmem:s14+$0xFFFFFFF0] =	vst v0  }
0x58: {  	v0 =	vld [tilespmem:s15+$0x6040];
	_ =	sdelay $0x4  }
0x59: {  	v1 =	vshll.u32 v0, $0x10  }
0x5a: {  	v0 =	vand.u32 $0xFFFF0000, v0;
	[tilespmem:s14+$0x0] =	vst v1  }
0x5b: {  	[tilespmem:s14+$0x10] =	vst v0  }
0x5c: {  	v0 =	vld [tilespmem:s15+$0x6050];
	_ =	sdelay $0x4  }
0x5d: {  	v1 =	vshll.u32 v0, $0x10  }
0x5e: {  	v0 =	vand.u32 $0xFFFF0000, v0;
	[tilespmem:s14+$0x20] =	vst v1  }
0x5f: {  	[tilespmem:s14+$0x30] =	vst v0  }
0x60: {  	v0 =	vld [tilespmem:s15+$0x6060];
	_ =	sdelay $0x4  }
0x61: {  	v1 =	vshll.u32 v0, $0x10  }
0x62: {  	s16 =	simm.s32 $0x200;
	s22 =	simm.s32 $0xA080;
	s12 =	sshll.u32 s11, $0x1;
	v0 =	vand.u32 $0xFFFF0000, v0;
	[tilespmem:s14+$0x40] =	vst v1  }
.LBB2_3:
0x63: {  	p1 =	sne.s32 s16, $0x7E00  }
0x64: {  	[tilespmem:s14+$0x50] =	vst v0;
	s22 =	sadd.s32 $0x100, s22;
	s23 =	smov.u32 s16;
	s16 =	sadd.s32 $0x200, s16  }
0x65: {  	v0 =	vld [tilespmem:s15+$0x6070];
	_ =	sdelay $0x4  }
0x66: {  	v1 =	vshll.u32 v0, $0x10;
	v0 =	vand.u32 $0xFFFF0000, v0  }
0x67: {  	[tilespmem:s14+$0x60] =	vst v1  }
0x68: {  	s15 =	sshra.s32 s23, $0x2;
	[tilespmem:s14+$0x70] =	vst v0;
	s14 =	smov.u32 s22  }
0x69: {  	v0 =	vld [tilespmem:s15+$0x6000];
	_ =	sdelay $0x4  }
0x6a: {  	v1 =	vshll.u32 v0, $0x10;
	v0 =	vand.u32 $0xFFFF0000, v0  }
0x6b: {  	[tilespmem:s22+$0xFFFFFF80] =	vst v1  }
0x6c: {  	[tilespmem:s22+$0xFFFFFF90] =	vst v0  }
0x6d: {  	v0 =	vld [tilespmem:s15+$0x6010];
	_ =	sdelay $0x4  }
0x6e: {  	v1 =	vshll.u32 v0, $0x10;
	v0 =	vand.u32 $0xFFFF0000, v0  }
0x6f: {  	[tilespmem:s22+$0xFFFFFFA0] =	vst v1  }
0x70: {  	[tilespmem:s22+$0xFFFFFFB0] =	vst v0  }
0x71: {  	v0 =	vld [tilespmem:s15+$0x6020];
	_ =	sdelay $0x4  }
0x72: {  	v1 =	vshll.u32 v0, $0x10;
	v0 =	vand.u32 $0xFFFF0000, v0  }
0x73: {  	[tilespmem:s22+$0xFFFFFFC0] =	vst v1  }
0x74: {  	[tilespmem:s22+$0xFFFFFFD0] =	vst v0  }
0x75: {  	v0 =	vld [tilespmem:s15+$0x6030];
	_ =	sdelay $0x4  }
0x76: {  	v1 =	vshll.u32 v0, $0x10;
	v0 =	vand.u32 $0xFFFF0000, v0  }
0x77: {  	[tilespmem:s22+$0xFFFFFFE0] =	vst v1  }
0x78: {  	[tilespmem:s22+$0xFFFFFFF0] =	vst v0  }
0x79: {  	v0 =	vld [tilespmem:s15+$0x6040];
	_ =	sdelay $0x4  }
0x7a: {  	v1 =	vshll.u32 v0, $0x10;
	v0 =	vand.u32 $0xFFFF0000, v0  }
0x7b: {  	[tilespmem:s22+$0x0] =	vst v1  }
0x7c: {  	[tilespmem:s22+$0x10] =	vst v0  }
0x7d: {  	v0 =	vld [tilespmem:s15+$0x6050];
	_ =	sdelay $0x4  }
0x7e: {  	v1 =	vshll.u32 v0, $0x10;
	v0 =	vand.u32 $0xFFFF0000, v0  }
0x7f: {  	[tilespmem:s22+$0x20] =	vst v1  }
0x80: {  	[tilespmem:s22+$0x30] =	vst v0  }
0x81: {  	v0 =	vld [tilespmem:s15+$0x6060];
	_ =	sdelay $0x1  }
.Ltmp0:
0x82: {  	(pc) =	sbr.rel @p1 .LBB2_3-.Ltmp0, $3  }
0x83: {  	_ =	sdelay $0x1  }
0x84: {  	v1 =	vshll.u32 v0, $0x10;
	v0 =	vand.u32 $0xFFFF0000, v0  }
0x85: {  	[tilespmem:s22+$0x40] =	vst v1  }
0x86: {  	[tilespmem:s14+$0x50] =	vst v0  }
0x87: {  	v0 =	vld [tilespmem:s15+$0x6070];
	_ =	sdelay $0x3  }
0x88: {  	s15 =	sadd.s32 $0x2, s12  }
0x89: {  	p1 =	sge.u32 s15, s2;
	v1 =	vshll.u32 v0, $0x10  }
0x8a: {  	s23 =	sshll.u32 s11, $0xB;
	s15 =	sshll.u32 @!p1 s15, $0x8;
	v0 =	vand.u32 $0xFFFF0000, v0;
	[tilespmem:s14+$0x60] =	vst v1  }
0x8b: {  	s16 =	simm.s32 @!p1 $0x6000;
	[tilespmem:s14+$0x70] =	vst v0;
	s14 =	sand.u32 @!p1 $0x3FFFFF00, s15;
	s15 =	simm.s32 @!p1 $0x100  }
0x8c: {  	[tilespmem:s16], [sflag:$0x1] =	stream.indirect.gather @!p1 [hbm4b:s7+s15], $0x20, s14, s15, $0xb8;
	[tilespmem:$0x1F580] =	vst v63  }
0x8d: {  	s14 =	sshra.s32 s23, $0x2  }
0x8e: {  	s24 =	sadd.s32 $0x3000, s14  }
0x8f: {  	[spmem:s4] =	stream.indirect.scatter.add.f32 [tilespmem:s31], [sflag:$0x3], $0x40, s24, s28, $0xb8;
	[tilespmem:$0x1F580] =	vst v63  }
0x90: {  	_ = 	snop  }
0x91: {  	[spmem:s5] =	stream.indirect.scatter.add.f32 [tilespmem:s25], [sflag:$0x5], $0x10, s24, s28, $0xb8;
	[tilespmem:$0x1F580] =	vst v63  }
0x92: {  	_ =	swait.ge [sflag:s20], $0x2000  }
0x93: {  	[sflag:s20] =	ssyncset.done $0x0  }
0x94: {  	s15 =	simm.s32 @!p0 $0x4;
	[sflag:s20] =	ssyncadd.s32 $0xFFFFE000  }
0x95: {  	_ =	swait.ge @!p0 [sflag:s15], $0x4000  }
0x96: {  	[sflag:s15] =	ssyncset.done @!p0 $0x0  }
0x97: {  	[sflag:s15] =	ssyncadd.s32 @!p0 $0xFFFFC000;
	s15 =	simm.s32 @!p0 $0x6  }
0x98: {  	_ =	swait.ge @!p0 [sflag:s15], $0x1000  }
0x99: {  	[sflag:s15] =	ssyncset.done @!p0 $0x0  }
0x9a: {  	s16 =	simm.s32 $0x0;
	[sflag:s15] =	ssyncadd.s32 @!p0 $0xFFFFF000  }
0x9b: {  	v0 =	vld [tilespmem:s16+$0x8000];
	_ =	sdelay $0x4  }
0x9c: {  	s15 =	simm.s32 $0xE080;
	v1 =	vshll.u32 v0, $0x10  }
0x9d: {  	v0 =	vand.u32 $0xFFFF0000, v0;
	[tilespmem:s15+$0xFFFFFF80] =	vst v1  }
0x9e: {  	[tilespmem:s15+$0xFFFFFF90] =	vst v0  }
0x9f: {  	v0 =	vld [tilespmem:s16+$0x8010];
	_ =	sdelay $0x4  }
0xa0: {  	v1 =	vshll.u32 v0, $0x10  }
0xa1: {  	v0 =	vand.u32 $0xFFFF0000, v0;
	[tilespmem:s15+$0xFFFFFFA0] =	vst v1  }
0xa2: {  	[tilespmem:s15+$0xFFFFFFB0] =	vst v0  }
0xa3: {  	v0 =	vld [tilespmem:s16+$0x8020];
	_ =	sdelay $0x4  }
0xa4: {  	v1 =	vshll.u32 v0, $0x10  }
0xa5: {  	v0 =	vand.u32 $0xFFFF0000, v0;
	[tilespmem:s15+$0xFFFFFFC0] =	vst v1  }
0xa6: {  	[tilespmem:s15+$0xFFFFFFD0] =	vst v0  }
0xa7: {  	v0 =	vld [tilespmem:s16+$0x8030];
	_ =	sdelay $0x4  }
0xa8: {  	v1 =	vshll.u32 v0, $0x10  }
0xa9: {  	v0 =	vand.u32 $0xFFFF0000, v0;
	[tilespmem:s15+$0xFFFFFFE0] =	vst v1  }
0xaa: {  	[tilespmem:s15+$0xFFFFFFF0] =	vst v0  }
0xab: {  	v0 =	vld [tilespmem:s16+$0x8040];
	_ =	sdelay $0x4  }
0xac: {  	v1 =	vshll.u32 v0, $0x10  }
0xad: {  	v0 =	vand.u32 $0xFFFF0000, v0;
	[tilespmem:s15+$0x0] =	vst v1  }
0xae: {  	[tilespmem:s15+$0x10] =	vst v0  }
0xaf: {  	v0 =	vld [tilespmem:s16+$0x8050];
	_ =	sdelay $0x4  }
0xb0: {  	v1 =	vshll.u32 v0, $0x10  }
0xb1: {  	v0 =	vand.u32 $0xFFFF0000, v0;
	[tilespmem:s15+$0x20] =	vst v1  }
0xb2: {  	[tilespmem:s15+$0x30] =	vst v0  }
0xb3: {  	v0 =	vld [tilespmem:s16+$0x8060];
	_ =	sdelay $0x4  }
0xb4: {  	v1 =	vshll.u32 v0, $0x10  }
0xb5: {  	s22 =	simm.s32 $0x200;
	s23 =	simm.s32 $0xE080;
	v0 =	vand.u32 $0xFFFF0000, v0;
	[tilespmem:s15+$0x40] =	vst v1  }
.LBB2_5:
0xb6: {  	p0 =	sne.s32 s22, $0x7E00  }
0xb7: {  	[tilespmem:s15+$0x50] =	vst v0;
	s23 =	sadd.s32 $0x100, s23;
	s24 =	smov.u32 s22;
	s22 =	sadd.s32 $0x200, s22  }
0xb8: {  	v0 =	vld [tilespmem:s16+$0x8070];
	_ =	sdelay $0x4  }
0xb9: {  	v1 =	vshll.u32 v0, $0x10;
	v0 =	vand.u32 $0xFFFF0000, v0  }
0xba: {  	[tilespmem:s15+$0x60] =	vst v1  }
0xbb: {  	s16 =	sshra.s32 s24, $0x2;
	[tilespmem:s15+$0x70] =	vst v0;
	s15 =	smov.u32 s23  }
0xbc: {  	v0 =	vld [tilespmem:s16+$0x8000];
	_ =	sdelay $0x4  }
0xbd: {  	v1 =	vshll.u32 v0, $0x10;
	v0 =	vand.u32 $0xFFFF0000, v0  }
0xbe: {  	[tilespmem:s23+$0xFFFFFF80] =	vst v1  }
0xbf: {  	[tilespmem:s23+$0xFFFFFF90] =	vst v0  }
0xc0: {  	v0 =	vld [tilespmem:s16+$0x8010];
	_ =	sdelay $0x4  }
0xc1: {  	v1 =	vshll.u32 v0, $0x10;
	v0 =	vand.u32 $0xFFFF0000, v0  }
0xc2: {  	[tilespmem:s23+$0xFFFFFFA0] =	vst v1  }
0xc3: {  	[tilespmem:s23+$0xFFFFFFB0] =	vst v0  }
0xc4: {  	v0 =	vld [tilespmem:s16+$0x8020];
	_ =	sdelay $0x4  }
0xc5: {  	v1 =	vshll.u32 v0, $0x10;
	v0 =	vand.u32 $0xFFFF0000, v0  }
0xc6: {  	[tilespmem:s23+$0xFFFFFFC0] =	vst v1  }
0xc7: {  	[tilespmem:s23+$0xFFFFFFD0] =	vst v0  }
0xc8: {  	v0 =	vld [tilespmem:s16+$0x8030];
	_ =	sdelay $0x4  }
0xc9: {  	v1 =	vshll.u32 v0, $0x10;
	v0 =	vand.u32 $0xFFFF0000, v0  }
0xca: {  	[tilespmem:s23+$0xFFFFFFE0] =	vst v1  }
0xcb: {  	[tilespmem:s23+$0xFFFFFFF0] =	vst v0  }
0xcc: {  	v0 =	vld [tilespmem:s16+$0x8040];
	_ =	sdelay $0x4  }
0xcd: {  	v1 =	vshll.u32 v0, $0x10;
	v0 =	vand.u32 $0xFFFF0000, v0  }
0xce: {  	[tilespmem:s23+$0x0] =	vst v1  }
0xcf: {  	[tilespmem:s23+$0x10] =	vst v0  }
0xd0: {  	v0 =	vld [tilespmem:s16+$0x8050];
	_ =	sdelay $0x4  }
0xd1: {  	v1 =	vshll.u32 v0, $0x10;
	v0 =	vand.u32 $0xFFFF0000, v0  }
0xd2: {  	[tilespmem:s23+$0x20] =	vst v1  }
0xd3: {  	[tilespmem:s23+$0x30] =	vst v0  }
0xd4: {  	v0 =	vld [tilespmem:s16+$0x8060];
	_ =	sdelay $0x1  }
.Ltmp1:
0xd5: {  	(pc) =	sbr.rel @p0 .LBB2_5-.Ltmp1, $3  }
0xd6: {  	_ =	sdelay $0x1  }
0xd7: {  	v1 =	vshll.u32 v0, $0x10;
	v0 =	vand.u32 $0xFFFF0000, v0  }
0xd8: {  	[tilespmem:s23+$0x40] =	vst v1  }
0xd9: {  	[tilespmem:s15+$0x50] =	vst v0  }
0xda: {  	v0 =	vld [tilespmem:s16+$0x8070];
	_ =	sdelay $0x3  }
0xdb: {  	s12 =	sadd.s32 $0x3, s12  }
0xdc: {  	p0 =	sge.u32 s12, s2;
	v1 =	vshll.u32 v0, $0x10  }
0xdd: {  	s11 =	sadd.s32 $0x1, s11;
	s12 =	sshll.u32 @!p0 s12, $0x8;
	v0 =	vand.u32 $0xFFFF0000, v0;
	[tilespmem:s15+$0x60] =	vst v1  }
0xde: {  	s16 =	simm.s32 @!p0 $0x8000;
	s12 =	sand.u32 @!p0 $0x3FFFFF00, s12;
	[tilespmem:s15+$0x70] =	vst v0;
	s15 =	simm.s32 @!p0 $0x100  }
0xdf: {  	[tilespmem:s16], [sflag:$0x2] =	stream.indirect.gather @!p0 [hbm4b:s7+s15], $0x20, s12, s15, $0xb8;
	[tilespmem:$0x1F580] =	vst v63  }
0xe0: {  	p0 =	sne.s32 s11, s13  }
.Ltmp2:
0xe1: {  	_ = 	snop;
	(pc) =	sbr.rel @p0 .LBB2_2-.Ltmp2, $4  }
0xe2: {  	s24 =	sadd.s32 $0x3100, s14  }
0xe3: {  	[spmem:s4] =	stream.indirect.scatter.add.f32 [tilespmem:s3], [sflag:$0x4], $0x40, s24, s28, $0xb8;
	[tilespmem:$0x1F580] =	vst v63  }
0xe4: {  	_ = 	snop  }
0xe5: {  	[spmem:s5] =	stream.indirect.scatter.add.f32 [tilespmem:s25], [sflag:$0x6], $0x10, s24, s28, $0xb8;
	[tilespmem:$0x1F580] =	vst v63  }
0xe6: {  	_ =	swait.ge [sflag:s0], $0x4000  }
0xe7: {  	[sflag:s0] =	ssyncset.done $0x0  }
0xe8: {  	[sflag:s0] =	ssyncadd.s32 $0xFFFFC000  }
0xe9: {  	_ =	swait.ge [sflag:s26], $0x1000  }
0xea: {  	[sflag:s26] =	ssyncset.done $0x0  }
0xeb: {  	[sflag:s26] =	ssyncadd.s32 $0xFFFFF000  }
0xec: {  	_ =	swait.ge [sflag:s29], $0x4000  }
0xed: {  	[sflag:s29] =	ssyncset.done $0x0  }
0xee: {  	[sflag:s29] =	ssyncadd.s32 $0xFFFFC000  }
0xef: {  	_ =	swait.ge [sflag:s30], $0x1000  }
0xf0: {  	[sflag:s30] =	ssyncset.done $0x0  }
0xf1: {  	[sflag:s30] =	ssyncadd.s32 $0xFFFFF000  }
0xf2: {  	[bflag:$0x0] =	sbarrier.arrive $0xFFFF  }
0xf3: {  	s11 =	rddreg [dreg:$0x9]  }
0xf4: {  	[hbm:s11], [sflag:s9] =	dma.local [spmem:s17], $0x13C0  }
0xf5: {  	_ =	swait.ge [sflag:s21], $0x13C0  }
0xf6: {  	[sflag:s21] =	ssyncset.done $0x0  }
0xf7: {  	s23 =	rddreg [dreg:$0xa];
	[sflag:s21] =	ssyncadd.s32 $0xFFFFEC40  }
0xf8: {  	[hbm:s23], [sflag:s9] =	dma.local [spmem:s10], $0x4F0  }
0xf9: {  	_ =	swait.ge [sflag:s21], $0x4F0  }
0xfa: {  	s8 =	sadd.s32 $0x1, s8;
	s24 =	rddreg [dreg:$0xb]  }
0xfb: {  	p0 =	sne.s32 s8, s24  }
.Ltmp3:
0xfc: {  	_ = 	snop;
	(pc) =	sbr.rel @p0 .LBB2_1-.Ltmp3, $3  }
0xfd: {  	_ =	sdelay $0x1  }
0xfe: {  	[sflag:s21] =	ssyncset.done $0x0  }
0xff: {  	[sflag:s21] =	ssyncadd.s32 $0xFFFFFB10  }
0x100: {  	_ =	sfence.sel $0x180000  }
0x101: {  	[bflag:$0x0] =	sbarrier.arrive $0xFFFF  }
0x102: {  	_ =	strace $0x90000047  }
0x103: {  	s0 =	stileid.u32;
	[bflag:$0x2] =	sbarrier.arrive $0xFFFF  }
0x104: {  	p0 =	sne.s32 s0, $0x0;
	s0 =	rddreg [dreg:$0x4]  }
0x105: {  	s0 =	sadd.s32 @!p0 $0x100000, s0  }
0x106: {  	[sflag:s0] =	ssyncadd.tile.s32 @!p0 $0x1;
	_ =	shalt  }
.Lfunc_end2:
_tile_overlayer_lowered:
.L_overlay_start_2:
0x107: {  	(tag) =	ssettag $0x2  }
0x108: {  	s0 =	rddreg [dreg:$0x0];
	s2 =	stileid.u32  }
0x109: {  	s1 =	rddreg [dreg:$0x1];
	p0 =	sne.s32 s2, $0x0  }
0x10a: {  	s3 =	rddreg [dreg:$0x2];
	[bflag:$0x3] =	sbarrier.arrive $0xFFFF;
	s2 =	simm.s32 @!p0 $0x1C07  }
0x10b: {  	[timem:s3], [sflag:s2] =	dma.local @!p0 [hbm:s0], s1  }
0x10c: {  	s0 =	simm.s32 @!p0 $0x7  }
0x10d: {  	_ =	swait.ge @!p0 [sflag:s0], s1  }
0x10e: {  	s1 =	ssub.s32 @!p0 $0x0, s1;
	[sflag:s0] =	ssyncset.done @!p0 $0x0  }
0x10f: {  	[sflag:s0] =	ssyncadd.s32 @!p0 s1  }
0x110: {  	[bflag:$0x3] =	sbarrier.arrive $0xFFFF  }
0x111: {  	_ =	shalt  }

</sc_bundles>
